<compile_context>
chip_gen: v7x
topology: tpu7x:2x2x1
jax: 0.10.2.dev20260603
libtpu: 0.0.44.dev20260713+nightly
codegen_flags: <defaults>
</compile_context>

<pallas_src>
import functools

import jax
import jax.numpy as jnp
from jax import lax
from jax.experimental import pallas as pl
from jax.experimental.pallas import tpu as pltpu
from jax.experimental.pallas import tpu_sc as plsc
from jax._src.pallas.mosaic import lowering as _mosaic_lowering

_mosaic_lowering.lowering_rules[pltpu.CoreType.SC_VECTOR_SUBCORE][lax.tanh_p] = (
    _mosaic_lowering.lowering_rules[pltpu.CoreType.TC][lax.tanh_p])

V = 10000
E = 160000
LN = 128
S = 32
C = 40
MU = 0.9

NC = 2
NS = 16
NW = NC * NS
EPW = E // NW
CH = 40
NCHUNK = EPW // CH
VP = 10240
VPS = VP // NS
BV = 2000
LANES = 16

def _hist_body(xn_hbm, out_hbm, idx_v, cnt_v):
    cid = lax.axis_index("c")
    sid = lax.axis_index("s")
    wid = sid * NC + cid
    pltpu.sync_copy(xn_hbm.at[wid], idx_v)

    def zero_body(i, carry):
        cnt_v[pl.ds(i * LANES, LANES)] = jnp.zeros((LANES,), jnp.float32)
        return carry

    lax.fori_loop(0, V // LANES, zero_body, 0)

    ones = jnp.ones((LANES,), jnp.float32)

    def hist_body(k, carry):
        v16 = idx_v[pl.ds(k * LANES, LANES)]
        plsc.addupdate_scatter(cnt_v, [v16], ones)
        return carry

    nfull = EPW // LANES
    lax.fori_loop(0, nfull, hist_body, 0)
    rem = EPW - nfull * LANES
    if rem:
        v16 = idx_v[pl.ds(EPW - LANES, LANES)]
        mask = lax.iota(jnp.int32, LANES) >= (LANES - rem)
        plsc.addupdate_scatter(cnt_v, [v16], ones, mask=mask)
    pltpu.sync_copy(cnt_v, out_hbm.at[wid])


def _mm_body(feat, w1, w2, bxi, wr, brou, cnt_t, p_out, q_out, h1_out):
    f = feat[...]
    p_out[...] = jnp.dot(
        f, w1[...], preferred_element_type=jnp.float32).astype(jnp.bfloat16)
    q_out[...] = (jnp.dot(f, w2[...], preferred_element_type=jnp.float32)
                  + bxi[...]).astype(jnp.bfloat16)
    r = jnp.tanh(jnp.dot(f, wr[...], preferred_element_type=jnp.float32) + brou[...])
    cnt = jnp.sum(cnt_t[...], axis=1, keepdims=True)
    h1_out[...] = cnt * r


_mm_call = pl.pallas_call(
    _mm_body,
    grid=(V // BV,),
    in_specs=[
        pl.BlockSpec((BV, LN), lambda i: (i, 0)),
        pl.BlockSpec((LN, S * S), lambda i: (0, 0)),
        pl.BlockSpec((LN, S * S), lambda i: (0, 0)),
        pl.BlockSpec((1, S * S), lambda i: (0, 0)),
        pl.BlockSpec((LN, S), lambda i: (0, 0)),
        pl.BlockSpec((1, S), lambda i: (0, 0)),
        pl.BlockSpec((BV, NW), lambda i: (i, 0)),
    ],
    out_specs=[
        pl.BlockSpec((BV, S * S), lambda i: (i, 0)),
        pl.BlockSpec((BV, S * S), lambda i: (i, 0)),
        pl.BlockSpec((BV, S), lambda i: (i, 0)),
    ],
    out_shape=[
        jax.ShapeDtypeStruct((V, S * S), jnp.bfloat16),
        jax.ShapeDtypeStruct((V, S * S), jnp.bfloat16),
        jax.ShapeDtypeStruct((V, S), jnp.float32),
    ],
)


def _edge_body(pb_hbm, qb_hbm, h1_hbm, xn_hbm, xs_hbm, dg_hbm, out_hbm,
                 idxn, idxs, dgb, pbuf, qbuf, h1g, ubuf, zbuf, hsh,
                 sp0, sp1, sq0, sq1, sh0, sh1):
    cid = lax.axis_index("c")
    sid = lax.axis_index("s")
    wid = sid * NC + cid
    semp = (sp0, sp1)
    semq = (sq0, sq1)
    semh = (sh0, sh1)

    pltpu.sync_copy(xn_hbm.at[wid], idxn)
    pltpu.sync_copy(xs_hbm.at[wid], idxs)
    pltpu.sync_copy(dg_hbm.at[wid], dgb)

    zero = jnp.zeros((LANES,), jnp.float32)

    def zb(i, carry):
        for t in range(S // LANES):
            zbuf[i, pl.ds(t * LANES, LANES)] = zero
        return carry

    lax.fori_loop(0, VPS // 4, zb, 0)

    def zs(k, carry):
        off = pl.multiple_of(sid * VPS + k * (VPS // 4), 8)
        pltpu.sync_copy(zbuf, hsh.at[pl.ds(off, VPS // 4)])
        return carry

    lax.fori_loop(0, 4, zs, 0)
    plsc.subcore_barrier()

    def issue(cc, b):
        pltpu.async_copy(pb_hbm.at[idxn.at[cc]], pbuf.at[b], semp[b])
        pltpu.async_copy(qb_hbm.at[idxs.at[cc]], qbuf.at[b], semq[b])
        pltpu.async_copy(h1_hbm.at[idxn.at[cc]], h1g.at[b], semh[b])

    def compute(cc, b):
        pltpu.make_async_copy(pb_hbm.at[idxn.at[cc]], pbuf.at[b], semp[b]).wait()
        pltpu.make_async_copy(qb_hbm.at[idxs.at[cc]], qbuf.at[b], semq[b]).wait()
        pltpu.make_async_copy(h1_hbm.at[idxn.at[cc]], h1g.at[b], semh[b]).wait()

        def edge_body(r, carry):
            eidx = jnp.full((LANES,), cc * CH + r, jnp.int32)
            dvec = plsc.load_gather(dgb, [eidx])
            svec = (MU / S) / dvec
            hs0 = h1g[b, r, pl.ds(0, LANES)] * svec
            hs1 = h1g[b, r, pl.ds(LANES, LANES)] * svec
            acc0 = [jnp.zeros((LANES,), jnp.float32) for _ in range(4)]
            acc1 = [jnp.zeros((LANES,), jnp.float32) for _ in range(4)]
            for col in range(S):
                base = col * S
                pb2 = pbuf[b, r, pl.ds(base, 2 * LANES)]
                qb2 = qbuf[b, r, pl.ds(base, 2 * LANES)]
                x0, x1 = plsc.unpack(
                    pb2 + qb2, format=plsc.PackFormat.INTERLEAVED)
                t0 = jnp.tanh(x0)
                t1 = jnp.tanh(x1)
                hv = (hs0 if col < LANES else hs1)[col % LANES]
                k = col % 4
                acc0[k] = acc0[k] + t0 * hv
                acc1[k] = acc1[k] + t1 * hv
            u0 = (acc0[0] + acc0[1]) + (acc0[2] + acc0[3])
            u1 = (acc1[0] + acc1[1]) + (acc1[2] + acc1[3])
            ubuf[r, pl.ds(0, LANES)] = u0
            ubuf[r, pl.ds(LANES, LANES)] = u1
            return carry

        lax.fori_loop(0, CH, edge_body, 0)
        pltpu.sync_copy(ubuf, hsh.at[idxn.at[cc]], add=True)

    issue(0, 0)

    def pair_body(k, carry):
        for b in range(2):
            cc = 2 * k + b
            issue(cc + 1, 1 - b)
            compute(cc, b)
        return carry

    lax.fori_loop(0, (NCHUNK - 1) // 2, pair_body, 0)
    compute(NCHUNK - 1, 0)

    plsc.subcore_barrier()
    doff = pl.multiple_of(sid * VPS, 8)
    pltpu.sync_copy(hsh.at[pl.ds(doff, VPS)],
                    out_hbm.at[cid, pl.ds(doff, VPS)])


def _out_body(hacc, h1, wo, bo, out):
    h2 = hacc[0, :, :S] + hacc[1, :, :S] + h1[:, :S]
    logits = jnp.dot(h2, wo[...], preferred_element_type=jnp.float32) + bo[...]
    m = jnp.max(logits, axis=-1, keepdims=True)
    z = logits - m
    lse = jnp.log(jnp.sum(jnp.exp(z), axis=-1, keepdims=True))
    out[...] = z - lse


_out_call = pl.pallas_call(
    _out_body,
    grid=(V // BV,),
    in_specs=[
        pl.BlockSpec((NC, BV, S), lambda i: (0, i, 0)),
        pl.BlockSpec((BV, S), lambda i: (i, 0)),
        pl.BlockSpec((S, C), lambda i: (0, 0)),
        pl.BlockSpec((1, C), lambda i: (0, 0)),
    ],
    out_specs=pl.BlockSpec((BV, C), lambda i: (i, 0)),
    out_shape=jax.ShapeDtypeStruct((V, C), jnp.float32),
)


@functools.lru_cache(maxsize=1)
def _sc_kernels():
    mesh = plsc.VectorSubcoreMesh(
        core_axis_name="c", subcore_axis_name="s",
        num_cores=NC, num_subcores=NS)
    params = pltpu.CompilerParams(needs_layout_passes=False)
    hist = pl.kernel(
        _hist_body,
        out_type=jax.ShapeDtypeStruct((NW, V), jnp.float32),
        mesh=mesh,
        compiler_params=params,
        scratch_types=[
            pltpu.VMEM((EPW,), jnp.int32),
            pltpu.VMEM((V,), jnp.float32),
        ],
    )
    edge = pl.kernel(
        _edge_body,
        out_type=jax.ShapeDtypeStruct((NC, VP, S), jnp.float32),
        mesh=mesh,
        compiler_params=pltpu.CompilerParams(
            needs_layout_passes=False, use_tc_tiling_on_sc=False),
        scratch_types=[
            pltpu.VMEM((NCHUNK, CH), jnp.int32),
            pltpu.VMEM((NCHUNK, CH), jnp.int32),
            pltpu.VMEM((EPW,), jnp.float32),
            pltpu.VMEM((2, CH, S * S), jnp.bfloat16),
            pltpu.VMEM((2, CH, S * S), jnp.bfloat16),
            pltpu.VMEM((2, CH, S), jnp.float32),
            pltpu.VMEM((CH, S), jnp.float32),
            pltpu.VMEM((VPS // 4, S), jnp.float32),
            pltpu.VMEM_SHARED((VP, S), jnp.float32),
            pltpu.SemaphoreType.DMA,
            pltpu.SemaphoreType.DMA,
            pltpu.SemaphoreType.DMA,
            pltpu.SemaphoreType.DMA,
            pltpu.SemaphoreType.DMA,
            pltpu.SemaphoreType.DMA,
        ],
    )
    return hist, edge


def kernel(feat_Matrix, X_Node, X_Neis, dg_list, W_xi, b_xi, W_rou, b_rou,
           W_out, b_out):
    kidx = jnp.arange(S * S, dtype=jnp.int32)
    jcol = kidx // S
    m = kidx % S
    irow = (m % 2) * LANES + m // 2
    perm = irow * S + jcol
    w_t = W_xi[perm]
    w1 = w_t[:, :LN].T
    w2 = w_t[:, LN:].T
    bxi = b_xi[perm].reshape(1, S * S)
    wr = W_rou.T
    brou = b_rou.reshape(1, S)
    wo = W_out.T
    bo = b_out.reshape(1, C)

    xn = X_Node.astype(jnp.int32)
    xs = X_Neis.astype(jnp.int32)
    xn_w = xn.reshape(NW, EPW)
    xn_c = xn.reshape(NW, NCHUNK, CH)
    xs_c = xs.reshape(NW, NCHUNK, CH)
    dg_w = dg_list.astype(jnp.float32).reshape(NW, EPW)

    hist_kernel, edge_kernel = _sc_kernels()
    cnt32 = hist_kernel(xn_w)
    cnt_t = cnt32.T
    pb, qb, h1 = _mm_call(feat_Matrix, w1, w2, bxi, wr, brou, cnt_t)
    hacc = edge_kernel(pb, qb, h1, xn_c, xs_c, dg_w)
    return _out_call(hacc, h1, wo, bo)

# --- scband reference (transcript-rebuilt; emitter-appended) ---
"""Pipeline reference for scband-ori-linear-gnn-6846177869857 (READ-ONLY COPY).

The authoritative reference and input builder live on the scoring server;
editing this copy changes nothing except your own understanding.
"""

import jax, jax.numpy as jnp
import numpy as np

V = 10000
E = 160000
LN = 128
S = 32
C = 40
T = 2
MU = 0.9


def setup_inputs(seed: int = 0) -> dict:
    key = jax.random.key(seed)
    ks = jax.random.split(key, 10)
    feat_Matrix = jax.random.normal(ks[0], (V, LN), dtype=jnp.float32)
    X_Node = jax.random.randint(ks[1], (E,), 0, V)
    X_Neis = jax.random.randint(ks[2], (E,), 0, V)
    # degrees must be >= 1 (divisor); randint in [1, 17)
    dg_list = jax.random.randint(ks[3], (E,), 1, 17).astype(jnp.float32)
    # Xi: Linear(2*ln -> s^2), stored torch-style [out, in]
    W_xi = jax.random.normal(ks[4], (S * S, 2 * LN), dtype=jnp.float32) * (1.0 / np.sqrt(2 * LN))
    b_xi = jnp.zeros((S * S,), dtype=jnp.float32)
    # Rou: Linear(ln -> s)
    W_rou = jax.random.normal(ks[5], (S, LN), dtype=jnp.float32) * (1.0 / np.sqrt(LN))
    b_rou = jnp.zeros((S,), dtype=jnp.float32)
    # out_layer: Linear(s -> num_class)
    W_out = jax.random.normal(ks[6], (C, S), dtype=jnp.float32) * (1.0 / np.sqrt(S))
    b_out = jnp.zeros((C,), dtype=jnp.float32)
    return {"feat_Matrix": feat_Matrix, "X_Node": X_Node, "X_Neis": X_Neis, "dg_list": dg_list,
            "W_xi": W_xi, "b_xi": b_xi, "W_rou": W_rou, "b_rou": b_rou, "W_out": W_out, "b_out": b_out}


def reference(feat_Matrix, X_Node, X_Neis, dg_list, W_xi, b_xi, W_rou, b_rou, W_out, b_out):
    # gather node / neighbor embeddings per edge
    node_embeds = jnp.take(feat_Matrix, X_Node, axis=0)
    neis_embeds = jnp.take(feat_Matrix, X_Neis, axis=0)
    X = jnp.concatenate([node_embeds, neis_embeds], axis=1)  # [E, 2*ln]
    # Hw internals: Xi(X) and Rou(first chunk of X) are loop-invariant (depend only on X),
    # so compute once -- identical math to recomputing inside the loop as in the original.
    A = jnp.tanh(X @ W_xi.T + b_xi).reshape(-1, S, S) * MU / S / dg_list[:, None, None]  # [E, s, s]
    b = jnp.tanh(node_embeds @ W_rou.T + b_rou)  # [E, s]  (chunk(X,2,dim=1)[0] == node_embeds)
    H = jnp.zeros((feat_Matrix.shape[0], S), dtype=jnp.float32)
    for _ in range(T):
        Hg = jnp.take(H, X_Node, axis=0)  # [E, s]
        He = jnp.squeeze(jnp.matmul(A, Hg[:, :, None]), -1) + b  # [E, s]
        # AggrSum's mm(one-hot-mask, H) is exactly a scatter-add by X_Node
        H = jax.ops.segment_sum(He, X_Node, num_segments=feat_Matrix.shape[0])  # [V, s]
    # dropout is identity in eval mode
    logits = H @ W_out.T + b_out
    return jax.nn.log_softmax(logits, axis=-1)

if __name__ == "__main__":
    import jax
    _d = setup_inputs()
    print(jax.jit(kernel)(*tuple(_d.values())))

</pallas_src>

<mosaic_0001>
#map = affine_map<(d0, d1) -> (0, 0)>
module attributes {stable_mosaic.version = 14 : i64} {
  func.func @_hist_body(%arg0: i32, %arg1: i32, %arg2: memref<32x5000xi32, #tpu.memory_space<hbm>>, %arg3: memref<32x10000xf32, #tpu.memory_space<hbm>>, %arg4: memref<5000xi32, #tpu.memory_space<vmem>>, %arg5: memref<10000xf32, #tpu.memory_space<vmem>>) attributes {dimension_semantics = [#tpu.dimension_semantics<core_parallel>, #tpu.dimension_semantics<subcore_parallel>], iteration_bounds = array<i64: 2, 16>, scalar_prefetch = 0 : i64, scratch_operands = 2 : i64, tpu.core_type = #tpu.core_type<sc_vector_subcore>, window_params = [{transform_indices = #map}, {transform_indices = #map}]} {
    %mul3A = arith.constant 2 : i32
    %mul3A_0 = arith.muli %arg1, %mul3A : i32
    %add3A = arith.addi %mul3A_0, %arg0 : i32
    "tpu.region"() ({
      %run_scoped3A = tpu.sem_alloc : memref<!tpu.dma_semaphore, #tpu.memory_space<semaphore_mem>>
      %dma_start3A = arith.constant 0 : i32
      %dma_start3A_16 = tpu.memref_slice %arg2[%add3A, %dma_start3A] : memref<32x5000xi32, #tpu.memory_space<hbm>> -> memref<1x5000xi32, #tpu.memory_space<hbm>>
      %dma_start3A_17 = tpu.memref_squeeze %dma_start3A_16 : memref<1x5000xi32, #tpu.memory_space<hbm>> -> memref<5000xi32, #tpu.memory_space<hbm>>
      %dma_start3A_18 = arith.constant 0 : i32
      %dma_start3A_19 = tpu.memref_slice %arg2[%add3A, %dma_start3A_18] : memref<32x5000xi32, #tpu.memory_space<hbm>> -> memref<1x5000xi32, #tpu.memory_space<hbm>>
      %dma_start3A_20 = tpu.memref_squeeze %dma_start3A_19 : memref<1x5000xi32, #tpu.memory_space<hbm>> -> memref<5000xi32, #tpu.memory_space<hbm>>
      tpu.enqueue_dma source(%dma_start3A_20 : memref<5000xi32, #tpu.memory_space<hbm>>) target(%arg4 : memref<5000xi32, #tpu.memory_space<vmem>>) target_semaphore(%run_scoped3A : memref<!tpu.dma_semaphore, #tpu.memory_space<semaphore_mem>>)
      %dma_wait3A = arith.constant 0 : i32
      %dma_wait3A_21 = tpu.memref_slice %arg2[%add3A, %dma_wait3A] : memref<32x5000xi32, #tpu.memory_space<hbm>> -> memref<1x5000xi32, #tpu.memory_space<hbm>>
      %dma_wait3A_22 = tpu.memref_squeeze %dma_wait3A_21 : memref<1x5000xi32, #tpu.memory_space<hbm>> -> memref<5000xi32, #tpu.memory_space<hbm>>
      %dma_wait3A_23 = arith.constant 0 : i32
      %dma_wait3A_24 = tpu.memref_slice %arg2[%add3A, %dma_wait3A_23] : memref<32x5000xi32, #tpu.memory_space<hbm>> -> memref<1x5000xi32, #tpu.memory_space<hbm>>
      %dma_wait3A_25 = tpu.memref_squeeze %dma_wait3A_24 : memref<1x5000xi32, #tpu.memory_space<hbm>> -> memref<5000xi32, #tpu.memory_space<hbm>>
      tpu.wait_dma2 semaphore(%run_scoped3A : memref<!tpu.dma_semaphore, #tpu.memory_space<semaphore_mem>>) src(%dma_wait3A_25 : memref<5000xi32, #tpu.memory_space<hbm>>) dst(%arg4 : memref<5000xi32, #tpu.memory_space<vmem>>)
      tpu.yield
    }) : () -> ()
    %scan3A = arith.constant 0 : i32
    %scan3A_1 = arith.constant 0 : i32
    %scan3A_2 = arith.constant 625 : i32
    %scan3A_3 = arith.addi %scan3A_1, %scan3A_2 : i32
    %scan3A_4 = arith.constant 1 : i32
    scf.for %scan3A_16 = %scan3A_1 to %scan3A_3 step %scan3A_4  : i32 {
      %broadcast_in_dim3A_17 = arith.constant 0.000000e+00 : f32
      %broadcast_in_dim3A_18 = vector.broadcast %broadcast_in_dim3A_17 : f32 to vector<16xf32>
      %mul3A_19 = arith.constant 16 : i32
      %mul3A_20 = arith.muli %scan3A_16, %mul3A_19 : i32
      %swap3A = arith.index_cast %mul3A_20 : i32 to index
      %swap3A_21 = tpu.vector_load %arg5[%swap3A] {strides = array<i32>} : memref<10000xf32, #tpu.memory_space<vmem>>, vector<16xf32>,
      tpu.vector_store %arg5[%swap3A], %broadcast_in_dim3A_18 {strides = array<i32>} : memref<10000xf32, #tpu.memory_space<vmem>>, vector<16xf32>,
    }
    %scan3A_5 = arith.constant 625 : i32
    %broadcast_in_dim3A = arith.constant 1.000000e+00 : f32
    %broadcast_in_dim3A_6 = vector.broadcast %broadcast_in_dim3A : f32 to vector<16xf32>
    %scan3A_7 = arith.constant 0 : i32
    %scan3A_8 = arith.constant 0 : i32
    %scan3A_9 = arith.constant 312 : i32
    %scan3A_10 = arith.addi %scan3A_8, %scan3A_9 : i32
    %scan3A_11 = arith.constant 1 : i32
    scf.for %scan3A_16 = %scan3A_8 to %scan3A_10 step %scan3A_11  : i32 {
      %mul3A_17 = arith.constant 16 : i32
      %mul3A_18 = arith.muli %scan3A_16, %mul3A_17 : i32
      %get3A_19 = arith.index_cast %mul3A_18 : i32 to index
      %get3A_20 = tpu.vector_load %arg4[%get3A_19] {strides = array<i32>} : memref<5000xi32, #tpu.memory_space<vmem>>, vector<16xi32>,
      tpu.vector_store_idx %arg5[%get3A_20], %broadcast_in_dim3A_6 {add = true} : memref<10000xf32, #tpu.memory_space<vmem>>[vector<16xi32>], vector<16xf32>,
    }
    %scan3A_12 = arith.constant 312 : i32
    %get3A = arith.constant 4984 : index
    %get3A_13 = tpu.vector_load %arg4[%get3A] {strides = array<i32>} : memref<5000xi32, #tpu.memory_space<vmem>>, vector<16xi32>,
    %iota3A = tpu.iota {dimensions = array<i32: 0>} : vector<16xi32>
    %ge3A = arith.constant 8 : i32
    %ge3A_14 = vector.broadcast %ge3A : i32 to vector<16xi32>
    %ge3A_15 = arith.cmpi sge, %iota3A, %ge3A_14 : vector<16xi32>
    tpu.vector_store_idx %arg5[%get3A_13], %broadcast_in_dim3A_6 masked %ge3A_15 {add = true} : memref<10000xf32, #tpu.memory_space<vmem>>[vector<16xi32>], vector<16xf32>, vector<16xi1>
    "tpu.region"() ({
      %run_scoped3A = tpu.sem_alloc : memref<!tpu.dma_semaphore, #tpu.memory_space<semaphore_mem>>
      %dma_start3A = arith.constant 0 : i32
      %dma_start3A_16 = tpu.memref_slice %arg3[%add3A, %dma_start3A] : memref<32x10000xf32, #tpu.memory_space<hbm>> -> memref<1x10000xf32, #tpu.memory_space<hbm>>
      %dma_start3A_17 = tpu.memref_squeeze %dma_start3A_16 : memref<1x10000xf32, #tpu.memory_space<hbm>> -> memref<10000xf32, #tpu.memory_space<hbm>>
      %dma_start3A_18 = arith.constant 0 : i32
      %dma_start3A_19 = tpu.memref_slice %arg3[%add3A, %dma_start3A_18] : memref<32x10000xf32, #tpu.memory_space<hbm>> -> memref<1x10000xf32, #tpu.memory_space<hbm>>
      %dma_start3A_20 = tpu.memref_squeeze %dma_start3A_19 : memref<1x10000xf32, #tpu.memory_space<hbm>> -> memref<10000xf32, #tpu.memory_space<hbm>>
      tpu.enqueue_dma source(%arg5 : memref<10000xf32, #tpu.memory_space<vmem>>) target(%dma_start3A_20 : memref<10000xf32, #tpu.memory_space<hbm>>) target_semaphore(%run_scoped3A : memref<!tpu.dma_semaphore, #tpu.memory_space<semaphore_mem>>)
      %dma_wait3A = arith.constant 0 : i32
      %dma_wait3A_21 = tpu.memref_slice %arg3[%add3A, %dma_wait3A] : memref<32x10000xf32, #tpu.memory_space<hbm>> -> memref<1x10000xf32, #tpu.memory_space<hbm>>
      %dma_wait3A_22 = tpu.memref_squeeze %dma_wait3A_21 : memref<1x10000xf32, #tpu.memory_space<hbm>> -> memref<10000xf32, #tpu.memory_space<hbm>>
      %dma_wait3A_23 = arith.constant 0 : i32
      %dma_wait3A_24 = tpu.memref_slice %arg3[%add3A, %dma_wait3A_23] : memref<32x10000xf32, #tpu.memory_space<hbm>> -> memref<1x10000xf32, #tpu.memory_space<hbm>>
      %dma_wait3A_25 = tpu.memref_squeeze %dma_wait3A_24 : memref<1x10000xf32, #tpu.memory_space<hbm>> -> memref<10000xf32, #tpu.memory_space<hbm>>
      tpu.wait_dma2 semaphore(%run_scoped3A : memref<!tpu.dma_semaphore, #tpu.memory_space<semaphore_mem>>) src(%arg5 : memref<10000xf32, #tpu.memory_space<vmem>>) dst(%dma_wait3A_25 : memref<10000xf32, #tpu.memory_space<hbm>>)
      tpu.yield
    }) : () -> ()
    return
  }
}

#map = affine_map<(d0, d1) -> (0, 0)>
#map1 = affine_map<(d0, d1) -> (0, 0, 0)>
module attributes {stable_mosaic.version = 14 : i64} {
  func.func @_edge_body(%arg0: i32, %arg1: i32, %arg2: memref<10000x1024xbf16, #tpu.memory_space<hbm>>, %arg3: memref<10000x1024xbf16, #tpu.memory_space<hbm>>, %arg4: memref<10000x32xf32, #tpu.memory_space<hbm>>, %arg5: memref<32x125x40xi32, #tpu.memory_space<hbm>>, %arg6: memref<32x125x40xi32, #tpu.memory_space<hbm>>, %arg7: memref<32x5000xf32, #tpu.memory_space<hbm>>, %arg8: memref<2x10240x32xf32, #tpu.memory_space<hbm>>, %arg9: memref<125x40xi32, #tpu.memory_space<vmem>>, %arg10: memref<125x40xi32, #tpu.memory_space<vmem>>, %arg11: memref<5000xf32, #tpu.memory_space<vmem>>, %arg12: memref<2x40x1024xbf16, #tpu.memory_space<vmem>>, %arg13: memref<2x40x1024xbf16, #tpu.memory_space<vmem>>, %arg14: memref<2x40x32xf32, #tpu.memory_space<vmem>>, %arg15: memref<40x32xf32, #tpu.memory_space<vmem>>, %arg16: memref<160x32xf32, #tpu.memory_space<vmem>>, %arg17: memref<10240x32xf32, #tpu.memory_space<vmem_shared>>, %arg18: memref<!tpu.dma_semaphore, #tpu.memory_space<semaphore_mem>>, %arg19: memref<!tpu.dma_semaphore, #tpu.memory_space<semaphore_mem>>, %arg20: memref<!tpu.dma_semaphore, #tpu.memory_space<semaphore_mem>>, %arg21: memref<!tpu.dma_semaphore, #tpu.memory_space<semaphore_mem>>, %arg22: memref<!tpu.dma_semaphore, #tpu.memory_space<semaphore_mem>>, %arg23: memref<!tpu.dma_semaphore, #tpu.memory_space<semaphore_mem>>) attributes {dimension_semantics = [#tpu.dimension_semantics<core_parallel>, #tpu.dimension_semantics<subcore_parallel>], iteration_bounds = array<i64: 2, 16>, scalar_prefetch = 0 : i64, scratch_operands = 15 : i64, tpu.core_type = #tpu.core_type<sc_vector_subcore>, window_params = [{transform_indices = #map}, {transform_indices = #map}, {transform_indices = #map}, {transform_indices = #map1}, {transform_indices = #map1}, {transform_indices = #map}, {transform_indices = #map1}]} {
    %mul3A = arith.constant 2 : i32
    %mul3A_0 = arith.muli %arg1, %mul3A : i32
    %add3A = arith.addi %mul3A_0, %arg0 : i32
    "tpu.region"() ({
      %run_scoped3A_98 = tpu.sem_alloc : memref<!tpu.dma_semaphore, #tpu.memory_space<semaphore_mem>>
      %dma_start3A_99 = arith.constant 0 : i32
      %dma_start3A_100 = arith.constant 0 : i32
      %dma_start3A_101 = tpu.memref_slice %arg5[%add3A, %dma_start3A_99, %dma_start3A_100] : memref<32x125x40xi32, #tpu.memory_space<hbm>> -> memref<1x125x40xi32, #tpu.memory_space<hbm>>
      %dma_start3A_102 = tpu.memref_squeeze %dma_start3A_101 : memref<1x125x40xi32, #tpu.memory_space<hbm>> -> memref<125x40xi32, #tpu.memory_space<hbm>>
      %dma_start3A_103 = arith.constant 0 : i32
      %dma_start3A_104 = arith.constant 0 : i32
      %dma_start3A_105 = tpu.memref_slice %arg5[%add3A, %dma_start3A_103, %dma_start3A_104] : memref<32x125x40xi32, #tpu.memory_space<hbm>> -> memref<1x125x40xi32, #tpu.memory_space<hbm>>
      %dma_start3A_106 = tpu.memref_squeeze %dma_start3A_105 : memref<1x125x40xi32, #tpu.memory_space<hbm>> -> memref<125x40xi32, #tpu.memory_space<hbm>>
      tpu.enqueue_dma source(%dma_start3A_106 : memref<125x40xi32, #tpu.memory_space<hbm>>) target(%arg9 : memref<125x40xi32, #tpu.memory_space<vmem>>) target_semaphore(%run_scoped3A_98 : memref<!tpu.dma_semaphore, #tpu.memory_space<semaphore_mem>>)
      %dma_wait3A_107 = arith.constant 0 : i32
      %dma_wait3A_108 = arith.constant 0 : i32
      %dma_wait3A_109 = tpu.memref_slice %arg5[%add3A, %dma_wait3A_107, %dma_wait3A_108] : memref<32x125x40xi32, #tpu.memory_space<hbm>> -> memref<1x125x40xi32, #tpu.memory_space<hbm>>
      %dma_wait3A_110 = tpu.memref_squeeze %dma_wait3A_109 : memref<1x125x40xi32, #tpu.memory_space<hbm>> -> memref<125x40xi32, #tpu.memory_space<hbm>>
      %dma_wait3A_111 = arith.constant 0 : i32
      %dma_wait3A_112 = arith.constant 0 : i32
      %dma_wait3A_113 = tpu.memref_slice %arg5[%add3A, %dma_wait3A_111, %dma_wait3A_112] : memref<32x125x40xi32, #tpu.memory_space<hbm>> -> memref<1x125x40xi32, #tpu.memory_space<hbm>>
      %dma_wait3A_114 = tpu.memref_squeeze %dma_wait3A_113 : memref<1x125x40xi32, #tpu.memory_space<hbm>> -> memref<125x40xi32, #tpu.memory_space<hbm>>
      tpu.wait_dma2 semaphore(%run_scoped3A_98 : memref<!tpu.dma_semaphore, #tpu.memory_space<semaphore_mem>>) src(%dma_wait3A_114 : memref<125x40xi32, #tpu.memory_space<hbm>>) dst(%arg9 : memref<125x40xi32, #tpu.memory_space<vmem>>)
      tpu.yield
    }) : () -> ()
    "tpu.region"() ({
      %run_scoped3A_98 = tpu.sem_alloc : memref<!tpu.dma_semaphore, #tpu.memory_space<semaphore_mem>>
      %dma_start3A_99 = arith.constant 0 : i32
      %dma_start3A_100 = arith.constant 0 : i32
      %dma_start3A_101 = tpu.memref_slice %arg6[%add3A, %dma_start3A_99, %dma_start3A_100] : memref<32x125x40xi32, #tpu.memory_space<hbm>> -> memref<1x125x40xi32, #tpu.memory_space<hbm>>
      %dma_start3A_102 = tpu.memref_squeeze %dma_start3A_101 : memref<1x125x40xi32, #tpu.memory_space<hbm>> -> memref<125x40xi32, #tpu.memory_space<hbm>>
      %dma_start3A_103 = arith.constant 0 : i32
      %dma_start3A_104 = arith.constant 0 : i32
      %dma_start3A_105 = tpu.memref_slice %arg6[%add3A, %dma_start3A_103, %dma_start3A_104] : memref<32x125x40xi32, #tpu.memory_space<hbm>> -> memref<1x125x40xi32, #tpu.memory_space<hbm>>
      %dma_start3A_106 = tpu.memref_squeeze %dma_start3A_105 : memref<1x125x40xi32, #tpu.memory_space<hbm>> -> memref<125x40xi32, #tpu.memory_space<hbm>>
      tpu.enqueue_dma source(%dma_start3A_106 : memref<125x40xi32, #tpu.memory_space<hbm>>) target(%arg10 : memref<125x40xi32, #tpu.memory_space<vmem>>) target_semaphore(%run_scoped3A_98 : memref<!tpu.dma_semaphore, #tpu.memory_space<semaphore_mem>>)
      %dma_wait3A_107 = arith.constant 0 : i32
      %dma_wait3A_108 = arith.constant 0 : i32
      %dma_wait3A_109 = tpu.memref_slice %arg6[%add3A, %dma_wait3A_107, %dma_wait3A_108] : memref<32x125x40xi32, #tpu.memory_space<hbm>> -> memref<1x125x40xi32, #tpu.memory_space<hbm>>
      %dma_wait3A_110 = tpu.memref_squeeze %dma_wait3A_109 : memref<1x125x40xi32, #tpu.memory_space<hbm>> -> memref<125x40xi32, #tpu.memory_space<hbm>>
      %dma_wait3A_111 = arith.constant 0 : i32
      %dma_wait3A_112 = arith.constant 0 : i32
      %dma_wait3A_113 = tpu.memref_slice %arg6[%add3A, %dma_wait3A_111, %dma_wait3A_112] : memref<32x125x40xi32, #tpu.memory_space<hbm>> -> memref<1x125x40xi32, #tpu.memory_space<hbm>>
      %dma_wait3A_114 = tpu.memref_squeeze %dma_wait3A_113 : memref<1x125x40xi32, #tpu.memory_space<hbm>> -> memref<125x40xi32, #tpu.memory_space<hbm>>
      tpu.wait_dma2 semaphore(%run_scoped3A_98 : memref<!tpu.dma_semaphore, #tpu.memory_space<semaphore_mem>>) src(%dma_wait3A_114 : memref<125x40xi32, #tpu.memory_space<hbm>>) dst(%arg10 : memref<125x40xi32, #tpu.memory_space<vmem>>)
      tpu.yield
    }) : () -> ()
    "tpu.region"() ({
      %run_scoped3A_98 = tpu.sem_alloc : memref<!tpu.dma_semaphore, #tpu.memory_space<semaphore_mem>>
      %dma_start3A_99 = arith.constant 0 : i32
      %dma_start3A_100 = tpu.memref_slice %arg7[%add3A, %dma_start3A_99] : memref<32x5000xf32, #tpu.memory_space<hbm>> -> memref<1x5000xf32, #tpu.memory_space<hbm>>
      %dma_start3A_101 = tpu.memref_squeeze %dma_start3A_100 : memref<1x5000xf32, #tpu.memory_space<hbm>> -> memref<5000xf32, #tpu.memory_space<hbm>>
      %dma_start3A_102 = arith.constant 0 : i32
      %dma_start3A_103 = tpu.memref_slice %arg7[%add3A, %dma_start3A_102] : memref<32x5000xf32, #tpu.memory_space<hbm>> -> memref<1x5000xf32, #tpu.memory_space<hbm>>
      %dma_start3A_104 = tpu.memref_squeeze %dma_start3A_103 : memref<1x5000xf32, #tpu.memory_space<hbm>> -> memref<5000xf32, #tpu.memory_space<hbm>>
      tpu.enqueue_dma source(%dma_start3A_104 : memref<5000xf32, #tpu.memory_space<hbm>>) target(%arg11 : memref<5000xf32, #tpu.memory_space<vmem>>) target_semaphore(%run_scoped3A_98 : memref<!tpu.dma_semaphore, #tpu.memory_space<semaphore_mem>>)
      %dma_wait3A_105 = arith.constant 0 : i32
      %dma_wait3A_106 = tpu.memref_slice %arg7[%add3A, %dma_wait3A_105] : memref<32x5000xf32, #tpu.memory_space<hbm>> -> memref<1x5000xf32, #tpu.memory_space<hbm>>
      %dma_wait3A_107 = tpu.memref_squeeze %dma_wait3A_106 : memref<1x5000xf32, #tpu.memory_space<hbm>> -> memref<5000xf32, #tpu.memory_space<hbm>>
      %dma_wait3A_108 = arith.constant 0 : i32
      %dma_wait3A_109 = tpu.memref_slice %arg7[%add3A, %dma_wait3A_108] : memref<32x5000xf32, #tpu.memory_space<hbm>> -> memref<1x5000xf32, #tpu.memory_space<hbm>>
      %dma_wait3A_110 = tpu.memref_squeeze %dma_wait3A_109 : memref<1x5000xf32, #tpu.memory_space<hbm>> -> memref<5000xf32, #tpu.memory_space<hbm>>
      tpu.wait_dma2 semaphore(%run_scoped3A_98 : memref<!tpu.dma_semaphore, #tpu.memory_space<semaphore_mem>>) src(%dma_wait3A_110 : memref<5000xf32, #tpu.memory_space<hbm>>) dst(%arg11 : memref<5000xf32, #tpu.memory_space<vmem>>)
      tpu.yield
    }) : () -> ()
    %broadcast_in_dim3A = arith.constant 0.000000e+00 : f32
    %broadcast_in_dim3A_1 = vector.broadcast %broadcast_in_dim3A : f32 to vector<16xf32>
    %scan3A = arith.constant 0 : i32
    %scan3A_2 = arith.constant 0 : i32
    %scan3A_3 = arith.constant 160 : i32
    %scan3A_4 = arith.addi %scan3A_2, %scan3A_3 : i32
    %scan3A_5 = arith.constant 1 : i32
    scf.for %scan3A_98 = %scan3A_2 to %scan3A_4 step %scan3A_5  : i32 {
      %swap3A = arith.index_cast %scan3A_98 : i32 to index
      %swap3A_99 = arith.constant 0 : index
      %swap3A_100 = tpu.vector_load %arg16[%swap3A, %swap3A_99] {strides = array<i32>} : memref<160x32xf32, #tpu.memory_space<vmem>>, vector<16xf32>,
      tpu.vector_store %arg16[%swap3A, %swap3A_99], %broadcast_in_dim3A_1 {strides = array<i32>} : memref<160x32xf32, #tpu.memory_space<vmem>>, vector<16xf32>,
      %swap3A_101 = arith.index_cast %scan3A_98 : i32 to index
      %swap3A_102 = arith.constant 16 : index
      %swap3A_103 = tpu.vector_load %arg16[%swap3A_101, %swap3A_102] {strides = array<i32>} : memref<160x32xf32, #tpu.memory_space<vmem>>, vector<16xf32>,
      tpu.vector_store %arg16[%swap3A_101, %swap3A_102], %broadcast_in_dim3A_1 {strides = array<i32>} : memref<160x32xf32, #tpu.memory_space<vmem>>, vector<16xf32>,
    }
    %scan3A_6 = arith.constant 160 : i32
    %scan3A_7 = arith.constant 0 : i32
    %scan3A_8 = arith.constant 0 : i32
    %scan3A_9 = arith.constant 4 : i32
    %scan3A_10 = arith.addi %scan3A_8, %scan3A_9 : i32
    %scan3A_11 = arith.constant 1 : i32
    scf.for %scan3A_98 = %scan3A_8 to %scan3A_10 step %scan3A_11  : i32 {
      %mul3A_99 = arith.constant 640 : i32
      %mul3A_100 = arith.muli %arg1, %mul3A_99 : i32
      %mul3A_101 = arith.constant 160 : i32
      %mul3A_102 = arith.muli %scan3A_98, %mul3A_101 : i32
      %add3A_103 = arith.addi %mul3A_100, %mul3A_102 : i32
      %multiple_of3A_104 = tpu.assume_multiple %add3A_103, 8 : i32
      "tpu.region"() ({
        %run_scoped3A_105 = tpu.sem_alloc : memref<!tpu.dma_semaphore, #tpu.memory_space<semaphore_mem>>
        %dma_start3A_106 = arith.constant 0 : i32
        %dma_start3A_107 = tpu.memref_slice %arg17[%multiple_of3A_104, %dma_start3A_106] : memref<10240x32xf32, #tpu.memory_space<vmem_shared>> -> memref<160x32xf32, #tpu.memory_space<vmem_shared>>
        %dma_start3A_108 = arith.constant 0 : i32
        %dma_start3A_109 = tpu.memref_slice %arg17[%multiple_of3A_104, %dma_start3A_108] : memref<10240x32xf32, #tpu.memory_space<vmem_shared>> -> memref<160x32xf32, #tpu.memory_space<vmem_shared>>
        tpu.enqueue_dma source(%arg16 : memref<160x32xf32, #tpu.memory_space<vmem>>) target(%dma_start3A_109 : memref<160x32xf32, #tpu.memory_space<vmem_shared>>) target_semaphore(%run_scoped3A_105 : memref<!tpu.dma_semaphore, #tpu.memory_space<semaphore_mem>>)
        %dma_wait3A_110 = arith.constant 0 : i32
        %dma_wait3A_111 = tpu.memref_slice %arg17[%multiple_of3A_104, %dma_wait3A_110] : memref<10240x32xf32, #tpu.memory_space<vmem_shared>> -> memref<160x32xf32, #tpu.memory_space<vmem_shared>>
        %dma_wait3A_112 = arith.constant 0 : i32
        %dma_wait3A_113 = tpu.memref_slice %arg17[%multiple_of3A_104, %dma_wait3A_112] : memref<10240x32xf32, #tpu.memory_space<vmem_shared>> -> memref<160x32xf32, #tpu.memory_space<vmem_shared>>
        tpu.wait_dma2 semaphore(%run_scoped3A_105 : memref<!tpu.dma_semaphore, #tpu.memory_space<semaphore_mem>>) src(%arg16 : memref<160x32xf32, #tpu.memory_space<vmem>>) dst(%dma_wait3A_113 : memref<160x32xf32, #tpu.memory_space<vmem_shared>>)
        tpu.yield
      }) : () -> ()
    }
    %scan3A_12 = arith.constant 4 : i32
    %barrier3A = arith.constant 0 : index
    tpu.barrier barrier_id(%barrier3A)
    %dma_start3A = arith.constant 0 : i32
    %dma_start3A_13 = arith.constant 0 : i32
    %dma_start3A_14 = arith.constant 0 : i32
    %dma_start3A_15 = arith.constant 0 : i32
    %dma_start3A_16 = tpu.memref_slice %arg12[%dma_start3A_13, %dma_start3A_14, %dma_start3A_15] : memref<2x40x1024xbf16, #tpu.memory_space<vmem>> -> memref<1x40x1024xbf16, #tpu.memory_space<vmem>>
    %dma_start3A_17 = tpu.memref_squeeze %dma_start3A_16 : memref<1x40x1024xbf16, #tpu.memory_space<vmem>> -> memref<40x1024xbf16, #tpu.memory_space<vmem>>
    %dma_start3A_18 = arith.constant 0 : i32
    %dma_start3A_19 = tpu.memref_slice %arg9[%dma_start3A, %dma_start3A_18] : memref<125x40xi32, #tpu.memory_space<vmem>> -> memref<1x40xi32, #tpu.memory_space<vmem>>
    %dma_start3A_20 = tpu.memref_squeeze %dma_start3A_19 : memref<1x40xi32, #tpu.memory_space<vmem>> -> memref<40xi32, #tpu.memory_space<vmem>>
    %dma_start3A_21 = arith.constant 0 : i32
    %dma_start3A_22 = arith.constant 0 : i32
    %dma_start3A_23 = tpu.memref_slice %arg2[%dma_start3A_21, %dma_start3A_22] : memref<10000x1024xbf16, #tpu.memory_space<hbm>> -> memref<10000x1024xbf16, #tpu.memory_space<hbm>>
    tpu.enqueue_indirect_dma source(%dma_start3A_23 : memref<10000x1024xbf16, #tpu.memory_space<hbm>>) target(%dma_start3A_17 : memref<40x1024xbf16, #tpu.memory_space<vmem>>) offsets(%dma_start3A_20 : memref<40xi32, #tpu.memory_space<vmem>>) semaphore(%arg18 : memref<!tpu.dma_semaphore, #tpu.memory_space<semaphore_mem>>)
    %dma_start3A_24 = arith.constant 0 : i32
    %dma_start3A_25 = arith.constant 0 : i32
    %dma_start3A_26 = arith.constant 0 : i32
    %dma_start3A_27 = arith.constant 0 : i32
    %dma_start3A_28 = tpu.memref_slice %arg13[%dma_start3A_25, %dma_start3A_26, %dma_start3A_27] : memref<2x40x1024xbf16, #tpu.memory_space<vmem>> -> memref<1x40x1024xbf16, #tpu.memory_space<vmem>>
    %dma_start3A_29 = tpu.memref_squeeze %dma_start3A_28 : memref<1x40x1024xbf16, #tpu.memory_space<vmem>> -> memref<40x1024xbf16, #tpu.memory_space<vmem>>
    %dma_start3A_30 = arith.constant 0 : i32
    %dma_start3A_31 = tpu.memref_slice %arg10[%dma_start3A_24, %dma_start3A_30] : memref<125x40xi32, #tpu.memory_space<vmem>> -> memref<1x40xi32, #tpu.memory_space<vmem>>
    %dma_start3A_32 = tpu.memref_squeeze %dma_start3A_31 : memref<1x40xi32, #tpu.memory_space<vmem>> -> memref<40xi32, #tpu.memory_space<vmem>>
    %dma_start3A_33 = arith.constant 0 : i32
    %dma_start3A_34 = arith.constant 0 : i32
    %dma_start3A_35 = tpu.memref_slice %arg3[%dma_start3A_33, %dma_start3A_34] : memref<10000x1024xbf16, #tpu.memory_space<hbm>> -> memref<10000x1024xbf16, #tpu.memory_space<hbm>>
    tpu.enqueue_indirect_dma source(%dma_start3A_35 : memref<10000x1024xbf16, #tpu.memory_space<hbm>>) target(%dma_start3A_29 : memref<40x1024xbf16, #tpu.memory_space<vmem>>) offsets(%dma_start3A_32 : memref<40xi32, #tpu.memory_space<vmem>>) semaphore(%arg20 : memref<!tpu.dma_semaphore, #tpu.memory_space<semaphore_mem>>)
    %dma_start3A_36 = arith.constant 0 : i32
    %dma_start3A_37 = arith.constant 0 : i32
    %dma_start3A_38 = arith.constant 0 : i32
    %dma_start3A_39 = arith.constant 0 : i32
    %dma_start3A_40 = tpu.memref_slice %arg14[%dma_start3A_37, %dma_start3A_38, %dma_start3A_39] : memref<2x40x32xf32, #tpu.memory_space<vmem>> -> memref<1x40x32xf32, #tpu.memory_space<vmem>>
    %dma_start3A_41 = tpu.memref_squeeze %dma_start3A_40 : memref<1x40x32xf32, #tpu.memory_space<vmem>> -> memref<40x32xf32, #tpu.memory_space<vmem>>
    %dma_start3A_42 = arith.constant 0 : i32
    %dma_start3A_43 = tpu.memref_slice %arg9[%dma_start3A_36, %dma_start3A_42] : memref<125x40xi32, #tpu.memory_space<vmem>> -> memref<1x40xi32, #tpu.memory_space<vmem>>
    %dma_start3A_44 = tpu.memref_squeeze %dma_start3A_43 : memref<1x40xi32, #tpu.memory_space<vmem>> -> memref<40xi32, #tpu.memory_space<vmem>>
    %dma_start3A_45 = arith.constant 0 : i32
    %dma_start3A_46 = arith.constant 0 : i32
    %dma_start3A_47 = tpu.memref_slice %arg4[%dma_start3A_45, %dma_start3A_46] : memref<10000x32xf32, #tpu.memory_space<hbm>> -> memref<10000x32xf32, #tpu.memory_space<hbm>>
    tpu.enqueue_indirect_dma source(%dma_start3A_47 : memref<10000x32xf32, #tpu.memory_space<hbm>>) target(%dma_start3A_41 : memref<40x32xf32, #tpu.memory_space<vmem>>) offsets(%dma_start3A_44 : memref<40xi32, #tpu.memory_space<vmem>>) semaphore(%arg22 : memref<!tpu.dma_semaphore, #tpu.memory_space<semaphore_mem>>)
    %scan3A_48 = arith.constant 0 : i32
    %scan3A_49 = arith.constant 0 : i32
    %scan3A_50 = arith.constant 62 : i32
    %scan3A_51 = arith.addi %scan3A_49, %scan3A_50 : i32
    %scan3A_52 = arith.constant 1 : i32
    scf.for %scan3A_98 = %scan3A_49 to %scan3A_51 step %scan3A_52  : i32 {
      %mul3A_99 = arith.constant 2 : i32
      %mul3A_100 = arith.muli %mul3A_99, %scan3A_98 : i32
      %add3A_101 = arith.constant 0 : i32
      %add3A_102 = arith.addi %mul3A_100, %add3A_101 : i32
      %add3A_103 = arith.constant 1 : i32
      %add3A_104 = arith.addi %add3A_102, %add3A_103 : i32
      %dma_start3A_105 = arith.constant 1 : i32
      %dma_start3A_106 = arith.constant 0 : i32
      %dma_start3A_107 = arith.constant 0 : i32
      %dma_start3A_108 = tpu.memref_slice %arg12[%dma_start3A_105, %dma_start3A_106, %dma_start3A_107] : memref<2x40x1024xbf16, #tpu.memory_space<vmem>> -> memref<1x40x1024xbf16, #tpu.memory_space<vmem>>
      %dma_start3A_109 = tpu.memref_squeeze %dma_start3A_108 : memref<1x40x1024xbf16, #tpu.memory_space<vmem>> -> memref<40x1024xbf16, #tpu.memory_space<vmem>>
      %dma_start3A_110 = arith.constant 0 : i32
      %dma_start3A_111 = tpu.memref_slice %arg9[%add3A_104, %dma_start3A_110] : memref<125x40xi32, #tpu.memory_space<vmem>> -> memref<1x40xi32, #tpu.memory_space<vmem>>
      %dma_start3A_112 = tpu.memref_squeeze %dma_start3A_111 : memref<1x40xi32, #tpu.memory_space<vmem>> -> memref<40xi32, #tpu.memory_space<vmem>>
      %dma_start3A_113 = arith.constant 0 : i32
      %dma_start3A_114 = arith.constant 0 : i32
      %dma_start3A_115 = tpu.memref_slice %arg2[%dma_start3A_113, %dma_start3A_114] : memref<10000x1024xbf16, #tpu.memory_space<hbm>> -> memref<10000x1024xbf16, #tpu.memory_space<hbm>>
      tpu.enqueue_indirect_dma source(%dma_start3A_115 : memref<10000x1024xbf16, #tpu.memory_space<hbm>>) target(%dma_start3A_109 : memref<40x1024xbf16, #tpu.memory_space<vmem>>) offsets(%dma_start3A_112 : memref<40xi32, #tpu.memory_space<vmem>>) semaphore(%arg19 : memref<!tpu.dma_semaphore, #tpu.memory_space<semaphore_mem>>)
      %dma_start3A_116 = arith.constant 1 : i32
      %dma_start3A_117 = arith.constant 0 : i32
      %dma_start3A_118 = arith.constant 0 : i32
      %dma_start3A_119 = tpu.memref_slice %arg13[%dma_start3A_116, %dma_start3A_117, %dma_start3A_118] : memref<2x40x1024xbf16, #tpu.memory_space<vmem>> -> memref<1x40x1024xbf16, #tpu.memory_space<vmem>>
      %dma_start3A_120 = tpu.memref_squeeze %dma_start3A_119 : memref<1x40x1024xbf16, #tpu.memory_space<vmem>> -> memref<40x1024xbf16, #tpu.memory_space<vmem>>
      %dma_start3A_121 = arith.constant 0 : i32
      %dma_start3A_122 = tpu.memref_slice %arg10[%add3A_104, %dma_start3A_121] : memref<125x40xi32, #tpu.memory_space<vmem>> -> memref<1x40xi32, #tpu.memory_space<vmem>>
      %dma_start3A_123 = tpu.memref_squeeze %dma_start3A_122 : memref<1x40xi32, #tpu.memory_space<vmem>> -> memref<40xi32, #tpu.memory_space<vmem>>
      %dma_start3A_124 = arith.constant 0 : i32
      %dma_start3A_125 = arith.constant 0 : i32
      %dma_start3A_126 = tpu.memref_slice %arg3[%dma_start3A_124, %dma_start3A_125] : memref<10000x1024xbf16, #tpu.memory_space<hbm>> -> memref<10000x1024xbf16, #tpu.memory_space<hbm>>
      tpu.enqueue_indirect_dma source(%dma_start3A_126 : memref<10000x1024xbf16, #tpu.memory_space<hbm>>) target(%dma_start3A_120 : memref<40x1024xbf16, #tpu.memory_space<vmem>>) offsets(%dma_start3A_123 : memref<40xi32, #tpu.memory_space<vmem>>) semaphore(%arg21 : memref<!tpu.dma_semaphore, #tpu.memory_space<semaphore_mem>>)
      %dma_start3A_127 = arith.constant 1 : i32
      %dma_start3A_128 = arith.constant 0 : i32
      %dma_start3A_129 = arith.constant 0 : i32
      %dma_start3A_130 = tpu.memref_slice %arg14[%dma_start3A_127, %dma_start3A_128, %dma_start3A_129] : memref<2x40x32xf32, #tpu.memory_space<vmem>> -> memref<1x40x32xf32, #tpu.memory_space<vmem>>
      %dma_start3A_131 = tpu.memref_squeeze %dma_start3A_130 : memref<1x40x32xf32, #tpu.memory_space<vmem>> -> memref<40x32xf32, #tpu.memory_space<vmem>>
      %dma_start3A_132 = arith.constant 0 : i32
      %dma_start3A_133 = tpu.memref_slice %arg9[%add3A_104, %dma_start3A_132] : memref<125x40xi32, #tpu.memory_space<vmem>> -> memref<1x40xi32, #tpu.memory_space<vmem>>
      %dma_start3A_134 = tpu.memref_squeeze %dma_start3A_133 : memref<1x40xi32, #tpu.memory_space<vmem>> -> memref<40xi32, #tpu.memory_space<vmem>>
      %dma_start3A_135 = arith.constant 0 : i32
      %dma_start3A_136 = arith.constant 0 : i32
      %dma_start3A_137 = tpu.memref_slice %arg4[%dma_start3A_135, %dma_start3A_136] : memref<10000x32xf32, #tpu.memory_space<hbm>> -> memref<10000x32xf32, #tpu.memory_space<hbm>>
      tpu.enqueue_indirect_dma source(%dma_start3A_137 : memref<10000x32xf32, #tpu.memory_space<hbm>>) target(%dma_start3A_131 : memref<40x32xf32, #tpu.memory_space<vmem>>) offsets(%dma_start3A_134 : memref<40xi32, #tpu.memory_space<vmem>>) semaphore(%arg23 : memref<!tpu.dma_semaphore, #tpu.memory_space<semaphore_mem>>)
      %dma_wait3A_138 = arith.constant 0 : i32
      %dma_wait3A_139 = arith.constant 0 : i32
      %dma_wait3A_140 = arith.constant 0 : i32
      %dma_wait3A_141 = tpu.memref_slice %arg12[%dma_wait3A_138, %dma_wait3A_139, %dma_wait3A_140] : memref<2x40x1024xbf16, #tpu.memory_space<vmem>> -> memref<1x40x1024xbf16, #tpu.memory_space<vmem>>
      %dma_wait3A_142 = tpu.memref_squeeze %dma_wait3A_141 : memref<1x40x1024xbf16, #tpu.memory_space<vmem>> -> memref<40x1024xbf16, #tpu.memory_space<vmem>>
      %dma_wait3A_143 = arith.constant 0 : i32
      %dma_wait3A_144 = tpu.memref_slice %arg9[%add3A_102, %dma_wait3A_143] : memref<125x40xi32, #tpu.memory_space<vmem>> -> memref<1x40xi32, #tpu.memory_space<vmem>>
      %dma_wait3A_145 = tpu.memref_squeeze %dma_wait3A_144 : memref<1x40xi32, #tpu.memory_space<vmem>> -> memref<40xi32, #tpu.memory_space<vmem>>
      %dma_wait3A_146 = arith.constant 0 : i32
      %dma_wait3A_147 = arith.constant 0 : i32
      %dma_wait3A_148 = tpu.memref_slice %arg2[%dma_wait3A_146, %dma_wait3A_147] : memref<10000x1024xbf16, #tpu.memory_space<hbm>> -> memref<10000x1024xbf16, #tpu.memory_space<hbm>>
      tpu.wait_indirect_dma semaphore(%arg18 : memref<!tpu.dma_semaphore, #tpu.memory_space<semaphore_mem>>) src(%dma_wait3A_148 : memref<10000x1024xbf16, #tpu.memory_space<hbm>>) dst(%dma_wait3A_142 : memref<40x1024xbf16, #tpu.memory_space<vmem>>)
      %dma_wait3A_149 = arith.constant 0 : i32
      %dma_wait3A_150 = arith.constant 0 : i32
      %dma_wait3A_151 = arith.constant 0 : i32
      %dma_wait3A_152 = tpu.memref_slice %arg13[%dma_wait3A_149, %dma_wait3A_150, %dma_wait3A_151] : memref<2x40x1024xbf16, #tpu.memory_space<vmem>> -> memref<1x40x1024xbf16, #tpu.memory_space<vmem>>
      %dma_wait3A_153 = tpu.memref_squeeze %dma_wait3A_152 : memref<1x40x1024xbf16, #tpu.memory_space<vmem>> -> memref<40x1024xbf16, #tpu.memory_space<vmem>>
      %dma_wait3A_154 = arith.constant 0 : i32
      %dma_wait3A_155 = tpu.memref_slice %arg10[%add3A_102, %dma_wait3A_154] : memref<125x40xi32, #tpu.memory_space<vmem>> -> memref<1x40xi32, #tpu.memory_space<vmem>>
      %dma_wait3A_156 = tpu.memref_squeeze %dma_wait3A_155 : memref<1x40xi32, #tpu.memory_space<vmem>> -> memref<40xi32, #tpu.memory_space<vmem>>
      %dma_wait3A_157 = arith.constant 0 : i32
      %dma_wait3A_158 = arith.constant 0 : i32
      %dma_wait3A_159 = tpu.memref_slice %arg3[%dma_wait3A_157, %dma_wait3A_158] : memref<10000x1024xbf16, #tpu.memory_space<hbm>> -> memref<10000x1024xbf16, #tpu.memory_space<hbm>>
      tpu.wait_indirect_dma semaphore(%arg20 : memref<!tpu.dma_semaphore, #tpu.memory_space<semaphore_mem>>) src(%dma_wait3A_159 : memref<10000x1024xbf16, #tpu.memory_space<hbm>>) dst(%dma_wait3A_153 : memref<40x1024xbf16, #tpu.memory_space<vmem>>)
      %dma_wait3A_160 = arith.constant 0 : i32
      %dma_wait3A_161 = arith.constant 0 : i32
      %dma_wait3A_162 = arith.constant 0 : i32
      %dma_wait3A_163 = tpu.memref_slice %arg14[%dma_wait3A_160, %dma_wait3A_161, %dma_wait3A_162] : memref<2x40x32xf32, #tpu.memory_space<vmem>> -> memref<1x40x32xf32, #tpu.memory_space<vmem>>
      %dma_wait3A_164 = tpu.memref_squeeze %dma_wait3A_163 : memref<1x40x32xf32, #tpu.memory_space<vmem>> -> memref<40x32xf32, #tpu.memory_space<vmem>>
      %dma_wait3A_165 = arith.constant 0 : i32
      %dma_wait3A_166 = tpu.memref_slice %arg9[%add3A_102, %dma_wait3A_165] : memref<125x40xi32, #tpu.memory_space<vmem>> -> memref<1x40xi32, #tpu.memory_space<vmem>>
      %dma_wait3A_167 = tpu.memref_squeeze %dma_wait3A_166 : memref<1x40xi32, #tpu.memory_space<vmem>> -> memref<40xi32, #tpu.memory_space<vmem>>
      %dma_wait3A_168 = arith.constant 0 : i32
      %dma_wait3A_169 = arith.constant 0 : i32
      %dma_wait3A_170 = tpu.memref_slice %arg4[%dma_wait3A_168, %dma_wait3A_169] : memref<10000x32xf32, #tpu.memory_space<hbm>> -> memref<10000x32xf32, #tpu.memory_space<hbm>>
      tpu.wait_indirect_dma semaphore(%arg22 : memref<!tpu.dma_semaphore, #tpu.memory_space<semaphore_mem>>) src(%dma_wait3A_170 : memref<10000x32xf32, #tpu.memory_space<hbm>>) dst(%dma_wait3A_164 : memref<40x32xf32, #tpu.memory_space<vmem>>)
      %scan3A_171 = arith.constant 0 : i32
      %scan3A_172 = arith.constant 0 : i32
      %scan3A_173 = arith.constant 40 : i32
      %scan3A_174 = arith.addi %scan3A_172, %scan3A_173 : i32
      %scan3A_175 = arith.constant 1 : i32
      scf.for %scan3A_255 = %scan3A_172 to %scan3A_174 step %scan3A_175  : i32 {
        %mul3A_256 = arith.constant 40 : i32
        %mul3A_257 = arith.muli %add3A_102, %mul3A_256 : i32
        %add3A_258 = arith.addi %mul3A_257, %scan3A_255 : i32
        %broadcast_in_dim3A_259 = vector.broadcast %add3A_258 : i32 to vector<16xi32>
        %gather3A = tpu.vector_load_idx %arg11[%broadcast_in_dim3A_259] : memref<5000xf32, #tpu.memory_space<vmem>>[vector<16xi32>], vector<16xf32>,
        %div3A = arith.constant 2.812500e-02 : f32
        %div3A_260 = vector.broadcast %div3A : f32 to vector<16xf32>
        %div3A_261 = arith.divf %div3A_260, %gather3A : vector<16xf32>
        %get3A = arith.constant 0 : i32
        %get3A_262 = arith.index_cast %get3A : i32 to index
        %get3A_263 = arith.index_cast %scan3A_255 : i32 to index
        %get3A_264 = arith.constant 0 : index
        %get3A_265 = tpu.vector_load %arg14[%get3A_262, %get3A_263, %get3A_264] {strides = array<i32>} : memref<2x40x32xf32, #tpu.memory_space<vmem>>, vector<16xf32>,
        %mul3A_266 = arith.mulf %get3A_265, %div3A_261 : vector<16xf32>
        %get3A_267 = arith.constant 0 : i32
        %get3A_268 = arith.index_cast %get3A_267 : i32 to index
        %get3A_269 = arith.index_cast %scan3A_255 : i32 to index
        %get3A_270 = arith.constant 16 : index
        %get3A_271 = tpu.vector_load %arg14[%get3A_268, %get3A_269, %get3A_270] {strides = array<i32>} : memref<2x40x32xf32, #tpu.memory_space<vmem>>, vector<16xf32>,
        %mul3A_272 = arith.mulf %get3A_271, %div3A_261 : vector<16xf32>
        %broadcast_in_dim3A_273 = arith.constant 0.000000e+00 : f32
        %broadcast_in_dim3A_274 = vector.broadcast %broadcast_in_dim3A_273 : f32 to vector<16xf32>
        %broadcast_in_dim3A_275 = arith.constant 0.000000e+00 : f32
        %broadcast_in_dim3A_276 = vector.broadcast %broadcast_in_dim3A_275 : f32 to vector<16xf32>
        %broadcast_in_dim3A_277 = arith.constant 0.000000e+00 : f32
        %broadcast_in_dim3A_278 = vector.broadcast %broadcast_in_dim3A_277 : f32 to vector<16xf32>
        %broadcast_in_dim3A_279 = arith.constant 0.000000e+00 : f32
        %broadcast_in_dim3A_280 = vector.broadcast %broadcast_in_dim3A_279 : f32 to vector<16xf32>
        %broadcast_in_dim3A_281 = arith.constant 0.000000e+00 : f32
        %broadcast_in_dim3A_282 = vector.broadcast %broadcast_in_dim3A_281 : f32 to vector<16xf32>
        %broadcast_in_dim3A_283 = arith.constant 0.000000e+00 : f32
        %broadcast_in_dim3A_284 = vector.broadcast %broadcast_in_dim3A_283 : f32 to vector<16xf32>
        %broadcast_in_dim3A_285 = arith.constant 0.000000e+00 : f32
        %broadcast_in_dim3A_286 = vector.broadcast %broadcast_in_dim3A_285 : f32 to vector<16xf32>
        %broadcast_in_dim3A_287 = arith.constant 0.000000e+00 : f32
        %broadcast_in_dim3A_288 = vector.broadcast %broadcast_in_dim3A_287 : f32 to vector<16xf32>
        %get3A_289 = arith.constant 0 : i32
        %get3A_290 = arith.index_cast %get3A_289 : i32 to index
        %get3A_291 = arith.index_cast %scan3A_255 : i32 to index
        %get3A_292 = arith.constant 0 : index
        %get3A_293 = tpu.vector_load %arg12[%get3A_290, %get3A_291, %get3A_292] {strides = array<i32>} : memref<2x40x1024xbf16, #tpu.memory_space<vmem>>, vector<32xbf16>,
        %get3A_294 = arith.constant 0 : i32
        %get3A_295 = arith.index_cast %get3A_294 : i32 to index
        %get3A_296 = arith.index_cast %scan3A_255 : i32 to index
        %get3A_297 = arith.constant 0 : index
        %get3A_298 = tpu.vector_load %arg13[%get3A_295, %get3A_296, %get3A_297] {strides = array<i32>} : memref<2x40x1024xbf16, #tpu.memory_space<vmem>>, vector<32xbf16>,
        %add3A_299 = arith.addf %get3A_293, %get3A_298 : vector<32xbf16>
        %unpack3A = tpu.unpack_subelements %add3A_299, 0 {pack_format = #tpu.pack_format<interleaved>} : vector<32xbf16> -> vector<16xf32>
        %unpack3A_300 = tpu.unpack_subelements %add3A_299, 1 {pack_format = #tpu.pack_format<interleaved>} : vector<32xbf16> -> vector<16xf32>
        %tanh3A = math.tanh %unpack3A : vector<16xf32>
        %tanh3A_301 = math.tanh %unpack3A_300 : vector<16xf32>
        %slice3A = vector.extract_strided_slice %mul3A_266 {offsets = [0], sizes = [1], strides = [1]} : vector<16xf32> to vector<1xf32>
        %squeeze3A = vector.extract %slice3A[0] : f32 from vector<1xf32>
        %mul3A_302 = vector.broadcast %squeeze3A : f32 to vector<16xf32>
        %mul3A_303 = arith.mulf %tanh3A, %mul3A_302 : vector<16xf32>
        %add3A_304 = arith.addf %broadcast_in_dim3A_274, %mul3A_303 : vector<16xf32>
        %mul3A_305 = vector.broadcast %squeeze3A : f32 to vector<16xf32>
        %mul3A_306 = arith.mulf %tanh3A_301, %mul3A_305 : vector<16xf32>
        %add3A_307 = arith.addf %broadcast_in_dim3A_282, %mul3A_306 : vector<16xf32>
        %get3A_308 = arith.constant 0 : i32
        %get3A_309 = arith.index_cast %get3A_308 : i32 to index
        %get3A_310 = arith.index_cast %scan3A_255 : i32 to index
        %get3A_311 = arith.constant 32 : index
        %get3A_312 = tpu.vector_load %arg12[%get3A_309, %get3A_310, %get3A_311] {strides = array<i32>} : memref<2x40x1024xbf16, #tpu.memory_space<vmem>>, vector<32xbf16>,
        %get3A_313 = arith.constant 0 : i32
        %get3A_314 = arith.index_cast %get3A_313 : i32 to index
        %get3A_315 = arith.index_cast %scan3A_255 : i32 to index
        %get3A_316 = arith.constant 32 : index
        %get3A_317 = tpu.vector_load %arg13[%get3A_314, %get3A_315, %get3A_316] {strides = array<i32>} : memref<2x40x1024xbf16, #tpu.memory_space<vmem>>, vector<32xbf16>,
        %add3A_318 = arith.addf %get3A_312, %get3A_317 : vector<32xbf16>
        %unpack3A_319 = tpu.unpack_subelements %add3A_318, 0 {pack_format = #tpu.pack_format<interleaved>} : vector<32xbf16> -> vector<16xf32>
        %unpack3A_320 = tpu.unpack_subelements %add3A_318, 1 {pack_format = #tpu.pack_format<interleaved>} : vector<32xbf16> -> vector<16xf32>
        %tanh3A_321 = math.tanh %unpack3A_319 : vector<16xf32>
        %tanh3A_322 = math.tanh %unpack3A_320 : vector<16xf32>
        %slice3A_323 = vector.extract_strided_slice %mul3A_266 {offsets = [1], sizes = [1], strides = [1]} : vector<16xf32> to vector<1xf32>
        %squeeze3A_324 = vector.extract %slice3A_323[0] : f32 from vector<1xf32>
        %mul3A_325 = vector.broadcast %squeeze3A_324 : f32 to vector<16xf32>
        %mul3A_326 = arith.mulf %tanh3A_321, %mul3A_325 : vector<16xf32>
        %add3A_327 = arith.addf %broadcast_in_dim3A_276, %mul3A_326 : vector<16xf32>
        %mul3A_328 = vector.broadcast %squeeze3A_324 : f32 to vector<16xf32>
        %mul3A_329 = arith.mulf %tanh3A_322, %mul3A_328 : vector<16xf32>
        %add3A_330 = arith.addf %broadcast_in_dim3A_284, %mul3A_329 : vector<16xf32>
        %get3A_331 = arith.constant 0 : i32
        %get3A_332 = arith.index_cast %get3A_331 : i32 to index
        %get3A_333 = arith.index_cast %scan3A_255 : i32 to index
        %get3A_334 = arith.constant 64 : index
        %get3A_335 = tpu.vector_load %arg12[%get3A_332, %get3A_333, %get3A_334] {strides = array<i32>} : memref<2x40x1024xbf16, #tpu.memory_space<vmem>>, vector<32xbf16>,
        %get3A_336 = arith.constant 0 : i32
        %get3A_337 = arith.index_cast %get3A_336 : i32 to index
        %get3A_338 = arith.index_cast %scan3A_255 : i32 to index
        %get3A_339 = arith.constant 64 : index
        %get3A_340 = tpu.vector_load %arg13[%get3A_337, %get3A_338, %get3A_339] {strides = array<i32>} : memref<2x40x1024xbf16, #tpu.memory_space<vmem>>, vector<32xbf16>,
        %add3A_341 = arith.addf %get3A_335, %get3A_340 : vector<32xbf16>
        %unpack3A_342 = tpu.unpack_subelements %add3A_341, 0 {pack_format = #tpu.pack_format<interleaved>} : vector<32xbf16> -> vector<16xf32>
        %unpack3A_343 = tpu.unpack_subelements %add3A_341, 1 {pack_format = #tpu.pack_format<interleaved>} : vector<32xbf16> -> vector<16xf32>
        %tanh3A_344 = math.tanh %unpack3A_342 : vector<16xf32>
        %tanh3A_345 = math.tanh %unpack3A_343 : vector<16xf32>
        %slice3A_346 = vector.extract_strided_slice %mul3A_266 {offsets = [2], sizes = [1], strides = [1]} : vector<16xf32> to vector<1xf32>
        %squeeze3A_347 = vector.extract %slice3A_346[0] : f32 from vector<1xf32>
        %mul3A_348 = vector.broadcast %squeeze3A_347 : f32 to vector<16xf32>
        %mul3A_349 = arith.mulf %tanh3A_344, %mul3A_348 : vector<16xf32>
        %add3A_350 = arith.addf %broadcast_in_dim3A_278, %mul3A_349 : vector<16xf32>
        %mul3A_351 = vector.broadcast %squeeze3A_347 : f32 to vector<16xf32>
        %mul3A_352 = arith.mulf %tanh3A_345, %mul3A_351 : vector<16xf32>
        %add3A_353 = arith.addf %broadcast_in_dim3A_286, %mul3A_352 : vector<16xf32>
        %get3A_354 = arith.constant 0 : i32
        %get3A_355 = arith.index_cast %get3A_354 : i32 to index
        %get3A_356 = arith.index_cast %scan3A_255 : i32 to index
        %get3A_357 = arith.constant 96 : index
        %get3A_358 = tpu.vector_load %arg12[%get3A_355, %get3A_356, %get3A_357] {strides = array<i32>} : memref<2x40x1024xbf16, #tpu.memory_space<vmem>>, vector<32xbf16>,
        %get3A_359 = arith.constant 0 : i32
        %get3A_360 = arith.index_cast %get3A_359 : i32 to index
        %get3A_361 = arith.index_cast %scan3A_255 : i32 to index
        %get3A_362 = arith.constant 96 : index
        %get3A_363 = tpu.vector_load %arg13[%get3A_360, %get3A_361, %get3A_362] {strides = array<i32>} : memref<2x40x1024xbf16, #tpu.memory_space<vmem>>, vector<32xbf16>,
        %add3A_364 = arith.addf %get3A_358, %get3A_363 : vector<32xbf16>
        %unpack3A_365 = tpu.unpack_subelements %add3A_364, 0 {pack_format = #tpu.pack_format<interleaved>} : vector<32xbf16> -> vector<16xf32>
        %unpack3A_366 = tpu.unpack_subelements %add3A_364, 1 {pack_format = #tpu.pack_format<interleaved>} : vector<32xbf16> -> vector<16xf32>
        %tanh3A_367 = math.tanh %unpack3A_365 : vector<16xf32>
        %tanh3A_368 = math.tanh %unpack3A_366 : vector<16xf32>
        %slice3A_369 = vector.extract_strided_slice %mul3A_266 {offsets = [3], sizes = [1], strides = [1]} : vector<16xf32> to vector<1xf32>
        %squeeze3A_370 = vector.extract %slice3A_369[0] : f32 from vector<1xf32>
        %mul3A_371 = vector.broadcast %squeeze3A_370 : f32 to vector<16xf32>
        %mul3A_372 = arith.mulf %tanh3A_367, %mul3A_371 : vector<16xf32>
        %add3A_373 = arith.addf %broadcast_in_dim3A_280, %mul3A_372 : vector<16xf32>
        %mul3A_374 = vector.broadcast %squeeze3A_370 : f32 to vector<16xf32>
        %mul3A_375 = arith.mulf %tanh3A_368, %mul3A_374 : vector<16xf32>
        %add3A_376 = arith.addf %broadcast_in_dim3A_288, %mul3A_375 : vector<16xf32>
        %get3A_377 = arith.constant 0 : i32
        %get3A_378 = arith.index_cast %get3A_377 : i32 to index
        %get3A_379 = arith.index_cast %scan3A_255 : i32 to index
        %get3A_380 = arith.constant 128 : index
        %get3A_381 = tpu.vector_load %arg12[%get3A_378, %get3A_379, %get3A_380] {strides = array<i32>} : memref<2x40x1024xbf16, #tpu.memory_space<vmem>>, vector<32xbf16>,
        %get3A_382 = arith.constant 0 : i32
        %get3A_383 = arith.index_cast %get3A_382 : i32 to index
        %get3A_384 = arith.index_cast %scan3A_255 : i32 to index
        %get3A_385 = arith.constant 128 : index
        %get3A_386 = tpu.vector_load %arg13[%get3A_383, %get3A_384, %get3A_385] {strides = array<i32>} : memref<2x40x1024xbf16, #tpu.memory_space<vmem>>, vector<32xbf16>,
        %add3A_387 = arith.addf %get3A_381, %get3A_386 : vector<32xbf16>
        %unpack3A_388 = tpu.unpack_subelements %add3A_387, 0 {pack_format = #tpu.pack_format<interleaved>} : vector<32xbf16> -> vector<16xf32>
        %unpack3A_389 = tpu.unpack_subelements %add3A_387, 1 {pack_format = #tpu.pack_format<interleaved>} : vector<32xbf16> -> vector<16xf32>
        %tanh3A_390 = math.tanh %unpack3A_388 : vector<16xf32>
        %tanh3A_391 = math.tanh %unpack3A_389 : vector<16xf32>
        %slice3A_392 = vector.extract_strided_slice %mul3A_266 {offsets = [4], sizes = [1], strides = [1]} : vector<16xf32> to vector<1xf32>
        %squeeze3A_393 = vector.extract %slice3A_392[0] : f32 from vector<1xf32>
        %mul3A_394 = vector.broadcast %squeeze3A_393 : f32 to vector<16xf32>
        %mul3A_395 = arith.mulf %tanh3A_390, %mul3A_394 : vector<16xf32>
        %add3A_396 = arith.addf %add3A_304, %mul3A_395 : vector<16xf32>
        %mul3A_397 = vector.broadcast %squeeze3A_393 : f32 to vector<16xf32>
        %mul3A_398 = arith.mulf %tanh3A_391, %mul3A_397 : vector<16xf32>
        %add3A_399 = arith.addf %add3A_307, %mul3A_398 : vector<16xf32>
        %get3A_400 = arith.constant 0 : i32
        %get3A_401 = arith.index_cast %get3A_400 : i32 to index
        %get3A_402 = arith.index_cast %scan3A_255 : i32 to index
        %get3A_403 = arith.constant 160 : index
        %get3A_404 = tpu.vector_load %arg12[%get3A_401, %get3A_402, %get3A_403] {strides = array<i32>} : memref<2x40x1024xbf16, #tpu.memory_space<vmem>>, vector<32xbf16>,
        %get3A_405 = arith.constant 0 : i32
        %get3A_406 = arith.index_cast %get3A_405 : i32 to index
        %get3A_407 = arith.index_cast %scan3A_255 : i32 to index
        %get3A_408 = arith.constant 160 : index
        %get3A_409 = tpu.vector_load %arg13[%get3A_406, %get3A_407, %get3A_408] {strides = array<i32>} : memref<2x40x1024xbf16, #tpu.memory_space<vmem>>, vector<32xbf16>,
        %add3A_410 = arith.addf %get3A_404, %get3A_409 : vector<32xbf16>
        %unpack3A_411 = tpu.unpack_subelements %add3A_410, 0 {pack_format = #tpu.pack_format<interleaved>} : vector<32xbf16> -> vector<16xf32>
        %unpack3A_412 = tpu.unpack_subelements %add3A_410, 1 {pack_format = #tpu.pack_format<interleaved>} : vector<32xbf16> -> vector<16xf32>
        %tanh3A_413 = math.tanh %unpack3A_411 : vector<16xf32>
        %tanh3A_414 = math.tanh %unpack3A_412 : vector<16xf32>
        %slice3A_415 = vector.extract_strided_slice %mul3A_266 {offsets = [5], sizes = [1], strides = [1]} : vector<16xf32> to vector<1xf32>
        %squeeze3A_416 = vector.extract %slice3A_415[0] : f32 from vector<1xf32>
        %mul3A_417 = vector.broadcast %squeeze3A_416 : f32 to vector<16xf32>
        %mul3A_418 = arith.mulf %tanh3A_413, %mul3A_417 : vector<16xf32>
        %add3A_419 = arith.addf %add3A_327, %mul3A_418 : vector<16xf32>
        %mul3A_420 = vector.broadcast %squeeze3A_416 : f32 to vector<16xf32>
        %mul3A_421 = arith.mulf %tanh3A_414, %mul3A_420 : vector<16xf32>
        %add3A_422 = arith.addf %add3A_330, %mul3A_421 : vector<16xf32>
        %get3A_423 = arith.constant 0 : i32
        %get3A_424 = arith.index_cast %get3A_423 : i32 to index
        %get3A_425 = arith.index_cast %scan3A_255 : i32 to index
        %get3A_426 = arith.constant 192 : index
        %get3A_427 = tpu.vector_load %arg12[%get3A_424, %get3A_425, %get3A_426] {strides = array<i32>} : memref<2x40x1024xbf16, #tpu.memory_space<vmem>>, vector<32xbf16>,
        %get3A_428 = arith.constant 0 : i32
        %get3A_429 = arith.index_cast %get3A_428 : i32 to index
        %get3A_430 = arith.index_cast %scan3A_255 : i32 to index
        %get3A_431 = arith.constant 192 : index
        %get3A_432 = tpu.vector_load %arg13[%get3A_429, %get3A_430, %get3A_431] {strides = array<i32>} : memref<2x40x1024xbf16, #tpu.memory_space<vmem>>, vector<32xbf16>,
        %add3A_433 = arith.addf %get3A_427, %get3A_432 : vector<32xbf16>
        %unpack3A_434 = tpu.unpack_subelements %add3A_433, 0 {pack_format = #tpu.pack_format<interleaved>} : vector<32xbf16> -> vector<16xf32>
        %unpack3A_435 = tpu.unpack_subelements %add3A_433, 1 {pack_format = #tpu.pack_format<interleaved>} : vector<32xbf16> -> vector<16xf32>
        %tanh3A_436 = math.tanh %unpack3A_434 : vector<16xf32>
        %tanh3A_437 = math.tanh %unpack3A_435 : vector<16xf32>
        %slice3A_438 = vector.extract_strided_slice %mul3A_266 {offsets = [6], sizes = [1], strides = [1]} : vector<16xf32> to vector<1xf32>
        %squeeze3A_439 = vector.extract %slice3A_438[0] : f32 from vector<1xf32>
        %mul3A_440 = vector.broadcast %squeeze3A_439 : f32 to vector<16xf32>
        %mul3A_441 = arith.mulf %tanh3A_436, %mul3A_440 : vector<16xf32>
        %add3A_442 = arith.addf %add3A_350, %mul3A_441 : vector<16xf32>
        %mul3A_443 = vector.broadcast %squeeze3A_439 : f32 to vector<16xf32>
        %mul3A_444 = arith.mulf %tanh3A_437, %mul3A_443 : vector<16xf32>
        %add3A_445 = arith.addf %add3A_353, %mul3A_444 : vector<16xf32>
        %get3A_446 = arith.constant 0 : i32
        %get3A_447 = arith.index_cast %get3A_446 : i32 to index
        %get3A_448 = arith.index_cast %scan3A_255 : i32 to index
        %get3A_449 = arith.constant 224 : index
        %get3A_450 = tpu.vector_load %arg12[%get3A_447, %get3A_448, %get3A_449] {strides = array<i32>} : memref<2x40x1024xbf16, #tpu.memory_space<vmem>>, vector<32xbf16>,
        %get3A_451 = arith.constant 0 : i32
        %get3A_452 = arith.index_cast %get3A_451 : i32 to index
        %get3A_453 = arith.index_cast %scan3A_255 : i32 to index
        %get3A_454 = arith.constant 224 : index
        %get3A_455 = tpu.vector_load %arg13[%get3A_452, %get3A_453, %get3A_454] {strides = array<i32>} : memref<2x40x1024xbf16, #tpu.memory_space<vmem>>, vector<32xbf16>,
        %add3A_456 = arith.addf %get3A_450, %get3A_455 : vector<32xbf16>
        %unpack3A_457 = tpu.unpack_subelements %add3A_456, 0 {pack_format = #tpu.pack_format<interleaved>} : vector<32xbf16> -> vector<16xf32>
        %unpack3A_458 = tpu.unpack_subelements %add3A_456, 1 {pack_format = #tpu.pack_format<interleaved>} : vector<32xbf16> -> vector<16xf32>
        %tanh3A_459 = math.tanh %unpack3A_457 : vector<16xf32>
        %tanh3A_460 = math.tanh %unpack3A_458 : vector<16xf32>
        %slice3A_461 = vector.extract_strided_slice %mul3A_266 {offsets = [7], sizes = [1], strides = [1]} : vector<16xf32> to vector<1xf32>
        %squeeze3A_462 = vector.extract %slice3A_461[0] : f32 from vector<1xf32>
        %mul3A_463 = vector.broadcast %squeeze3A_462 : f32 to vector<16xf32>
        %mul3A_464 = arith.mulf %tanh3A_459, %mul3A_463 : vector<16xf32>
        %add3A_465 = arith.addf %add3A_373, %mul3A_464 : vector<16xf32>
        %mul3A_466 = vector.broadcast %squeeze3A_462 : f32 to vector<16xf32>
        %mul3A_467 = arith.mulf %tanh3A_460, %mul3A_466 : vector<16xf32>
        %add3A_468 = arith.addf %add3A_376, %mul3A_467 : vector<16xf32>
        %get3A_469 = arith.constant 0 : i32
        %get3A_470 = arith.index_cast %get3A_469 : i32 to index
        %get3A_471 = arith.index_cast %scan3A_255 : i32 to index
        %get3A_472 = arith.constant 256 : index
        %get3A_473 = tpu.vector_load %arg12[%get3A_470, %get3A_471, %get3A_472] {strides = array<i32>} : memref<2x40x1024xbf16, #tpu.memory_space<vmem>>, vector<32xbf16>,
        %get3A_474 = arith.constant 0 : i32
        %get3A_475 = arith.index_cast %get3A_474 : i32 to index
        %get3A_476 = arith.index_cast %scan3A_255 : i32 to index
        %get3A_477 = arith.constant 256 : index
        %get3A_478 = tpu.vector_load %arg13[%get3A_475, %get3A_476, %get3A_477] {strides = array<i32>} : memref<2x40x1024xbf16, #tpu.memory_space<vmem>>, vector<32xbf16>,
        %add3A_479 = arith.addf %get3A_473, %get3A_478 : vector<32xbf16>
        %unpack3A_480 = tpu.unpack_subelements %add3A_479, 0 {pack_format = #tpu.pack_format<interleaved>} : vector<32xbf16> -> vector<16xf32>
        %unpack3A_481 = tpu.unpack_subelements %add3A_479, 1 {pack_format = #tpu.pack_format<interleaved>} : vector<32xbf16> -> vector<16xf32>
        %tanh3A_482 = math.tanh %unpack3A_480 : vector<16xf32>
        %tanh3A_483 = math.tanh %unpack3A_481 : vector<16xf32>
        %slice3A_484 = vector.extract_strided_slice %mul3A_266 {offsets = [8], sizes = [1], strides = [1]} : vector<16xf32> to vector<1xf32>
        %squeeze3A_485 = vector.extract %slice3A_484[0] : f32 from vector<1xf32>
        %mul3A_486 = vector.broadcast %squeeze3A_485 : f32 to vector<16xf32>
        %mul3A_487 = arith.mulf %tanh3A_482, %mul3A_486 : vector<16xf32>
        %add3A_488 = arith.addf %add3A_396, %mul3A_487 : vector<16xf32>
        %mul3A_489 = vector.broadcast %squeeze3A_485 : f32 to vector<16xf32>
        %mul3A_490 = arith.mulf %tanh3A_483, %mul3A_489 : vector<16xf32>
        %add3A_491 = arith.addf %add3A_399, %mul3A_490 : vector<16xf32>
        %get3A_492 = arith.constant 0 : i32
        %get3A_493 = arith.index_cast %get3A_492 : i32 to index
        %get3A_494 = arith.index_cast %scan3A_255 : i32 to index
        %get3A_495 = arith.constant 288 : index
        %get3A_496 = tpu.vector_load %arg12[%get3A_493, %get3A_494, %get3A_495] {strides = array<i32>} : memref<2x40x1024xbf16, #tpu.memory_space<vmem>>, vector<32xbf16>,
        %get3A_497 = arith.constant 0 : i32
        %get3A_498 = arith.index_cast %get3A_497 : i32 to index
        %get3A_499 = arith.index_cast %scan3A_255 : i32 to index
        %get3A_500 = arith.constant 288 : index
        %get3A_501 = tpu.vector_load %arg13[%get3A_498, %get3A_499, %get3A_500] {strides = array<i32>} : memref<2x40x1024xbf16, #tpu.memory_space<vmem>>, vector<32xbf16>,
        %add3A_502 = arith.addf %get3A_496, %get3A_501 : vector<32xbf16>
        %unpack3A_503 = tpu.unpack_subelements %add3A_502, 0 {pack_format = #tpu.pack_format<interleaved>} : vector<32xbf16> -> vector<16xf32>
        %unpack3A_504 = tpu.unpack_subelements %add3A_502, 1 {pack_format = #tpu.pack_format<interleaved>} : vector<32xbf16> -> vector<16xf32>
        %tanh3A_505 = math.tanh %unpack3A_503 : vector<16xf32>
        %tanh3A_506 = math.tanh %unpack3A_504 : vector<16xf32>
        %slice3A_507 = vector.extract_strided_slice %mul3A_266 {offsets = [9], sizes = [1], strides = [1]} : vector<16xf32> to vector<1xf32>
        %squeeze3A_508 = vector.extract %slice3A_507[0] : f32 from vector<1xf32>
        %mul3A_509 = vector.broadcast %squeeze3A_508 : f32 to vector<16xf32>
        %mul3A_510 = arith.mulf %tanh3A_505, %mul3A_509 : vector<16xf32>
        %add3A_511 = arith.addf %add3A_419, %mul3A_510 : vector<16xf32>
        %mul3A_512 = vector.broadcast %squeeze3A_508 : f32 to vector<16xf32>
        %mul3A_513 = arith.mulf %tanh3A_506, %mul3A_512 : vector<16xf32>
        %add3A_514 = arith.addf %add3A_422, %mul3A_513 : vector<16xf32>
        %get3A_515 = arith.constant 0 : i32
        %get3A_516 = arith.index_cast %get3A_515 : i32 to index
        %get3A_517 = arith.index_cast %scan3A_255 : i32 to index
        %get3A_518 = arith.constant 320 : index
        %get3A_519 = tpu.vector_load %arg12[%get3A_516, %get3A_517, %get3A_518] {strides = array<i32>} : memref<2x40x1024xbf16, #tpu.memory_space<vmem>>, vector<32xbf16>,
        %get3A_520 = arith.constant 0 : i32
        %get3A_521 = arith.index_cast %get3A_520 : i32 to index
        %get3A_522 = arith.index_cast %scan3A_255 : i32 to index
        %get3A_523 = arith.constant 320 : index
        %get3A_524 = tpu.vector_load %arg13[%get3A_521, %get3A_522, %get3A_523] {strides = array<i32>} : memref<2x40x1024xbf16, #tpu.memory_space<vmem>>, vector<32xbf16>,
        %add3A_525 = arith.addf %get3A_519, %get3A_524 : vector<32xbf16>
        %unpack3A_526 = tpu.unpack_subelements %add3A_525, 0 {pack_format = #tpu.pack_format<interleaved>} : vector<32xbf16> -> vector<16xf32>
        %unpack3A_527 = tpu.unpack_subelements %add3A_525, 1 {pack_format = #tpu.pack_format<interleaved>} : vector<32xbf16> -> vector<16xf32>
        %tanh3A_528 = math.tanh %unpack3A_526 : vector<16xf32>
        %tanh3A_529 = math.tanh %unpack3A_527 : vector<16xf32>
        %slice3A_530 = vector.extract_strided_slice %mul3A_266 {offsets = [10], sizes = [1], strides = [1]} : vector<16xf32> to vector<1xf32>
        %squeeze3A_531 = vector.extract %slice3A_530[0] : f32 from vector<1xf32>
        %mul3A_532 = vector.broadcast %squeeze3A_531 : f32 to vector<16xf32>
        %mul3A_533 = arith.mulf %tanh3A_528, %mul3A_532 : vector<16xf32>
        %add3A_534 = arith.addf %add3A_442, %mul3A_533 : vector<16xf32>
        %mul3A_535 = vector.broadcast %squeeze3A_531 : f32 to vector<16xf32>
        %mul3A_536 = arith.mulf %tanh3A_529, %mul3A_535 : vector<16xf32>
        %add3A_537 = arith.addf %add3A_445, %mul3A_536 : vector<16xf32>
        %get3A_538 = arith.constant 0 : i32
        %get3A_539 = arith.index_cast %get3A_538 : i32 to index
        %get3A_540 = arith.index_cast %scan3A_255 : i32 to index
        %get3A_541 = arith.constant 352 : index
        %get3A_542 = tpu.vector_load %arg12[%get3A_539, %get3A_540, %get3A_541] {strides = array<i32>} : memref<2x40x1024xbf16, #tpu.memory_space<vmem>>, vector<32xbf16>,
        %get3A_543 = arith.constant 0 : i32
        %get3A_544 = arith.index_cast %get3A_543 : i32 to index
        %get3A_545 = arith.index_cast %scan3A_255 : i32 to index
        %get3A_546 = arith.constant 352 : index
        %get3A_547 = tpu.vector_load %arg13[%get3A_544, %get3A_545, %get3A_546] {strides = array<i32>} : memref<2x40x1024xbf16, #tpu.memory_space<vmem>>, vector<32xbf16>,
        %add3A_548 = arith.addf %get3A_542, %get3A_547 : vector<32xbf16>
        %unpack3A_549 = tpu.unpack_subelements %add3A_548, 0 {pack_format = #tpu.pack_format<interleaved>} : vector<32xbf16> -> vector<16xf32>
        %unpack3A_550 = tpu.unpack_subelements %add3A_548, 1 {pack_format = #tpu.pack_format<interleaved>} : vector<32xbf16> -> vector<16xf32>
        %tanh3A_551 = math.tanh %unpack3A_549 : vector<16xf32>
        %tanh3A_552 = math.tanh %unpack3A_550 : vector<16xf32>
        %slice3A_553 = vector.extract_strided_slice %mul3A_266 {offsets = [11], sizes = [1], strides = [1]} : vector<16xf32> to vector<1xf32>
        %squeeze3A_554 = vector.extract %slice3A_553[0] : f32 from vector<1xf32>
        %mul3A_555 = vector.broadcast %squeeze3A_554 : f32 to vector<16xf32>
        %mul3A_556 = arith.mulf %tanh3A_551, %mul3A_555 : vector<16xf32>
        %add3A_557 = arith.addf %add3A_465, %mul3A_556 : vector<16xf32>
        %mul3A_558 = vector.broadcast %squeeze3A_554 : f32 to vector<16xf32>
        %mul3A_559 = arith.mulf %tanh3A_552, %mul3A_558 : vector<16xf32>
        %add3A_560 = arith.addf %add3A_468, %mul3A_559 : vector<16xf32>
        %get3A_561 = arith.constant 0 : i32
        %get3A_562 = arith.index_cast %get3A_561 : i32 to index
        %get3A_563 = arith.index_cast %scan3A_255 : i32 to index
        %get3A_564 = arith.constant 384 : index
        %get3A_565 = tpu.vector_load %arg12[%get3A_562, %get3A_563, %get3A_564] {strides = array<i32>} : memref<2x40x1024xbf16, #tpu.memory_space<vmem>>, vector<32xbf16>,
        %get3A_566 = arith.constant 0 : i32
        %get3A_567 = arith.index_cast %get3A_566 : i32 to index
        %get3A_568 = arith.index_cast %scan3A_255 : i32 to index
        %get3A_569 = arith.constant 384 : index
        %get3A_570 = tpu.vector_load %arg13[%get3A_567, %get3A_568, %get3A_569] {strides = array<i32>} : memref<2x40x1024xbf16, #tpu.memory_space<vmem>>, vector<32xbf16>,
        %add3A_571 = arith.addf %get3A_565, %get3A_570 : vector<32xbf16>
        %unpack3A_572 = tpu.unpack_subelements %add3A_571, 0 {pack_format = #tpu.pack_format<interleaved>} : vector<32xbf16> -> vector<16xf32>
        %unpack3A_573 = tpu.unpack_subelements %add3A_571, 1 {pack_format = #tpu.pack_format<interleaved>} : vector<32xbf16> -> vector<16xf32>
        %tanh3A_574 = math.tanh %unpack3A_572 : vector<16xf32>
        %tanh3A_575 = math.tanh %unpack3A_573 : vector<16xf32>
        %slice3A_576 = vector.extract_strided_slice %mul3A_266 {offsets = [12], sizes = [1], strides = [1]} : vector<16xf32> to vector<1xf32>
        %squeeze3A_577 = vector.extract %slice3A_576[0] : f32 from vector<1xf32>
        %mul3A_578 = vector.broadcast %squeeze3A_577 : f32 to vector<16xf32>
        %mul3A_579 = arith.mulf %tanh3A_574, %mul3A_578 : vector<16xf32>
        %add3A_580 = arith.addf %add3A_488, %mul3A_579 : vector<16xf32>
        %mul3A_581 = vector.broadcast %squeeze3A_577 : f32 to vector<16xf32>
        %mul3A_582 = arith.mulf %tanh3A_575, %mul3A_581 : vector<16xf32>
        %add3A_583 = arith.addf %add3A_491, %mul3A_582 : vector<16xf32>
        %get3A_584 = arith.constant 0 : i32
        %get3A_585 = arith.index_cast %get3A_584 : i32 to index
        %get3A_586 = arith.index_cast %scan3A_255 : i32 to index
        %get3A_587 = arith.constant 416 : index
        %get3A_588 = tpu.vector_load %arg12[%get3A_585, %get3A_586, %get3A_587] {strides = array<i32>} : memref<2x40x1024xbf16, #tpu.memory_space<vmem>>, vector<32xbf16>,
        %get3A_589 = arith.constant 0 : i32
        %get3A_590 = arith.index_cast %get3A_589 : i32 to index
        %get3A_591 = arith.index_cast %scan3A_255 : i32 to index
        %get3A_592 = arith.constant 416 : index
        %get3A_593 = tpu.vector_load %arg13[%get3A_590, %get3A_591, %get3A_592] {strides = array<i32>} : memref<2x40x1024xbf16, #tpu.memory_space<vmem>>, vector<32xbf16>,
        %add3A_594 = arith.addf %get3A_588, %get3A_593 : vector<32xbf16>
        %unpack3A_595 = tpu.unpack_subelements %add3A_594, 0 {pack_format = #tpu.pack_format<interleaved>} : vector<32xbf16> -> vector<16xf32>
        %unpack3A_596 = tpu.unpack_subelements %add3A_594, 1 {pack_format = #tpu.pack_format<interleaved>} : vector<32xbf16> -> vector<16xf32>
        %tanh3A_597 = math.tanh %unpack3A_595 : vector<16xf32>
        %tanh3A_598 = math.tanh %unpack3A_596 : vector<16xf32>
        %slice3A_599 = vector.extract_strided_slice %mul3A_266 {offsets = [13], sizes = [1], strides = [1]} : vector<16xf32> to vector<1xf32>
        %squeeze3A_600 = vector.extract %slice3A_599[0] : f32 from vector<1xf32>
        %mul3A_601 = vector.broadcast %squeeze3A_600 : f32 to vector<16xf32>
        %mul3A_602 = arith.mulf %tanh3A_597, %mul3A_601 : vector<16xf32>
        %add3A_603 = arith.addf %add3A_511, %mul3A_602 : vector<16xf32>
        %mul3A_604 = vector.broadcast %squeeze3A_600 : f32 to vector<16xf32>
        %mul3A_605 = arith.mulf %tanh3A_598, %mul3A_604 : vector<16xf32>
        %add3A_606 = arith.addf %add3A_514, %mul3A_605 : vector<16xf32>
        %get3A_607 = arith.constant 0 : i32
        %get3A_608 = arith.index_cast %get3A_607 : i32 to index
        %get3A_609 = arith.index_cast %scan3A_255 : i32 to index
        %get3A_610 = arith.constant 448 : index
        %get3A_611 = tpu.vector_load %arg12[%get3A_608, %get3A_609, %get3A_610] {strides = array<i32>} : memref<2x40x1024xbf16, #tpu.memory_space<vmem>>, vector<32xbf16>,
        %get3A_612 = arith.constant 0 : i32
        %get3A_613 = arith.index_cast %get3A_612 : i32 to index
        %get3A_614 = arith.index_cast %scan3A_255 : i32 to index
        %get3A_615 = arith.constant 448 : index
        %get3A_616 = tpu.vector_load %arg13[%get3A_613, %get3A_614, %get3A_615] {strides = array<i32>} : memref<2x40x1024xbf16, #tpu.memory_space<vmem>>, vector<32xbf16>,
        %add3A_617 = arith.addf %get3A_611, %get3A_616 : vector<32xbf16>
        %unpack3A_618 = tpu.unpack_subelements %add3A_617, 0 {pack_format = #tpu.pack_format<interleaved>} : vector<32xbf16> -> vector<16xf32>
        %unpack3A_619 = tpu.unpack_subelements %add3A_617, 1 {pack_format = #tpu.pack_format<interleaved>} : vector<32xbf16> -> vector<16xf32>
        %tanh3A_620 = math.tanh %unpack3A_618 : vector<16xf32>
        %tanh3A_621 = math.tanh %unpack3A_619 : vector<16xf32>
        %slice3A_622 = vector.extract_strided_slice %mul3A_266 {offsets = [14], sizes = [1], strides = [1]} : vector<16xf32> to vector<1xf32>
        %squeeze3A_623 = vector.extract %slice3A_622[0] : f32 from vector<1xf32>
        %mul3A_624 = vector.broadcast %squeeze3A_623 : f32 to vector<16xf32>
        %mul3A_625 = arith.mulf %tanh3A_620, %mul3A_624 : vector<16xf32>
        %add3A_626 = arith.addf %add3A_534, %mul3A_625 : vector<16xf32>
        %mul3A_627 = vector.broadcast %squeeze3A_623 : f32 to vector<16xf32>
        %mul3A_628 = arith.mulf %tanh3A_621, %mul3A_627 : vector<16xf32>
        %add3A_629 = arith.addf %add3A_537, %mul3A_628 : vector<16xf32>
        %get3A_630 = arith.constant 0 : i32
        %get3A_631 = arith.index_cast %get3A_630 : i32 to index
        %get3A_632 = arith.index_cast %scan3A_255 : i32 to index
        %get3A_633 = arith.constant 480 : index
        %get3A_634 = tpu.vector_load %arg12[%get3A_631, %get3A_632, %get3A_633] {strides = array<i32>} : memref<2x40x1024xbf16, #tpu.memory_space<vmem>>, vector<32xbf16>,
        %get3A_635 = arith.constant 0 : i32
        %get3A_636 = arith.index_cast %get3A_635 : i32 to index
        %get3A_637 = arith.index_cast %scan3A_255 : i32 to index
        %get3A_638 = arith.constant 480 : index
        %get3A_639 = tpu.vector_load %arg13[%get3A_636, %get3A_637, %get3A_638] {strides = array<i32>} : memref<2x40x1024xbf16, #tpu.memory_space<vmem>>, vector<32xbf16>,
        %add3A_640 = arith.addf %get3A_634, %get3A_639 : vector<32xbf16>
        %unpack3A_641 = tpu.unpack_subelements %add3A_640, 0 {pack_format = #tpu.pack_format<interleaved>} : vector<32xbf16> -> vector<16xf32>
        %unpack3A_642 = tpu.unpack_subelements %add3A_640, 1 {pack_format = #tpu.pack_format<interleaved>} : vector<32xbf16> -> vector<16xf32>
        %tanh3A_643 = math.tanh %unpack3A_641 : vector<16xf32>
        %tanh3A_644 = math.tanh %unpack3A_642 : vector<16xf32>
        %slice3A_645 = vector.extract_strided_slice %mul3A_266 {offsets = [15], sizes = [1], strides = [1]} : vector<16xf32> to vector<1xf32>
        %squeeze3A_646 = vector.extract %slice3A_645[0] : f32 from vector<1xf32>
        %mul3A_647 = vector.broadcast %squeeze3A_646 : f32 to vector<16xf32>
        %mul3A_648 = arith.mulf %tanh3A_643, %mul3A_647 : vector<16xf32>
        %add3A_649 = arith.addf %add3A_557, %mul3A_648 : vector<16xf32>
        %mul3A_650 = vector.broadcast %squeeze3A_646 : f32 to vector<16xf32>
        %mul3A_651 = arith.mulf %tanh3A_644, %mul3A_650 : vector<16xf32>
        %add3A_652 = arith.addf %add3A_560, %mul3A_651 : vector<16xf32>
        %get3A_653 = arith.constant 0 : i32
        %get3A_654 = arith.index_cast %get3A_653 : i32 to index
        %get3A_655 = arith.index_cast %scan3A_255 : i32 to index
        %get3A_656 = arith.constant 512 : index
        %get3A_657 = tpu.vector_load %arg12[%get3A_654, %get3A_655, %get3A_656] {strides = array<i32>} : memref<2x40x1024xbf16, #tpu.memory_space<vmem>>, vector<32xbf16>,
        %get3A_658 = arith.constant 0 : i32
        %get3A_659 = arith.index_cast %get3A_658 : i32 to index
        %get3A_660 = arith.index_cast %scan3A_255 : i32 to index
        %get3A_661 = arith.constant 512 : index
        %get3A_662 = tpu.vector_load %arg13[%get3A_659, %get3A_660, %get3A_661] {strides = array<i32>} : memref<2x40x1024xbf16, #tpu.memory_space<vmem>>, vector<32xbf16>,
        %add3A_663 = arith.addf %get3A_657, %get3A_662 : vector<32xbf16>
        %unpack3A_664 = tpu.unpack_subelements %add3A_663, 0 {pack_format = #tpu.pack_format<interleaved>} : vector<32xbf16> -> vector<16xf32>
        %unpack3A_665 = tpu.unpack_subelements %add3A_663, 1 {pack_format = #tpu.pack_format<interleaved>} : vector<32xbf16> -> vector<16xf32>
        %tanh3A_666 = math.tanh %unpack3A_664 : vector<16xf32>
        %tanh3A_667 = math.tanh %unpack3A_665 : vector<16xf32>
        %slice3A_668 = vector.extract_strided_slice %mul3A_272 {offsets = [0], sizes = [1], strides = [1]} : vector<16xf32> to vector<1xf32>
        %squeeze3A_669 = vector.extract %slice3A_668[0] : f32 from vector<1xf32>
        %mul3A_670 = vector.broadcast %squeeze3A_669 : f32 to vector<16xf32>
        %mul3A_671 = arith.mulf %tanh3A_666, %mul3A_670 : vector<16xf32>
        %add3A_672 = arith.addf %add3A_580, %mul3A_671 : vector<16xf32>
        %mul3A_673 = vector.broadcast %squeeze3A_669 : f32 to vector<16xf32>
        %mul3A_674 = arith.mulf %tanh3A_667, %mul3A_673 : vector<16xf32>
        %add3A_675 = arith.addf %add3A_583, %mul3A_674 : vector<16xf32>
        %get3A_676 = arith.constant 0 : i32
        %get3A_677 = arith.index_cast %get3A_676 : i32 to index
        %get3A_678 = arith.index_cast %scan3A_255 : i32 to index
        %get3A_679 = arith.constant 544 : index
        %get3A_680 = tpu.vector_load %arg12[%get3A_677, %get3A_678, %get3A_679] {strides = array<i32>} : memref<2x40x1024xbf16, #tpu.memory_space<vmem>>, vector<32xbf16>,
        %get3A_681 = arith.constant 0 : i32
        %get3A_682 = arith.index_cast %get3A_681 : i32 to index
        %get3A_683 = arith.index_cast %scan3A_255 : i32 to index
        %get3A_684 = arith.constant 544 : index
        %get3A_685 = tpu.vector_load %arg13[%get3A_682, %get3A_683, %get3A_684] {strides = array<i32>} : memref<2x40x1024xbf16, #tpu.memory_space<vmem>>, vector<32xbf16>,
        %add3A_686 = arith.addf %get3A_680, %get3A_685 : vector<32xbf16>
        %unpack3A_687 = tpu.unpack_subelements %add3A_686, 0 {pack_format = #tpu.pack_format<interleaved>} : vector<32xbf16> -> vector<16xf32>
        %unpack3A_688 = tpu.unpack_subelements %add3A_686, 1 {pack_format = #tpu.pack_format<interleaved>} : vector<32xbf16> -> vector<16xf32>
        %tanh3A_689 = math.tanh %unpack3A_687 : vector<16xf32>
        %tanh3A_690 = math.tanh %unpack3A_688 : vector<16xf32>
        %slice3A_691 = vector.extract_strided_slice %mul3A_272 {offsets = [1], sizes = [1], strides = [1]} : vector<16xf32> to vector<1xf32>
        %squeeze3A_692 = vector.extract %slice3A_691[0] : f32 from vector<1xf32>
        %mul3A_693 = vector.broadcast %squeeze3A_692 : f32 to vector<16xf32>
        %mul3A_694 = arith.mulf %tanh3A_689, %mul3A_693 : vector<16xf32>
        %add3A_695 = arith.addf %add3A_603, %mul3A_694 : vector<16xf32>
        %mul3A_696 = vector.broadcast %squeeze3A_692 : f32 to vector<16xf32>
        %mul3A_697 = arith.mulf %tanh3A_690, %mul3A_696 : vector<16xf32>
        %add3A_698 = arith.addf %add3A_606, %mul3A_697 : vector<16xf32>
        %get3A_699 = arith.constant 0 : i32
        %get3A_700 = arith.index_cast %get3A_699 : i32 to index
        %get3A_701 = arith.index_cast %scan3A_255 : i32 to index
        %get3A_702 = arith.constant 576 : index
        %get3A_703 = tpu.vector_load %arg12[%get3A_700, %get3A_701, %get3A_702] {strides = array<i32>} : memref<2x40x1024xbf16, #tpu.memory_space<vmem>>, vector<32xbf16>,
        %get3A_704 = arith.constant 0 : i32
        %get3A_705 = arith.index_cast %get3A_704 : i32 to index
        %get3A_706 = arith.index_cast %scan3A_255 : i32 to index
        %get3A_707 = arith.constant 576 : index
        %get3A_708 = tpu.vector_load %arg13[%get3A_705, %get3A_706, %get3A_707] {strides = array<i32>} : memref<2x40x1024xbf16, #tpu.memory_space<vmem>>, vector<32xbf16>,
        %add3A_709 = arith.addf %get3A_703, %get3A_708 : vector<32xbf16>
        %unpack3A_710 = tpu.unpack_subelements %add3A_709, 0 {pack_format = #tpu.pack_format<interleaved>} : vector<32xbf16> -> vector<16xf32>
        %unpack3A_711 = tpu.unpack_subelements %add3A_709, 1 {pack_format = #tpu.pack_format<interleaved>} : vector<32xbf16> -> vector<16xf32>
        %tanh3A_712 = math.tanh %unpack3A_710 : vector<16xf32>
        %tanh3A_713 = math.tanh %unpack3A_711 : vector<16xf32>
        %slice3A_714 = vector.extract_strided_slice %mul3A_272 {offsets = [2], sizes = [1], strides = [1]} : vector<16xf32> to vector<1xf32>
        %squeeze3A_715 = vector.extract %slice3A_714[0] : f32 from vector<1xf32>
        %mul3A_716 = vector.broadcast %squeeze3A_715 : f32 to vector<16xf32>
        %mul3A_717 = arith.mulf %tanh3A_712, %mul3A_716 : vector<16xf32>
        %add3A_718 = arith.addf %add3A_626, %mul3A_717 : vector<16xf32>
        %mul3A_719 = vector.broadcast %squeeze3A_715 : f32 to vector<16xf32>
        %mul3A_720 = arith.mulf %tanh3A_713, %mul3A_719 : vector<16xf32>
        %add3A_721 = arith.addf %add3A_629, %mul3A_720 : vector<16xf32>
        %get3A_722 = arith.constant 0 : i32
        %get3A_723 = arith.index_cast %get3A_722 : i32 to index
        %get3A_724 = arith.index_cast %scan3A_255 : i32 to index
        %get3A_725 = arith.constant 608 : index
        %get3A_726 = tpu.vector_load %arg12[%get3A_723, %get3A_724, %get3A_725] {strides = array<i32>} : memref<2x40x1024xbf16, #tpu.memory_space<vmem>>, vector<32xbf16>,
        %get3A_727 = arith.constant 0 : i32
        %get3A_728 = arith.index_cast %get3A_727 : i32 to index
        %get3A_729 = arith.index_cast %scan3A_255 : i32 to index
        %get3A_730 = arith.constant 608 : index
        %get3A_731 = tpu.vector_load %arg13[%get3A_728, %get3A_729, %get3A_730] {strides = array<i32>} : memref<2x40x1024xbf16, #tpu.memory_space<vmem>>, vector<32xbf16>,
        %add3A_732 = arith.addf %get3A_726, %get3A_731 : vector<32xbf16>
        %unpack3A_733 = tpu.unpack_subelements %add3A_732, 0 {pack_format = #tpu.pack_format<interleaved>} : vector<32xbf16> -> vector<16xf32>
        %unpack3A_734 = tpu.unpack_subelements %add3A_732, 1 {pack_format = #tpu.pack_format<interleaved>} : vector<32xbf16> -> vector<16xf32>
        %tanh3A_735 = math.tanh %unpack3A_733 : vector<16xf32>
        %tanh3A_736 = math.tanh %unpack3A_734 : vector<16xf32>
        %slice3A_737 = vector.extract_strided_slice %mul3A_272 {offsets = [3], sizes = [1], strides = [1]} : vector<16xf32> to vector<1xf32>
        %squeeze3A_738 = vector.extract %slice3A_737[0] : f32 from vector<1xf32>
        %mul3A_739 = vector.broadcast %squeeze3A_738 : f32 to vector<16xf32>
        %mul3A_740 = arith.mulf %tanh3A_735, %mul3A_739 : vector<16xf32>
        %add3A_741 = arith.addf %add3A_649, %mul3A_740 : vector<16xf32>
        %mul3A_742 = vector.broadcast %squeeze3A_738 : f32 to vector<16xf32>
        %mul3A_743 = arith.mulf %tanh3A_736, %mul3A_742 : vector<16xf32>
        %add3A_744 = arith.addf %add3A_652, %mul3A_743 : vector<16xf32>
        %get3A_745 = arith.constant 0 : i32
        %get3A_746 = arith.index_cast %get3A_745 : i32 to index
        %get3A_747 = arith.index_cast %scan3A_255 : i32 to index
        %get3A_748 = arith.constant 640 : index
        %get3A_749 = tpu.vector_load %arg12[%get3A_746, %get3A_747, %get3A_748] {strides = array<i32>} : memref<2x40x1024xbf16, #tpu.memory_space<vmem>>, vector<32xbf16>,
        %get3A_750 = arith.constant 0 : i32
        %get3A_751 = arith.index_cast %get3A_750 : i32 to index
        %get3A_752 = arith.index_cast %scan3A_255 : i32 to index
        %get3A_753 = arith.constant 640 : index
        %get3A_754 = tpu.vector_load %arg13[%get3A_751, %get3A_752, %get3A_753] {strides = array<i32>} : memref<2x40x1024xbf16, #tpu.memory_space<vmem>>, vector<32xbf16>,
        %add3A_755 = arith.addf %get3A_749, %get3A_754 : vector<32xbf16>
        %unpack3A_756 = tpu.unpack_subelements %add3A_755, 0 {pack_format = #tpu.pack_format<interleaved>} : vector<32xbf16> -> vector<16xf32>
        %unpack3A_757 = tpu.unpack_subelements %add3A_755, 1 {pack_format = #tpu.pack_format<interleaved>} : vector<32xbf16> -> vector<16xf32>
        %tanh3A_758 = math.tanh %unpack3A_756 : vector<16xf32>
        %tanh3A_759 = math.tanh %unpack3A_757 : vector<16xf32>
        %slice3A_760 = vector.extract_strided_slice %mul3A_272 {offsets = [4], sizes = [1], strides = [1]} : vector<16xf32> to vector<1xf32>
        %squeeze3A_761 = vector.extract %slice3A_760[0] : f32 from vector<1xf32>
        %mul3A_762 = vector.broadcast %squeeze3A_761 : f32 to vector<16xf32>
        %mul3A_763 = arith.mulf %tanh3A_758, %mul3A_762 : vector<16xf32>
        %add3A_764 = arith.addf %add3A_672, %mul3A_763 : vector<16xf32>
        %mul3A_765 = vector.broadcast %squeeze3A_761 : f32 to vector<16xf32>
        %mul3A_766 = arith.mulf %tanh3A_759, %mul3A_765 : vector<16xf32>
        %add3A_767 = arith.addf %add3A_675, %mul3A_766 : vector<16xf32>
        %get3A_768 = arith.constant 0 : i32
        %get3A_769 = arith.index_cast %get3A_768 : i32 to index
        %get3A_770 = arith.index_cast %scan3A_255 : i32 to index
        %get3A_771 = arith.constant 672 : index
        %get3A_772 = tpu.vector_load %arg12[%get3A_769, %get3A_770, %get3A_771] {strides = array<i32>} : memref<2x40x1024xbf16, #tpu.memory_space<vmem>>, vector<32xbf16>,
        %get3A_773 = arith.constant 0 : i32
        %get3A_774 = arith.index_cast %get3A_773 : i32 to index
        %get3A_775 = arith.index_cast %scan3A_255 : i32 to index
        %get3A_776 = arith.constant 672 : index
        %get3A_777 = tpu.vector_load %arg13[%get3A_774, %get3A_775, %get3A_776] {strides = array<i32>} : memref<2x40x1024xbf16, #tpu.memory_space<vmem>>, vector<32xbf16>,
        %add3A_778 = arith.addf %get3A_772, %get3A_777 : vector<32xbf16>
        %unpack3A_779 = tpu.unpack_subelements %add3A_778, 0 {pack_format = #tpu.pack_format<interleaved>} : vector<32xbf16> -> vector<16xf32>
        %unpack3A_780 = tpu.unpack_subelements %add3A_778, 1 {pack_format = #tpu.pack_format<interleaved>} : vector<32xbf16> -> vector<16xf32>
        %tanh3A_781 = math.tanh %unpack3A_779 : vector<16xf32>
        %tanh3A_782 = math.tanh %unpack3A_780 : vector<16xf32>
        %slice3A_783 = vector.extract_strided_slice %mul3A_272 {offsets = [5], sizes = [1], strides = [1]} : vector<16xf32> to vector<1xf32>
        %squeeze3A_784 = vector.extract %slice3A_783[0] : f32 from vector<1xf32>
        %mul3A_785 = vector.broadcast %squeeze3A_784 : f32 to vector<16xf32>
        %mul3A_786 = arith.mulf %tanh3A_781, %mul3A_785 : vector<16xf32>
        %add3A_787 = arith.addf %add3A_695, %mul3A_786 : vector<16xf32>
        %mul3A_788 = vector.broadcast %squeeze3A_784 : f32 to vector<16xf32>
        %mul3A_789 = arith.mulf %tanh3A_782, %mul3A_788 : vector<16xf32>
        %add3A_790 = arith.addf %add3A_698, %mul3A_789 : vector<16xf32>
        %get3A_791 = arith.constant 0 : i32
        %get3A_792 = arith.index_cast %get3A_791 : i32 to index
        %get3A_793 = arith.index_cast %scan3A_255 : i32 to index
        %get3A_794 = arith.constant 704 : index
        %get3A_795 = tpu.vector_load %arg12[%get3A_792, %get3A_793, %get3A_794] {strides = array<i32>} : memref<2x40x1024xbf16, #tpu.memory_space<vmem>>, vector<32xbf16>,
        %get3A_796 = arith.constant 0 : i32
        %get3A_797 = arith.index_cast %get3A_796 : i32 to index
        %get3A_798 = arith.index_cast %scan3A_255 : i32 to index
        %get3A_799 = arith.constant 704 : index
        %get3A_800 = tpu.vector_load %arg13[%get3A_797, %get3A_798, %get3A_799] {strides = array<i32>} : memref<2x40x1024xbf16, #tpu.memory_space<vmem>>, vector<32xbf16>,
        %add3A_801 = arith.addf %get3A_795, %get3A_800 : vector<32xbf16>
        %unpack3A_802 = tpu.unpack_subelements %add3A_801, 0 {pack_format = #tpu.pack_format<interleaved>} : vector<32xbf16> -> vector<16xf32>
        %unpack3A_803 = tpu.unpack_subelements %add3A_801, 1 {pack_format = #tpu.pack_format<interleaved>} : vector<32xbf16> -> vector<16xf32>
        %tanh3A_804 = math.tanh %unpack3A_802 : vector<16xf32>
        %tanh3A_805 = math.tanh %unpack3A_803 : vector<16xf32>
        %slice3A_806 = vector.extract_strided_slice %mul3A_272 {offsets = [6], sizes = [1], strides = [1]} : vector<16xf32> to vector<1xf32>
        %squeeze3A_807 = vector.extract %slice3A_806[0] : f32 from vector<1xf32>
        %mul3A_808 = vector.broadcast %squeeze3A_807 : f32 to vector<16xf32>
        %mul3A_809 = arith.mulf %tanh3A_804, %mul3A_808 : vector<16xf32>
        %add3A_810 = arith.addf %add3A_718, %mul3A_809 : vector<16xf32>
        %mul3A_811 = vector.broadcast %squeeze3A_807 : f32 to vector<16xf32>
        %mul3A_812 = arith.mulf %tanh3A_805, %mul3A_811 : vector<16xf32>
        %add3A_813 = arith.addf %add3A_721, %mul3A_812 : vector<16xf32>
        %get3A_814 = arith.constant 0 : i32
        %get3A_815 = arith.index_cast %get3A_814 : i32 to index
        %get3A_816 = arith.index_cast %scan3A_255 : i32 to index
        %get3A_817 = arith.constant 736 : index
        %get3A_818 = tpu.vector_load %arg12[%get3A_815, %get3A_816, %get3A_817] {strides = array<i32>} : memref<2x40x1024xbf16, #tpu.memory_space<vmem>>, vector<32xbf16>,
        %get3A_819 = arith.constant 0 : i32
        %get3A_820 = arith.index_cast %get3A_819 : i32 to index
        %get3A_821 = arith.index_cast %scan3A_255 : i32 to index
        %get3A_822 = arith.constant 736 : index
        %get3A_823 = tpu.vector_load %arg13[%get3A_820, %get3A_821, %get3A_822] {strides = array<i32>} : memref<2x40x1024xbf16, #tpu.memory_space<vmem>>, vector<32xbf16>,
        %add3A_824 = arith.addf %get3A_818, %get3A_823 : vector<32xbf16>
        %unpack3A_825 = tpu.unpack_subelements %add3A_824, 0 {pack_format = #tpu.pack_format<interleaved>} : vector<32xbf16> -> vector<16xf32>
        %unpack3A_826 = tpu.unpack_subelements %add3A_824, 1 {pack_format = #tpu.pack_format<interleaved>} : vector<32xbf16> -> vector<16xf32>
        %tanh3A_827 = math.tanh %unpack3A_825 : vector<16xf32>
        %tanh3A_828 = math.tanh %unpack3A_826 : vector<16xf32>
        %slice3A_829 = vector.extract_strided_slice %mul3A_272 {offsets = [7], sizes = [1], strides = [1]} : vector<16xf32> to vector<1xf32>
        %squeeze3A_830 = vector.extract %slice3A_829[0] : f32 from vector<1xf32>
        %mul3A_831 = vector.broadcast %squeeze3A_830 : f32 to vector<16xf32>
        %mul3A_832 = arith.mulf %tanh3A_827, %mul3A_831 : vector<16xf32>
        %add3A_833 = arith.addf %add3A_741, %mul3A_832 : vector<16xf32>
        %mul3A_834 = vector.broadcast %squeeze3A_830 : f32 to vector<16xf32>
        %mul3A_835 = arith.mulf %tanh3A_828, %mul3A_834 : vector<16xf32>
        %add3A_836 = arith.addf %add3A_744, %mul3A_835 : vector<16xf32>
        %get3A_837 = arith.constant 0 : i32
        %get3A_838 = arith.index_cast %get3A_837 : i32 to index
        %get3A_839 = arith.index_cast %scan3A_255 : i32 to index
        %get3A_840 = arith.constant 768 : index
        %get3A_841 = tpu.vector_load %arg12[%get3A_838, %get3A_839, %get3A_840] {strides = array<i32>} : memref<2x40x1024xbf16, #tpu.memory_space<vmem>>, vector<32xbf16>,
        %get3A_842 = arith.constant 0 : i32
        %get3A_843 = arith.index_cast %get3A_842 : i32 to index
        %get3A_844 = arith.index_cast %scan3A_255 : i32 to index
        %get3A_845 = arith.constant 768 : index
        %get3A_846 = tpu.vector_load %arg13[%get3A_843, %get3A_844, %get3A_845] {strides = array<i32>} : memref<2x40x1024xbf16, #tpu.memory_space<vmem>>, vector<32xbf16>,
        %add3A_847 = arith.addf %get3A_841, %get3A_846 : vector<32xbf16>
        %unpack3A_848 = tpu.unpack_subelements %add3A_847, 0 {pack_format = #tpu.pack_format<interleaved>} : vector<32xbf16> -> vector<16xf32>
        %unpack3A_849 = tpu.unpack_subelements %add3A_847, 1 {pack_format = #tpu.pack_format<interleaved>} : vector<32xbf16> -> vector<16xf32>
        %tanh3A_850 = math.tanh %unpack3A_848 : vector<16xf32>
        %tanh3A_851 = math.tanh %unpack3A_849 : vector<16xf32>
        %slice3A_852 = vector.extract_strided_slice %mul3A_272 {offsets = [8], sizes = [1], strides = [1]} : vector<16xf32> to vector<1xf32>
        %squeeze3A_853 = vector.extract %slice3A_852[0] : f32 from vector<1xf32>
        %mul3A_854 = vector.broadcast %squeeze3A_853 : f32 to vector<16xf32>
        %mul3A_855 = arith.mulf %tanh3A_850, %mul3A_854 : vector<16xf32>
        %add3A_856 = arith.addf %add3A_764, %mul3A_855 : vector<16xf32>
        %mul3A_857 = vector.broadcast %squeeze3A_853 : f32 to vector<16xf32>
        %mul3A_858 = arith.mulf %tanh3A_851, %mul3A_857 : vector<16xf32>
        %add3A_859 = arith.addf %add3A_767, %mul3A_858 : vector<16xf32>
        %get3A_860 = arith.constant 0 : i32
        %get3A_861 = arith.index_cast %get3A_860 : i32 to index
        %get3A_862 = arith.index_cast %scan3A_255 : i32 to index
        %get3A_863 = arith.constant 800 : index
        %get3A_864 = tpu.vector_load %arg12[%get3A_861, %get3A_862, %get3A_863] {strides = array<i32>} : memref<2x40x1024xbf16, #tpu.memory_space<vmem>>, vector<32xbf16>,
        %get3A_865 = arith.constant 0 : i32
        %get3A_866 = arith.index_cast %get3A_865 : i32 to index
        %get3A_867 = arith.index_cast %scan3A_255 : i32 to index
        %get3A_868 = arith.constant 800 : index
        %get3A_869 = tpu.vector_load %arg13[%get3A_866, %get3A_867, %get3A_868] {strides = array<i32>} : memref<2x40x1024xbf16, #tpu.memory_space<vmem>>, vector<32xbf16>,
        %add3A_870 = arith.addf %get3A_864, %get3A_869 : vector<32xbf16>
        %unpack3A_871 = tpu.unpack_subelements %add3A_870, 0 {pack_format = #tpu.pack_format<interleaved>} : vector<32xbf16> -> vector<16xf32>
        %unpack3A_872 = tpu.unpack_subelements %add3A_870, 1 {pack_format = #tpu.pack_format<interleaved>} : vector<32xbf16> -> vector<16xf32>
        %tanh3A_873 = math.tanh %unpack3A_871 : vector<16xf32>
        %tanh3A_874 = math.tanh %unpack3A_872 : vector<16xf32>
        %slice3A_875 = vector.extract_strided_slice %mul3A_272 {offsets = [9], sizes = [1], strides = [1]} : vector<16xf32> to vector<1xf32>
        %squeeze3A_876 = vector.extract %slice3A_875[0] : f32 from vector<1xf32>
        %mul3A_877 = vector.broadcast %squeeze3A_876 : f32 to vector<16xf32>
        %mul3A_878 = arith.mulf %tanh3A_873, %mul3A_877 : vector<16xf32>
        %add3A_879 = arith.addf %add3A_787, %mul3A_878 : vector<16xf32>
        %mul3A_880 = vector.broadcast %squeeze3A_876 : f32 to vector<16xf32>
        %mul3A_881 = arith.mulf %tanh3A_874, %mul3A_880 : vector<16xf32>
        %add3A_882 = arith.addf %add3A_790, %mul3A_881 : vector<16xf32>
        %get3A_883 = arith.constant 0 : i32
        %get3A_884 = arith.index_cast %get3A_883 : i32 to index
        %get3A_885 = arith.index_cast %scan3A_255 : i32 to index
        %get3A_886 = arith.constant 832 : index
        %get3A_887 = tpu.vector_load %arg12[%get3A_884, %get3A_885, %get3A_886] {strides = array<i32>} : memref<2x40x1024xbf16, #tpu.memory_space<vmem>>, vector<32xbf16>,
        %get3A_888 = arith.constant 0 : i32
        %get3A_889 = arith.index_cast %get3A_888 : i32 to index
        %get3A_890 = arith.index_cast %scan3A_255 : i32 to index
        %get3A_891 = arith.constant 832 : index
        %get3A_892 = tpu.vector_load %arg13[%get3A_889, %get3A_890, %get3A_891] {strides = array<i32>} : memref<2x40x1024xbf16, #tpu.memory_space<vmem>>, vector<32xbf16>,
        %add3A_893 = arith.addf %get3A_887, %get3A_892 : vector<32xbf16>
        %unpack3A_894 = tpu.unpack_subelements %add3A_893, 0 {pack_format = #tpu.pack_format<interleaved>} : vector<32xbf16> -> vector<16xf32>
        %unpack3A_895 = tpu.unpack_subelements %add3A_893, 1 {pack_format = #tpu.pack_format<interleaved>} : vector<32xbf16> -> vector<16xf32>
        %tanh3A_896 = math.tanh %unpack3A_894 : vector<16xf32>
        %tanh3A_897 = math.tanh %unpack3A_895 : vector<16xf32>
        %slice3A_898 = vector.extract_strided_slice %mul3A_272 {offsets = [10], sizes = [1], strides = [1]} : vector<16xf32> to vector<1xf32>
        %squeeze3A_899 = vector.extract %slice3A_898[0] : f32 from vector<1xf32>
        %mul3A_900 = vector.broadcast %squeeze3A_899 : f32 to vector<16xf32>
        %mul3A_901 = arith.mulf %tanh3A_896, %mul3A_900 : vector<16xf32>
        %add3A_902 = arith.addf %add3A_810, %mul3A_901 : vector<16xf32>
        %mul3A_903 = vector.broadcast %squeeze3A_899 : f32 to vector<16xf32>
        %mul3A_904 = arith.mulf %tanh3A_897, %mul3A_903 : vector<16xf32>
        %add3A_905 = arith.addf %add3A_813, %mul3A_904 : vector<16xf32>
        %get3A_906 = arith.constant 0 : i32
        %get3A_907 = arith.index_cast %get3A_906 : i32 to index
        %get3A_908 = arith.index_cast %scan3A_255 : i32 to index
        %get3A_909 = arith.constant 864 : index
        %get3A_910 = tpu.vector_load %arg12[%get3A_907, %get3A_908, %get3A_909] {strides = array<i32>} : memref<2x40x1024xbf16, #tpu.memory_space<vmem>>, vector<32xbf16>,
        %get3A_911 = arith.constant 0 : i32
        %get3A_912 = arith.index_cast %get3A_911 : i32 to index
        %get3A_913 = arith.index_cast %scan3A_255 : i32 to index
        %get3A_914 = arith.constant 864 : index
        %get3A_915 = tpu.vector_load %arg13[%get3A_912, %get3A_913, %get3A_914] {strides = array<i32>} : memref<2x40x1024xbf16, #tpu.memory_space<vmem>>, vector<32xbf16>,
        %add3A_916 = arith.addf %get3A_910, %get3A_915 : vector<32xbf16>
        %unpack3A_917 = tpu.unpack_subelements %add3A_916, 0 {pack_format = #tpu.pack_format<interleaved>} : vector<32xbf16> -> vector<16xf32>
        %unpack3A_918 = tpu.unpack_subelements %add3A_916, 1 {pack_format = #tpu.pack_format<interleaved>} : vector<32xbf16> -> vector<16xf32>
        %tanh3A_919 = math.tanh %unpack3A_917 : vector<16xf32>
        %tanh3A_920 = math.tanh %unpack3A_918 : vector<16xf32>
        %slice3A_921 = vector.extract_strided_slice %mul3A_272 {offsets = [11], sizes = [1], strides = [1]} : vector<16xf32> to vector<1xf32>
        %squeeze3A_922 = vector.extract %slice3A_921[0] : f32 from vector<1xf32>
        %mul3A_923 = vector.broadcast %squeeze3A_922 : f32 to vector<16xf32>
        %mul3A_924 = arith.mulf %tanh3A_919, %mul3A_923 : vector<16xf32>
        %add3A_925 = arith.addf %add3A_833, %mul3A_924 : vector<16xf32>
        %mul3A_926 = vector.broadcast %squeeze3A_922 : f32 to vector<16xf32>
        %mul3A_927 = arith.mulf %tanh3A_920, %mul3A_926 : vector<16xf32>
        %add3A_928 = arith.addf %add3A_836, %mul3A_927 : vector<16xf32>
        %get3A_929 = arith.constant 0 : i32
        %get3A_930 = arith.index_cast %get3A_929 : i32 to index
        %get3A_931 = arith.index_cast %scan3A_255 : i32 to index
        %get3A_932 = arith.constant 896 : index
        %get3A_933 = tpu.vector_load %arg12[%get3A_930, %get3A_931, %get3A_932] {strides = array<i32>} : memref<2x40x1024xbf16, #tpu.memory_space<vmem>>, vector<32xbf16>,
        %get3A_934 = arith.constant 0 : i32
        %get3A_935 = arith.index_cast %get3A_934 : i32 to index
        %get3A_936 = arith.index_cast %scan3A_255 : i32 to index
        %get3A_937 = arith.constant 896 : index
        %get3A_938 = tpu.vector_load %arg13[%get3A_935, %get3A_936, %get3A_937] {strides = array<i32>} : memref<2x40x1024xbf16, #tpu.memory_space<vmem>>, vector<32xbf16>,
        %add3A_939 = arith.addf %get3A_933, %get3A_938 : vector<32xbf16>
        %unpack3A_940 = tpu.unpack_subelements %add3A_939, 0 {pack_format = #tpu.pack_format<interleaved>} : vector<32xbf16> -> vector<16xf32>
        %unpack3A_941 = tpu.unpack_subelements %add3A_939, 1 {pack_format = #tpu.pack_format<interleaved>} : vector<32xbf16> -> vector<16xf32>
        %tanh3A_942 = math.tanh %unpack3A_940 : vector<16xf32>
        %tanh3A_943 = math.tanh %unpack3A_941 : vector<16xf32>
        %slice3A_944 = vector.extract_strided_slice %mul3A_272 {offsets = [12], sizes = [1], strides = [1]} : vector<16xf32> to vector<1xf32>
        %squeeze3A_945 = vector.extract %slice3A_944[0] : f32 from vector<1xf32>
        %mul3A_946 = vector.broadcast %squeeze3A_945 : f32 to vector<16xf32>
        %mul3A_947 = arith.mulf %tanh3A_942, %mul3A_946 : vector<16xf32>
        %add3A_948 = arith.addf %add3A_856, %mul3A_947 : vector<16xf32>
        %mul3A_949 = vector.broadcast %squeeze3A_945 : f32 to vector<16xf32>
        %mul3A_950 = arith.mulf %tanh3A_943, %mul3A_949 : vector<16xf32>
        %add3A_951 = arith.addf %add3A_859, %mul3A_950 : vector<16xf32>
        %get3A_952 = arith.constant 0 : i32
        %get3A_953 = arith.index_cast %get3A_952 : i32 to index
        %get3A_954 = arith.index_cast %scan3A_255 : i32 to index
        %get3A_955 = arith.constant 928 : index
        %get3A_956 = tpu.vector_load %arg12[%get3A_953, %get3A_954, %get3A_955] {strides = array<i32>} : memref<2x40x1024xbf16, #tpu.memory_space<vmem>>, vector<32xbf16>,
        %get3A_957 = arith.constant 0 : i32
        %get3A_958 = arith.index_cast %get3A_957 : i32 to index
        %get3A_959 = arith.index_cast %scan3A_255 : i32 to index
        %get3A_960 = arith.constant 928 : index
        %get3A_961 = tpu.vector_load %arg13[%get3A_958, %get3A_959, %get3A_960] {strides = array<i32>} : memref<2x40x1024xbf16, #tpu.memory_space<vmem>>, vector<32xbf16>,
        %add3A_962 = arith.addf %get3A_956, %get3A_961 : vector<32xbf16>
        %unpack3A_963 = tpu.unpack_subelements %add3A_962, 0 {pack_format = #tpu.pack_format<interleaved>} : vector<32xbf16> -> vector<16xf32>
        %unpack3A_964 = tpu.unpack_subelements %add3A_962, 1 {pack_format = #tpu.pack_format<interleaved>} : vector<32xbf16> -> vector<16xf32>
        %tanh3A_965 = math.tanh %unpack3A_963 : vector<16xf32>
        %tanh3A_966 = math.tanh %unpack3A_964 : vector<16xf32>
        %slice3A_967 = vector.extract_strided_slice %mul3A_272 {offsets = [13], sizes = [1], strides = [1]} : vector<16xf32> to vector<1xf32>
        %squeeze3A_968 = vector.extract %slice3A_967[0] : f32 from vector<1xf32>
        %mul3A_969 = vector.broadcast %squeeze3A_968 : f32 to vector<16xf32>
        %mul3A_970 = arith.mulf %tanh3A_965, %mul3A_969 : vector<16xf32>
        %add3A_971 = arith.addf %add3A_879, %mul3A_970 : vector<16xf32>
        %mul3A_972 = vector.broadcast %squeeze3A_968 : f32 to vector<16xf32>
        %mul3A_973 = arith.mulf %tanh3A_966, %mul3A_972 : vector<16xf32>
        %add3A_974 = arith.addf %add3A_882, %mul3A_973 : vector<16xf32>
        %get3A_975 = arith.constant 0 : i32
        %get3A_976 = arith.index_cast %get3A_975 : i32 to index
        %get3A_977 = arith.index_cast %scan3A_255 : i32 to index
        %get3A_978 = arith.constant 960 : index
        %get3A_979 = tpu.vector_load %arg12[%get3A_976, %get3A_977, %get3A_978] {strides = array<i32>} : memref<2x40x1024xbf16, #tpu.memory_space<vmem>>, vector<32xbf16>,
        %get3A_980 = arith.constant 0 : i32
        %get3A_981 = arith.index_cast %get3A_980 : i32 to index
        %get3A_982 = arith.index_cast %scan3A_255 : i32 to index
        %get3A_983 = arith.constant 960 : index
        %get3A_984 = tpu.vector_load %arg13[%get3A_981, %get3A_982, %get3A_983] {strides = array<i32>} : memref<2x40x1024xbf16, #tpu.memory_space<vmem>>, vector<32xbf16>,
        %add3A_985 = arith.addf %get3A_979, %get3A_984 : vector<32xbf16>
        %unpack3A_986 = tpu.unpack_subelements %add3A_985, 0 {pack_format = #tpu.pack_format<interleaved>} : vector<32xbf16> -> vector<16xf32>
        %unpack3A_987 = tpu.unpack_subelements %add3A_985, 1 {pack_format = #tpu.pack_format<interleaved>} : vector<32xbf16> -> vector<16xf32>
        %tanh3A_988 = math.tanh %unpack3A_986 : vector<16xf32>
        %tanh3A_989 = math.tanh %unpack3A_987 : vector<16xf32>
        %slice3A_990 = vector.extract_strided_slice %mul3A_272 {offsets = [14], sizes = [1], strides = [1]} : vector<16xf32> to vector<1xf32>
        %squeeze3A_991 = vector.extract %slice3A_990[0] : f32 from vector<1xf32>
        %mul3A_992 = vector.broadcast %squeeze3A_991 : f32 to vector<16xf32>
        %mul3A_993 = arith.mulf %tanh3A_988, %mul3A_992 : vector<16xf32>
        %add3A_994 = arith.addf %add3A_902, %mul3A_993 : vector<16xf32>
        %mul3A_995 = vector.broadcast %squeeze3A_991 : f32 to vector<16xf32>
        %mul3A_996 = arith.mulf %tanh3A_989, %mul3A_995 : vector<16xf32>
        %add3A_997 = arith.addf %add3A_905, %mul3A_996 : vector<16xf32>
        %get3A_998 = arith.constant 0 : i32
        %get3A_999 = arith.index_cast %get3A_998 : i32 to index
        %get3A_1000 = arith.index_cast %scan3A_255 : i32 to index
        %get3A_1001 = arith.constant 992 : index
        %get3A_1002 = tpu.vector_load %arg12[%get3A_999, %get3A_1000, %get3A_1001] {strides = array<i32>} : memref<2x40x1024xbf16, #tpu.memory_space<vmem>>, vector<32xbf16>,
        %get3A_1003 = arith.constant 0 : i32
        %get3A_1004 = arith.index_cast %get3A_1003 : i32 to index
        %get3A_1005 = arith.index_cast %scan3A_255 : i32 to index
        %get3A_1006 = arith.constant 992 : index
        %get3A_1007 = tpu.vector_load %arg13[%get3A_1004, %get3A_1005, %get3A_1006] {strides = array<i32>} : memref<2x40x1024xbf16, #tpu.memory_space<vmem>>, vector<32xbf16>,
        %add3A_1008 = arith.addf %get3A_1002, %get3A_1007 : vector<32xbf16>
        %unpack3A_1009 = tpu.unpack_subelements %add3A_1008, 0 {pack_format = #tpu.pack_format<interleaved>} : vector<32xbf16> -> vector<16xf32>
        %unpack3A_1010 = tpu.unpack_subelements %add3A_1008, 1 {pack_format = #tpu.pack_format<interleaved>} : vector<32xbf16> -> vector<16xf32>
        %tanh3A_1011 = math.tanh %unpack3A_1009 : vector<16xf32>
        %tanh3A_1012 = math.tanh %unpack3A_1010 : vector<16xf32>
        %slice3A_1013 = vector.extract_strided_slice %mul3A_272 {offsets = [15], sizes = [1], strides = [1]} : vector<16xf32> to vector<1xf32>
        %squeeze3A_1014 = vector.extract %slice3A_1013[0] : f32 from vector<1xf32>
        %mul3A_1015 = vector.broadcast %squeeze3A_1014 : f32 to vector<16xf32>
        %mul3A_1016 = arith.mulf %tanh3A_1011, %mul3A_1015 : vector<16xf32>
        %add3A_1017 = arith.addf %add3A_925, %mul3A_1016 : vector<16xf32>
        %mul3A_1018 = vector.broadcast %squeeze3A_1014 : f32 to vector<16xf32>
        %mul3A_1019 = arith.mulf %tanh3A_1012, %mul3A_1018 : vector<16xf32>
        %add3A_1020 = arith.addf %add3A_928, %mul3A_1019 : vector<16xf32>
        %add3A_1021 = arith.addf %add3A_948, %add3A_971 : vector<16xf32>
        %add3A_1022 = arith.addf %add3A_994, %add3A_1017 : vector<16xf32>
        %add3A_1023 = arith.addf %add3A_1021, %add3A_1022 : vector<16xf32>
        %add3A_1024 = arith.addf %add3A_951, %add3A_974 : vector<16xf32>
        %add3A_1025 = arith.addf %add3A_997, %add3A_1020 : vector<16xf32>
        %add3A_1026 = arith.addf %add3A_1024, %add3A_1025 : vector<16xf32>
        %swap3A = arith.index_cast %scan3A_255 : i32 to index
        %swap3A_1027 = arith.constant 0 : index
        %swap3A_1028 = tpu.vector_load %arg15[%swap3A, %swap3A_1027] {strides = array<i32>} : memref<40x32xf32, #tpu.memory_space<vmem>>, vector<16xf32>,
        tpu.vector_store %arg15[%swap3A, %swap3A_1027], %add3A_1023 {strides = array<i32>} : memref<40x32xf32, #tpu.memory_space<vmem>>, vector<16xf32>,
        %swap3A_1029 = arith.index_cast %scan3A_255 : i32 to index
        %swap3A_1030 = arith.constant 16 : index
        %swap3A_1031 = tpu.vector_load %arg15[%swap3A_1029, %swap3A_1030] {strides = array<i32>} : memref<40x32xf32, #tpu.memory_space<vmem>>, vector<16xf32>,
        tpu.vector_store %arg15[%swap3A_1029, %swap3A_1030], %add3A_1026 {strides = array<i32>} : memref<40x32xf32, #tpu.memory_space<vmem>>, vector<16xf32>,
      }
      %scan3A_176 = arith.constant 40 : i32
      "tpu.region"() ({
        %run_scoped3A_255 = tpu.sem_alloc : memref<!tpu.dma_semaphore, #tpu.memory_space<semaphore_mem>>
        %dma_start3A_256 = arith.constant 0 : i32
        %dma_start3A_257 = tpu.memref_slice %arg9[%add3A_102, %dma_start3A_256] : memref<125x40xi32, #tpu.memory_space<vmem>> -> memref<1x40xi32, #tpu.memory_space<vmem>>
        %dma_start3A_258 = tpu.memref_squeeze %dma_start3A_257 : memref<1x40xi32, #tpu.memory_space<vmem>> -> memref<40xi32, #tpu.memory_space<vmem>>
        %dma_start3A_259 = arith.constant 0 : i32
        %dma_start3A_260 = arith.constant 0 : i32
        %dma_start3A_261 = tpu.memref_slice %arg17[%dma_start3A_259, %dma_start3A_260] : memref<10240x32xf32, #tpu.memory_space<vmem_shared>> -> memref<10240x32xf32, #tpu.memory_space<vmem_shared>>
        tpu.enqueue_indirect_dma source(%arg15 : memref<40x32xf32, #tpu.memory_space<vmem>>) target(%dma_start3A_261 : memref<10240x32xf32, #tpu.memory_space<vmem_shared>>) offsets(%dma_start3A_258 : memref<40xi32, #tpu.memory_space<vmem>>) semaphore(%run_scoped3A_255 : memref<!tpu.dma_semaphore, #tpu.memory_space<semaphore_mem>>) {add = true}
        %dma_wait3A_262 = arith.constant 0 : i32
        %dma_wait3A_263 = tpu.memref_slice %arg9[%add3A_102, %dma_wait3A_262] : memref<125x40xi32, #tpu.memory_space<vmem>> -> memref<1x40xi32, #tpu.memory_space<vmem>>
        %dma_wait3A_264 = tpu.memref_squeeze %dma_wait3A_263 : memref<1x40xi32, #tpu.memory_space<vmem>> -> memref<40xi32, #tpu.memory_space<vmem>>
        %dma_wait3A_265 = arith.constant 0 : i32
        %dma_wait3A_266 = arith.constant 0 : i32
        %dma_wait3A_267 = tpu.memref_slice %arg17[%dma_wait3A_265, %dma_wait3A_266] : memref<10240x32xf32, #tpu.memory_space<vmem_shared>> -> memref<10240x32xf32, #tpu.memory_space<vmem_shared>>
        tpu.wait_indirect_dma semaphore(%run_scoped3A_255 : memref<!tpu.dma_semaphore, #tpu.memory_space<semaphore_mem>>) src(%arg15 : memref<40x32xf32, #tpu.memory_space<vmem>>) dst(%dma_wait3A_267 : memref<10240x32xf32, #tpu.memory_space<vmem_shared>>)
        tpu.yield
      }) : () -> ()
      %mul3A_177 = arith.constant 2 : i32
      %mul3A_178 = arith.muli %mul3A_177, %scan3A_98 : i32
      %add3A_179 = arith.constant 1 : i32
      %add3A_180 = arith.addi %mul3A_178, %add3A_179 : i32
      %add3A_181 = arith.constant 1 : i32
      %add3A_182 = arith.addi %add3A_180, %add3A_181 : i32
      %dma_start3A_183 = arith.constant 0 : i32
      %dma_start3A_184 = arith.constant 0 : i32
      %dma_start3A_185 = arith.constant 0 : i32
      %dma_start3A_186 = tpu.memref_slice %arg12[%dma_start3A_183, %dma_start3A_184, %dma_start3A_185] : memref<2x40x1024xbf16, #tpu.memory_space<vmem>> -> memref<1x40x1024xbf16, #tpu.memory_space<vmem>>
      %dma_start3A_187 = tpu.memref_squeeze %dma_start3A_186 : memref<1x40x1024xbf16, #tpu.memory_space<vmem>> -> memref<40x1024xbf16, #tpu.memory_space<vmem>>
      %dma_start3A_188 = arith.constant 0 : i32
      %dma_start3A_189 = tpu.memref_slice %arg9[%add3A_182, %dma_start3A_188] : memref<125x40xi32, #tpu.memory_space<vmem>> -> memref<1x40xi32, #tpu.memory_space<vmem>>
      %dma_start3A_190 = tpu.memref_squeeze %dma_start3A_189 : memref<1x40xi32, #tpu.memory_space<vmem>> -> memref<40xi32, #tpu.memory_space<vmem>>
      %dma_start3A_191 = arith.constant 0 : i32
      %dma_start3A_192 = arith.constant 0 : i32
      %dma_start3A_193 = tpu.memref_slice %arg2[%dma_start3A_191, %dma_start3A_192] : memref<10000x1024xbf16, #tpu.memory_space<hbm>> -> memref<10000x1024xbf16, #tpu.memory_space<hbm>>
      tpu.enqueue_indirect_dma source(%dma_start3A_193 : memref<10000x1024xbf16, #tpu.memory_space<hbm>>) target(%dma_start3A_187 : memref<40x1024xbf16, #tpu.memory_space<vmem>>) offsets(%dma_start3A_190 : memref<40xi32, #tpu.memory_space<vmem>>) semaphore(%arg18 : memref<!tpu.dma_semaphore, #tpu.memory_space<semaphore_mem>>)
      %dma_start3A_194 = arith.constant 0 : i32
      %dma_start3A_195 = arith.constant 0 : i32
      %dma_start3A_196 = arith.constant 0 : i32
      %dma_start3A_197 = tpu.memref_slice %arg13[%dma_start3A_194, %dma_start3A_195, %dma_start3A_196] : memref<2x40x1024xbf16, #tpu.memory_space<vmem>> -> memref<1x40x1024xbf16, #tpu.memory_space<vmem>>
      %dma_start3A_198 = tpu.memref_squeeze %dma_start3A_197 : memref<1x40x1024xbf16, #tpu.memory_space<vmem>> -> memref<40x1024xbf16, #tpu.memory_space<vmem>>
      %dma_start3A_199 = arith.constant 0 : i32
      %dma_start3A_200 = tpu.memref_slice %arg10[%add3A_182, %dma_start3A_199] : memref<125x40xi32, #tpu.memory_space<vmem>> -> memref<1x40xi32, #tpu.memory_space<vmem>>
      %dma_start3A_201 = tpu.memref_squeeze %dma_start3A_200 : memref<1x40xi32, #tpu.memory_space<vmem>> -> memref<40xi32, #tpu.memory_space<vmem>>
      %dma_start3A_202 = arith.constant 0 : i32
      %dma_start3A_203 = arith.constant 0 : i32
      %dma_start3A_204 = tpu.memref_slice %arg3[%dma_start3A_202, %dma_start3A_203] : memref<10000x1024xbf16, #tpu.memory_space<hbm>> -> memref<10000x1024xbf16, #tpu.memory_space<hbm>>
      tpu.enqueue_indirect_dma source(%dma_start3A_204 : memref<10000x1024xbf16, #tpu.memory_space<hbm>>) target(%dma_start3A_198 : memref<40x1024xbf16, #tpu.memory_space<vmem>>) offsets(%dma_start3A_201 : memref<40xi32, #tpu.memory_space<vmem>>) semaphore(%arg20 : memref<!tpu.dma_semaphore, #tpu.memory_space<semaphore_mem>>)
      %dma_start3A_205 = arith.constant 0 : i32
      %dma_start3A_206 = arith.constant 0 : i32
      %dma_start3A_207 = arith.constant 0 : i32
      %dma_start3A_208 = tpu.memref_slice %arg14[%dma_start3A_205, %dma_start3A_206, %dma_start3A_207] : memref<2x40x32xf32, #tpu.memory_space<vmem>> -> memref<1x40x32xf32, #tpu.memory_space<vmem>>
      %dma_start3A_209 = tpu.memref_squeeze %dma_start3A_208 : memref<1x40x32xf32, #tpu.memory_space<vmem>> -> memref<40x32xf32, #tpu.memory_space<vmem>>
      %dma_start3A_210 = arith.constant 0 : i32
      %dma_start3A_211 = tpu.memref_slice %arg9[%add3A_182, %dma_start3A_210] : memref<125x40xi32, #tpu.memory_space<vmem>> -> memref<1x40xi32, #tpu.memory_space<vmem>>
      %dma_start3A_212 = tpu.memref_squeeze %dma_start3A_211 : memref<1x40xi32, #tpu.memory_space<vmem>> -> memref<40xi32, #tpu.memory_space<vmem>>
      %dma_start3A_213 = arith.constant 0 : i32
      %dma_start3A_214 = arith.constant 0 : i32
      %dma_start3A_215 = tpu.memref_slice %arg4[%dma_start3A_213, %dma_start3A_214] : memref<10000x32xf32, #tpu.memory_space<hbm>> -> memref<10000x32xf32, #tpu.memory_space<hbm>>
      tpu.enqueue_indirect_dma source(%dma_start3A_215 : memref<10000x32xf32, #tpu.memory_space<hbm>>) target(%dma_start3A_209 : memref<40x32xf32, #tpu.memory_space<vmem>>) offsets(%dma_start3A_212 : memref<40xi32, #tpu.memory_space<vmem>>) semaphore(%arg22 : memref<!tpu.dma_semaphore, #tpu.memory_space<semaphore_mem>>)
      %dma_wait3A_216 = arith.constant 1 : i32
      %dma_wait3A_217 = arith.constant 0 : i32
      %dma_wait3A_218 = arith.constant 0 : i32
      %dma_wait3A_219 = tpu.memref_slice %arg12[%dma_wait3A_216, %dma_wait3A_217, %dma_wait3A_218] : memref<2x40x1024xbf16, #tpu.memory_space<vmem>> -> memref<1x40x1024xbf16, #tpu.memory_space<vmem>>
      %dma_wait3A_220 = tpu.memref_squeeze %dma_wait3A_219 : memref<1x40x1024xbf16, #tpu.memory_space<vmem>> -> memref<40x1024xbf16, #tpu.memory_space<vmem>>
      %dma_wait3A_221 = arith.constant 0 : i32
      %dma_wait3A_222 = tpu.memref_slice %arg9[%add3A_180, %dma_wait3A_221] : memref<125x40xi32, #tpu.memory_space<vmem>> -> memref<1x40xi32, #tpu.memory_space<vmem>>
      %dma_wait3A_223 = tpu.memref_squeeze %dma_wait3A_222 : memref<1x40xi32, #tpu.memory_space<vmem>> -> memref<40xi32, #tpu.memory_space<vmem>>
      %dma_wait3A_224 = arith.constant 0 : i32
      %dma_wait3A_225 = arith.constant 0 : i32
      %dma_wait3A_226 = tpu.memref_slice %arg2[%dma_wait3A_224, %dma_wait3A_225] : memref<10000x1024xbf16, #tpu.memory_space<hbm>> -> memref<10000x1024xbf16, #tpu.memory_space<hbm>>
      tpu.wait_indirect_dma semaphore(%arg19 : memref<!tpu.dma_semaphore, #tpu.memory_space<semaphore_mem>>) src(%dma_wait3A_226 : memref<10000x1024xbf16, #tpu.memory_space<hbm>>) dst(%dma_wait3A_220 : memref<40x1024xbf16, #tpu.memory_space<vmem>>)
      %dma_wait3A_227 = arith.constant 1 : i32
      %dma_wait3A_228 = arith.constant 0 : i32
      %dma_wait3A_229 = arith.constant 0 : i32
      %dma_wait3A_230 = tpu.memref_slice %arg13[%dma_wait3A_227, %dma_wait3A_228, %dma_wait3A_229] : memref<2x40x1024xbf16, #tpu.memory_space<vmem>> -> memref<1x40x1024xbf16, #tpu.memory_space<vmem>>
      %dma_wait3A_231 = tpu.memref_squeeze %dma_wait3A_230 : memref<1x40x1024xbf16, #tpu.memory_space<vmem>> -> memref<40x1024xbf16, #tpu.memory_space<vmem>>
      %dma_wait3A_232 = arith.constant 0 : i32
      %dma_wait3A_233 = tpu.memref_slice %arg10[%add3A_180, %dma_wait3A_232] : memref<125x40xi32, #tpu.memory_space<vmem>> -> memref<1x40xi32, #tpu.memory_space<vmem>>
      %dma_wait3A_234 = tpu.memref_squeeze %dma_wait3A_233 : memref<1x40xi32, #tpu.memory_space<vmem>> -> memref<40xi32, #tpu.memory_space<vmem>>
      %dma_wait3A_235 = arith.constant 0 : i32
      %dma_wait3A_236 = arith.constant 0 : i32
      %dma_wait3A_237 = tpu.memref_slice %arg3[%dma_wait3A_235, %dma_wait3A_236] : memref<10000x1024xbf16, #tpu.memory_space<hbm>> -> memref<10000x1024xbf16, #tpu.memory_space<hbm>>
      tpu.wait_indirect_dma semaphore(%arg21 : memref<!tpu.dma_semaphore, #tpu.memory_space<semaphore_mem>>) src(%dma_wait3A_237 : memref<10000x1024xbf16, #tpu.memory_space<hbm>>) dst(%dma_wait3A_231 : memref<40x1024xbf16, #tpu.memory_space<vmem>>)
      %dma_wait3A_238 = arith.constant 1 : i32
      %dma_wait3A_239 = arith.constant 0 : i32
      %dma_wait3A_240 = arith.constant 0 : i32
      %dma_wait3A_241 = tpu.memref_slice %arg14[%dma_wait3A_238, %dma_wait3A_239, %dma_wait3A_240] : memref<2x40x32xf32, #tpu.memory_space<vmem>> -> memref<1x40x32xf32, #tpu.memory_space<vmem>>
      %dma_wait3A_242 = tpu.memref_squeeze %dma_wait3A_241 : memref<1x40x32xf32, #tpu.memory_space<vmem>> -> memref<40x32xf32, #tpu.memory_space<vmem>>
      %dma_wait3A_243 = arith.constant 0 : i32
      %dma_wait3A_244 = tpu.memref_slice %arg9[%add3A_180, %dma_wait3A_243] : memref<125x40xi32, #tpu.memory_space<vmem>> -> memref<1x40xi32, #tpu.memory_space<vmem>>
      %dma_wait3A_245 = tpu.memref_squeeze %dma_wait3A_244 : memref<1x40xi32, #tpu.memory_space<vmem>> -> memref<40xi32, #tpu.memory_space<vmem>>
      %dma_wait3A_246 = arith.constant 0 : i32
      %dma_wait3A_247 = arith.constant 0 : i32
      %dma_wait3A_248 = tpu.memref_slice %arg4[%dma_wait3A_246, %dma_wait3A_247] : memref<10000x32xf32, #tpu.memory_space<hbm>> -> memref<10000x32xf32, #tpu.memory_space<hbm>>
      tpu.wait_indirect_dma semaphore(%arg23 : memref<!tpu.dma_semaphore, #tpu.memory_space<semaphore_mem>>) src(%dma_wait3A_248 : memref<10000x32xf32, #tpu.memory_space<hbm>>) dst(%dma_wait3A_242 : memref<40x32xf32, #tpu.memory_space<vmem>>)
      %scan3A_249 = arith.constant 0 : i32
      %scan3A_250 = arith.constant 0 : i32
      %scan3A_251 = arith.constant 40 : i32
      %scan3A_252 = arith.addi %scan3A_250, %scan3A_251 : i32
      %scan3A_253 = arith.constant 1 : i32
      scf.for %scan3A_255 = %scan3A_250 to %scan3A_252 step %scan3A_253  : i32 {
        %mul3A_256 = arith.constant 40 : i32
        %mul3A_257 = arith.muli %add3A_180, %mul3A_256 : i32
        %add3A_258 = arith.addi %mul3A_257, %scan3A_255 : i32
        %broadcast_in_dim3A_259 = vector.broadcast %add3A_258 : i32 to vector<16xi32>
        %gather3A = tpu.vector_load_idx %arg11[%broadcast_in_dim3A_259] : memref<5000xf32, #tpu.memory_space<vmem>>[vector<16xi32>], vector<16xf32>,
        %div3A = arith.constant 2.812500e-02 : f32
        %div3A_260 = vector.broadcast %div3A : f32 to vector<16xf32>
        %div3A_261 = arith.divf %div3A_260, %gather3A : vector<16xf32>
        %get3A = arith.constant 1 : i32
        %get3A_262 = arith.index_cast %get3A : i32 to index
        %get3A_263 = arith.index_cast %scan3A_255 : i32 to index
        %get3A_264 = arith.constant 0 : index
        %get3A_265 = tpu.vector_load %arg14[%get3A_262, %get3A_263, %get3A_264] {strides = array<i32>} : memref<2x40x32xf32, #tpu.memory_space<vmem>>, vector<16xf32>,
        %mul3A_266 = arith.mulf %get3A_265, %div3A_261 : vector<16xf32>
        %get3A_267 = arith.constant 1 : i32
        %get3A_268 = arith.index_cast %get3A_267 : i32 to index
        %get3A_269 = arith.index_cast %scan3A_255 : i32 to index
        %get3A_270 = arith.constant 16 : index
        %get3A_271 = tpu.vector_load %arg14[%get3A_268, %get3A_269, %get3A_270] {strides = array<i32>} : memref<2x40x32xf32, #tpu.memory_space<vmem>>, vector<16xf32>,
        %mul3A_272 = arith.mulf %get3A_271, %div3A_261 : vector<16xf32>
        %broadcast_in_dim3A_273 = arith.constant 0.000000e+00 : f32
        %broadcast_in_dim3A_274 = vector.broadcast %broadcast_in_dim3A_273 : f32 to vector<16xf32>
        %broadcast_in_dim3A_275 = arith.constant 0.000000e+00 : f32
        %broadcast_in_dim3A_276 = vector.broadcast %broadcast_in_dim3A_275 : f32 to vector<16xf32>
        %broadcast_in_dim3A_277 = arith.constant 0.000000e+00 : f32
        %broadcast_in_dim3A_278 = vector.broadcast %broadcast_in_dim3A_277 : f32 to vector<16xf32>
        %broadcast_in_dim3A_279 = arith.constant 0.000000e+00 : f32
        %broadcast_in_dim3A_280 = vector.broadcast %broadcast_in_dim3A_279 : f32 to vector<16xf32>
        %broadcast_in_dim3A_281 = arith.constant 0.000000e+00 : f32
        %broadcast_in_dim3A_282 = vector.broadcast %broadcast_in_dim3A_281 : f32 to vector<16xf32>
        %broadcast_in_dim3A_283 = arith.constant 0.000000e+00 : f32
        %broadcast_in_dim3A_284 = vector.broadcast %broadcast_in_dim3A_283 : f32 to vector<16xf32>
        %broadcast_in_dim3A_285 = arith.constant 0.000000e+00 : f32
        %broadcast_in_dim3A_286 = vector.broadcast %broadcast_in_dim3A_285 : f32 to vector<16xf32>
        %broadcast_in_dim3A_287 = arith.constant 0.000000e+00 : f32
        %broadcast_in_dim3A_288 = vector.broadcast %broadcast_in_dim3A_287 : f32 to vector<16xf32>
        %get3A_289 = arith.constant 1 : i32
        %get3A_290 = arith.index_cast %get3A_289 : i32 to index
        %get3A_291 = arith.index_cast %scan3A_255 : i32 to index
        %get3A_292 = arith.constant 0 : index
        %get3A_293 = tpu.vector_load %arg12[%get3A_290, %get3A_291, %get3A_292] {strides = array<i32>} : memref<2x40x1024xbf16, #tpu.memory_space<vmem>>, vector<32xbf16>,
        %get3A_294 = arith.constant 1 : i32
        %get3A_295 = arith.index_cast %get3A_294 : i32 to index
        %get3A_296 = arith.index_cast %scan3A_255 : i32 to index
        %get3A_297 = arith.constant 0 : index
        %get3A_298 = tpu.vector_load %arg13[%get3A_295, %get3A_296, %get3A_297] {strides = array<i32>} : memref<2x40x1024xbf16, #tpu.memory_space<vmem>>, vector<32xbf16>,
        %add3A_299 = arith.addf %get3A_293, %get3A_298 : vector<32xbf16>
        %unpack3A = tpu.unpack_subelements %add3A_299, 0 {pack_format = #tpu.pack_format<interleaved>} : vector<32xbf16> -> vector<16xf32>
        %unpack3A_300 = tpu.unpack_subelements %add3A_299, 1 {pack_format = #tpu.pack_format<interleaved>} : vector<32xbf16> -> vector<16xf32>
        %tanh3A = math.tanh %unpack3A : vector<16xf32>
        %tanh3A_301 = math.tanh %unpack3A_300 : vector<16xf32>
        %slice3A = vector.extract_strided_slice %mul3A_266 {offsets = [0], sizes = [1], strides = [1]} : vector<16xf32> to vector<1xf32>
        %squeeze3A = vector.extract %slice3A[0] : f32 from vector<1xf32>
        %mul3A_302 = vector.broadcast %squeeze3A : f32 to vector<16xf32>
        %mul3A_303 = arith.mulf %tanh3A, %mul3A_302 : vector<16xf32>
        %add3A_304 = arith.addf %broadcast_in_dim3A_274, %mul3A_303 : vector<16xf32>
        %mul3A_305 = vector.broadcast %squeeze3A : f32 to vector<16xf32>
        %mul3A_306 = arith.mulf %tanh3A_301, %mul3A_305 : vector<16xf32>
        %add3A_307 = arith.addf %broadcast_in_dim3A_282, %mul3A_306 : vector<16xf32>
        %get3A_308 = arith.constant 1 : i32
        %get3A_309 = arith.index_cast %get3A_308 : i32 to index
        %get3A_310 = arith.index_cast %scan3A_255 : i32 to index
        %get3A_311 = arith.constant 32 : index
        %get3A_312 = tpu.vector_load %arg12[%get3A_309, %get3A_310, %get3A_311] {strides = array<i32>} : memref<2x40x1024xbf16, #tpu.memory_space<vmem>>, vector<32xbf16>,
        %get3A_313 = arith.constant 1 : i32
        %get3A_314 = arith.index_cast %get3A_313 : i32 to index
        %get3A_315 = arith.index_cast %scan3A_255 : i32 to index
        %get3A_316 = arith.constant 32 : index
        %get3A_317 = tpu.vector_load %arg13[%get3A_314, %get3A_315, %get3A_316] {strides = array<i32>} : memref<2x40x1024xbf16, #tpu.memory_space<vmem>>, vector<32xbf16>,
        %add3A_318 = arith.addf %get3A_312, %get3A_317 : vector<32xbf16>
        %unpack3A_319 = tpu.unpack_subelements %add3A_318, 0 {pack_format = #tpu.pack_format<interleaved>} : vector<32xbf16> -> vector<16xf32>
        %unpack3A_320 = tpu.unpack_subelements %add3A_318, 1 {pack_format = #tpu.pack_format<interleaved>} : vector<32xbf16> -> vector<16xf32>
        %tanh3A_321 = math.tanh %unpack3A_319 : vector<16xf32>
        %tanh3A_322 = math.tanh %unpack3A_320 : vector<16xf32>
        %slice3A_323 = vector.extract_strided_slice %mul3A_266 {offsets = [1], sizes = [1], strides = [1]} : vector<16xf32> to vector<1xf32>
        %squeeze3A_324 = vector.extract %slice3A_323[0] : f32 from vector<1xf32>
        %mul3A_325 = vector.broadcast %squeeze3A_324 : f32 to vector<16xf32>
        %mul3A_326 = arith.mulf %tanh3A_321, %mul3A_325 : vector<16xf32>
        %add3A_327 = arith.addf %broadcast_in_dim3A_276, %mul3A_326 : vector<16xf32>
        %mul3A_328 = vector.broadcast %squeeze3A_324 : f32 to vector<16xf32>
        %mul3A_329 = arith.mulf %tanh3A_322, %mul3A_328 : vector<16xf32>
        %add3A_330 = arith.addf %broadcast_in_dim3A_284, %mul3A_329 : vector<16xf32>
        %get3A_331 = arith.constant 1 : i32
        %get3A_332 = arith.index_cast %get3A_331 : i32 to index
        %get3A_333 = arith.index_cast %scan3A_255 : i32 to index
        %get3A_334 = arith.constant 64 : index
        %get3A_335 = tpu.vector_load %arg12[%get3A_332, %get3A_333, %get3A_334] {strides = array<i32>} : memref<2x40x1024xbf16, #tpu.memory_space<vmem>>, vector<32xbf16>,
        %get3A_336 = arith.constant 1 : i32
        %get3A_337 = arith.index_cast %get3A_336 : i32 to index
        %get3A_338 = arith.index_cast %scan3A_255 : i32 to index
        %get3A_339 = arith.constant 64 : index
        %get3A_340 = tpu.vector_load %arg13[%get3A_337, %get3A_338, %get3A_339] {strides = array<i32>} : memref<2x40x1024xbf16, #tpu.memory_space<vmem>>, vector<32xbf16>,
        %add3A_341 = arith.addf %get3A_335, %get3A_340 : vector<32xbf16>
        %unpack3A_342 = tpu.unpack_subelements %add3A_341, 0 {pack_format = #tpu.pack_format<interleaved>} : vector<32xbf16> -> vector<16xf32>
        %unpack3A_343 = tpu.unpack_subelements %add3A_341, 1 {pack_format = #tpu.pack_format<interleaved>} : vector<32xbf16> -> vector<16xf32>
        %tanh3A_344 = math.tanh %unpack3A_342 : vector<16xf32>
        %tanh3A_345 = math.tanh %unpack3A_343 : vector<16xf32>
        %slice3A_346 = vector.extract_strided_slice %mul3A_266 {offsets = [2], sizes = [1], strides = [1]} : vector<16xf32> to vector<1xf32>
        %squeeze3A_347 = vector.extract %slice3A_346[0] : f32 from vector<1xf32>
        %mul3A_348 = vector.broadcast %squeeze3A_347 : f32 to vector<16xf32>
        %mul3A_349 = arith.mulf %tanh3A_344, %mul3A_348 : vector<16xf32>
        %add3A_350 = arith.addf %broadcast_in_dim3A_278, %mul3A_349 : vector<16xf32>
        %mul3A_351 = vector.broadcast %squeeze3A_347 : f32 to vector<16xf32>
        %mul3A_352 = arith.mulf %tanh3A_345, %mul3A_351 : vector<16xf32>
        %add3A_353 = arith.addf %broadcast_in_dim3A_286, %mul3A_352 : vector<16xf32>
        %get3A_354 = arith.constant 1 : i32
        %get3A_355 = arith.index_cast %get3A_354 : i32 to index
        %get3A_356 = arith.index_cast %scan3A_255 : i32 to index
        %get3A_357 = arith.constant 96 : index
        %get3A_358 = tpu.vector_load %arg12[%get3A_355, %get3A_356, %get3A_357] {strides = array<i32>} : memref<2x40x1024xbf16, #tpu.memory_space<vmem>>, vector<32xbf16>,
        %get3A_359 = arith.constant 1 : i32
        %get3A_360 = arith.index_cast %get3A_359 : i32 to index
        %get3A_361 = arith.index_cast %scan3A_255 : i32 to index
        %get3A_362 = arith.constant 96 : index
        %get3A_363 = tpu.vector_load %arg13[%get3A_360, %get3A_361, %get3A_362] {strides = array<i32>} : memref<2x40x1024xbf16, #tpu.memory_space<vmem>>, vector<32xbf16>,
        %add3A_364 = arith.addf %get3A_358, %get3A_363 : vector<32xbf16>
        %unpack3A_365 = tpu.unpack_subelements %add3A_364, 0 {pack_format = #tpu.pack_format<interleaved>} : vector<32xbf16> -> vector<16xf32>
        %unpack3A_366 = tpu.unpack_subelements %add3A_364, 1 {pack_format = #tpu.pack_format<interleaved>} : vector<32xbf16> -> vector<16xf32>
        %tanh3A_367 = math.tanh %unpack3A_365 : vector<16xf32>
        %tanh3A_368 = math.tanh %unpack3A_366 : vector<16xf32>
        %slice3A_369 = vector.extract_strided_slice %mul3A_266 {offsets = [3], sizes = [1], strides = [1]} : vector<16xf32> to vector<1xf32>
        %squeeze3A_370 = vector.extract %slice3A_369[0] : f32 from vector<1xf32>
        %mul3A_371 = vector.broadcast %squeeze3A_370 : f32 to vector<16xf32>
        %mul3A_372 = arith.mulf %tanh3A_367, %mul3A_371 : vector<16xf32>
        %add3A_373 = arith.addf %broadcast_in_dim3A_280, %mul3A_372 : vector<16xf32>
        %mul3A_374 = vector.broadcast %squeeze3A_370 : f32 to vector<16xf32>
        %mul3A_375 = arith.mulf %tanh3A_368, %mul3A_374 : vector<16xf32>
        %add3A_376 = arith.addf %broadcast_in_dim3A_288, %mul3A_375 : vector<16xf32>
        %get3A_377 = arith.constant 1 : i32
        %get3A_378 = arith.index_cast %get3A_377 : i32 to index
        %get3A_379 = arith.index_cast %scan3A_255 : i32 to index
        %get3A_380 = arith.constant 128 : index
        %get3A_381 = tpu.vector_load %arg12[%get3A_378, %get3A_379, %get3A_380] {strides = array<i32>} : memref<2x40x1024xbf16, #tpu.memory_space<vmem>>, vector<32xbf16>,
        %get3A_382 = arith.constant 1 : i32
        %get3A_383 = arith.index_cast %get3A_382 : i32 to index
        %get3A_384 = arith.index_cast %scan3A_255 : i32 to index
        %get3A_385 = arith.constant 128 : index
        %get3A_386 = tpu.vector_load %arg13[%get3A_383, %get3A_384, %get3A_385] {strides = array<i32>} : memref<2x40x1024xbf16, #tpu.memory_space<vmem>>, vector<32xbf16>,
        %add3A_387 = arith.addf %get3A_381, %get3A_386 : vector<32xbf16>
        %unpack3A_388 = tpu.unpack_subelements %add3A_387, 0 {pack_format = #tpu.pack_format<interleaved>} : vector<32xbf16> -> vector<16xf32>
        %unpack3A_389 = tpu.unpack_subelements %add3A_387, 1 {pack_format = #tpu.pack_format<interleaved>} : vector<32xbf16> -> vector<16xf32>
        %tanh3A_390 = math.tanh %unpack3A_388 : vector<16xf32>
        %tanh3A_391 = math.tanh %unpack3A_389 : vector<16xf32>
        %slice3A_392 = vector.extract_strided_slice %mul3A_266 {offsets = [4], sizes = [1], strides = [1]} : vector<16xf32> to vector<1xf32>
        %squeeze3A_393 = vector.extract %slice3A_392[0] : f32 from vector<1xf32>
        %mul3A_394 = vector.broadcast %squeeze3A_393 : f32 to vector<16xf32>
        %mul3A_395 = arith.mulf %tanh3A_390, %mul3A_394 : vector<16xf32>
        %add3A_396 = arith.addf %add3A_304, %mul3A_395 : vector<16xf32>
        %mul3A_397 = vector.broadcast %squeeze3A_393 : f32 to vector<16xf32>
        %mul3A_398 = arith.mulf %tanh3A_391, %mul3A_397 : vector<16xf32>
        %add3A_399 = arith.addf %add3A_307, %mul3A_398 : vector<16xf32>
        %get3A_400 = arith.constant 1 : i32
        %get3A_401 = arith.index_cast %get3A_400 : i32 to index
        %get3A_402 = arith.index_cast %scan3A_255 : i32 to index
        %get3A_403 = arith.constant 160 : index
        %get3A_404 = tpu.vector_load %arg12[%get3A_401, %get3A_402, %get3A_403] {strides = array<i32>} : memref<2x40x1024xbf16, #tpu.memory_space<vmem>>, vector<32xbf16>,
        %get3A_405 = arith.constant 1 : i32
        %get3A_406 = arith.index_cast %get3A_405 : i32 to index
        %get3A_407 = arith.index_cast %scan3A_255 : i32 to index
        %get3A_408 = arith.constant 160 : index
        %get3A_409 = tpu.vector_load %arg13[%get3A_406, %get3A_407, %get3A_408] {strides = array<i32>} : memref<2x40x1024xbf16, #tpu.memory_space<vmem>>, vector<32xbf16>,
        %add3A_410 = arith.addf %get3A_404, %get3A_409 : vector<32xbf16>
        %unpack3A_411 = tpu.unpack_subelements %add3A_410, 0 {pack_format = #tpu.pack_format<interleaved>} : vector<32xbf16> -> vector<16xf32>
        %unpack3A_412 = tpu.unpack_subelements %add3A_410, 1 {pack_format = #tpu.pack_format<interleaved>} : vector<32xbf16> -> vector<16xf32>
        %tanh3A_413 = math.tanh %unpack3A_411 : vector<16xf32>
        %tanh3A_414 = math.tanh %unpack3A_412 : vector<16xf32>
        %slice3A_415 = vector.extract_strided_slice %mul3A_266 {offsets = [5], sizes = [1], strides = [1]} : vector<16xf32> to vector<1xf32>
        %squeeze3A_416 = vector.extract %slice3A_415[0] : f32 from vector<1xf32>
        %mul3A_417 = vector.broadcast %squeeze3A_416 : f32 to vector<16xf32>
        %mul3A_418 = arith.mulf %tanh3A_413, %mul3A_417 : vector<16xf32>
        %add3A_419 = arith.addf %add3A_327, %mul3A_418 : vector<16xf32>
        %mul3A_420 = vector.broadcast %squeeze3A_416 : f32 to vector<16xf32>
        %mul3A_421 = arith.mulf %tanh3A_414, %mul3A_420 : vector<16xf32>
        %add3A_422 = arith.addf %add3A_330, %mul3A_421 : vector<16xf32>
        %get3A_423 = arith.constant 1 : i32
        %get3A_424 = arith.index_cast %get3A_423 : i32 to index
        %get3A_425 = arith.index_cast %scan3A_255 : i32 to index
        %get3A_426 = arith.constant 192 : index
        %get3A_427 = tpu.vector_load %arg12[%get3A_424, %get3A_425, %get3A_426] {strides = array<i32>} : memref<2x40x1024xbf16, #tpu.memory_space<vmem>>, vector<32xbf16>,
        %get3A_428 = arith.constant 1 : i32
        %get3A_429 = arith.index_cast %get3A_428 : i32 to index
        %get3A_430 = arith.index_cast %scan3A_255 : i32 to index
        %get3A_431 = arith.constant 192 : index
        %get3A_432 = tpu.vector_load %arg13[%get3A_429, %get3A_430, %get3A_431] {strides = array<i32>} : memref<2x40x1024xbf16, #tpu.memory_space<vmem>>, vector<32xbf16>,
        %add3A_433 = arith.addf %get3A_427, %get3A_432 : vector<32xbf16>
        %unpack3A_434 = tpu.unpack_subelements %add3A_433, 0 {pack_format = #tpu.pack_format<interleaved>} : vector<32xbf16> -> vector<16xf32>
        %unpack3A_435 = tpu.unpack_subelements %add3A_433, 1 {pack_format = #tpu.pack_format<interleaved>} : vector<32xbf16> -> vector<16xf32>
        %tanh3A_436 = math.tanh %unpack3A_434 : vector<16xf32>
        %tanh3A_437 = math.tanh %unpack3A_435 : vector<16xf32>
        %slice3A_438 = vector.extract_strided_slice %mul3A_266 {offsets = [6], sizes = [1], strides = [1]} : vector<16xf32> to vector<1xf32>
        %squeeze3A_439 = vector.extract %slice3A_438[0] : f32 from vector<1xf32>
        %mul3A_440 = vector.broadcast %squeeze3A_439 : f32 to vector<16xf32>
        %mul3A_441 = arith.mulf %tanh3A_436, %mul3A_440 : vector<16xf32>
        %add3A_442 = arith.addf %add3A_350, %mul3A_441 : vector<16xf32>
        %mul3A_443 = vector.broadcast %squeeze3A_439 : f32 to vector<16xf32>
        %mul3A_444 = arith.mulf %tanh3A_437, %mul3A_443 : vector<16xf32>
        %add3A_445 = arith.addf %add3A_353, %mul3A_444 : vector<16xf32>
        %get3A_446 = arith.constant 1 : i32
        %get3A_447 = arith.index_cast %get3A_446 : i32 to index
        %get3A_448 = arith.index_cast %scan3A_255 : i32 to index
        %get3A_449 = arith.constant 224 : index
        %get3A_450 = tpu.vector_load %arg12[%get3A_447, %get3A_448, %get3A_449] {strides = array<i32>} : memref<2x40x1024xbf16, #tpu.memory_space<vmem>>, vector<32xbf16>,
        %get3A_451 = arith.constant 1 : i32
        %get3A_452 = arith.index_cast %get3A_451 : i32 to index
        %get3A_453 = arith.index_cast %scan3A_255 : i32 to index
        %get3A_454 = arith.constant 224 : index
        %get3A_455 = tpu.vector_load %arg13[%get3A_452, %get3A_453, %get3A_454] {strides = array<i32>} : memref<2x40x1024xbf16, #tpu.memory_space<vmem>>, vector<32xbf16>,
        %add3A_456 = arith.addf %get3A_450, %get3A_455 : vector<32xbf16>
        %unpack3A_457 = tpu.unpack_subelements %add3A_456, 0 {pack_format = #tpu.pack_format<interleaved>} : vector<32xbf16> -> vector<16xf32>
        %unpack3A_458 = tpu.unpack_subelements %add3A_456, 1 {pack_format = #tpu.pack_format<interleaved>} : vector<32xbf16> -> vector<16xf32>
        %tanh3A_459 = math.tanh %unpack3A_457 : vector<16xf32>
        %tanh3A_460 = math.tanh %unpack3A_458 : vector<16xf32>
        %slice3A_461 = vector.extract_strided_slice %mul3A_266 {offsets = [7], sizes = [1], strides = [1]} : vector<16xf32> to vector<1xf32>
        %squeeze3A_462 = vector.extract %slice3A_461[0] : f32 from vector<1xf32>
        %mul3A_463 = vector.broadcast %squeeze3A_462 : f32 to vector<16xf32>
        %mul3A_464 = arith.mulf %tanh3A_459, %mul3A_463 : vector<16xf32>
        %add3A_465 = arith.addf %add3A_373, %mul3A_464 : vector<16xf32>
        %mul3A_466 = vector.broadcast %squeeze3A_462 : f32 to vector<16xf32>
        %mul3A_467 = arith.mulf %tanh3A_460, %mul3A_466 : vector<16xf32>
        %add3A_468 = arith.addf %add3A_376, %mul3A_467 : vector<16xf32>
        %get3A_469 = arith.constant 1 : i32
        %get3A_470 = arith.index_cast %get3A_469 : i32 to index
        %get3A_471 = arith.index_cast %scan3A_255 : i32 to index
        %get3A_472 = arith.constant 256 : index
        %get3A_473 = tpu.vector_load %arg12[%get3A_470, %get3A_471, %get3A_472] {strides = array<i32>} : memref<2x40x1024xbf16, #tpu.memory_space<vmem>>, vector<32xbf16>,
        %get3A_474 = arith.constant 1 : i32
        %get3A_475 = arith.index_cast %get3A_474 : i32 to index
        %get3A_476 = arith.index_cast %scan3A_255 : i32 to index
        %get3A_477 = arith.constant 256 : index
        %get3A_478 = tpu.vector_load %arg13[%get3A_475, %get3A_476, %get3A_477] {strides = array<i32>} : memref<2x40x1024xbf16, #tpu.memory_space<vmem>>, vector<32xbf16>,
        %add3A_479 = arith.addf %get3A_473, %get3A_478 : vector<32xbf16>
        %unpack3A_480 = tpu.unpack_subelements %add3A_479, 0 {pack_format = #tpu.pack_format<interleaved>} : vector<32xbf16> -> vector<16xf32>
        %unpack3A_481 = tpu.unpack_subelements %add3A_479, 1 {pack_format = #tpu.pack_format<interleaved>} : vector<32xbf16> -> vector<16xf32>
        %tanh3A_482 = math.tanh %unpack3A_480 : vector<16xf32>
        %tanh3A_483 = math.tanh %unpack3A_481 : vector<16xf32>
        %slice3A_484 = vector.extract_strided_slice %mul3A_266 {offsets = [8], sizes = [1], strides = [1]} : vector<16xf32> to vector<1xf32>
        %squeeze3A_485 = vector.extract %slice3A_484[0] : f32 from vector<1xf32>
        %mul3A_486 = vector.broadcast %squeeze3A_485 : f32 to vector<16xf32>
        %mul3A_487 = arith.mulf %tanh3A_482, %mul3A_486 : vector<16xf32>
        %add3A_488 = arith.addf %add3A_396, %mul3A_487 : vector<16xf32>
        %mul3A_489 = vector.broadcast %squeeze3A_485 : f32 to vector<16xf32>
        %mul3A_490 = arith.mulf %tanh3A_483, %mul3A_489 : vector<16xf32>
        %add3A_491 = arith.addf %add3A_399, %mul3A_490 : vector<16xf32>
        %get3A_492 = arith.constant 1 : i32
        %get3A_493 = arith.index_cast %get3A_492 : i32 to index
        %get3A_494 = arith.index_cast %scan3A_255 : i32 to index
        %get3A_495 = arith.constant 288 : index
        %get3A_496 = tpu.vector_load %arg12[%get3A_493, %get3A_494, %get3A_495] {strides = array<i32>} : memref<2x40x1024xbf16, #tpu.memory_space<vmem>>, vector<32xbf16>,
        %get3A_497 = arith.constant 1 : i32
        %get3A_498 = arith.index_cast %get3A_497 : i32 to index
        %get3A_499 = arith.index_cast %scan3A_255 : i32 to index
        %get3A_500 = arith.constant 288 : index
        %get3A_501 = tpu.vector_load %arg13[%get3A_498, %get3A_499, %get3A_500] {strides = array<i32>} : memref<2x40x1024xbf16, #tpu.memory_space<vmem>>, vector<32xbf16>,
        %add3A_502 = arith.addf %get3A_496, %get3A_501 : vector<32xbf16>
        %unpack3A_503 = tpu.unpack_subelements %add3A_502, 0 {pack_format = #tpu.pack_format<interleaved>} : vector<32xbf16> -> vector<16xf32>
        %unpack3A_504 = tpu.unpack_subelements %add3A_502, 1 {pack_format = #tpu.pack_format<interleaved>} : vector<32xbf16> -> vector<16xf32>
        %tanh3A_505 = math.tanh %unpack3A_503 : vector<16xf32>
        %tanh3A_506 = math.tanh %unpack3A_504 : vector<16xf32>
        %slice3A_507 = vector.extract_strided_slice %mul3A_266 {offsets = [9], sizes = [1], strides = [1]} : vector<16xf32> to vector<1xf32>
        %squeeze3A_508 = vector.extract %slice3A_507[0] : f32 from vector<1xf32>
        %mul3A_509 = vector.broadcast %squeeze3A_508 : f32 to vector<16xf32>
        %mul3A_510 = arith.mulf %tanh3A_505, %mul3A_509 : vector<16xf32>
        %add3A_511 = arith.addf %add3A_419, %mul3A_510 : vector<16xf32>
        %mul3A_512 = vector.broadcast %squeeze3A_508 : f32 to vector<16xf32>
        %mul3A_513 = arith.mulf %tanh3A_506, %mul3A_512 : vector<16xf32>
        %add3A_514 = arith.addf %add3A_422, %mul3A_513 : vector<16xf32>
        %get3A_515 = arith.constant 1 : i32
        %get3A_516 = arith.index_cast %get3A_515 : i32 to index
        %get3A_517 = arith.index_cast %scan3A_255 : i32 to index
        %get3A_518 = arith.constant 320 : index
        %get3A_519 = tpu.vector_load %arg12[%get3A_516, %get3A_517, %get3A_518] {strides = array<i32>} : memref<2x40x1024xbf16, #tpu.memory_space<vmem>>, vector<32xbf16>,
        %get3A_520 = arith.constant 1 : i32
        %get3A_521 = arith.index_cast %get3A_520 : i32 to index
        %get3A_522 = arith.index_cast %scan3A_255 : i32 to index
        %get3A_523 = arith.constant 320 : index
        %get3A_524 = tpu.vector_load %arg13[%get3A_521, %get3A_522, %get3A_523] {strides = array<i32>} : memref<2x40x1024xbf16, #tpu.memory_space<vmem>>, vector<32xbf16>,
        %add3A_525 = arith.addf %get3A_519, %get3A_524 : vector<32xbf16>
        %unpack3A_526 = tpu.unpack_subelements %add3A_525, 0 {pack_format = #tpu.pack_format<interleaved>} : vector<32xbf16> -> vector<16xf32>
        %unpack3A_527 = tpu.unpack_subelements %add3A_525, 1 {pack_format = #tpu.pack_format<interleaved>} : vector<32xbf16> -> vector<16xf32>
        %tanh3A_528 = math.tanh %unpack3A_526 : vector<16xf32>
        %tanh3A_529 = math.tanh %unpack3A_527 : vector<16xf32>
        %slice3A_530 = vector.extract_strided_slice %mul3A_266 {offsets = [10], sizes = [1], strides = [1]} : vector<16xf32> to vector<1xf32>
        %squeeze3A_531 = vector.extract %slice3A_530[0] : f32 from vector<1xf32>
        %mul3A_532 = vector.broadcast %squeeze3A_531 : f32 to vector<16xf32>
        %mul3A_533 = arith.mulf %tanh3A_528, %mul3A_532 : vector<16xf32>
        %add3A_534 = arith.addf %add3A_442, %mul3A_533 : vector<16xf32>
        %mul3A_535 = vector.broadcast %squeeze3A_531 : f32 to vector<16xf32>
        %mul3A_536 = arith.mulf %tanh3A_529, %mul3A_535 : vector<16xf32>
        %add3A_537 = arith.addf %add3A_445, %mul3A_536 : vector<16xf32>
        %get3A_538 = arith.constant 1 : i32
        %get3A_539 = arith.index_cast %get3A_538 : i32 to index
        %get3A_540 = arith.index_cast %scan3A_255 : i32 to index
        %get3A_541 = arith.constant 352 : index
        %get3A_542 = tpu.vector_load %arg12[%get3A_539, %get3A_540, %get3A_541] {strides = array<i32>} : memref<2x40x1024xbf16, #tpu.memory_space<vmem>>, vector<32xbf16>,
        %get3A_543 = arith.constant 1 : i32
        %get3A_544 = arith.index_cast %get3A_543 : i32 to index
        %get3A_545 = arith.index_cast %scan3A_255 : i32 to index
        %get3A_546 = arith.constant 352 : index
        %get3A_547 = tpu.vector_load %arg13[%get3A_544, %get3A_545, %get3A_546] {strides = array<i32>} : memref<2x40x1024xbf16, #tpu.memory_space<vmem>>, vector<32xbf16>,
        %add3A_548 = arith.addf %get3A_542, %get3A_547 : vector<32xbf16>
        %unpack3A_549 = tpu.unpack_subelements %add3A_548, 0 {pack_format = #tpu.pack_format<interleaved>} : vector<32xbf16> -> vector<16xf32>
        %unpack3A_550 = tpu.unpack_subelements %add3A_548, 1 {pack_format = #tpu.pack_format<interleaved>} : vector<32xbf16> -> vector<16xf32>
        %tanh3A_551 = math.tanh %unpack3A_549 : vector<16xf32>
        %tanh3A_552 = math.tanh %unpack3A_550 : vector<16xf32>
        %slice3A_553 = vector.extract_strided_slice %mul3A_266 {offsets = [11], sizes = [1], strides = [1]} : vector<16xf32> to vector<1xf32>
        %squeeze3A_554 = vector.extract %slice3A_553[0] : f32 from vector<1xf32>
        %mul3A_555 = vector.broadcast %squeeze3A_554 : f32 to vector<16xf32>
        %mul3A_556 = arith.mulf %tanh3A_551, %mul3A_555 : vector<16xf32>
        %add3A_557 = arith.addf %add3A_465, %mul3A_556 : vector<16xf32>
        %mul3A_558 = vector.broadcast %squeeze3A_554 : f32 to vector<16xf32>
        %mul3A_559 = arith.mulf %tanh3A_552, %mul3A_558 : vector<16xf32>
        %add3A_560 = arith.addf %add3A_468, %mul3A_559 : vector<16xf32>
        %get3A_561 = arith.constant 1 : i32
        %get3A_562 = arith.index_cast %get3A_561 : i32 to index
        %get3A_563 = arith.index_cast %scan3A_255 : i32 to index
        %get3A_564 = arith.constant 384 : index
        %get3A_565 = tpu.vector_load %arg12[%get3A_562, %get3A_563, %get3A_564] {strides = array<i32>} : memref<2x40x1024xbf16, #tpu.memory_space<vmem>>, vector<32xbf16>,
        %get3A_566 = arith.constant 1 : i32
        %get3A_567 = arith.index_cast %get3A_566 : i32 to index
        %get3A_568 = arith.index_cast %scan3A_255 : i32 to index
        %get3A_569 = arith.constant 384 : index
        %get3A_570 = tpu.vector_load %arg13[%get3A_567, %get3A_568, %get3A_569] {strides = array<i32>} : memref<2x40x1024xbf16, #tpu.memory_space<vmem>>, vector<32xbf16>,
        %add3A_571 = arith.addf %get3A_565, %get3A_570 : vector<32xbf16>
        %unpack3A_572 = tpu.unpack_subelements %add3A_571, 0 {pack_format = #tpu.pack_format<interleaved>} : vector<32xbf16> -> vector<16xf32>
        %unpack3A_573 = tpu.unpack_subelements %add3A_571, 1 {pack_format = #tpu.pack_format<interleaved>} : vector<32xbf16> -> vector<16xf32>
        %tanh3A_574 = math.tanh %unpack3A_572 : vector<16xf32>
        %tanh3A_575 = math.tanh %unpack3A_573 : vector<16xf32>
        %slice3A_576 = vector.extract_strided_slice %mul3A_266 {offsets = [12], sizes = [1], strides = [1]} : vector<16xf32> to vector<1xf32>
        %squeeze3A_577 = vector.extract %slice3A_576[0] : f32 from vector<1xf32>
        %mul3A_578 = vector.broadcast %squeeze3A_577 : f32 to vector<16xf32>
        %mul3A_579 = arith.mulf %tanh3A_574, %mul3A_578 : vector<16xf32>
        %add3A_580 = arith.addf %add3A_488, %mul3A_579 : vector<16xf32>
        %mul3A_581 = vector.broadcast %squeeze3A_577 : f32 to vector<16xf32>
        %mul3A_582 = arith.mulf %tanh3A_575, %mul3A_581 : vector<16xf32>
        %add3A_583 = arith.addf %add3A_491, %mul3A_582 : vector<16xf32>
        %get3A_584 = arith.constant 1 : i32
        %get3A_585 = arith.index_cast %get3A_584 : i32 to index
        %get3A_586 = arith.index_cast %scan3A_255 : i32 to index
        %get3A_587 = arith.constant 416 : index
        %get3A_588 = tpu.vector_load %arg12[%get3A_585, %get3A_586, %get3A_587] {strides = array<i32>} : memref<2x40x1024xbf16, #tpu.memory_space<vmem>>, vector<32xbf16>,
        %get3A_589 = arith.constant 1 : i32
        %get3A_590 = arith.index_cast %get3A_589 : i32 to index
        %get3A_591 = arith.index_cast %scan3A_255 : i32 to index
        %get3A_592 = arith.constant 416 : index
        %get3A_593 = tpu.vector_load %arg13[%get3A_590, %get3A_591, %get3A_592] {strides = array<i32>} : memref<2x40x1024xbf16, #tpu.memory_space<vmem>>, vector<32xbf16>,
        %add3A_594 = arith.addf %get3A_588, %get3A_593 : vector<32xbf16>
        %unpack3A_595 = tpu.unpack_subelements %add3A_594, 0 {pack_format = #tpu.pack_format<interleaved>} : vector<32xbf16> -> vector<16xf32>
        %unpack3A_596 = tpu.unpack_subelements %add3A_594, 1 {pack_format = #tpu.pack_format<interleaved>} : vector<32xbf16> -> vector<16xf32>
        %tanh3A_597 = math.tanh %unpack3A_595 : vector<16xf32>
        %tanh3A_598 = math.tanh %unpack3A_596 : vector<16xf32>
        %slice3A_599 = vector.extract_strided_slice %mul3A_266 {offsets = [13], sizes = [1], strides = [1]} : vector<16xf32> to vector<1xf32>
        %squeeze3A_600 = vector.extract %slice3A_599[0] : f32 from vector<1xf32>
        %mul3A_601 = vector.broadcast %squeeze3A_600 : f32 to vector<16xf32>
        %mul3A_602 = arith.mulf %tanh3A_597, %mul3A_601 : vector<16xf32>
        %add3A_603 = arith.addf %add3A_511, %mul3A_602 : vector<16xf32>
        %mul3A_604 = vector.broadcast %squeeze3A_600 : f32 to vector<16xf32>
        %mul3A_605 = arith.mulf %tanh3A_598, %mul3A_604 : vector<16xf32>
        %add3A_606 = arith.addf %add3A_514, %mul3A_605 : vector<16xf32>
        %get3A_607 = arith.constant 1 : i32
        %get3A_608 = arith.index_cast %get3A_607 : i32 to index
        %get3A_609 = arith.index_cast %scan3A_255 : i32 to index
        %get3A_610 = arith.constant 448 : index
        %get3A_611 = tpu.vector_load %arg12[%get3A_608, %get3A_609, %get3A_610] {strides = array<i32>} : memref<2x40x1024xbf16, #tpu.memory_space<vmem>>, vector<32xbf16>,
        %get3A_612 = arith.constant 1 : i32
        %get3A_613 = arith.index_cast %get3A_612 : i32 to index
        %get3A_614 = arith.index_cast %scan3A_255 : i32 to index
        %get3A_615 = arith.constant 448 : index
        %get3A_616 = tpu.vector_load %arg13[%get3A_613, %get3A_614, %get3A_615] {strides = array<i32>} : memref<2x40x1024xbf16, #tpu.memory_space<vmem>>, vector<32xbf16>,
        %add3A_617 = arith.addf %get3A_611, %get3A_616 : vector<32xbf16>
        %unpack3A_618 = tpu.unpack_subelements %add3A_617, 0 {pack_format = #tpu.pack_format<interleaved>} : vector<32xbf16> -> vector<16xf32>
        %unpack3A_619 = tpu.unpack_subelements %add3A_617, 1 {pack_format = #tpu.pack_format<interleaved>} : vector<32xbf16> -> vector<16xf32>
        %tanh3A_620 = math.tanh %unpack3A_618 : vector<16xf32>
        %tanh3A_621 = math.tanh %unpack3A_619 : vector<16xf32>
        %slice3A_622 = vector.extract_strided_slice %mul3A_266 {offsets = [14], sizes = [1], strides = [1]} : vector<16xf32> to vector<1xf32>
        %squeeze3A_623 = vector.extract %slice3A_622[0] : f32 from vector<1xf32>
        %mul3A_624 = vector.broadcast %squeeze3A_623 : f32 to vector<16xf32>
        %mul3A_625 = arith.mulf %tanh3A_620, %mul3A_624 : vector<16xf32>
        %add3A_626 = arith.addf %add3A_534, %mul3A_625 : vector<16xf32>
        %mul3A_627 = vector.broadcast %squeeze3A_623 : f32 to vector<16xf32>
        %mul3A_628 = arith.mulf %tanh3A_621, %mul3A_627 : vector<16xf32>
        %add3A_629 = arith.addf %add3A_537, %mul3A_628 : vector<16xf32>
        %get3A_630 = arith.constant 1 : i32
        %get3A_631 = arith.index_cast %get3A_630 : i32 to index
        %get3A_632 = arith.index_cast %scan3A_255 : i32 to index
        %get3A_633 = arith.constant 480 : index
        %get3A_634 = tpu.vector_load %arg12[%get3A_631, %get3A_632, %get3A_633] {strides = array<i32>} : memref<2x40x1024xbf16, #tpu.memory_space<vmem>>, vector<32xbf16>,
        %get3A_635 = arith.constant 1 : i32
        %get3A_636 = arith.index_cast %get3A_635 : i32 to index
        %get3A_637 = arith.index_cast %scan3A_255 : i32 to index
        %get3A_638 = arith.constant 480 : index
        %get3A_639 = tpu.vector_load %arg13[%get3A_636, %get3A_637, %get3A_638] {strides = array<i32>} : memref<2x40x1024xbf16, #tpu.memory_space<vmem>>, vector<32xbf16>,
        %add3A_640 = arith.addf %get3A_634, %get3A_639 : vector<32xbf16>
        %unpack3A_641 = tpu.unpack_subelements %add3A_640, 0 {pack_format = #tpu.pack_format<interleaved>} : vector<32xbf16> -> vector<16xf32>
        %unpack3A_642 = tpu.unpack_subelements %add3A_640, 1 {pack_format = #tpu.pack_format<interleaved>} : vector<32xbf16> -> vector<16xf32>
        %tanh3A_643 = math.tanh %unpack3A_641 : vector<16xf32>
        %tanh3A_644 = math.tanh %unpack3A_642 : vector<16xf32>
        %slice3A_645 = vector.extract_strided_slice %mul3A_266 {offsets = [15], sizes = [1], strides = [1]} : vector<16xf32> to vector<1xf32>
        %squeeze3A_646 = vector.extract %slice3A_645[0] : f32 from vector<1xf32>
        %mul3A_647 = vector.broadcast %squeeze3A_646 : f32 to vector<16xf32>
        %mul3A_648 = arith.mulf %tanh3A_643, %mul3A_647 : vector<16xf32>
        %add3A_649 = arith.addf %add3A_557, %mul3A_648 : vector<16xf32>
        %mul3A_650 = vector.broadcast %squeeze3A_646 : f32 to vector<16xf32>
        %mul3A_651 = arith.mulf %tanh3A_644, %mul3A_650 : vector<16xf32>
        %add3A_652 = arith.addf %add3A_560, %mul3A_651 : vector<16xf32>
        %get3A_653 = arith.constant 1 : i32
        %get3A_654 = arith.index_cast %get3A_653 : i32 to index
        %get3A_655 = arith.index_cast %scan3A_255 : i32 to index
        %get3A_656 = arith.constant 512 : index
        %get3A_657 = tpu.vector_load %arg12[%get3A_654, %get3A_655, %get3A_656] {strides = array<i32>} : memref<2x40x1024xbf16, #tpu.memory_space<vmem>>, vector<32xbf16>,
        %get3A_658 = arith.constant 1 : i32
        %get3A_659 = arith.index_cast %get3A_658 : i32 to index
        %get3A_660 = arith.index_cast %scan3A_255 : i32 to index
        %get3A_661 = arith.constant 512 : index
        %get3A_662 = tpu.vector_load %arg13[%get3A_659, %get3A_660, %get3A_661] {strides = array<i32>} : memref<2x40x1024xbf16, #tpu.memory_space<vmem>>, vector<32xbf16>,
        %add3A_663 = arith.addf %get3A_657, %get3A_662 : vector<32xbf16>
        %unpack3A_664 = tpu.unpack_subelements %add3A_663, 0 {pack_format = #tpu.pack_format<interleaved>} : vector<32xbf16> -> vector<16xf32>
        %unpack3A_665 = tpu.unpack_subelements %add3A_663, 1 {pack_format = #tpu.pack_format<interleaved>} : vector<32xbf16> -> vector<16xf32>
        %tanh3A_666 = math.tanh %unpack3A_664 : vector<16xf32>
        %tanh3A_667 = math.tanh %unpack3A_665 : vector<16xf32>
        %slice3A_668 = vector.extract_strided_slice %mul3A_272 {offsets = [0], sizes = [1], strides = [1]} : vector<16xf32> to vector<1xf32>
        %squeeze3A_669 = vector.extract %slice3A_668[0] : f32 from vector<1xf32>
        %mul3A_670 = vector.broadcast %squeeze3A_669 : f32 to vector<16xf32>
        %mul3A_671 = arith.mulf %tanh3A_666, %mul3A_670 : vector<16xf32>
        %add3A_672 = arith.addf %add3A_580, %mul3A_671 : vector<16xf32>
        %mul3A_673 = vector.broadcast %squeeze3A_669 : f32 to vector<16xf32>
        %mul3A_674 = arith.mulf %tanh3A_667, %mul3A_673 : vector<16xf32>
        %add3A_675 = arith.addf %add3A_583, %mul3A_674 : vector<16xf32>
        %get3A_676 = arith.constant 1 : i32
        %get3A_677 = arith.index_cast %get3A_676 : i32 to index
        %get3A_678 = arith.index_cast %scan3A_255 : i32 to index
        %get3A_679 = arith.constant 544 : index
        %get3A_680 = tpu.vector_load %arg12[%get3A_677, %get3A_678, %get3A_679] {strides = array<i32>} : memref<2x40x1024xbf16, #tpu.memory_space<vmem>>, vector<32xbf16>,
        %get3A_681 = arith.constant 1 : i32
        %get3A_682 = arith.index_cast %get3A_681 : i32 to index
        %get3A_683 = arith.index_cast %scan3A_255 : i32 to index
        %get3A_684 = arith.constant 544 : index
        %get3A_685 = tpu.vector_load %arg13[%get3A_682, %get3A_683, %get3A_684] {strides = array<i32>} : memref<2x40x1024xbf16, #tpu.memory_space<vmem>>, vector<32xbf16>,
        %add3A_686 = arith.addf %get3A_680, %get3A_685 : vector<32xbf16>
        %unpack3A_687 = tpu.unpack_subelements %add3A_686, 0 {pack_format = #tpu.pack_format<interleaved>} : vector<32xbf16> -> vector<16xf32>
        %unpack3A_688 = tpu.unpack_subelements %add3A_686, 1 {pack_format = #tpu.pack_format<interleaved>} : vector<32xbf16> -> vector<16xf32>
        %tanh3A_689 = math.tanh %unpack3A_687 : vector<16xf32>
        %tanh3A_690 = math.tanh %unpack3A_688 : vector<16xf32>
        %slice3A_691 = vector.extract_strided_slice %mul3A_272 {offsets = [1], sizes = [1], strides = [1]} : vector<16xf32> to vector<1xf32>
        %squeeze3A_692 = vector.extract %slice3A_691[0] : f32 from vector<1xf32>
        %mul3A_693 = vector.broadcast %squeeze3A_692 : f32 to vector<16xf32>
        %mul3A_694 = arith.mulf %tanh3A_689, %mul3A_693 : vector<16xf32>
        %add3A_695 = arith.addf %add3A_603, %mul3A_694 : vector<16xf32>
        %mul3A_696 = vector.broadcast %squeeze3A_692 : f32 to vector<16xf32>
        %mul3A_697 = arith.mulf %tanh3A_690, %mul3A_696 : vector<16xf32>
        %add3A_698 = arith.addf %add3A_606, %mul3A_697 : vector<16xf32>
        %get3A_699 = arith.constant 1 : i32
        %get3A_700 = arith.index_cast %get3A_699 : i32 to index
        %get3A_701 = arith.index_cast %scan3A_255 : i32 to index
        %get3A_702 = arith.constant 576 : index
        %get3A_703 = tpu.vector_load %arg12[%get3A_700, %get3A_701, %get3A_702] {strides = array<i32>} : memref<2x40x1024xbf16, #tpu.memory_space<vmem>>, vector<32xbf16>,
        %get3A_704 = arith.constant 1 : i32
        %get3A_705 = arith.index_cast %get3A_704 : i32 to index
        %get3A_706 = arith.index_cast %scan3A_255 : i32 to index
        %get3A_707 = arith.constant 576 : index
        %get3A_708 = tpu.vector_load %arg13[%get3A_705, %get3A_706, %get3A_707] {strides = array<i32>} : memref<2x40x1024xbf16, #tpu.memory_space<vmem>>, vector<32xbf16>,
        %add3A_709 = arith.addf %get3A_703, %get3A_708 : vector<32xbf16>
        %unpack3A_710 = tpu.unpack_subelements %add3A_709, 0 {pack_format = #tpu.pack_format<interleaved>} : vector<32xbf16> -> vector<16xf32>
        %unpack3A_711 = tpu.unpack_subelements %add3A_709, 1 {pack_format = #tpu.pack_format<interleaved>} : vector<32xbf16> -> vector<16xf32>
        %tanh3A_712 = math.tanh %unpack3A_710 : vector<16xf32>
        %tanh3A_713 = math.tanh %unpack3A_711 : vector<16xf32>
        %slice3A_714 = vector.extract_strided_slice %mul3A_272 {offsets = [2], sizes = [1], strides = [1]} : vector<16xf32> to vector<1xf32>
        %squeeze3A_715 = vector.extract %slice3A_714[0] : f32 from vector<1xf32>
        %mul3A_716 = vector.broadcast %squeeze3A_715 : f32 to vector<16xf32>
        %mul3A_717 = arith.mulf %tanh3A_712, %mul3A_716 : vector<16xf32>
        %add3A_718 = arith.addf %add3A_626, %mul3A_717 : vector<16xf32>
        %mul3A_719 = vector.broadcast %squeeze3A_715 : f32 to vector<16xf32>
        %mul3A_720 = arith.mulf %tanh3A_713, %mul3A_719 : vector<16xf32>
        %add3A_721 = arith.addf %add3A_629, %mul3A_720 : vector<16xf32>
        %get3A_722 = arith.constant 1 : i32
        %get3A_723 = arith.index_cast %get3A_722 : i32 to index
        %get3A_724 = arith.index_cast %scan3A_255 : i32 to index
        %get3A_725 = arith.constant 608 : index
        %get3A_726 = tpu.vector_load %arg12[%get3A_723, %get3A_724, %get3A_725] {strides = array<i32>} : memref<2x40x1024xbf16, #tpu.memory_space<vmem>>, vector<32xbf16>,
        %get3A_727 = arith.constant 1 : i32
        %get3A_728 = arith.index_cast %get3A_727 : i32 to index
        %get3A_729 = arith.index_cast %scan3A_255 : i32 to index
        %get3A_730 = arith.constant 608 : index
        %get3A_731 = tpu.vector_load %arg13[%get3A_728, %get3A_729, %get3A_730] {strides = array<i32>} : memref<2x40x1024xbf16, #tpu.memory_space<vmem>>, vector<32xbf16>,
        %add3A_732 = arith.addf %get3A_726, %get3A_731 : vector<32xbf16>
        %unpack3A_733 = tpu.unpack_subelements %add3A_732, 0 {pack_format = #tpu.pack_format<interleaved>} : vector<32xbf16> -> vector<16xf32>
        %unpack3A_734 = tpu.unpack_subelements %add3A_732, 1 {pack_format = #tpu.pack_format<interleaved>} : vector<32xbf16> -> vector<16xf32>
        %tanh3A_735 = math.tanh %unpack3A_733 : vector<16xf32>
        %tanh3A_736 = math.tanh %unpack3A_734 : vector<16xf32>
        %slice3A_737 = vector.extract_strided_slice %mul3A_272 {offsets = [3], sizes = [1], strides = [1]} : vector<16xf32> to vector<1xf32>
        %squeeze3A_738 = vector.extract %slice3A_737[0] : f32 from vector<1xf32>
        %mul3A_739 = vector.broadcast %squeeze3A_738 : f32 to vector<16xf32>
        %mul3A_740 = arith.mulf %tanh3A_735, %mul3A_739 : vector<16xf32>
        %add3A_741 = arith.addf %add3A_649, %mul3A_740 : vector<16xf32>
        %mul3A_742 = vector.broadcast %squeeze3A_738 : f32 to vector<16xf32>
        %mul3A_743 = arith.mulf %tanh3A_736, %mul3A_742 : vector<16xf32>
        %add3A_744 = arith.addf %add3A_652, %mul3A_743 : vector<16xf32>
        %get3A_745 = arith.constant 1 : i32
        %get3A_746 = arith.index_cast %get3A_745 : i32 to index
        %get3A_747 = arith.index_cast %scan3A_255 : i32 to index
        %get3A_748 = arith.constant 640 : index
        %get3A_749 = tpu.vector_load %arg12[%get3A_746, %get3A_747, %get3A_748] {strides = array<i32>} : memref<2x40x1024xbf16, #tpu.memory_space<vmem>>, vector<32xbf16>,
        %get3A_750 = arith.constant 1 : i32
        %get3A_751 = arith.index_cast %get3A_750 : i32 to index
        %get3A_752 = arith.index_cast %scan3A_255 : i32 to index
        %get3A_753 = arith.constant 640 : index
        %get3A_754 = tpu.vector_load %arg13[%get3A_751, %get3A_752, %get3A_753] {strides = array<i32>} : memref<2x40x1024xbf16, #tpu.memory_space<vmem>>, vector<32xbf16>,
        %add3A_755 = arith.addf %get3A_749, %get3A_754 : vector<32xbf16>
        %unpack3A_756 = tpu.unpack_subelements %add3A_755, 0 {pack_format = #tpu.pack_format<interleaved>} : vector<32xbf16> -> vector<16xf32>
        %unpack3A_757 = tpu.unpack_subelements %add3A_755, 1 {pack_format = #tpu.pack_format<interleaved>} : vector<32xbf16> -> vector<16xf32>
        %tanh3A_758 = math.tanh %unpack3A_756 : vector<16xf32>
        %tanh3A_759 = math.tanh %unpack3A_757 : vector<16xf32>
        %slice3A_760 = vector.extract_strided_slice %mul3A_272 {offsets = [4], sizes = [1], strides = [1]} : vector<16xf32> to vector<1xf32>
        %squeeze3A_761 = vector.extract %slice3A_760[0] : f32 from vector<1xf32>
        %mul3A_762 = vector.broadcast %squeeze3A_761 : f32 to vector<16xf32>
        %mul3A_763 = arith.mulf %tanh3A_758, %mul3A_762 : vector<16xf32>
        %add3A_764 = arith.addf %add3A_672, %mul3A_763 : vector<16xf32>
        %mul3A_765 = vector.broadcast %squeeze3A_761 : f32 to vector<16xf32>
        %mul3A_766 = arith.mulf %tanh3A_759, %mul3A_765 : vector<16xf32>
        %add3A_767 = arith.addf %add3A_675, %mul3A_766 : vector<16xf32>
        %get3A_768 = arith.constant 1 : i32
        %get3A_769 = arith.index_cast %get3A_768 : i32 to index
        %get3A_770 = arith.index_cast %scan3A_255 : i32 to index
        %get3A_771 = arith.constant 672 : index
        %get3A_772 = tpu.vector_load %arg12[%get3A_769, %get3A_770, %get3A_771] {strides = array<i32>} : memref<2x40x1024xbf16, #tpu.memory_space<vmem>>, vector<32xbf16>,
        %get3A_773 = arith.constant 1 : i32
        %get3A_774 = arith.index_cast %get3A_773 : i32 to index
        %get3A_775 = arith.index_cast %scan3A_255 : i32 to index
        %get3A_776 = arith.constant 672 : index
        %get3A_777 = tpu.vector_load %arg13[%get3A_774, %get3A_775, %get3A_776] {strides = array<i32>} : memref<2x40x1024xbf16, #tpu.memory_space<vmem>>, vector<32xbf16>,
        %add3A_778 = arith.addf %get3A_772, %get3A_777 : vector<32xbf16>
        %unpack3A_779 = tpu.unpack_subelements %add3A_778, 0 {pack_format = #tpu.pack_format<interleaved>} : vector<32xbf16> -> vector<16xf32>
        %unpack3A_780 = tpu.unpack_subelements %add3A_778, 1 {pack_format = #tpu.pack_format<interleaved>} : vector<32xbf16> -> vector<16xf32>
        %tanh3A_781 = math.tanh %unpack3A_779 : vector<16xf32>
        %tanh3A_782 = math.tanh %unpack3A_780 : vector<16xf32>
        %slice3A_783 = vector.extract_strided_slice %mul3A_272 {offsets = [5], sizes = [1], strides = [1]} : vector<16xf32> to vector<1xf32>
        %squeeze3A_784 = vector.extract %slice3A_783[0] : f32 from vector<1xf32>
        %mul3A_785 = vector.broadcast %squeeze3A_784 : f32 to vector<16xf32>
        %mul3A_786 = arith.mulf %tanh3A_781, %mul3A_785 : vector<16xf32>
        %add3A_787 = arith.addf %add3A_695, %mul3A_786 : vector<16xf32>
        %mul3A_788 = vector.broadcast %squeeze3A_784 : f32 to vector<16xf32>
        %mul3A_789 = arith.mulf %tanh3A_782, %mul3A_788 : vector<16xf32>
        %add3A_790 = arith.addf %add3A_698, %mul3A_789 : vector<16xf32>
        %get3A_791 = arith.constant 1 : i32
        %get3A_792 = arith.index_cast %get3A_791 : i32 to index
        %get3A_793 = arith.index_cast %scan3A_255 : i32 to index
        %get3A_794 = arith.constant 704 : index
        %get3A_795 = tpu.vector_load %arg12[%get3A_792, %get3A_793, %get3A_794] {strides = array<i32>} : memref<2x40x1024xbf16, #tpu.memory_space<vmem>>, vector<32xbf16>,
        %get3A_796 = arith.constant 1 : i32
        %get3A_797 = arith.index_cast %get3A_796 : i32 to index
        %get3A_798 = arith.index_cast %scan3A_255 : i32 to index
        %get3A_799 = arith.constant 704 : index
        %get3A_800 = tpu.vector_load %arg13[%get3A_797, %get3A_798, %get3A_799] {strides = array<i32>} : memref<2x40x1024xbf16, #tpu.memory_space<vmem>>, vector<32xbf16>,
        %add3A_801 = arith.addf %get3A_795, %get3A_800 : vector<32xbf16>
        %unpack3A_802 = tpu.unpack_subelements %add3A_801, 0 {pack_format = #tpu.pack_format<interleaved>} : vector<32xbf16> -> vector<16xf32>
        %unpack3A_803 = tpu.unpack_subelements %add3A_801, 1 {pack_format = #tpu.pack_format<interleaved>} : vector<32xbf16> -> vector<16xf32>
        %tanh3A_804 = math.tanh %unpack3A_802 : vector<16xf32>
        %tanh3A_805 = math.tanh %unpack3A_803 : vector<16xf32>
        %slice3A_806 = vector.extract_strided_slice %mul3A_272 {offsets = [6], sizes = [1], strides = [1]} : vector<16xf32> to vector<1xf32>
        %squeeze3A_807 = vector.extract %slice3A_806[0] : f32 from vector<1xf32>
        %mul3A_808 = vector.broadcast %squeeze3A_807 : f32 to vector<16xf32>
        %mul3A_809 = arith.mulf %tanh3A_804, %mul3A_808 : vector<16xf32>
        %add3A_810 = arith.addf %add3A_718, %mul3A_809 : vector<16xf32>
        %mul3A_811 = vector.broadcast %squeeze3A_807 : f32 to vector<16xf32>
        %mul3A_812 = arith.mulf %tanh3A_805, %mul3A_811 : vector<16xf32>
        %add3A_813 = arith.addf %add3A_721, %mul3A_812 : vector<16xf32>
        %get3A_814 = arith.constant 1 : i32
        %get3A_815 = arith.index_cast %get3A_814 : i32 to index
        %get3A_816 = arith.index_cast %scan3A_255 : i32 to index
        %get3A_817 = arith.constant 736 : index
        %get3A_818 = tpu.vector_load %arg12[%get3A_815, %get3A_816, %get3A_817] {strides = array<i32>} : memref<2x40x1024xbf16, #tpu.memory_space<vmem>>, vector<32xbf16>,
        %get3A_819 = arith.constant 1 : i32
        %get3A_820 = arith.index_cast %get3A_819 : i32 to index
        %get3A_821 = arith.index_cast %scan3A_255 : i32 to index
        %get3A_822 = arith.constant 736 : index
        %get3A_823 = tpu.vector_load %arg13[%get3A_820, %get3A_821, %get3A_822] {strides = array<i32>} : memref<2x40x1024xbf16, #tpu.memory_space<vmem>>, vector<32xbf16>,
        %add3A_824 = arith.addf %get3A_818, %get3A_823 : vector<32xbf16>
        %unpack3A_825 = tpu.unpack_subelements %add3A_824, 0 {pack_format = #tpu.pack_format<interleaved>} : vector<32xbf16> -> vector<16xf32>
        %unpack3A_826 = tpu.unpack_subelements %add3A_824, 1 {pack_format = #tpu.pack_format<interleaved>} : vector<32xbf16> -> vector<16xf32>
        %tanh3A_827 = math.tanh %unpack3A_825 : vector<16xf32>
        %tanh3A_828 = math.tanh %unpack3A_826 : vector<16xf32>
        %slice3A_829 = vector.extract_strided_slice %mul3A_272 {offsets = [7], sizes = [1], strides = [1]} : vector<16xf32> to vector<1xf32>
        %squeeze3A_830 = vector.extract %slice3A_829[0] : f32 from vector<1xf32>
        %mul3A_831 = vector.broadcast %squeeze3A_830 : f32 to vector<16xf32>
        %mul3A_832 = arith.mulf %tanh3A_827, %mul3A_831 : vector<16xf32>
        %add3A_833 = arith.addf %add3A_741, %mul3A_832 : vector<16xf32>
        %mul3A_834 = vector.broadcast %squeeze3A_830 : f32 to vector<16xf32>
        %mul3A_835 = arith.mulf %tanh3A_828, %mul3A_834 : vector<16xf32>
        %add3A_836 = arith.addf %add3A_744, %mul3A_835 : vector<16xf32>
        %get3A_837 = arith.constant 1 : i32
        %get3A_838 = arith.index_cast %get3A_837 : i32 to index
        %get3A_839 = arith.index_cast %scan3A_255 : i32 to index
        %get3A_840 = arith.constant 768 : index
        %get3A_841 = tpu.vector_load %arg12[%get3A_838, %get3A_839, %get3A_840] {strides = array<i32>} : memref<2x40x1024xbf16, #tpu.memory_space<vmem>>, vector<32xbf16>,
        %get3A_842 = arith.constant 1 : i32
        %get3A_843 = arith.index_cast %get3A_842 : i32 to index
        %get3A_844 = arith.index_cast %scan3A_255 : i32 to index
        %get3A_845 = arith.constant 768 : index
        %get3A_846 = tpu.vector_load %arg13[%get3A_843, %get3A_844, %get3A_845] {strides = array<i32>} : memref<2x40x1024xbf16, #tpu.memory_space<vmem>>, vector<32xbf16>,
        %add3A_847 = arith.addf %get3A_841, %get3A_846 : vector<32xbf16>
        %unpack3A_848 = tpu.unpack_subelements %add3A_847, 0 {pack_format = #tpu.pack_format<interleaved>} : vector<32xbf16> -> vector<16xf32>
        %unpack3A_849 = tpu.unpack_subelements %add3A_847, 1 {pack_format = #tpu.pack_format<interleaved>} : vector<32xbf16> -> vector<16xf32>
        %tanh3A_850 = math.tanh %unpack3A_848 : vector<16xf32>
        %tanh3A_851 = math.tanh %unpack3A_849 : vector<16xf32>
        %slice3A_852 = vector.extract_strided_slice %mul3A_272 {offsets = [8], sizes = [1], strides = [1]} : vector<16xf32> to vector<1xf32>
        %squeeze3A_853 = vector.extract %slice3A_852[0] : f32 from vector<1xf32>
        %mul3A_854 = vector.broadcast %squeeze3A_853 : f32 to vector<16xf32>
        %mul3A_855 = arith.mulf %tanh3A_850, %mul3A_854 : vector<16xf32>
        %add3A_856 = arith.addf %add3A_764, %mul3A_855 : vector<16xf32>
        %mul3A_857 = vector.broadcast %squeeze3A_853 : f32 to vector<16xf32>
        %mul3A_858 = arith.mulf %tanh3A_851, %mul3A_857 : vector<16xf32>
        %add3A_859 = arith.addf %add3A_767, %mul3A_858 : vector<16xf32>
        %get3A_860 = arith.constant 1 : i32
        %get3A_861 = arith.index_cast %get3A_860 : i32 to index
        %get3A_862 = arith.index_cast %scan3A_255 : i32 to index
        %get3A_863 = arith.constant 800 : index
        %get3A_864 = tpu.vector_load %arg12[%get3A_861, %get3A_862, %get3A_863] {strides = array<i32>} : memref<2x40x1024xbf16, #tpu.memory_space<vmem>>, vector<32xbf16>,
        %get3A_865 = arith.constant 1 : i32
        %get3A_866 = arith.index_cast %get3A_865 : i32 to index
        %get3A_867 = arith.index_cast %scan3A_255 : i32 to index
        %get3A_868 = arith.constant 800 : index
        %get3A_869 = tpu.vector_load %arg13[%get3A_866, %get3A_867, %get3A_868] {strides = array<i32>} : memref<2x40x1024xbf16, #tpu.memory_space<vmem>>, vector<32xbf16>,
        %add3A_870 = arith.addf %get3A_864, %get3A_869 : vector<32xbf16>
        %unpack3A_871 = tpu.unpack_subelements %add3A_870, 0 {pack_format = #tpu.pack_format<interleaved>} : vector<32xbf16> -> vector<16xf32>
        %unpack3A_872 = tpu.unpack_subelements %add3A_870, 1 {pack_format = #tpu.pack_format<interleaved>} : vector<32xbf16> -> vector<16xf32>
        %tanh3A_873 = math.tanh %unpack3A_871 : vector<16xf32>
        %tanh3A_874 = math.tanh %unpack3A_872 : vector<16xf32>
        %slice3A_875 = vector.extract_strided_slice %mul3A_272 {offsets = [9], sizes = [1], strides = [1]} : vector<16xf32> to vector<1xf32>
        %squeeze3A_876 = vector.extract %slice3A_875[0] : f32 from vector<1xf32>
        %mul3A_877 = vector.broadcast %squeeze3A_876 : f32 to vector<16xf32>
        %mul3A_878 = arith.mulf %tanh3A_873, %mul3A_877 : vector<16xf32>
        %add3A_879 = arith.addf %add3A_787, %mul3A_878 : vector<16xf32>
        %mul3A_880 = vector.broadcast %squeeze3A_876 : f32 to vector<16xf32>
        %mul3A_881 = arith.mulf %tanh3A_874, %mul3A_880 : vector<16xf32>
        %add3A_882 = arith.addf %add3A_790, %mul3A_881 : vector<16xf32>
        %get3A_883 = arith.constant 1 : i32
        %get3A_884 = arith.index_cast %get3A_883 : i32 to index
        %get3A_885 = arith.index_cast %scan3A_255 : i32 to index
        %get3A_886 = arith.constant 832 : index
        %get3A_887 = tpu.vector_load %arg12[%get3A_884, %get3A_885, %get3A_886] {strides = array<i32>} : memref<2x40x1024xbf16, #tpu.memory_space<vmem>>, vector<32xbf16>,
        %get3A_888 = arith.constant 1 : i32
        %get3A_889 = arith.index_cast %get3A_888 : i32 to index
        %get3A_890 = arith.index_cast %scan3A_255 : i32 to index
        %get3A_891 = arith.constant 832 : index
        %get3A_892 = tpu.vector_load %arg13[%get3A_889, %get3A_890, %get3A_891] {strides = array<i32>} : memref<2x40x1024xbf16, #tpu.memory_space<vmem>>, vector<32xbf16>,
        %add3A_893 = arith.addf %get3A_887, %get3A_892 : vector<32xbf16>
        %unpack3A_894 = tpu.unpack_subelements %add3A_893, 0 {pack_format = #tpu.pack_format<interleaved>} : vector<32xbf16> -> vector<16xf32>
        %unpack3A_895 = tpu.unpack_subelements %add3A_893, 1 {pack_format = #tpu.pack_format<interleaved>} : vector<32xbf16> -> vector<16xf32>
        %tanh3A_896 = math.tanh %unpack3A_894 : vector<16xf32>
        %tanh3A_897 = math.tanh %unpack3A_895 : vector<16xf32>
        %slice3A_898 = vector.extract_strided_slice %mul3A_272 {offsets = [10], sizes = [1], strides = [1]} : vector<16xf32> to vector<1xf32>
        %squeeze3A_899 = vector.extract %slice3A_898[0] : f32 from vector<1xf32>
        %mul3A_900 = vector.broadcast %squeeze3A_899 : f32 to vector<16xf32>
        %mul3A_901 = arith.mulf %tanh3A_896, %mul3A_900 : vector<16xf32>
        %add3A_902 = arith.addf %add3A_810, %mul3A_901 : vector<16xf32>
        %mul3A_903 = vector.broadcast %squeeze3A_899 : f32 to vector<16xf32>
        %mul3A_904 = arith.mulf %tanh3A_897, %mul3A_903 : vector<16xf32>
        %add3A_905 = arith.addf %add3A_813, %mul3A_904 : vector<16xf32>
        %get3A_906 = arith.constant 1 : i32
        %get3A_907 = arith.index_cast %get3A_906 : i32 to index
        %get3A_908 = arith.index_cast %scan3A_255 : i32 to index
        %get3A_909 = arith.constant 864 : index
        %get3A_910 = tpu.vector_load %arg12[%get3A_907, %get3A_908, %get3A_909] {strides = array<i32>} : memref<2x40x1024xbf16, #tpu.memory_space<vmem>>, vector<32xbf16>,
        %get3A_911 = arith.constant 1 : i32
        %get3A_912 = arith.index_cast %get3A_911 : i32 to index
        %get3A_913 = arith.index_cast %scan3A_255 : i32 to index
        %get3A_914 = arith.constant 864 : index
        %get3A_915 = tpu.vector_load %arg13[%get3A_912, %get3A_913, %get3A_914] {strides = array<i32>} : memref<2x40x1024xbf16, #tpu.memory_space<vmem>>, vector<32xbf16>,
        %add3A_916 = arith.addf %get3A_910, %get3A_915 : vector<32xbf16>
        %unpack3A_917 = tpu.unpack_subelements %add3A_916, 0 {pack_format = #tpu.pack_format<interleaved>} : vector<32xbf16> -> vector<16xf32>
        %unpack3A_918 = tpu.unpack_subelements %add3A_916, 1 {pack_format = #tpu.pack_format<interleaved>} : vector<32xbf16> -> vector<16xf32>
        %tanh3A_919 = math.tanh %unpack3A_917 : vector<16xf32>
        %tanh3A_920 = math.tanh %unpack3A_918 : vector<16xf32>
        %slice3A_921 = vector.extract_strided_slice %mul3A_272 {offsets = [11], sizes = [1], strides = [1]} : vector<16xf32> to vector<1xf32>
        %squeeze3A_922 = vector.extract %slice3A_921[0] : f32 from vector<1xf32>
        %mul3A_923 = vector.broadcast %squeeze3A_922 : f32 to vector<16xf32>
        %mul3A_924 = arith.mulf %tanh3A_919, %mul3A_923 : vector<16xf32>
        %add3A_925 = arith.addf %add3A_833, %mul3A_924 : vector<16xf32>
        %mul3A_926 = vector.broadcast %squeeze3A_922 : f32 to vector<16xf32>
        %mul3A_927 = arith.mulf %tanh3A_920, %mul3A_926 : vector<16xf32>
        %add3A_928 = arith.addf %add3A_836, %mul3A_927 : vector<16xf32>
        %get3A_929 = arith.constant 1 : i32
        %get3A_930 = arith.index_cast %get3A_929 : i32 to index
        %get3A_931 = arith.index_cast %scan3A_255 : i32 to index
        %get3A_932 = arith.constant 896 : index
        %get3A_933 = tpu.vector_load %arg12[%get3A_930, %get3A_931, %get3A_932] {strides = array<i32>} : memref<2x40x1024xbf16, #tpu.memory_space<vmem>>, vector<32xbf16>,
        %get3A_934 = arith.constant 1 : i32
        %get3A_935 = arith.index_cast %get3A_934 : i32 to index
        %get3A_936 = arith.index_cast %scan3A_255 : i32 to index
        %get3A_937 = arith.constant 896 : index
        %get3A_938 = tpu.vector_load %arg13[%get3A_935, %get3A_936, %get3A_937] {strides = array<i32>} : memref<2x40x1024xbf16, #tpu.memory_space<vmem>>, vector<32xbf16>,
        %add3A_939 = arith.addf %get3A_933, %get3A_938 : vector<32xbf16>
        %unpack3A_940 = tpu.unpack_subelements %add3A_939, 0 {pack_format = #tpu.pack_format<interleaved>} : vector<32xbf16> -> vector<16xf32>
        %unpack3A_941 = tpu.unpack_subelements %add3A_939, 1 {pack_format = #tpu.pack_format<interleaved>} : vector<32xbf16> -> vector<16xf32>
        %tanh3A_942 = math.tanh %unpack3A_940 : vector<16xf32>
        %tanh3A_943 = math.tanh %unpack3A_941 : vector<16xf32>
        %slice3A_944 = vector.extract_strided_slice %mul3A_272 {offsets = [12], sizes = [1], strides = [1]} : vector<16xf32> to vector<1xf32>
        %squeeze3A_945 = vector.extract %slice3A_944[0] : f32 from vector<1xf32>
        %mul3A_946 = vector.broadcast %squeeze3A_945 : f32 to vector<16xf32>
        %mul3A_947 = arith.mulf %tanh3A_942, %mul3A_946 : vector<16xf32>
        %add3A_948 = arith.addf %add3A_856, %mul3A_947 : vector<16xf32>
        %mul3A_949 = vector.broadcast %squeeze3A_945 : f32 to vector<16xf32>
        %mul3A_950 = arith.mulf %tanh3A_943, %mul3A_949 : vector<16xf32>
        %add3A_951 = arith.addf %add3A_859, %mul3A_950 : vector<16xf32>
        %get3A_952 = arith.constant 1 : i32
        %get3A_953 = arith.index_cast %get3A_952 : i32 to index
        %get3A_954 = arith.index_cast %scan3A_255 : i32 to index
        %get3A_955 = arith.constant 928 : index
        %get3A_956 = tpu.vector_load %arg12[%get3A_953, %get3A_954, %get3A_955] {strides = array<i32>} : memref<2x40x1024xbf16, #tpu.memory_space<vmem>>, vector<32xbf16>,
        %get3A_957 = arith.constant 1 : i32
        %get3A_958 = arith.index_cast %get3A_957 : i32 to index
        %get3A_959 = arith.index_cast %scan3A_255 : i32 to index
        %get3A_960 = arith.constant 928 : index
        %get3A_961 = tpu.vector_load %arg13[%get3A_958, %get3A_959, %get3A_960] {strides = array<i32>} : memref<2x40x1024xbf16, #tpu.memory_space<vmem>>, vector<32xbf16>,
        %add3A_962 = arith.addf %get3A_956, %get3A_961 : vector<32xbf16>
        %unpack3A_963 = tpu.unpack_subelements %add3A_962, 0 {pack_format = #tpu.pack_format<interleaved>} : vector<32xbf16> -> vector<16xf32>
        %unpack3A_964 = tpu.unpack_subelements %add3A_962, 1 {pack_format = #tpu.pack_format<interleaved>} : vector<32xbf16> -> vector<16xf32>
        %tanh3A_965 = math.tanh %unpack3A_963 : vector<16xf32>
        %tanh3A_966 = math.tanh %unpack3A_964 : vector<16xf32>
        %slice3A_967 = vector.extract_strided_slice %mul3A_272 {offsets = [13], sizes = [1], strides = [1]} : vector<16xf32> to vector<1xf32>
        %squeeze3A_968 = vector.extract %slice3A_967[0] : f32 from vector<1xf32>
        %mul3A_969 = vector.broadcast %squeeze3A_968 : f32 to vector<16xf32>
        %mul3A_970 = arith.mulf %tanh3A_965, %mul3A_969 : vector<16xf32>
        %add3A_971 = arith.addf %add3A_879, %mul3A_970 : vector<16xf32>
        %mul3A_972 = vector.broadcast %squeeze3A_968 : f32 to vector<16xf32>
        %mul3A_973 = arith.mulf %tanh3A_966, %mul3A_972 : vector<16xf32>
        %add3A_974 = arith.addf %add3A_882, %mul3A_973 : vector<16xf32>
        %get3A_975 = arith.constant 1 : i32
        %get3A_976 = arith.index_cast %get3A_975 : i32 to index
        %get3A_977 = arith.index_cast %scan3A_255 : i32 to index
        %get3A_978 = arith.constant 960 : index
        %get3A_979 = tpu.vector_load %arg12[%get3A_976, %get3A_977, %get3A_978] {strides = array<i32>} : memref<2x40x1024xbf16, #tpu.memory_space<vmem>>, vector<32xbf16>,
        %get3A_980 = arith.constant 1 : i32
        %get3A_981 = arith.index_cast %get3A_980 : i32 to index
        %get3A_982 = arith.index_cast %scan3A_255 : i32 to index
        %get3A_983 = arith.constant 960 : index
        %get3A_984 = tpu.vector_load %arg13[%get3A_981, %get3A_982, %get3A_983] {strides = array<i32>} : memref<2x40x1024xbf16, #tpu.memory_space<vmem>>, vector<32xbf16>,
        %add3A_985 = arith.addf %get3A_979, %get3A_984 : vector<32xbf16>
        %unpack3A_986 = tpu.unpack_subelements %add3A_985, 0 {pack_format = #tpu.pack_format<interleaved>} : vector<32xbf16> -> vector<16xf32>
        %unpack3A_987 = tpu.unpack_subelements %add3A_985, 1 {pack_format = #tpu.pack_format<interleaved>} : vector<32xbf16> -> vector<16xf32>
        %tanh3A_988 = math.tanh %unpack3A_986 : vector<16xf32>
        %tanh3A_989 = math.tanh %unpack3A_987 : vector<16xf32>
        %slice3A_990 = vector.extract_strided_slice %mul3A_272 {offsets = [14], sizes = [1], strides = [1]} : vector<16xf32> to vector<1xf32>
        %squeeze3A_991 = vector.extract %slice3A_990[0] : f32 from vector<1xf32>
        %mul3A_992 = vector.broadcast %squeeze3A_991 : f32 to vector<16xf32>
        %mul3A_993 = arith.mulf %tanh3A_988, %mul3A_992 : vector<16xf32>
        %add3A_994 = arith.addf %add3A_902, %mul3A_993 : vector<16xf32>
        %mul3A_995 = vector.broadcast %squeeze3A_991 : f32 to vector<16xf32>
        %mul3A_996 = arith.mulf %tanh3A_989, %mul3A_995 : vector<16xf32>
        %add3A_997 = arith.addf %add3A_905, %mul3A_996 : vector<16xf32>
        %get3A_998 = arith.constant 1 : i32
        %get3A_999 = arith.index_cast %get3A_998 : i32 to index
        %get3A_1000 = arith.index_cast %scan3A_255 : i32 to index
        %get3A_1001 = arith.constant 992 : index
        %get3A_1002 = tpu.vector_load %arg12[%get3A_999, %get3A_1000, %get3A_1001] {strides = array<i32>} : memref<2x40x1024xbf16, #tpu.memory_space<vmem>>, vector<32xbf16>,
        %get3A_1003 = arith.constant 1 : i32
        %get3A_1004 = arith.index_cast %get3A_1003 : i32 to index
        %get3A_1005 = arith.index_cast %scan3A_255 : i32 to index
        %get3A_1006 = arith.constant 992 : index
        %get3A_1007 = tpu.vector_load %arg13[%get3A_1004, %get3A_1005, %get3A_1006] {strides = array<i32>} : memref<2x40x1024xbf16, #tpu.memory_space<vmem>>, vector<32xbf16>,
        %add3A_1008 = arith.addf %get3A_1002, %get3A_1007 : vector<32xbf16>
        %unpack3A_1009 = tpu.unpack_subelements %add3A_1008, 0 {pack_format = #tpu.pack_format<interleaved>} : vector<32xbf16> -> vector<16xf32>
        %unpack3A_1010 = tpu.unpack_subelements %add3A_1008, 1 {pack_format = #tpu.pack_format<interleaved>} : vector<32xbf16> -> vector<16xf32>
        %tanh3A_1011 = math.tanh %unpack3A_1009 : vector<16xf32>
        %tanh3A_1012 = math.tanh %unpack3A_1010 : vector<16xf32>
        %slice3A_1013 = vector.extract_strided_slice %mul3A_272 {offsets = [15], sizes = [1], strides = [1]} : vector<16xf32> to vector<1xf32>
        %squeeze3A_1014 = vector.extract %slice3A_1013[0] : f32 from vector<1xf32>
        %mul3A_1015 = vector.broadcast %squeeze3A_1014 : f32 to vector<16xf32>
        %mul3A_1016 = arith.mulf %tanh3A_1011, %mul3A_1015 : vector<16xf32>
        %add3A_1017 = arith.addf %add3A_925, %mul3A_1016 : vector<16xf32>
        %mul3A_1018 = vector.broadcast %squeeze3A_1014 : f32 to vector<16xf32>
        %mul3A_1019 = arith.mulf %tanh3A_1012, %mul3A_1018 : vector<16xf32>
        %add3A_1020 = arith.addf %add3A_928, %mul3A_1019 : vector<16xf32>
        %add3A_1021 = arith.addf %add3A_948, %add3A_971 : vector<16xf32>
        %add3A_1022 = arith.addf %add3A_994, %add3A_1017 : vector<16xf32>
        %add3A_1023 = arith.addf %add3A_1021, %add3A_1022 : vector<16xf32>
        %add3A_1024 = arith.addf %add3A_951, %add3A_974 : vector<16xf32>
        %add3A_1025 = arith.addf %add3A_997, %add3A_1020 : vector<16xf32>
        %add3A_1026 = arith.addf %add3A_1024, %add3A_1025 : vector<16xf32>
        %swap3A = arith.index_cast %scan3A_255 : i32 to index
        %swap3A_1027 = arith.constant 0 : index
        %swap3A_1028 = tpu.vector_load %arg15[%swap3A, %swap3A_1027] {strides = array<i32>} : memref<40x32xf32, #tpu.memory_space<vmem>>, vector<16xf32>,
        tpu.vector_store %arg15[%swap3A, %swap3A_1027], %add3A_1023 {strides = array<i32>} : memref<40x32xf32, #tpu.memory_space<vmem>>, vector<16xf32>,
        %swap3A_1029 = arith.index_cast %scan3A_255 : i32 to index
        %swap3A_1030 = arith.constant 16 : index
        %swap3A_1031 = tpu.vector_load %arg15[%swap3A_1029, %swap3A_1030] {strides = array<i32>} : memref<40x32xf32, #tpu.memory_space<vmem>>, vector<16xf32>,
        tpu.vector_store %arg15[%swap3A_1029, %swap3A_1030], %add3A_1026 {strides = array<i32>} : memref<40x32xf32, #tpu.memory_space<vmem>>, vector<16xf32>,
      }
      %scan3A_254 = arith.constant 40 : i32
      "tpu.region"() ({
        %run_scoped3A_255 = tpu.sem_alloc : memref<!tpu.dma_semaphore, #tpu.memory_space<semaphore_mem>>
        %dma_start3A_256 = arith.constant 0 : i32
        %dma_start3A_257 = tpu.memref_slice %arg9[%add3A_180, %dma_start3A_256] : memref<125x40xi32, #tpu.memory_space<vmem>> -> memref<1x40xi32, #tpu.memory_space<vmem>>
        %dma_start3A_258 = tpu.memref_squeeze %dma_start3A_257 : memref<1x40xi32, #tpu.memory_space<vmem>> -> memref<40xi32, #tpu.memory_space<vmem>>
        %dma_start3A_259 = arith.constant 0 : i32
        %dma_start3A_260 = arith.constant 0 : i32
        %dma_start3A_261 = tpu.memref_slice %arg17[%dma_start3A_259, %dma_start3A_260] : memref<10240x32xf32, #tpu.memory_space<vmem_shared>> -> memref<10240x32xf32, #tpu.memory_space<vmem_shared>>
        tpu.enqueue_indirect_dma source(%arg15 : memref<40x32xf32, #tpu.memory_space<vmem>>) target(%dma_start3A_261 : memref<10240x32xf32, #tpu.memory_space<vmem_shared>>) offsets(%dma_start3A_258 : memref<40xi32, #tpu.memory_space<vmem>>) semaphore(%run_scoped3A_255 : memref<!tpu.dma_semaphore, #tpu.memory_space<semaphore_mem>>) {add = true}
        %dma_wait3A_262 = arith.constant 0 : i32
        %dma_wait3A_263 = tpu.memref_slice %arg9[%add3A_180, %dma_wait3A_262] : memref<125x40xi32, #tpu.memory_space<vmem>> -> memref<1x40xi32, #tpu.memory_space<vmem>>
        %dma_wait3A_264 = tpu.memref_squeeze %dma_wait3A_263 : memref<1x40xi32, #tpu.memory_space<vmem>> -> memref<40xi32, #tpu.memory_space<vmem>>
        %dma_wait3A_265 = arith.constant 0 : i32
        %dma_wait3A_266 = arith.constant 0 : i32
        %dma_wait3A_267 = tpu.memref_slice %arg17[%dma_wait3A_265, %dma_wait3A_266] : memref<10240x32xf32, #tpu.memory_space<vmem_shared>> -> memref<10240x32xf32, #tpu.memory_space<vmem_shared>>
        tpu.wait_indirect_dma semaphore(%run_scoped3A_255 : memref<!tpu.dma_semaphore, #tpu.memory_space<semaphore_mem>>) src(%arg15 : memref<40x32xf32, #tpu.memory_space<vmem>>) dst(%dma_wait3A_267 : memref<10240x32xf32, #tpu.memory_space<vmem_shared>>)
        tpu.yield
      }) : () -> ()
    }
    %scan3A_53 = arith.constant 62 : i32
    %dma_wait3A = arith.constant 124 : i32
    %dma_wait3A_54 = arith.constant 0 : i32
    %dma_wait3A_55 = arith.constant 0 : i32
    %dma_wait3A_56 = arith.constant 0 : i32
    %dma_wait3A_57 = tpu.memref_slice %arg12[%dma_wait3A_54, %dma_wait3A_55, %dma_wait3A_56] : memref<2x40x1024xbf16, #tpu.memory_space<vmem>> -> memref<1x40x1024xbf16, #tpu.memory_space<vmem>>
    %dma_wait3A_58 = tpu.memref_squeeze %dma_wait3A_57 : memref<1x40x1024xbf16, #tpu.memory_space<vmem>> -> memref<40x1024xbf16, #tpu.memory_space<vmem>>
    %dma_wait3A_59 = arith.constant 0 : i32
    %dma_wait3A_60 = tpu.memref_slice %arg9[%dma_wait3A, %dma_wait3A_59] : memref<125x40xi32, #tpu.memory_space<vmem>> -> memref<1x40xi32, #tpu.memory_space<vmem>>
    %dma_wait3A_61 = tpu.memref_squeeze %dma_wait3A_60 : memref<1x40xi32, #tpu.memory_space<vmem>> -> memref<40xi32, #tpu.memory_space<vmem>>
    %dma_wait3A_62 = arith.constant 0 : i32
    %dma_wait3A_63 = arith.constant 0 : i32
    %dma_wait3A_64 = tpu.memref_slice %arg2[%dma_wait3A_62, %dma_wait3A_63] : memref<10000x1024xbf16, #tpu.memory_space<hbm>> -> memref<10000x1024xbf16, #tpu.memory_space<hbm>>
    tpu.wait_indirect_dma semaphore(%arg18 : memref<!tpu.dma_semaphore, #tpu.memory_space<semaphore_mem>>) src(%dma_wait3A_64 : memref<10000x1024xbf16, #tpu.memory_space<hbm>>) dst(%dma_wait3A_58 : memref<40x1024xbf16, #tpu.memory_space<vmem>>)
    %dma_wait3A_65 = arith.constant 124 : i32
    %dma_wait3A_66 = arith.constant 0 : i32
    %dma_wait3A_67 = arith.constant 0 : i32
    %dma_wait3A_68 = arith.constant 0 : i32
    %dma_wait3A_69 = tpu.memref_slice %arg13[%dma_wait3A_66, %dma_wait3A_67, %dma_wait3A_68] : memref<2x40x1024xbf16, #tpu.memory_space<vmem>> -> memref<1x40x1024xbf16, #tpu.memory_space<vmem>>
    %dma_wait3A_70 = tpu.memref_squeeze %dma_wait3A_69 : memref<1x40x1024xbf16, #tpu.memory_space<vmem>> -> memref<40x1024xbf16, #tpu.memory_space<vmem>>
    %dma_wait3A_71 = arith.constant 0 : i32
    %dma_wait3A_72 = tpu.memref_slice %arg10[%dma_wait3A_65, %dma_wait3A_71] : memref<125x40xi32, #tpu.memory_space<vmem>> -> memref<1x40xi32, #tpu.memory_space<vmem>>
    %dma_wait3A_73 = tpu.memref_squeeze %dma_wait3A_72 : memref<1x40xi32, #tpu.memory_space<vmem>> -> memref<40xi32, #tpu.memory_space<vmem>>
    %dma_wait3A_74 = arith.constant 0 : i32
    %dma_wait3A_75 = arith.constant 0 : i32
    %dma_wait3A_76 = tpu.memref_slice %arg3[%dma_wait3A_74, %dma_wait3A_75] : memref<10000x1024xbf16, #tpu.memory_space<hbm>> -> memref<10000x1024xbf16, #tpu.memory_space<hbm>>
    tpu.wait_indirect_dma semaphore(%arg20 : memref<!tpu.dma_semaphore, #tpu.memory_space<semaphore_mem>>) src(%dma_wait3A_76 : memref<10000x1024xbf16, #tpu.memory_space<hbm>>) dst(%dma_wait3A_70 : memref<40x1024xbf16, #tpu.memory_space<vmem>>)
    %dma_wait3A_77 = arith.constant 124 : i32
    %dma_wait3A_78 = arith.constant 0 : i32
    %dma_wait3A_79 = arith.constant 0 : i32
    %dma_wait3A_80 = arith.constant 0 : i32
    %dma_wait3A_81 = tpu.memref_slice %arg14[%dma_wait3A_78, %dma_wait3A_79, %dma_wait3A_80] : memref<2x40x32xf32, #tpu.memory_space<vmem>> -> memref<1x40x32xf32, #tpu.memory_space<vmem>>
    %dma_wait3A_82 = tpu.memref_squeeze %dma_wait3A_81 : memref<1x40x32xf32, #tpu.memory_space<vmem>> -> memref<40x32xf32, #tpu.memory_space<vmem>>
    %dma_wait3A_83 = arith.constant 0 : i32
    %dma_wait3A_84 = tpu.memref_slice %arg9[%dma_wait3A_77, %dma_wait3A_83] : memref<125x40xi32, #tpu.memory_space<vmem>> -> memref<1x40xi32, #tpu.memory_space<vmem>>
    %dma_wait3A_85 = tpu.memref_squeeze %dma_wait3A_84 : memref<1x40xi32, #tpu.memory_space<vmem>> -> memref<40xi32, #tpu.memory_space<vmem>>
    %dma_wait3A_86 = arith.constant 0 : i32
    %dma_wait3A_87 = arith.constant 0 : i32
    %dma_wait3A_88 = tpu.memref_slice %arg4[%dma_wait3A_86, %dma_wait3A_87] : memref<10000x32xf32, #tpu.memory_space<hbm>> -> memref<10000x32xf32, #tpu.memory_space<hbm>>
    tpu.wait_indirect_dma semaphore(%arg22 : memref<!tpu.dma_semaphore, #tpu.memory_space<semaphore_mem>>) src(%dma_wait3A_88 : memref<10000x32xf32, #tpu.memory_space<hbm>>) dst(%dma_wait3A_82 : memref<40x32xf32, #tpu.memory_space<vmem>>)
    %scan3A_89 = arith.constant 0 : i32
    %scan3A_90 = arith.constant 0 : i32
    %scan3A_91 = arith.constant 40 : i32
    %scan3A_92 = arith.addi %scan3A_90, %scan3A_91 : i32
    %scan3A_93 = arith.constant 1 : i32
    scf.for %scan3A_98 = %scan3A_90 to %scan3A_92 step %scan3A_93  : i32 {
      %add3A_99 = arith.constant 4960 : i32
      %add3A_100 = arith.addi %add3A_99, %scan3A_98 : i32
      %broadcast_in_dim3A_101 = vector.broadcast %add3A_100 : i32 to vector<16xi32>
      %gather3A = tpu.vector_load_idx %arg11[%broadcast_in_dim3A_101] : memref<5000xf32, #tpu.memory_space<vmem>>[vector<16xi32>], vector<16xf32>,
      %div3A = arith.constant 2.812500e-02 : f32
      %div3A_102 = vector.broadcast %div3A : f32 to vector<16xf32>
      %div3A_103 = arith.divf %div3A_102, %gather3A : vector<16xf32>
      %get3A = arith.constant 0 : i32
      %get3A_104 = arith.index_cast %get3A : i32 to index
      %get3A_105 = arith.index_cast %scan3A_98 : i32 to index
      %get3A_106 = arith.constant 0 : index
      %get3A_107 = tpu.vector_load %arg14[%get3A_104, %get3A_105, %get3A_106] {strides = array<i32>} : memref<2x40x32xf32, #tpu.memory_space<vmem>>, vector<16xf32>,
      %mul3A_108 = arith.mulf %get3A_107, %div3A_103 : vector<16xf32>
      %get3A_109 = arith.constant 0 : i32
      %get3A_110 = arith.index_cast %get3A_109 : i32 to index
      %get3A_111 = arith.index_cast %scan3A_98 : i32 to index
      %get3A_112 = arith.constant 16 : index
      %get3A_113 = tpu.vector_load %arg14[%get3A_110, %get3A_111, %get3A_112] {strides = array<i32>} : memref<2x40x32xf32, #tpu.memory_space<vmem>>, vector<16xf32>,
      %mul3A_114 = arith.mulf %get3A_113, %div3A_103 : vector<16xf32>
      %broadcast_in_dim3A_115 = arith.constant 0.000000e+00 : f32
      %broadcast_in_dim3A_116 = vector.broadcast %broadcast_in_dim3A_115 : f32 to vector<16xf32>
      %broadcast_in_dim3A_117 = arith.constant 0.000000e+00 : f32
      %broadcast_in_dim3A_118 = vector.broadcast %broadcast_in_dim3A_117 : f32 to vector<16xf32>
      %broadcast_in_dim3A_119 = arith.constant 0.000000e+00 : f32
      %broadcast_in_dim3A_120 = vector.broadcast %broadcast_in_dim3A_119 : f32 to vector<16xf32>
      %broadcast_in_dim3A_121 = arith.constant 0.000000e+00 : f32
      %broadcast_in_dim3A_122 = vector.broadcast %broadcast_in_dim3A_121 : f32 to vector<16xf32>
      %broadcast_in_dim3A_123 = arith.constant 0.000000e+00 : f32
      %broadcast_in_dim3A_124 = vector.broadcast %broadcast_in_dim3A_123 : f32 to vector<16xf32>
      %broadcast_in_dim3A_125 = arith.constant 0.000000e+00 : f32
      %broadcast_in_dim3A_126 = vector.broadcast %broadcast_in_dim3A_125 : f32 to vector<16xf32>
      %broadcast_in_dim3A_127 = arith.constant 0.000000e+00 : f32
      %broadcast_in_dim3A_128 = vector.broadcast %broadcast_in_dim3A_127 : f32 to vector<16xf32>
      %broadcast_in_dim3A_129 = arith.constant 0.000000e+00 : f32
      %broadcast_in_dim3A_130 = vector.broadcast %broadcast_in_dim3A_129 : f32 to vector<16xf32>
      %get3A_131 = arith.constant 0 : i32
      %get3A_132 = arith.index_cast %get3A_131 : i32 to index
      %get3A_133 = arith.index_cast %scan3A_98 : i32 to index
      %get3A_134 = arith.constant 0 : index
      %get3A_135 = tpu.vector_load %arg12[%get3A_132, %get3A_133, %get3A_134] {strides = array<i32>} : memref<2x40x1024xbf16, #tpu.memory_space<vmem>>, vector<32xbf16>,
      %get3A_136 = arith.constant 0 : i32
      %get3A_137 = arith.index_cast %get3A_136 : i32 to index
      %get3A_138 = arith.index_cast %scan3A_98 : i32 to index
      %get3A_139 = arith.constant 0 : index
      %get3A_140 = tpu.vector_load %arg13[%get3A_137, %get3A_138, %get3A_139] {strides = array<i32>} : memref<2x40x1024xbf16, #tpu.memory_space<vmem>>, vector<32xbf16>,
      %add3A_141 = arith.addf %get3A_135, %get3A_140 : vector<32xbf16>
      %unpack3A = tpu.unpack_subelements %add3A_141, 0 {pack_format = #tpu.pack_format<interleaved>} : vector<32xbf16> -> vector<16xf32>
      %unpack3A_142 = tpu.unpack_subelements %add3A_141, 1 {pack_format = #tpu.pack_format<interleaved>} : vector<32xbf16> -> vector<16xf32>
      %tanh3A = math.tanh %unpack3A : vector<16xf32>
      %tanh3A_143 = math.tanh %unpack3A_142 : vector<16xf32>
      %slice3A = vector.extract_strided_slice %mul3A_108 {offsets = [0], sizes = [1], strides = [1]} : vector<16xf32> to vector<1xf32>
      %squeeze3A = vector.extract %slice3A[0] : f32 from vector<1xf32>
      %mul3A_144 = vector.broadcast %squeeze3A : f32 to vector<16xf32>
      %mul3A_145 = arith.mulf %tanh3A, %mul3A_144 : vector<16xf32>
      %add3A_146 = arith.addf %broadcast_in_dim3A_116, %mul3A_145 : vector<16xf32>
      %mul3A_147 = vector.broadcast %squeeze3A : f32 to vector<16xf32>
      %mul3A_148 = arith.mulf %tanh3A_143, %mul3A_147 : vector<16xf32>
      %add3A_149 = arith.addf %broadcast_in_dim3A_124, %mul3A_148 : vector<16xf32>
      %get3A_150 = arith.constant 0 : i32
      %get3A_151 = arith.index_cast %get3A_150 : i32 to index
      %get3A_152 = arith.index_cast %scan3A_98 : i32 to index
      %get3A_153 = arith.constant 32 : index
      %get3A_154 = tpu.vector_load %arg12[%get3A_151, %get3A_152, %get3A_153] {strides = array<i32>} : memref<2x40x1024xbf16, #tpu.memory_space<vmem>>, vector<32xbf16>,
      %get3A_155 = arith.constant 0 : i32
      %get3A_156 = arith.index_cast %get3A_155 : i32 to index
      %get3A_157 = arith.index_cast %scan3A_98 : i32 to index
      %get3A_158 = arith.constant 32 : index
      %get3A_159 = tpu.vector_load %arg13[%get3A_156, %get3A_157, %get3A_158] {strides = array<i32>} : memref<2x40x1024xbf16, #tpu.memory_space<vmem>>, vector<32xbf16>,
      %add3A_160 = arith.addf %get3A_154, %get3A_159 : vector<32xbf16>
      %unpack3A_161 = tpu.unpack_subelements %add3A_160, 0 {pack_format = #tpu.pack_format<interleaved>} : vector<32xbf16> -> vector<16xf32>
      %unpack3A_162 = tpu.unpack_subelements %add3A_160, 1 {pack_format = #tpu.pack_format<interleaved>} : vector<32xbf16> -> vector<16xf32>
      %tanh3A_163 = math.tanh %unpack3A_161 : vector<16xf32>
      %tanh3A_164 = math.tanh %unpack3A_162 : vector<16xf32>
      %slice3A_165 = vector.extract_strided_slice %mul3A_108 {offsets = [1], sizes = [1], strides = [1]} : vector<16xf32> to vector<1xf32>
      %squeeze3A_166 = vector.extract %slice3A_165[0] : f32 from vector<1xf32>
      %mul3A_167 = vector.broadcast %squeeze3A_166 : f32 to vector<16xf32>
      %mul3A_168 = arith.mulf %tanh3A_163, %mul3A_167 : vector<16xf32>
      %add3A_169 = arith.addf %broadcast_in_dim3A_118, %mul3A_168 : vector<16xf32>
      %mul3A_170 = vector.broadcast %squeeze3A_166 : f32 to vector<16xf32>
      %mul3A_171 = arith.mulf %tanh3A_164, %mul3A_170 : vector<16xf32>
      %add3A_172 = arith.addf %broadcast_in_dim3A_126, %mul3A_171 : vector<16xf32>
      %get3A_173 = arith.constant 0 : i32
      %get3A_174 = arith.index_cast %get3A_173 : i32 to index
      %get3A_175 = arith.index_cast %scan3A_98 : i32 to index
      %get3A_176 = arith.constant 64 : index
      %get3A_177 = tpu.vector_load %arg12[%get3A_174, %get3A_175, %get3A_176] {strides = array<i32>} : memref<2x40x1024xbf16, #tpu.memory_space<vmem>>, vector<32xbf16>,
      %get3A_178 = arith.constant 0 : i32
      %get3A_179 = arith.index_cast %get3A_178 : i32 to index
      %get3A_180 = arith.index_cast %scan3A_98 : i32 to index
      %get3A_181 = arith.constant 64 : index
      %get3A_182 = tpu.vector_load %arg13[%get3A_179, %get3A_180, %get3A_181] {strides = array<i32>} : memref<2x40x1024xbf16, #tpu.memory_space<vmem>>, vector<32xbf16>,
      %add3A_183 = arith.addf %get3A_177, %get3A_182 : vector<32xbf16>
      %unpack3A_184 = tpu.unpack_subelements %add3A_183, 0 {pack_format = #tpu.pack_format<interleaved>} : vector<32xbf16> -> vector<16xf32>
      %unpack3A_185 = tpu.unpack_subelements %add3A_183, 1 {pack_format = #tpu.pack_format<interleaved>} : vector<32xbf16> -> vector<16xf32>
      %tanh3A_186 = math.tanh %unpack3A_184 : vector<16xf32>
      %tanh3A_187 = math.tanh %unpack3A_185 : vector<16xf32>
      %slice3A_188 = vector.extract_strided_slice %mul3A_108 {offsets = [2], sizes = [1], strides = [1]} : vector<16xf32> to vector<1xf32>
      %squeeze3A_189 = vector.extract %slice3A_188[0] : f32 from vector<1xf32>
      %mul3A_190 = vector.broadcast %squeeze3A_189 : f32 to vector<16xf32>
      %mul3A_191 = arith.mulf %tanh3A_186, %mul3A_190 : vector<16xf32>
      %add3A_192 = arith.addf %broadcast_in_dim3A_120, %mul3A_191 : vector<16xf32>
      %mul3A_193 = vector.broadcast %squeeze3A_189 : f32 to vector<16xf32>
      %mul3A_194 = arith.mulf %tanh3A_187, %mul3A_193 : vector<16xf32>
      %add3A_195 = arith.addf %broadcast_in_dim3A_128, %mul3A_194 : vector<16xf32>
      %get3A_196 = arith.constant 0 : i32
      %get3A_197 = arith.index_cast %get3A_196 : i32 to index
      %get3A_198 = arith.index_cast %scan3A_98 : i32 to index
      %get3A_199 = arith.constant 96 : index
      %get3A_200 = tpu.vector_load %arg12[%get3A_197, %get3A_198, %get3A_199] {strides = array<i32>} : memref<2x40x1024xbf16, #tpu.memory_space<vmem>>, vector<32xbf16>,
      %get3A_201 = arith.constant 0 : i32
      %get3A_202 = arith.index_cast %get3A_201 : i32 to index
      %get3A_203 = arith.index_cast %scan3A_98 : i32 to index
      %get3A_204 = arith.constant 96 : index
      %get3A_205 = tpu.vector_load %arg13[%get3A_202, %get3A_203, %get3A_204] {strides = array<i32>} : memref<2x40x1024xbf16, #tpu.memory_space<vmem>>, vector<32xbf16>,
      %add3A_206 = arith.addf %get3A_200, %get3A_205 : vector<32xbf16>
      %unpack3A_207 = tpu.unpack_subelements %add3A_206, 0 {pack_format = #tpu.pack_format<interleaved>} : vector<32xbf16> -> vector<16xf32>
      %unpack3A_208 = tpu.unpack_subelements %add3A_206, 1 {pack_format = #tpu.pack_format<interleaved>} : vector<32xbf16> -> vector<16xf32>
      %tanh3A_209 = math.tanh %unpack3A_207 : vector<16xf32>
      %tanh3A_210 = math.tanh %unpack3A_208 : vector<16xf32>
      %slice3A_211 = vector.extract_strided_slice %mul3A_108 {offsets = [3], sizes = [1], strides = [1]} : vector<16xf32> to vector<1xf32>
      %squeeze3A_212 = vector.extract %slice3A_211[0] : f32 from vector<1xf32>
      %mul3A_213 = vector.broadcast %squeeze3A_212 : f32 to vector<16xf32>
      %mul3A_214 = arith.mulf %tanh3A_209, %mul3A_213 : vector<16xf32>
      %add3A_215 = arith.addf %broadcast_in_dim3A_122, %mul3A_214 : vector<16xf32>
      %mul3A_216 = vector.broadcast %squeeze3A_212 : f32 to vector<16xf32>
      %mul3A_217 = arith.mulf %tanh3A_210, %mul3A_216 : vector<16xf32>
      %add3A_218 = arith.addf %broadcast_in_dim3A_130, %mul3A_217 : vector<16xf32>
      %get3A_219 = arith.constant 0 : i32
      %get3A_220 = arith.index_cast %get3A_219 : i32 to index
      %get3A_221 = arith.index_cast %scan3A_98 : i32 to index
      %get3A_222 = arith.constant 128 : index
      %get3A_223 = tpu.vector_load %arg12[%get3A_220, %get3A_221, %get3A_222] {strides = array<i32>} : memref<2x40x1024xbf16, #tpu.memory_space<vmem>>, vector<32xbf16>,
      %get3A_224 = arith.constant 0 : i32
      %get3A_225 = arith.index_cast %get3A_224 : i32 to index
      %get3A_226 = arith.index_cast %scan3A_98 : i32 to index
      %get3A_227 = arith.constant 128 : index
      %get3A_228 = tpu.vector_load %arg13[%get3A_225, %get3A_226, %get3A_227] {strides = array<i32>} : memref<2x40x1024xbf16, #tpu.memory_space<vmem>>, vector<32xbf16>,
      %add3A_229 = arith.addf %get3A_223, %get3A_228 : vector<32xbf16>
      %unpack3A_230 = tpu.unpack_subelements %add3A_229, 0 {pack_format = #tpu.pack_format<interleaved>} : vector<32xbf16> -> vector<16xf32>
      %unpack3A_231 = tpu.unpack_subelements %add3A_229, 1 {pack_format = #tpu.pack_format<interleaved>} : vector<32xbf16> -> vector<16xf32>
      %tanh3A_232 = math.tanh %unpack3A_230 : vector<16xf32>
      %tanh3A_233 = math.tanh %unpack3A_231 : vector<16xf32>
      %slice3A_234 = vector.extract_strided_slice %mul3A_108 {offsets = [4], sizes = [1], strides = [1]} : vector<16xf32> to vector<1xf32>
      %squeeze3A_235 = vector.extract %slice3A_234[0] : f32 from vector<1xf32>
      %mul3A_236 = vector.broadcast %squeeze3A_235 : f32 to vector<16xf32>
      %mul3A_237 = arith.mulf %tanh3A_232, %mul3A_236 : vector<16xf32>
      %add3A_238 = arith.addf %add3A_146, %mul3A_237 : vector<16xf32>
      %mul3A_239 = vector.broadcast %squeeze3A_235 : f32 to vector<16xf32>
      %mul3A_240 = arith.mulf %tanh3A_233, %mul3A_239 : vector<16xf32>
      %add3A_241 = arith.addf %add3A_149, %mul3A_240 : vector<16xf32>
      %get3A_242 = arith.constant 0 : i32
      %get3A_243 = arith.index_cast %get3A_242 : i32 to index
      %get3A_244 = arith.index_cast %scan3A_98 : i32 to index
      %get3A_245 = arith.constant 160 : index
      %get3A_246 = tpu.vector_load %arg12[%get3A_243, %get3A_244, %get3A_245] {strides = array<i32>} : memref<2x40x1024xbf16, #tpu.memory_space<vmem>>, vector<32xbf16>,
      %get3A_247 = arith.constant 0 : i32
      %get3A_248 = arith.index_cast %get3A_247 : i32 to index
      %get3A_249 = arith.index_cast %scan3A_98 : i32 to index
      %get3A_250 = arith.constant 160 : index
      %get3A_251 = tpu.vector_load %arg13[%get3A_248, %get3A_249, %get3A_250] {strides = array<i32>} : memref<2x40x1024xbf16, #tpu.memory_space<vmem>>, vector<32xbf16>,
      %add3A_252 = arith.addf %get3A_246, %get3A_251 : vector<32xbf16>
      %unpack3A_253 = tpu.unpack_subelements %add3A_252, 0 {pack_format = #tpu.pack_format<interleaved>} : vector<32xbf16> -> vector<16xf32>
      %unpack3A_254 = tpu.unpack_subelements %add3A_252, 1 {pack_format = #tpu.pack_format<interleaved>} : vector<32xbf16> -> vector<16xf32>
      %tanh3A_255 = math.tanh %unpack3A_253 : vector<16xf32>
      %tanh3A_256 = math.tanh %unpack3A_254 : vector<16xf32>
      %slice3A_257 = vector.extract_strided_slice %mul3A_108 {offsets = [5], sizes = [1], strides = [1]} : vector<16xf32> to vector<1xf32>
      %squeeze3A_258 = vector.extract %slice3A_257[0] : f32 from vector<1xf32>
      %mul3A_259 = vector.broadcast %squeeze3A_258 : f32 to vector<16xf32>
      %mul3A_260 = arith.mulf %tanh3A_255, %mul3A_259 : vector<16xf32>
      %add3A_261 = arith.addf %add3A_169, %mul3A_260 : vector<16xf32>
      %mul3A_262 = vector.broadcast %squeeze3A_258 : f32 to vector<16xf32>
      %mul3A_263 = arith.mulf %tanh3A_256, %mul3A_262 : vector<16xf32>
      %add3A_264 = arith.addf %add3A_172, %mul3A_263 : vector<16xf32>
      %get3A_265 = arith.constant 0 : i32
      %get3A_266 = arith.index_cast %get3A_265 : i32 to index
      %get3A_267 = arith.index_cast %scan3A_98 : i32 to index
      %get3A_268 = arith.constant 192 : index
      %get3A_269 = tpu.vector_load %arg12[%get3A_266, %get3A_267, %get3A_268] {strides = array<i32>} : memref<2x40x1024xbf16, #tpu.memory_space<vmem>>, vector<32xbf16>,
      %get3A_270 = arith.constant 0 : i32
      %get3A_271 = arith.index_cast %get3A_270 : i32 to index
      %get3A_272 = arith.index_cast %scan3A_98 : i32 to index
      %get3A_273 = arith.constant 192 : index
      %get3A_274 = tpu.vector_load %arg13[%get3A_271, %get3A_272, %get3A_273] {strides = array<i32>} : memref<2x40x1024xbf16, #tpu.memory_space<vmem>>, vector<32xbf16>,
      %add3A_275 = arith.addf %get3A_269, %get3A_274 : vector<32xbf16>
      %unpack3A_276 = tpu.unpack_subelements %add3A_275, 0 {pack_format = #tpu.pack_format<interleaved>} : vector<32xbf16> -> vector<16xf32>
      %unpack3A_277 = tpu.unpack_subelements %add3A_275, 1 {pack_format = #tpu.pack_format<interleaved>} : vector<32xbf16> -> vector<16xf32>
      %tanh3A_278 = math.tanh %unpack3A_276 : vector<16xf32>
      %tanh3A_279 = math.tanh %unpack3A_277 : vector<16xf32>
      %slice3A_280 = vector.extract_strided_slice %mul3A_108 {offsets = [6], sizes = [1], strides = [1]} : vector<16xf32> to vector<1xf32>
      %squeeze3A_281 = vector.extract %slice3A_280[0] : f32 from vector<1xf32>
      %mul3A_282 = vector.broadcast %squeeze3A_281 : f32 to vector<16xf32>
      %mul3A_283 = arith.mulf %tanh3A_278, %mul3A_282 : vector<16xf32>
      %add3A_284 = arith.addf %add3A_192, %mul3A_283 : vector<16xf32>
      %mul3A_285 = vector.broadcast %squeeze3A_281 : f32 to vector<16xf32>
      %mul3A_286 = arith.mulf %tanh3A_279, %mul3A_285 : vector<16xf32>
      %add3A_287 = arith.addf %add3A_195, %mul3A_286 : vector<16xf32>
      %get3A_288 = arith.constant 0 : i32
      %get3A_289 = arith.index_cast %get3A_288 : i32 to index
      %get3A_290 = arith.index_cast %scan3A_98 : i32 to index
      %get3A_291 = arith.constant 224 : index
      %get3A_292 = tpu.vector_load %arg12[%get3A_289, %get3A_290, %get3A_291] {strides = array<i32>} : memref<2x40x1024xbf16, #tpu.memory_space<vmem>>, vector<32xbf16>,
      %get3A_293 = arith.constant 0 : i32
      %get3A_294 = arith.index_cast %get3A_293 : i32 to index
      %get3A_295 = arith.index_cast %scan3A_98 : i32 to index
      %get3A_296 = arith.constant 224 : index
      %get3A_297 = tpu.vector_load %arg13[%get3A_294, %get3A_295, %get3A_296] {strides = array<i32>} : memref<2x40x1024xbf16, #tpu.memory_space<vmem>>, vector<32xbf16>,
      %add3A_298 = arith.addf %get3A_292, %get3A_297 : vector<32xbf16>
      %unpack3A_299 = tpu.unpack_subelements %add3A_298, 0 {pack_format = #tpu.pack_format<interleaved>} : vector<32xbf16> -> vector<16xf32>
      %unpack3A_300 = tpu.unpack_subelements %add3A_298, 1 {pack_format = #tpu.pack_format<interleaved>} : vector<32xbf16> -> vector<16xf32>
      %tanh3A_301 = math.tanh %unpack3A_299 : vector<16xf32>
      %tanh3A_302 = math.tanh %unpack3A_300 : vector<16xf32>
      %slice3A_303 = vector.extract_strided_slice %mul3A_108 {offsets = [7], sizes = [1], strides = [1]} : vector<16xf32> to vector<1xf32>
      %squeeze3A_304 = vector.extract %slice3A_303[0] : f32 from vector<1xf32>
      %mul3A_305 = vector.broadcast %squeeze3A_304 : f32 to vector<16xf32>
      %mul3A_306 = arith.mulf %tanh3A_301, %mul3A_305 : vector<16xf32>
      %add3A_307 = arith.addf %add3A_215, %mul3A_306 : vector<16xf32>
      %mul3A_308 = vector.broadcast %squeeze3A_304 : f32 to vector<16xf32>
      %mul3A_309 = arith.mulf %tanh3A_302, %mul3A_308 : vector<16xf32>
      %add3A_310 = arith.addf %add3A_218, %mul3A_309 : vector<16xf32>
      %get3A_311 = arith.constant 0 : i32
      %get3A_312 = arith.index_cast %get3A_311 : i32 to index
      %get3A_313 = arith.index_cast %scan3A_98 : i32 to index
      %get3A_314 = arith.constant 256 : index
      %get3A_315 = tpu.vector_load %arg12[%get3A_312, %get3A_313, %get3A_314] {strides = array<i32>} : memref<2x40x1024xbf16, #tpu.memory_space<vmem>>, vector<32xbf16>,
      %get3A_316 = arith.constant 0 : i32
      %get3A_317 = arith.index_cast %get3A_316 : i32 to index
      %get3A_318 = arith.index_cast %scan3A_98 : i32 to index
      %get3A_319 = arith.constant 256 : index
      %get3A_320 = tpu.vector_load %arg13[%get3A_317, %get3A_318, %get3A_319] {strides = array<i32>} : memref<2x40x1024xbf16, #tpu.memory_space<vmem>>, vector<32xbf16>,
      %add3A_321 = arith.addf %get3A_315, %get3A_320 : vector<32xbf16>
      %unpack3A_322 = tpu.unpack_subelements %add3A_321, 0 {pack_format = #tpu.pack_format<interleaved>} : vector<32xbf16> -> vector<16xf32>
      %unpack3A_323 = tpu.unpack_subelements %add3A_321, 1 {pack_format = #tpu.pack_format<interleaved>} : vector<32xbf16> -> vector<16xf32>
      %tanh3A_324 = math.tanh %unpack3A_322 : vector<16xf32>
      %tanh3A_325 = math.tanh %unpack3A_323 : vector<16xf32>
      %slice3A_326 = vector.extract_strided_slice %mul3A_108 {offsets = [8], sizes = [1], strides = [1]} : vector<16xf32> to vector<1xf32>
      %squeeze3A_327 = vector.extract %slice3A_326[0] : f32 from vector<1xf32>
      %mul3A_328 = vector.broadcast %squeeze3A_327 : f32 to vector<16xf32>
      %mul3A_329 = arith.mulf %tanh3A_324, %mul3A_328 : vector<16xf32>
      %add3A_330 = arith.addf %add3A_238, %mul3A_329 : vector<16xf32>
      %mul3A_331 = vector.broadcast %squeeze3A_327 : f32 to vector<16xf32>
      %mul3A_332 = arith.mulf %tanh3A_325, %mul3A_331 : vector<16xf32>
      %add3A_333 = arith.addf %add3A_241, %mul3A_332 : vector<16xf32>
      %get3A_334 = arith.constant 0 : i32
      %get3A_335 = arith.index_cast %get3A_334 : i32 to index
      %get3A_336 = arith.index_cast %scan3A_98 : i32 to index
      %get3A_337 = arith.constant 288 : index
      %get3A_338 = tpu.vector_load %arg12[%get3A_335, %get3A_336, %get3A_337] {strides = array<i32>} : memref<2x40x1024xbf16, #tpu.memory_space<vmem>>, vector<32xbf16>,
      %get3A_339 = arith.constant 0 : i32
      %get3A_340 = arith.index_cast %get3A_339 : i32 to index
      %get3A_341 = arith.index_cast %scan3A_98 : i32 to index
      %get3A_342 = arith.constant 288 : index
      %get3A_343 = tpu.vector_load %arg13[%get3A_340, %get3A_341, %get3A_342] {strides = array<i32>} : memref<2x40x1024xbf16, #tpu.memory_space<vmem>>, vector<32xbf16>,
      %add3A_344 = arith.addf %get3A_338, %get3A_343 : vector<32xbf16>
      %unpack3A_345 = tpu.unpack_subelements %add3A_344, 0 {pack_format = #tpu.pack_format<interleaved>} : vector<32xbf16> -> vector<16xf32>
      %unpack3A_346 = tpu.unpack_subelements %add3A_344, 1 {pack_format = #tpu.pack_format<interleaved>} : vector<32xbf16> -> vector<16xf32>
      %tanh3A_347 = math.tanh %unpack3A_345 : vector<16xf32>
      %tanh3A_348 = math.tanh %unpack3A_346 : vector<16xf32>
      %slice3A_349 = vector.extract_strided_slice %mul3A_108 {offsets = [9], sizes = [1], strides = [1]} : vector<16xf32> to vector<1xf32>
      %squeeze3A_350 = vector.extract %slice3A_349[0] : f32 from vector<1xf32>
      %mul3A_351 = vector.broadcast %squeeze3A_350 : f32 to vector<16xf32>
      %mul3A_352 = arith.mulf %tanh3A_347, %mul3A_351 : vector<16xf32>
      %add3A_353 = arith.addf %add3A_261, %mul3A_352 : vector<16xf32>
      %mul3A_354 = vector.broadcast %squeeze3A_350 : f32 to vector<16xf32>
      %mul3A_355 = arith.mulf %tanh3A_348, %mul3A_354 : vector<16xf32>
      %add3A_356 = arith.addf %add3A_264, %mul3A_355 : vector<16xf32>
      %get3A_357 = arith.constant 0 : i32
      %get3A_358 = arith.index_cast %get3A_357 : i32 to index
      %get3A_359 = arith.index_cast %scan3A_98 : i32 to index
      %get3A_360 = arith.constant 320 : index
      %get3A_361 = tpu.vector_load %arg12[%get3A_358, %get3A_359, %get3A_360] {strides = array<i32>} : memref<2x40x1024xbf16, #tpu.memory_space<vmem>>, vector<32xbf16>,
      %get3A_362 = arith.constant 0 : i32
      %get3A_363 = arith.index_cast %get3A_362 : i32 to index
      %get3A_364 = arith.index_cast %scan3A_98 : i32 to index
      %get3A_365 = arith.constant 320 : index
      %get3A_366 = tpu.vector_load %arg13[%get3A_363, %get3A_364, %get3A_365] {strides = array<i32>} : memref<2x40x1024xbf16, #tpu.memory_space<vmem>>, vector<32xbf16>,
      %add3A_367 = arith.addf %get3A_361, %get3A_366 : vector<32xbf16>
      %unpack3A_368 = tpu.unpack_subelements %add3A_367, 0 {pack_format = #tpu.pack_format<interleaved>} : vector<32xbf16> -> vector<16xf32>
      %unpack3A_369 = tpu.unpack_subelements %add3A_367, 1 {pack_format = #tpu.pack_format<interleaved>} : vector<32xbf16> -> vector<16xf32>
      %tanh3A_370 = math.tanh %unpack3A_368 : vector<16xf32>
      %tanh3A_371 = math.tanh %unpack3A_369 : vector<16xf32>
      %slice3A_372 = vector.extract_strided_slice %mul3A_108 {offsets = [10], sizes = [1], strides = [1]} : vector<16xf32> to vector<1xf32>
      %squeeze3A_373 = vector.extract %slice3A_372[0] : f32 from vector<1xf32>
      %mul3A_374 = vector.broadcast %squeeze3A_373 : f32 to vector<16xf32>
      %mul3A_375 = arith.mulf %tanh3A_370, %mul3A_374 : vector<16xf32>
      %add3A_376 = arith.addf %add3A_284, %mul3A_375 : vector<16xf32>
      %mul3A_377 = vector.broadcast %squeeze3A_373 : f32 to vector<16xf32>
      %mul3A_378 = arith.mulf %tanh3A_371, %mul3A_377 : vector<16xf32>
      %add3A_379 = arith.addf %add3A_287, %mul3A_378 : vector<16xf32>
      %get3A_380 = arith.constant 0 : i32
      %get3A_381 = arith.index_cast %get3A_380 : i32 to index
      %get3A_382 = arith.index_cast %scan3A_98 : i32 to index
      %get3A_383 = arith.constant 352 : index
      %get3A_384 = tpu.vector_load %arg12[%get3A_381, %get3A_382, %get3A_383] {strides = array<i32>} : memref<2x40x1024xbf16, #tpu.memory_space<vmem>>, vector<32xbf16>,
      %get3A_385 = arith.constant 0 : i32
      %get3A_386 = arith.index_cast %get3A_385 : i32 to index
      %get3A_387 = arith.index_cast %scan3A_98 : i32 to index
      %get3A_388 = arith.constant 352 : index
      %get3A_389 = tpu.vector_load %arg13[%get3A_386, %get3A_387, %get3A_388] {strides = array<i32>} : memref<2x40x1024xbf16, #tpu.memory_space<vmem>>, vector<32xbf16>,
      %add3A_390 = arith.addf %get3A_384, %get3A_389 : vector<32xbf16>
      %unpack3A_391 = tpu.unpack_subelements %add3A_390, 0 {pack_format = #tpu.pack_format<interleaved>} : vector<32xbf16> -> vector<16xf32>
      %unpack3A_392 = tpu.unpack_subelements %add3A_390, 1 {pack_format = #tpu.pack_format<interleaved>} : vector<32xbf16> -> vector<16xf32>
      %tanh3A_393 = math.tanh %unpack3A_391 : vector<16xf32>
      %tanh3A_394 = math.tanh %unpack3A_392 : vector<16xf32>
      %slice3A_395 = vector.extract_strided_slice %mul3A_108 {offsets = [11], sizes = [1], strides = [1]} : vector<16xf32> to vector<1xf32>
      %squeeze3A_396 = vector.extract %slice3A_395[0] : f32 from vector<1xf32>
      %mul3A_397 = vector.broadcast %squeeze3A_396 : f32 to vector<16xf32>
      %mul3A_398 = arith.mulf %tanh3A_393, %mul3A_397 : vector<16xf32>
      %add3A_399 = arith.addf %add3A_307, %mul3A_398 : vector<16xf32>
      %mul3A_400 = vector.broadcast %squeeze3A_396 : f32 to vector<16xf32>
      %mul3A_401 = arith.mulf %tanh3A_394, %mul3A_400 : vector<16xf32>
      %add3A_402 = arith.addf %add3A_310, %mul3A_401 : vector<16xf32>
      %get3A_403 = arith.constant 0 : i32
      %get3A_404 = arith.index_cast %get3A_403 : i32 to index
      %get3A_405 = arith.index_cast %scan3A_98 : i32 to index
      %get3A_406 = arith.constant 384 : index
      %get3A_407 = tpu.vector_load %arg12[%get3A_404, %get3A_405, %get3A_406] {strides = array<i32>} : memref<2x40x1024xbf16, #tpu.memory_space<vmem>>, vector<32xbf16>,
      %get3A_408 = arith.constant 0 : i32
      %get3A_409 = arith.index_cast %get3A_408 : i32 to index
      %get3A_410 = arith.index_cast %scan3A_98 : i32 to index
      %get3A_411 = arith.constant 384 : index
      %get3A_412 = tpu.vector_load %arg13[%get3A_409, %get3A_410, %get3A_411] {strides = array<i32>} : memref<2x40x1024xbf16, #tpu.memory_space<vmem>>, vector<32xbf16>,
      %add3A_413 = arith.addf %get3A_407, %get3A_412 : vector<32xbf16>
      %unpack3A_414 = tpu.unpack_subelements %add3A_413, 0 {pack_format = #tpu.pack_format<interleaved>} : vector<32xbf16> -> vector<16xf32>
      %unpack3A_415 = tpu.unpack_subelements %add3A_413, 1 {pack_format = #tpu.pack_format<interleaved>} : vector<32xbf16> -> vector<16xf32>
      %tanh3A_416 = math.tanh %unpack3A_414 : vector<16xf32>
      %tanh3A_417 = math.tanh %unpack3A_415 : vector<16xf32>
      %slice3A_418 = vector.extract_strided_slice %mul3A_108 {offsets = [12], sizes = [1], strides = [1]} : vector<16xf32> to vector<1xf32>
      %squeeze3A_419 = vector.extract %slice3A_418[0] : f32 from vector<1xf32>
      %mul3A_420 = vector.broadcast %squeeze3A_419 : f32 to vector<16xf32>
      %mul3A_421 = arith.mulf %tanh3A_416, %mul3A_420 : vector<16xf32>
      %add3A_422 = arith.addf %add3A_330, %mul3A_421 : vector<16xf32>
      %mul3A_423 = vector.broadcast %squeeze3A_419 : f32 to vector<16xf32>
      %mul3A_424 = arith.mulf %tanh3A_417, %mul3A_423 : vector<16xf32>
      %add3A_425 = arith.addf %add3A_333, %mul3A_424 : vector<16xf32>
      %get3A_426 = arith.constant 0 : i32
      %get3A_427 = arith.index_cast %get3A_426 : i32 to index
      %get3A_428 = arith.index_cast %scan3A_98 : i32 to index
      %get3A_429 = arith.constant 416 : index
      %get3A_430 = tpu.vector_load %arg12[%get3A_427, %get3A_428, %get3A_429] {strides = array<i32>} : memref<2x40x1024xbf16, #tpu.memory_space<vmem>>, vector<32xbf16>,
      %get3A_431 = arith.constant 0 : i32
      %get3A_432 = arith.index_cast %get3A_431 : i32 to index
      %get3A_433 = arith.index_cast %scan3A_98 : i32 to index
      %get3A_434 = arith.constant 416 : index
      %get3A_435 = tpu.vector_load %arg13[%get3A_432, %get3A_433, %get3A_434] {strides = array<i32>} : memref<2x40x1024xbf16, #tpu.memory_space<vmem>>, vector<32xbf16>,
      %add3A_436 = arith.addf %get3A_430, %get3A_435 : vector<32xbf16>
      %unpack3A_437 = tpu.unpack_subelements %add3A_436, 0 {pack_format = #tpu.pack_format<interleaved>} : vector<32xbf16> -> vector<16xf32>
      %unpack3A_438 = tpu.unpack_subelements %add3A_436, 1 {pack_format = #tpu.pack_format<interleaved>} : vector<32xbf16> -> vector<16xf32>
      %tanh3A_439 = math.tanh %unpack3A_437 : vector<16xf32>
      %tanh3A_440 = math.tanh %unpack3A_438 : vector<16xf32>
      %slice3A_441 = vector.extract_strided_slice %mul3A_108 {offsets = [13], sizes = [1], strides = [1]} : vector<16xf32> to vector<1xf32>
      %squeeze3A_442 = vector.extract %slice3A_441[0] : f32 from vector<1xf32>
      %mul3A_443 = vector.broadcast %squeeze3A_442 : f32 to vector<16xf32>
      %mul3A_444 = arith.mulf %tanh3A_439, %mul3A_443 : vector<16xf32>
      %add3A_445 = arith.addf %add3A_353, %mul3A_444 : vector<16xf32>
      %mul3A_446 = vector.broadcast %squeeze3A_442 : f32 to vector<16xf32>
      %mul3A_447 = arith.mulf %tanh3A_440, %mul3A_446 : vector<16xf32>
      %add3A_448 = arith.addf %add3A_356, %mul3A_447 : vector<16xf32>
      %get3A_449 = arith.constant 0 : i32
      %get3A_450 = arith.index_cast %get3A_449 : i32 to index
      %get3A_451 = arith.index_cast %scan3A_98 : i32 to index
      %get3A_452 = arith.constant 448 : index
      %get3A_453 = tpu.vector_load %arg12[%get3A_450, %get3A_451, %get3A_452] {strides = array<i32>} : memref<2x40x1024xbf16, #tpu.memory_space<vmem>>, vector<32xbf16>,
      %get3A_454 = arith.constant 0 : i32
      %get3A_455 = arith.index_cast %get3A_454 : i32 to index
      %get3A_456 = arith.index_cast %scan3A_98 : i32 to index
      %get3A_457 = arith.constant 448 : index
      %get3A_458 = tpu.vector_load %arg13[%get3A_455, %get3A_456, %get3A_457] {strides = array<i32>} : memref<2x40x1024xbf16, #tpu.memory_space<vmem>>, vector<32xbf16>,
      %add3A_459 = arith.addf %get3A_453, %get3A_458 : vector<32xbf16>
      %unpack3A_460 = tpu.unpack_subelements %add3A_459, 0 {pack_format = #tpu.pack_format<interleaved>} : vector<32xbf16> -> vector<16xf32>
      %unpack3A_461 = tpu.unpack_subelements %add3A_459, 1 {pack_format = #tpu.pack_format<interleaved>} : vector<32xbf16> -> vector<16xf32>
      %tanh3A_462 = math.tanh %unpack3A_460 : vector<16xf32>
      %tanh3A_463 = math.tanh %unpack3A_461 : vector<16xf32>
      %slice3A_464 = vector.extract_strided_slice %mul3A_108 {offsets = [14], sizes = [1], strides = [1]} : vector<16xf32> to vector<1xf32>
      %squeeze3A_465 = vector.extract %slice3A_464[0] : f32 from vector<1xf32>
      %mul3A_466 = vector.broadcast %squeeze3A_465 : f32 to vector<16xf32>
      %mul3A_467 = arith.mulf %tanh3A_462, %mul3A_466 : vector<16xf32>
      %add3A_468 = arith.addf %add3A_376, %mul3A_467 : vector<16xf32>
      %mul3A_469 = vector.broadcast %squeeze3A_465 : f32 to vector<16xf32>
      %mul3A_470 = arith.mulf %tanh3A_463, %mul3A_469 : vector<16xf32>
      %add3A_471 = arith.addf %add3A_379, %mul3A_470 : vector<16xf32>
      %get3A_472 = arith.constant 0 : i32
      %get3A_473 = arith.index_cast %get3A_472 : i32 to index
      %get3A_474 = arith.index_cast %scan3A_98 : i32 to index
      %get3A_475 = arith.constant 480 : index
      %get3A_476 = tpu.vector_load %arg12[%get3A_473, %get3A_474, %get3A_475] {strides = array<i32>} : memref<2x40x1024xbf16, #tpu.memory_space<vmem>>, vector<32xbf16>,
      %get3A_477 = arith.constant 0 : i32
      %get3A_478 = arith.index_cast %get3A_477 : i32 to index
      %get3A_479 = arith.index_cast %scan3A_98 : i32 to index
      %get3A_480 = arith.constant 480 : index
      %get3A_481 = tpu.vector_load %arg13[%get3A_478, %get3A_479, %get3A_480] {strides = array<i32>} : memref<2x40x1024xbf16, #tpu.memory_space<vmem>>, vector<32xbf16>,
      %add3A_482 = arith.addf %get3A_476, %get3A_481 : vector<32xbf16>
      %unpack3A_483 = tpu.unpack_subelements %add3A_482, 0 {pack_format = #tpu.pack_format<interleaved>} : vector<32xbf16> -> vector<16xf32>
      %unpack3A_484 = tpu.unpack_subelements %add3A_482, 1 {pack_format = #tpu.pack_format<interleaved>} : vector<32xbf16> -> vector<16xf32>
      %tanh3A_485 = math.tanh %unpack3A_483 : vector<16xf32>
      %tanh3A_486 = math.tanh %unpack3A_484 : vector<16xf32>
      %slice3A_487 = vector.extract_strided_slice %mul3A_108 {offsets = [15], sizes = [1], strides = [1]} : vector<16xf32> to vector<1xf32>
      %squeeze3A_488 = vector.extract %slice3A_487[0] : f32 from vector<1xf32>
      %mul3A_489 = vector.broadcast %squeeze3A_488 : f32 to vector<16xf32>
      %mul3A_490 = arith.mulf %tanh3A_485, %mul3A_489 : vector<16xf32>
      %add3A_491 = arith.addf %add3A_399, %mul3A_490 : vector<16xf32>
      %mul3A_492 = vector.broadcast %squeeze3A_488 : f32 to vector<16xf32>
      %mul3A_493 = arith.mulf %tanh3A_486, %mul3A_492 : vector<16xf32>
      %add3A_494 = arith.addf %add3A_402, %mul3A_493 : vector<16xf32>
      %get3A_495 = arith.constant 0 : i32
      %get3A_496 = arith.index_cast %get3A_495 : i32 to index
      %get3A_497 = arith.index_cast %scan3A_98 : i32 to index
      %get3A_498 = arith.constant 512 : index
      %get3A_499 = tpu.vector_load %arg12[%get3A_496, %get3A_497, %get3A_498] {strides = array<i32>} : memref<2x40x1024xbf16, #tpu.memory_space<vmem>>, vector<32xbf16>,
      %get3A_500 = arith.constant 0 : i32
      %get3A_501 = arith.index_cast %get3A_500 : i32 to index
      %get3A_502 = arith.index_cast %scan3A_98 : i32 to index
      %get3A_503 = arith.constant 512 : index
      %get3A_504 = tpu.vector_load %arg13[%get3A_501, %get3A_502, %get3A_503] {strides = array<i32>} : memref<2x40x1024xbf16, #tpu.memory_space<vmem>>, vector<32xbf16>,
      %add3A_505 = arith.addf %get3A_499, %get3A_504 : vector<32xbf16>
      %unpack3A_506 = tpu.unpack_subelements %add3A_505, 0 {pack_format = #tpu.pack_format<interleaved>} : vector<32xbf16> -> vector<16xf32>
      %unpack3A_507 = tpu.unpack_subelements %add3A_505, 1 {pack_format = #tpu.pack_format<interleaved>} : vector<32xbf16> -> vector<16xf32>
      %tanh3A_508 = math.tanh %unpack3A_506 : vector<16xf32>
      %tanh3A_509 = math.tanh %unpack3A_507 : vector<16xf32>
      %slice3A_510 = vector.extract_strided_slice %mul3A_114 {offsets = [0], sizes = [1], strides = [1]} : vector<16xf32> to vector<1xf32>
      %squeeze3A_511 = vector.extract %slice3A_510[0] : f32 from vector<1xf32>
      %mul3A_512 = vector.broadcast %squeeze3A_511 : f32 to vector<16xf32>
      %mul3A_513 = arith.mulf %tanh3A_508, %mul3A_512 : vector<16xf32>
      %add3A_514 = arith.addf %add3A_422, %mul3A_513 : vector<16xf32>
      %mul3A_515 = vector.broadcast %squeeze3A_511 : f32 to vector<16xf32>
      %mul3A_516 = arith.mulf %tanh3A_509, %mul3A_515 : vector<16xf32>
      %add3A_517 = arith.addf %add3A_425, %mul3A_516 : vector<16xf32>
      %get3A_518 = arith.constant 0 : i32
      %get3A_519 = arith.index_cast %get3A_518 : i32 to index
      %get3A_520 = arith.index_cast %scan3A_98 : i32 to index
      %get3A_521 = arith.constant 544 : index
      %get3A_522 = tpu.vector_load %arg12[%get3A_519, %get3A_520, %get3A_521] {strides = array<i32>} : memref<2x40x1024xbf16, #tpu.memory_space<vmem>>, vector<32xbf16>,
      %get3A_523 = arith.constant 0 : i32
      %get3A_524 = arith.index_cast %get3A_523 : i32 to index
      %get3A_525 = arith.index_cast %scan3A_98 : i32 to index
      %get3A_526 = arith.constant 544 : index
      %get3A_527 = tpu.vector_load %arg13[%get3A_524, %get3A_525, %get3A_526] {strides = array<i32>} : memref<2x40x1024xbf16, #tpu.memory_space<vmem>>, vector<32xbf16>,
      %add3A_528 = arith.addf %get3A_522, %get3A_527 : vector<32xbf16>
      %unpack3A_529 = tpu.unpack_subelements %add3A_528, 0 {pack_format = #tpu.pack_format<interleaved>} : vector<32xbf16> -> vector<16xf32>
      %unpack3A_530 = tpu.unpack_subelements %add3A_528, 1 {pack_format = #tpu.pack_format<interleaved>} : vector<32xbf16> -> vector<16xf32>
      %tanh3A_531 = math.tanh %unpack3A_529 : vector<16xf32>
      %tanh3A_532 = math.tanh %unpack3A_530 : vector<16xf32>
      %slice3A_533 = vector.extract_strided_slice %mul3A_114 {offsets = [1], sizes = [1], strides = [1]} : vector<16xf32> to vector<1xf32>
      %squeeze3A_534 = vector.extract %slice3A_533[0] : f32 from vector<1xf32>
      %mul3A_535 = vector.broadcast %squeeze3A_534 : f32 to vector<16xf32>
      %mul3A_536 = arith.mulf %tanh3A_531, %mul3A_535 : vector<16xf32>
      %add3A_537 = arith.addf %add3A_445, %mul3A_536 : vector<16xf32>
      %mul3A_538 = vector.broadcast %squeeze3A_534 : f32 to vector<16xf32>
      %mul3A_539 = arith.mulf %tanh3A_532, %mul3A_538 : vector<16xf32>
      %add3A_540 = arith.addf %add3A_448, %mul3A_539 : vector<16xf32>
      %get3A_541 = arith.constant 0 : i32
      %get3A_542 = arith.index_cast %get3A_541 : i32 to index
      %get3A_543 = arith.index_cast %scan3A_98 : i32 to index
      %get3A_544 = arith.constant 576 : index
      %get3A_545 = tpu.vector_load %arg12[%get3A_542, %get3A_543, %get3A_544] {strides = array<i32>} : memref<2x40x1024xbf16, #tpu.memory_space<vmem>>, vector<32xbf16>,
      %get3A_546 = arith.constant 0 : i32
      %get3A_547 = arith.index_cast %get3A_546 : i32 to index
      %get3A_548 = arith.index_cast %scan3A_98 : i32 to index
      %get3A_549 = arith.constant 576 : index
      %get3A_550 = tpu.vector_load %arg13[%get3A_547, %get3A_548, %get3A_549] {strides = array<i32>} : memref<2x40x1024xbf16, #tpu.memory_space<vmem>>, vector<32xbf16>,
      %add3A_551 = arith.addf %get3A_545, %get3A_550 : vector<32xbf16>
      %unpack3A_552 = tpu.unpack_subelements %add3A_551, 0 {pack_format = #tpu.pack_format<interleaved>} : vector<32xbf16> -> vector<16xf32>
      %unpack3A_553 = tpu.unpack_subelements %add3A_551, 1 {pack_format = #tpu.pack_format<interleaved>} : vector<32xbf16> -> vector<16xf32>
      %tanh3A_554 = math.tanh %unpack3A_552 : vector<16xf32>
      %tanh3A_555 = math.tanh %unpack3A_553 : vector<16xf32>
      %slice3A_556 = vector.extract_strided_slice %mul3A_114 {offsets = [2], sizes = [1], strides = [1]} : vector<16xf32> to vector<1xf32>
      %squeeze3A_557 = vector.extract %slice3A_556[0] : f32 from vector<1xf32>
      %mul3A_558 = vector.broadcast %squeeze3A_557 : f32 to vector<16xf32>
      %mul3A_559 = arith.mulf %tanh3A_554, %mul3A_558 : vector<16xf32>
      %add3A_560 = arith.addf %add3A_468, %mul3A_559 : vector<16xf32>
      %mul3A_561 = vector.broadcast %squeeze3A_557 : f32 to vector<16xf32>
      %mul3A_562 = arith.mulf %tanh3A_555, %mul3A_561 : vector<16xf32>
      %add3A_563 = arith.addf %add3A_471, %mul3A_562 : vector<16xf32>
      %get3A_564 = arith.constant 0 : i32
      %get3A_565 = arith.index_cast %get3A_564 : i32 to index
      %get3A_566 = arith.index_cast %scan3A_98 : i32 to index
      %get3A_567 = arith.constant 608 : index
      %get3A_568 = tpu.vector_load %arg12[%get3A_565, %get3A_566, %get3A_567] {strides = array<i32>} : memref<2x40x1024xbf16, #tpu.memory_space<vmem>>, vector<32xbf16>,
      %get3A_569 = arith.constant 0 : i32
      %get3A_570 = arith.index_cast %get3A_569 : i32 to index
      %get3A_571 = arith.index_cast %scan3A_98 : i32 to index
      %get3A_572 = arith.constant 608 : index
      %get3A_573 = tpu.vector_load %arg13[%get3A_570, %get3A_571, %get3A_572] {strides = array<i32>} : memref<2x40x1024xbf16, #tpu.memory_space<vmem>>, vector<32xbf16>,
      %add3A_574 = arith.addf %get3A_568, %get3A_573 : vector<32xbf16>
      %unpack3A_575 = tpu.unpack_subelements %add3A_574, 0 {pack_format = #tpu.pack_format<interleaved>} : vector<32xbf16> -> vector<16xf32>
      %unpack3A_576 = tpu.unpack_subelements %add3A_574, 1 {pack_format = #tpu.pack_format<interleaved>} : vector<32xbf16> -> vector<16xf32>
      %tanh3A_577 = math.tanh %unpack3A_575 : vector<16xf32>
      %tanh3A_578 = math.tanh %unpack3A_576 : vector<16xf32>
      %slice3A_579 = vector.extract_strided_slice %mul3A_114 {offsets = [3], sizes = [1], strides = [1]} : vector<16xf32> to vector<1xf32>
      %squeeze3A_580 = vector.extract %slice3A_579[0] : f32 from vector<1xf32>
      %mul3A_581 = vector.broadcast %squeeze3A_580 : f32 to vector<16xf32>
      %mul3A_582 = arith.mulf %tanh3A_577, %mul3A_581 : vector<16xf32>
      %add3A_583 = arith.addf %add3A_491, %mul3A_582 : vector<16xf32>
      %mul3A_584 = vector.broadcast %squeeze3A_580 : f32 to vector<16xf32>
      %mul3A_585 = arith.mulf %tanh3A_578, %mul3A_584 : vector<16xf32>
      %add3A_586 = arith.addf %add3A_494, %mul3A_585 : vector<16xf32>
      %get3A_587 = arith.constant 0 : i32
      %get3A_588 = arith.index_cast %get3A_587 : i32 to index
      %get3A_589 = arith.index_cast %scan3A_98 : i32 to index
      %get3A_590 = arith.constant 640 : index
      %get3A_591 = tpu.vector_load %arg12[%get3A_588, %get3A_589, %get3A_590] {strides = array<i32>} : memref<2x40x1024xbf16, #tpu.memory_space<vmem>>, vector<32xbf16>,
      %get3A_592 = arith.constant 0 : i32
      %get3A_593 = arith.index_cast %get3A_592 : i32 to index
      %get3A_594 = arith.index_cast %scan3A_98 : i32 to index
      %get3A_595 = arith.constant 640 : index
      %get3A_596 = tpu.vector_load %arg13[%get3A_593, %get3A_594, %get3A_595] {strides = array<i32>} : memref<2x40x1024xbf16, #tpu.memory_space<vmem>>, vector<32xbf16>,
      %add3A_597 = arith.addf %get3A_591, %get3A_596 : vector<32xbf16>
      %unpack3A_598 = tpu.unpack_subelements %add3A_597, 0 {pack_format = #tpu.pack_format<interleaved>} : vector<32xbf16> -> vector<16xf32>
      %unpack3A_599 = tpu.unpack_subelements %add3A_597, 1 {pack_format = #tpu.pack_format<interleaved>} : vector<32xbf16> -> vector<16xf32>
      %tanh3A_600 = math.tanh %unpack3A_598 : vector<16xf32>
      %tanh3A_601 = math.tanh %unpack3A_599 : vector<16xf32>
      %slice3A_602 = vector.extract_strided_slice %mul3A_114 {offsets = [4], sizes = [1], strides = [1]} : vector<16xf32> to vector<1xf32>
      %squeeze3A_603 = vector.extract %slice3A_602[0] : f32 from vector<1xf32>
      %mul3A_604 = vector.broadcast %squeeze3A_603 : f32 to vector<16xf32>
      %mul3A_605 = arith.mulf %tanh3A_600, %mul3A_604 : vector<16xf32>
      %add3A_606 = arith.addf %add3A_514, %mul3A_605 : vector<16xf32>
      %mul3A_607 = vector.broadcast %squeeze3A_603 : f32 to vector<16xf32>
      %mul3A_608 = arith.mulf %tanh3A_601, %mul3A_607 : vector<16xf32>
      %add3A_609 = arith.addf %add3A_517, %mul3A_608 : vector<16xf32>
      %get3A_610 = arith.constant 0 : i32
      %get3A_611 = arith.index_cast %get3A_610 : i32 to index
      %get3A_612 = arith.index_cast %scan3A_98 : i32 to index
      %get3A_613 = arith.constant 672 : index
      %get3A_614 = tpu.vector_load %arg12[%get3A_611, %get3A_612, %get3A_613] {strides = array<i32>} : memref<2x40x1024xbf16, #tpu.memory_space<vmem>>, vector<32xbf16>,
      %get3A_615 = arith.constant 0 : i32
      %get3A_616 = arith.index_cast %get3A_615 : i32 to index
      %get3A_617 = arith.index_cast %scan3A_98 : i32 to index
      %get3A_618 = arith.constant 672 : index
      %get3A_619 = tpu.vector_load %arg13[%get3A_616, %get3A_617, %get3A_618] {strides = array<i32>} : memref<2x40x1024xbf16, #tpu.memory_space<vmem>>, vector<32xbf16>,
      %add3A_620 = arith.addf %get3A_614, %get3A_619 : vector<32xbf16>
      %unpack3A_621 = tpu.unpack_subelements %add3A_620, 0 {pack_format = #tpu.pack_format<interleaved>} : vector<32xbf16> -> vector<16xf32>
      %unpack3A_622 = tpu.unpack_subelements %add3A_620, 1 {pack_format = #tpu.pack_format<interleaved>} : vector<32xbf16> -> vector<16xf32>
      %tanh3A_623 = math.tanh %unpack3A_621 : vector<16xf32>
      %tanh3A_624 = math.tanh %unpack3A_622 : vector<16xf32>
      %slice3A_625 = vector.extract_strided_slice %mul3A_114 {offsets = [5], sizes = [1], strides = [1]} : vector<16xf32> to vector<1xf32>
      %squeeze3A_626 = vector.extract %slice3A_625[0] : f32 from vector<1xf32>
      %mul3A_627 = vector.broadcast %squeeze3A_626 : f32 to vector<16xf32>
      %mul3A_628 = arith.mulf %tanh3A_623, %mul3A_627 : vector<16xf32>
      %add3A_629 = arith.addf %add3A_537, %mul3A_628 : vector<16xf32>
      %mul3A_630 = vector.broadcast %squeeze3A_626 : f32 to vector<16xf32>
      %mul3A_631 = arith.mulf %tanh3A_624, %mul3A_630 : vector<16xf32>
      %add3A_632 = arith.addf %add3A_540, %mul3A_631 : vector<16xf32>
      %get3A_633 = arith.constant 0 : i32
      %get3A_634 = arith.index_cast %get3A_633 : i32 to index
      %get3A_635 = arith.index_cast %scan3A_98 : i32 to index
      %get3A_636 = arith.constant 704 : index
      %get3A_637 = tpu.vector_load %arg12[%get3A_634, %get3A_635, %get3A_636] {strides = array<i32>} : memref<2x40x1024xbf16, #tpu.memory_space<vmem>>, vector<32xbf16>,
      %get3A_638 = arith.constant 0 : i32
      %get3A_639 = arith.index_cast %get3A_638 : i32 to index
      %get3A_640 = arith.index_cast %scan3A_98 : i32 to index
      %get3A_641 = arith.constant 704 : index
      %get3A_642 = tpu.vector_load %arg13[%get3A_639, %get3A_640, %get3A_641] {strides = array<i32>} : memref<2x40x1024xbf16, #tpu.memory_space<vmem>>, vector<32xbf16>,
      %add3A_643 = arith.addf %get3A_637, %get3A_642 : vector<32xbf16>
      %unpack3A_644 = tpu.unpack_subelements %add3A_643, 0 {pack_format = #tpu.pack_format<interleaved>} : vector<32xbf16> -> vector<16xf32>
      %unpack3A_645 = tpu.unpack_subelements %add3A_643, 1 {pack_format = #tpu.pack_format<interleaved>} : vector<32xbf16> -> vector<16xf32>
      %tanh3A_646 = math.tanh %unpack3A_644 : vector<16xf32>
      %tanh3A_647 = math.tanh %unpack3A_645 : vector<16xf32>
      %slice3A_648 = vector.extract_strided_slice %mul3A_114 {offsets = [6], sizes = [1], strides = [1]} : vector<16xf32> to vector<1xf32>
      %squeeze3A_649 = vector.extract %slice3A_648[0] : f32 from vector<1xf32>
      %mul3A_650 = vector.broadcast %squeeze3A_649 : f32 to vector<16xf32>
      %mul3A_651 = arith.mulf %tanh3A_646, %mul3A_650 : vector<16xf32>
      %add3A_652 = arith.addf %add3A_560, %mul3A_651 : vector<16xf32>
      %mul3A_653 = vector.broadcast %squeeze3A_649 : f32 to vector<16xf32>
      %mul3A_654 = arith.mulf %tanh3A_647, %mul3A_653 : vector<16xf32>
      %add3A_655 = arith.addf %add3A_563, %mul3A_654 : vector<16xf32>
      %get3A_656 = arith.constant 0 : i32
      %get3A_657 = arith.index_cast %get3A_656 : i32 to index
      %get3A_658 = arith.index_cast %scan3A_98 : i32 to index
      %get3A_659 = arith.constant 736 : index
      %get3A_660 = tpu.vector_load %arg12[%get3A_657, %get3A_658, %get3A_659] {strides = array<i32>} : memref<2x40x1024xbf16, #tpu.memory_space<vmem>>, vector<32xbf16>,
      %get3A_661 = arith.constant 0 : i32
      %get3A_662 = arith.index_cast %get3A_661 : i32 to index
      %get3A_663 = arith.index_cast %scan3A_98 : i32 to index
      %get3A_664 = arith.constant 736 : index
      %get3A_665 = tpu.vector_load %arg13[%get3A_662, %get3A_663, %get3A_664] {strides = array<i32>} : memref<2x40x1024xbf16, #tpu.memory_space<vmem>>, vector<32xbf16>,
      %add3A_666 = arith.addf %get3A_660, %get3A_665 : vector<32xbf16>
      %unpack3A_667 = tpu.unpack_subelements %add3A_666, 0 {pack_format = #tpu.pack_format<interleaved>} : vector<32xbf16> -> vector<16xf32>
      %unpack3A_668 = tpu.unpack_subelements %add3A_666, 1 {pack_format = #tpu.pack_format<interleaved>} : vector<32xbf16> -> vector<16xf32>
      %tanh3A_669 = math.tanh %unpack3A_667 : vector<16xf32>
      %tanh3A_670 = math.tanh %unpack3A_668 : vector<16xf32>
      %slice3A_671 = vector.extract_strided_slice %mul3A_114 {offsets = [7], sizes = [1], strides = [1]} : vector<16xf32> to vector<1xf32>
      %squeeze3A_672 = vector.extract %slice3A_671[0] : f32 from vector<1xf32>
      %mul3A_673 = vector.broadcast %squeeze3A_672 : f32 to vector<16xf32>
      %mul3A_674 = arith.mulf %tanh3A_669, %mul3A_673 : vector<16xf32>
      %add3A_675 = arith.addf %add3A_583, %mul3A_674 : vector<16xf32>
      %mul3A_676 = vector.broadcast %squeeze3A_672 : f32 to vector<16xf32>
      %mul3A_677 = arith.mulf %tanh3A_670, %mul3A_676 : vector<16xf32>
      %add3A_678 = arith.addf %add3A_586, %mul3A_677 : vector<16xf32>
      %get3A_679 = arith.constant 0 : i32
      %get3A_680 = arith.index_cast %get3A_679 : i32 to index
      %get3A_681 = arith.index_cast %scan3A_98 : i32 to index
      %get3A_682 = arith.constant 768 : index
      %get3A_683 = tpu.vector_load %arg12[%get3A_680, %get3A_681, %get3A_682] {strides = array<i32>} : memref<2x40x1024xbf16, #tpu.memory_space<vmem>>, vector<32xbf16>,
      %get3A_684 = arith.constant 0 : i32
      %get3A_685 = arith.index_cast %get3A_684 : i32 to index
      %get3A_686 = arith.index_cast %scan3A_98 : i32 to index
      %get3A_687 = arith.constant 768 : index
      %get3A_688 = tpu.vector_load %arg13[%get3A_685, %get3A_686, %get3A_687] {strides = array<i32>} : memref<2x40x1024xbf16, #tpu.memory_space<vmem>>, vector<32xbf16>,
      %add3A_689 = arith.addf %get3A_683, %get3A_688 : vector<32xbf16>
      %unpack3A_690 = tpu.unpack_subelements %add3A_689, 0 {pack_format = #tpu.pack_format<interleaved>} : vector<32xbf16> -> vector<16xf32>
      %unpack3A_691 = tpu.unpack_subelements %add3A_689, 1 {pack_format = #tpu.pack_format<interleaved>} : vector<32xbf16> -> vector<16xf32>
      %tanh3A_692 = math.tanh %unpack3A_690 : vector<16xf32>
      %tanh3A_693 = math.tanh %unpack3A_691 : vector<16xf32>
      %slice3A_694 = vector.extract_strided_slice %mul3A_114 {offsets = [8], sizes = [1], strides = [1]} : vector<16xf32> to vector<1xf32>
      %squeeze3A_695 = vector.extract %slice3A_694[0] : f32 from vector<1xf32>
      %mul3A_696 = vector.broadcast %squeeze3A_695 : f32 to vector<16xf32>
      %mul3A_697 = arith.mulf %tanh3A_692, %mul3A_696 : vector<16xf32>
      %add3A_698 = arith.addf %add3A_606, %mul3A_697 : vector<16xf32>
      %mul3A_699 = vector.broadcast %squeeze3A_695 : f32 to vector<16xf32>
      %mul3A_700 = arith.mulf %tanh3A_693, %mul3A_699 : vector<16xf32>
      %add3A_701 = arith.addf %add3A_609, %mul3A_700 : vector<16xf32>
      %get3A_702 = arith.constant 0 : i32
      %get3A_703 = arith.index_cast %get3A_702 : i32 to index
      %get3A_704 = arith.index_cast %scan3A_98 : i32 to index
      %get3A_705 = arith.constant 800 : index
      %get3A_706 = tpu.vector_load %arg12[%get3A_703, %get3A_704, %get3A_705] {strides = array<i32>} : memref<2x40x1024xbf16, #tpu.memory_space<vmem>>, vector<32xbf16>,
      %get3A_707 = arith.constant 0 : i32
      %get3A_708 = arith.index_cast %get3A_707 : i32 to index
      %get3A_709 = arith.index_cast %scan3A_98 : i32 to index
      %get3A_710 = arith.constant 800 : index
      %get3A_711 = tpu.vector_load %arg13[%get3A_708, %get3A_709, %get3A_710] {strides = array<i32>} : memref<2x40x1024xbf16, #tpu.memory_space<vmem>>, vector<32xbf16>,
      %add3A_712 = arith.addf %get3A_706, %get3A_711 : vector<32xbf16>
      %unpack3A_713 = tpu.unpack_subelements %add3A_712, 0 {pack_format = #tpu.pack_format<interleaved>} : vector<32xbf16> -> vector<16xf32>
      %unpack3A_714 = tpu.unpack_subelements %add3A_712, 1 {pack_format = #tpu.pack_format<interleaved>} : vector<32xbf16> -> vector<16xf32>
      %tanh3A_715 = math.tanh %unpack3A_713 : vector<16xf32>
      %tanh3A_716 = math.tanh %unpack3A_714 : vector<16xf32>
      %slice3A_717 = vector.extract_strided_slice %mul3A_114 {offsets = [9], sizes = [1], strides = [1]} : vector<16xf32> to vector<1xf32>
      %squeeze3A_718 = vector.extract %slice3A_717[0] : f32 from vector<1xf32>
      %mul3A_719 = vector.broadcast %squeeze3A_718 : f32 to vector<16xf32>
      %mul3A_720 = arith.mulf %tanh3A_715, %mul3A_719 : vector<16xf32>
      %add3A_721 = arith.addf %add3A_629, %mul3A_720 : vector<16xf32>
      %mul3A_722 = vector.broadcast %squeeze3A_718 : f32 to vector<16xf32>
      %mul3A_723 = arith.mulf %tanh3A_716, %mul3A_722 : vector<16xf32>
      %add3A_724 = arith.addf %add3A_632, %mul3A_723 : vector<16xf32>
      %get3A_725 = arith.constant 0 : i32
      %get3A_726 = arith.index_cast %get3A_725 : i32 to index
      %get3A_727 = arith.index_cast %scan3A_98 : i32 to index
      %get3A_728 = arith.constant 832 : index
      %get3A_729 = tpu.vector_load %arg12[%get3A_726, %get3A_727, %get3A_728] {strides = array<i32>} : memref<2x40x1024xbf16, #tpu.memory_space<vmem>>, vector<32xbf16>,
      %get3A_730 = arith.constant 0 : i32
      %get3A_731 = arith.index_cast %get3A_730 : i32 to index
      %get3A_732 = arith.index_cast %scan3A_98 : i32 to index
      %get3A_733 = arith.constant 832 : index
      %get3A_734 = tpu.vector_load %arg13[%get3A_731, %get3A_732, %get3A_733] {strides = array<i32>} : memref<2x40x1024xbf16, #tpu.memory_space<vmem>>, vector<32xbf16>,
      %add3A_735 = arith.addf %get3A_729, %get3A_734 : vector<32xbf16>
      %unpack3A_736 = tpu.unpack_subelements %add3A_735, 0 {pack_format = #tpu.pack_format<interleaved>} : vector<32xbf16> -> vector<16xf32>
      %unpack3A_737 = tpu.unpack_subelements %add3A_735, 1 {pack_format = #tpu.pack_format<interleaved>} : vector<32xbf16> -> vector<16xf32>
      %tanh3A_738 = math.tanh %unpack3A_736 : vector<16xf32>
      %tanh3A_739 = math.tanh %unpack3A_737 : vector<16xf32>
      %slice3A_740 = vector.extract_strided_slice %mul3A_114 {offsets = [10], sizes = [1], strides = [1]} : vector<16xf32> to vector<1xf32>
      %squeeze3A_741 = vector.extract %slice3A_740[0] : f32 from vector<1xf32>
      %mul3A_742 = vector.broadcast %squeeze3A_741 : f32 to vector<16xf32>
      %mul3A_743 = arith.mulf %tanh3A_738, %mul3A_742 : vector<16xf32>
      %add3A_744 = arith.addf %add3A_652, %mul3A_743 : vector<16xf32>
      %mul3A_745 = vector.broadcast %squeeze3A_741 : f32 to vector<16xf32>
      %mul3A_746 = arith.mulf %tanh3A_739, %mul3A_745 : vector<16xf32>
      %add3A_747 = arith.addf %add3A_655, %mul3A_746 : vector<16xf32>
      %get3A_748 = arith.constant 0 : i32
      %get3A_749 = arith.index_cast %get3A_748 : i32 to index
      %get3A_750 = arith.index_cast %scan3A_98 : i32 to index
      %get3A_751 = arith.constant 864 : index
      %get3A_752 = tpu.vector_load %arg12[%get3A_749, %get3A_750, %get3A_751] {strides = array<i32>} : memref<2x40x1024xbf16, #tpu.memory_space<vmem>>, vector<32xbf16>,
      %get3A_753 = arith.constant 0 : i32
      %get3A_754 = arith.index_cast %get3A_753 : i32 to index
      %get3A_755 = arith.index_cast %scan3A_98 : i32 to index
      %get3A_756 = arith.constant 864 : index
      %get3A_757 = tpu.vector_load %arg13[%get3A_754, %get3A_755, %get3A_756] {strides = array<i32>} : memref<2x40x1024xbf16, #tpu.memory_space<vmem>>, vector<32xbf16>,
      %add3A_758 = arith.addf %get3A_752, %get3A_757 : vector<32xbf16>
      %unpack3A_759 = tpu.unpack_subelements %add3A_758, 0 {pack_format = #tpu.pack_format<interleaved>} : vector<32xbf16> -> vector<16xf32>
      %unpack3A_760 = tpu.unpack_subelements %add3A_758, 1 {pack_format = #tpu.pack_format<interleaved>} : vector<32xbf16> -> vector<16xf32>
      %tanh3A_761 = math.tanh %unpack3A_759 : vector<16xf32>
      %tanh3A_762 = math.tanh %unpack3A_760 : vector<16xf32>
      %slice3A_763 = vector.extract_strided_slice %mul3A_114 {offsets = [11], sizes = [1], strides = [1]} : vector<16xf32> to vector<1xf32>
      %squeeze3A_764 = vector.extract %slice3A_763[0] : f32 from vector<1xf32>
      %mul3A_765 = vector.broadcast %squeeze3A_764 : f32 to vector<16xf32>
      %mul3A_766 = arith.mulf %tanh3A_761, %mul3A_765 : vector<16xf32>
      %add3A_767 = arith.addf %add3A_675, %mul3A_766 : vector<16xf32>
      %mul3A_768 = vector.broadcast %squeeze3A_764 : f32 to vector<16xf32>
      %mul3A_769 = arith.mulf %tanh3A_762, %mul3A_768 : vector<16xf32>
      %add3A_770 = arith.addf %add3A_678, %mul3A_769 : vector<16xf32>
      %get3A_771 = arith.constant 0 : i32
      %get3A_772 = arith.index_cast %get3A_771 : i32 to index
      %get3A_773 = arith.index_cast %scan3A_98 : i32 to index
      %get3A_774 = arith.constant 896 : index
      %get3A_775 = tpu.vector_load %arg12[%get3A_772, %get3A_773, %get3A_774] {strides = array<i32>} : memref<2x40x1024xbf16, #tpu.memory_space<vmem>>, vector<32xbf16>,
      %get3A_776 = arith.constant 0 : i32
      %get3A_777 = arith.index_cast %get3A_776 : i32 to index
      %get3A_778 = arith.index_cast %scan3A_98 : i32 to index
      %get3A_779 = arith.constant 896 : index
      %get3A_780 = tpu.vector_load %arg13[%get3A_777, %get3A_778, %get3A_779] {strides = array<i32>} : memref<2x40x1024xbf16, #tpu.memory_space<vmem>>, vector<32xbf16>,
      %add3A_781 = arith.addf %get3A_775, %get3A_780 : vector<32xbf16>
      %unpack3A_782 = tpu.unpack_subelements %add3A_781, 0 {pack_format = #tpu.pack_format<interleaved>} : vector<32xbf16> -> vector<16xf32>
      %unpack3A_783 = tpu.unpack_subelements %add3A_781, 1 {pack_format = #tpu.pack_format<interleaved>} : vector<32xbf16> -> vector<16xf32>
      %tanh3A_784 = math.tanh %unpack3A_782 : vector<16xf32>
      %tanh3A_785 = math.tanh %unpack3A_783 : vector<16xf32>
      %slice3A_786 = vector.extract_strided_slice %mul3A_114 {offsets = [12], sizes = [1], strides = [1]} : vector<16xf32> to vector<1xf32>
      %squeeze3A_787 = vector.extract %slice3A_786[0] : f32 from vector<1xf32>
      %mul3A_788 = vector.broadcast %squeeze3A_787 : f32 to vector<16xf32>
      %mul3A_789 = arith.mulf %tanh3A_784, %mul3A_788 : vector<16xf32>
      %add3A_790 = arith.addf %add3A_698, %mul3A_789 : vector<16xf32>
      %mul3A_791 = vector.broadcast %squeeze3A_787 : f32 to vector<16xf32>
      %mul3A_792 = arith.mulf %tanh3A_785, %mul3A_791 : vector<16xf32>
      %add3A_793 = arith.addf %add3A_701, %mul3A_792 : vector<16xf32>
      %get3A_794 = arith.constant 0 : i32
      %get3A_795 = arith.index_cast %get3A_794 : i32 to index
      %get3A_796 = arith.index_cast %scan3A_98 : i32 to index
      %get3A_797 = arith.constant 928 : index
      %get3A_798 = tpu.vector_load %arg12[%get3A_795, %get3A_796, %get3A_797] {strides = array<i32>} : memref<2x40x1024xbf16, #tpu.memory_space<vmem>>, vector<32xbf16>,
      %get3A_799 = arith.constant 0 : i32
      %get3A_800 = arith.index_cast %get3A_799 : i32 to index
      %get3A_801 = arith.index_cast %scan3A_98 : i32 to index
      %get3A_802 = arith.constant 928 : index
      %get3A_803 = tpu.vector_load %arg13[%get3A_800, %get3A_801, %get3A_802] {strides = array<i32>} : memref<2x40x1024xbf16, #tpu.memory_space<vmem>>, vector<32xbf16>,
      %add3A_804 = arith.addf %get3A_798, %get3A_803 : vector<32xbf16>
      %unpack3A_805 = tpu.unpack_subelements %add3A_804, 0 {pack_format = #tpu.pack_format<interleaved>} : vector<32xbf16> -> vector<16xf32>
      %unpack3A_806 = tpu.unpack_subelements %add3A_804, 1 {pack_format = #tpu.pack_format<interleaved>} : vector<32xbf16> -> vector<16xf32>
      %tanh3A_807 = math.tanh %unpack3A_805 : vector<16xf32>
      %tanh3A_808 = math.tanh %unpack3A_806 : vector<16xf32>
      %slice3A_809 = vector.extract_strided_slice %mul3A_114 {offsets = [13], sizes = [1], strides = [1]} : vector<16xf32> to vector<1xf32>
      %squeeze3A_810 = vector.extract %slice3A_809[0] : f32 from vector<1xf32>
      %mul3A_811 = vector.broadcast %squeeze3A_810 : f32 to vector<16xf32>
      %mul3A_812 = arith.mulf %tanh3A_807, %mul3A_811 : vector<16xf32>
      %add3A_813 = arith.addf %add3A_721, %mul3A_812 : vector<16xf32>
      %mul3A_814 = vector.broadcast %squeeze3A_810 : f32 to vector<16xf32>
      %mul3A_815 = arith.mulf %tanh3A_808, %mul3A_814 : vector<16xf32>
      %add3A_816 = arith.addf %add3A_724, %mul3A_815 : vector<16xf32>
      %get3A_817 = arith.constant 0 : i32
      %get3A_818 = arith.index_cast %get3A_817 : i32 to index
      %get3A_819 = arith.index_cast %scan3A_98 : i32 to index
      %get3A_820 = arith.constant 960 : index
      %get3A_821 = tpu.vector_load %arg12[%get3A_818, %get3A_819, %get3A_820] {strides = array<i32>} : memref<2x40x1024xbf16, #tpu.memory_space<vmem>>, vector<32xbf16>,
      %get3A_822 = arith.constant 0 : i32
      %get3A_823 = arith.index_cast %get3A_822 : i32 to index
      %get3A_824 = arith.index_cast %scan3A_98 : i32 to index
      %get3A_825 = arith.constant 960 : index
      %get3A_826 = tpu.vector_load %arg13[%get3A_823, %get3A_824, %get3A_825] {strides = array<i32>} : memref<2x40x1024xbf16, #tpu.memory_space<vmem>>, vector<32xbf16>,
      %add3A_827 = arith.addf %get3A_821, %get3A_826 : vector<32xbf16>
      %unpack3A_828 = tpu.unpack_subelements %add3A_827, 0 {pack_format = #tpu.pack_format<interleaved>} : vector<32xbf16> -> vector<16xf32>
      %unpack3A_829 = tpu.unpack_subelements %add3A_827, 1 {pack_format = #tpu.pack_format<interleaved>} : vector<32xbf16> -> vector<16xf32>
      %tanh3A_830 = math.tanh %unpack3A_828 : vector<16xf32>
      %tanh3A_831 = math.tanh %unpack3A_829 : vector<16xf32>
      %slice3A_832 = vector.extract_strided_slice %mul3A_114 {offsets = [14], sizes = [1], strides = [1]} : vector<16xf32> to vector<1xf32>
      %squeeze3A_833 = vector.extract %slice3A_832[0] : f32 from vector<1xf32>
      %mul3A_834 = vector.broadcast %squeeze3A_833 : f32 to vector<16xf32>
      %mul3A_835 = arith.mulf %tanh3A_830, %mul3A_834 : vector<16xf32>
      %add3A_836 = arith.addf %add3A_744, %mul3A_835 : vector<16xf32>
      %mul3A_837 = vector.broadcast %squeeze3A_833 : f32 to vector<16xf32>
      %mul3A_838 = arith.mulf %tanh3A_831, %mul3A_837 : vector<16xf32>
      %add3A_839 = arith.addf %add3A_747, %mul3A_838 : vector<16xf32>
      %get3A_840 = arith.constant 0 : i32
      %get3A_841 = arith.index_cast %get3A_840 : i32 to index
      %get3A_842 = arith.index_cast %scan3A_98 : i32 to index
      %get3A_843 = arith.constant 992 : index
      %get3A_844 = tpu.vector_load %arg12[%get3A_841, %get3A_842, %get3A_843] {strides = array<i32>} : memref<2x40x1024xbf16, #tpu.memory_space<vmem>>, vector<32xbf16>,
      %get3A_845 = arith.constant 0 : i32
      %get3A_846 = arith.index_cast %get3A_845 : i32 to index
      %get3A_847 = arith.index_cast %scan3A_98 : i32 to index
      %get3A_848 = arith.constant 992 : index
      %get3A_849 = tpu.vector_load %arg13[%get3A_846, %get3A_847, %get3A_848] {strides = array<i32>} : memref<2x40x1024xbf16, #tpu.memory_space<vmem>>, vector<32xbf16>,
      %add3A_850 = arith.addf %get3A_844, %get3A_849 : vector<32xbf16>
      %unpack3A_851 = tpu.unpack_subelements %add3A_850, 0 {pack_format = #tpu.pack_format<interleaved>} : vector<32xbf16> -> vector<16xf32>
      %unpack3A_852 = tpu.unpack_subelements %add3A_850, 1 {pack_format = #tpu.pack_format<interleaved>} : vector<32xbf16> -> vector<16xf32>
      %tanh3A_853 = math.tanh %unpack3A_851 : vector<16xf32>
      %tanh3A_854 = math.tanh %unpack3A_852 : vector<16xf32>
      %slice3A_855 = vector.extract_strided_slice %mul3A_114 {offsets = [15], sizes = [1], strides = [1]} : vector<16xf32> to vector<1xf32>
      %squeeze3A_856 = vector.extract %slice3A_855[0] : f32 from vector<1xf32>
      %mul3A_857 = vector.broadcast %squeeze3A_856 : f32 to vector<16xf32>
      %mul3A_858 = arith.mulf %tanh3A_853, %mul3A_857 : vector<16xf32>
      %add3A_859 = arith.addf %add3A_767, %mul3A_858 : vector<16xf32>
      %mul3A_860 = vector.broadcast %squeeze3A_856 : f32 to vector<16xf32>
      %mul3A_861 = arith.mulf %tanh3A_854, %mul3A_860 : vector<16xf32>
      %add3A_862 = arith.addf %add3A_770, %mul3A_861 : vector<16xf32>
      %add3A_863 = arith.addf %add3A_790, %add3A_813 : vector<16xf32>
      %add3A_864 = arith.addf %add3A_836, %add3A_859 : vector<16xf32>
      %add3A_865 = arith.addf %add3A_863, %add3A_864 : vector<16xf32>
      %add3A_866 = arith.addf %add3A_793, %add3A_816 : vector<16xf32>
      %add3A_867 = arith.addf %add3A_839, %add3A_862 : vector<16xf32>
      %add3A_868 = arith.addf %add3A_866, %add3A_867 : vector<16xf32>
      %swap3A = arith.index_cast %scan3A_98 : i32 to index
      %swap3A_869 = arith.constant 0 : index
      %swap3A_870 = tpu.vector_load %arg15[%swap3A, %swap3A_869] {strides = array<i32>} : memref<40x32xf32, #tpu.memory_space<vmem>>, vector<16xf32>,
      tpu.vector_store %arg15[%swap3A, %swap3A_869], %add3A_865 {strides = array<i32>} : memref<40x32xf32, #tpu.memory_space<vmem>>, vector<16xf32>,
      %swap3A_871 = arith.index_cast %scan3A_98 : i32 to index
      %swap3A_872 = arith.constant 16 : index
      %swap3A_873 = tpu.vector_load %arg15[%swap3A_871, %swap3A_872] {strides = array<i32>} : memref<40x32xf32, #tpu.memory_space<vmem>>, vector<16xf32>,
      tpu.vector_store %arg15[%swap3A_871, %swap3A_872], %add3A_868 {strides = array<i32>} : memref<40x32xf32, #tpu.memory_space<vmem>>, vector<16xf32>,
    }
    %scan3A_94 = arith.constant 40 : i32
    %run_scoped3A = arith.constant 124 : i32
    "tpu.region"() ({
      %run_scoped3A_98 = tpu.sem_alloc : memref<!tpu.dma_semaphore, #tpu.memory_space<semaphore_mem>>
      %dma_start3A_99 = arith.constant 0 : i32
      %dma_start3A_100 = tpu.memref_slice %arg9[%run_scoped3A, %dma_start3A_99] : memref<125x40xi32, #tpu.memory_space<vmem>> -> memref<1x40xi32, #tpu.memory_space<vmem>>
      %dma_start3A_101 = tpu.memref_squeeze %dma_start3A_100 : memref<1x40xi32, #tpu.memory_space<vmem>> -> memref<40xi32, #tpu.memory_space<vmem>>
      %dma_start3A_102 = arith.constant 0 : i32
      %dma_start3A_103 = arith.constant 0 : i32
      %dma_start3A_104 = tpu.memref_slice %arg17[%dma_start3A_102, %dma_start3A_103] : memref<10240x32xf32, #tpu.memory_space<vmem_shared>> -> memref<10240x32xf32, #tpu.memory_space<vmem_shared>>
      tpu.enqueue_indirect_dma source(%arg15 : memref<40x32xf32, #tpu.memory_space<vmem>>) target(%dma_start3A_104 : memref<10240x32xf32, #tpu.memory_space<vmem_shared>>) offsets(%dma_start3A_101 : memref<40xi32, #tpu.memory_space<vmem>>) semaphore(%run_scoped3A_98 : memref<!tpu.dma_semaphore, #tpu.memory_space<semaphore_mem>>) {add = true}
      %dma_wait3A_105 = arith.constant 0 : i32
      %dma_wait3A_106 = tpu.memref_slice %arg9[%run_scoped3A, %dma_wait3A_105] : memref<125x40xi32, #tpu.memory_space<vmem>> -> memref<1x40xi32, #tpu.memory_space<vmem>>
      %dma_wait3A_107 = tpu.memref_squeeze %dma_wait3A_106 : memref<1x40xi32, #tpu.memory_space<vmem>> -> memref<40xi32, #tpu.memory_space<vmem>>
      %dma_wait3A_108 = arith.constant 0 : i32
      %dma_wait3A_109 = arith.constant 0 : i32
      %dma_wait3A_110 = tpu.memref_slice %arg17[%dma_wait3A_108, %dma_wait3A_109] : memref<10240x32xf32, #tpu.memory_space<vmem_shared>> -> memref<10240x32xf32, #tpu.memory_space<vmem_shared>>
      tpu.wait_indirect_dma semaphore(%run_scoped3A_98 : memref<!tpu.dma_semaphore, #tpu.memory_space<semaphore_mem>>) src(%arg15 : memref<40x32xf32, #tpu.memory_space<vmem>>) dst(%dma_wait3A_110 : memref<10240x32xf32, #tpu.memory_space<vmem_shared>>)
      tpu.yield
    }) : () -> ()
    %barrier3A_95 = arith.constant 0 : index
    tpu.barrier barrier_id(%barrier3A_95)
    %mul3A_96 = arith.constant 640 : i32
    %mul3A_97 = arith.muli %arg1, %mul3A_96 : i32
    %multiple_of3A = tpu.assume_multiple %mul3A_97, 8 : i32
    "tpu.region"() ({
      %run_scoped3A_98 = tpu.sem_alloc : memref<!tpu.dma_semaphore, #tpu.memory_space<semaphore_mem>>
      %dma_start3A_99 = arith.constant 0 : i32
      %dma_start3A_100 = tpu.memref_slice %arg8[%arg0, %multiple_of3A, %dma_start3A_99] : memref<2x10240x32xf32, #tpu.memory_space<hbm>> -> memref<1x640x32xf32, #tpu.memory_space<hbm>>
      %dma_start3A_101 = tpu.memref_squeeze %dma_start3A_100 : memref<1x640x32xf32, #tpu.memory_space<hbm>> -> memref<640x32xf32, #tpu.memory_space<hbm>>
      %dma_start3A_102 = arith.constant 0 : i32
      %dma_start3A_103 = tpu.memref_slice %arg17[%multiple_of3A, %dma_start3A_102] : memref<10240x32xf32, #tpu.memory_space<vmem_shared>> -> memref<640x32xf32, #tpu.memory_space<vmem_shared>>
      tpu.enqueue_dma source(%dma_start3A_103 : memref<640x32xf32, #tpu.memory_space<vmem_shared>>) target(%dma_start3A_101 : memref<640x32xf32, #tpu.memory_space<hbm>>) target_semaphore(%run_scoped3A_98 : memref<!tpu.dma_semaphore, #tpu.memory_space<semaphore_mem>>)
      %dma_wait3A_104 = arith.constant 0 : i32
      %dma_wait3A_105 = tpu.memref_slice %arg8[%arg0, %multiple_of3A, %dma_wait3A_104] : memref<2x10240x32xf32, #tpu.memory_space<hbm>> -> memref<1x640x32xf32, #tpu.memory_space<hbm>>
      %dma_wait3A_106 = tpu.memref_squeeze %dma_wait3A_105 : memref<1x640x32xf32, #tpu.memory_space<hbm>> -> memref<640x32xf32, #tpu.memory_space<hbm>>
      %dma_wait3A_107 = arith.constant 0 : i32
      %dma_wait3A_108 = tpu.memref_slice %arg17[%multiple_of3A, %dma_wait3A_107] : memref<10240x32xf32, #tpu.memory_space<vmem_shared>> -> memref<640x32xf32, #tpu.memory_space<vmem_shared>>
      tpu.wait_dma2 semaphore(%run_scoped3A_98 : memref<!tpu.dma_semaphore, #tpu.memory_space<semaphore_mem>>) src(%dma_wait3A_108 : memref<640x32xf32, #tpu.memory_space<vmem_shared>>) dst(%dma_wait3A_106 : memref<640x32xf32, #tpu.memory_space<hbm>>)
      tpu.yield
    }) : () -> ()
    return
  }
}

module attributes {stable_mosaic.version = 14 : i64} {
  func.func @_mm_body(%arg0: i32, %arg1: memref<2000x128xf32, #tpu.memory_space<vmem>>, %arg2: memref<128x1024xf32, #tpu.memory_space<vmem>>, %arg3: memref<128x1024xf32, #tpu.memory_space<vmem>>, %arg4: memref<1x1024xf32, #tpu.memory_space<vmem>>, %arg5: memref<128x32xf32, #tpu.memory_space<vmem>>, %arg6: memref<1x32xf32, #tpu.memory_space<vmem>>, %arg7: memref<2000x32xf32, #tpu.memory_space<vmem>>, %arg8: memref<2000x1024xbf16, #tpu.memory_space<vmem>>, %arg9: memref<2000x1024xbf16, #tpu.memory_space<vmem>>, %arg10: memref<2000x32xf32, #tpu.memory_space<vmem>>) attributes {dimension_semantics = [#tpu.dimension_semantics<arbitrary>], iteration_bounds = array<i64: 5>, scalar_prefetch = 0 : i64, scratch_operands = 0 : i64, tpu.core_type = #tpu.core_type<tc>, window_params = [{transform_indices = @transform_0, window_bounds = array<i64: 2000, 128>}, {pipeline_mode = #tpu.pipeline_mode<synchronous>, transform_indices = @transform_1, window_bounds = array<i64: 128, 1024>}, {pipeline_mode = #tpu.pipeline_mode<synchronous>, transform_indices = @transform_2, window_bounds = array<i64: 128, 1024>}, {pipeline_mode = #tpu.pipeline_mode<synchronous>, transform_indices = @transform_3, window_bounds = array<i64: 1, 1024>}, {pipeline_mode = #tpu.pipeline_mode<synchronous>, transform_indices = @transform_4, window_bounds = array<i64: 128, 32>}, {pipeline_mode = #tpu.pipeline_mode<synchronous>, transform_indices = @transform_5, window_bounds = array<i64: 1, 32>}, {transform_indices = @transform_6, window_bounds = array<i64: 2000, 32>}, {transform_indices = @transform_7, window_bounds = array<i64: 2000, 1024>}, {transform_indices = @transform_8, window_bounds = array<i64: 2000, 1024>}, {transform_indices = @transform_9, window_bounds = array<i64: 2000, 32>}]} {
    %get3A = arith.constant 0 : index
    %get3A_0 = arith.constant 0 : index
    %get3A_1 = vector.load %arg1[%get3A, %get3A_0] : memref<2000x128xf32, #tpu.memory_space<vmem>>, vector<2000x128xf32>
    %get3A_2 = arith.constant 0 : index
    %get3A_3 = arith.constant 0 : index
    %get3A_4 = vector.load %arg2[%get3A_2, %get3A_3] : memref<128x1024xf32, #tpu.memory_space<vmem>>, vector<128x1024xf32>
    %dot_general3A = arith.constant dense<0.000000e+00> : vector<2000x1024xf32>
    %dot_general3A_5 = tpu.matmul %get3A_1, %get3A_4, %dot_general3A {dimension_numbers = #tpu.dot_dimension_numbers<[1], [0], [0], [1], [0, 0, 1, 1], [], []>, transpose_lhs_hint = false} : vector<2000x128xf32>, vector<128x1024xf32>, vector<2000x1024xf32> -> vector<2000x1024xf32>
    %convert_element_type3A = arith.truncf %dot_general3A_5 : vector<2000x1024xf32> to vector<2000x1024xbf16>
    %swap3A = arith.constant 0 : index
    %swap3A_6 = arith.constant 0 : index
    %swap3A_7 = vector.load %arg8[%swap3A, %swap3A_6] : memref<2000x1024xbf16, #tpu.memory_space<vmem>>, vector<2000x1024xbf16>
    tpu.vector_store %arg8[%swap3A, %swap3A_6], %convert_element_type3A {strides = array<i32>} : memref<2000x1024xbf16, #tpu.memory_space<vmem>>, vector<2000x1024xbf16>,
    %get3A_8 = arith.constant 0 : index
    %get3A_9 = arith.constant 0 : index
    %get3A_10 = vector.load %arg3[%get3A_8, %get3A_9] : memref<128x1024xf32, #tpu.memory_space<vmem>>, vector<128x1024xf32>
    %dot_general3A_11 = arith.constant dense<0.000000e+00> : vector<2000x1024xf32>
    %dot_general3A_12 = tpu.matmul %get3A_1, %get3A_10, %dot_general3A_11 {dimension_numbers = #tpu.dot_dimension_numbers<[1], [0], [0], [1], [0, 0, 1, 1], [], []>, transpose_lhs_hint = false} : vector<2000x128xf32>, vector<128x1024xf32>, vector<2000x1024xf32> -> vector<2000x1024xf32>
    %get3A_13 = arith.constant 0 : index
    %get3A_14 = arith.constant 0 : index
    %get3A_15 = vector.load %arg4[%get3A_13, %get3A_14] : memref<1x1024xf32, #tpu.memory_space<vmem>>, vector<1x1024xf32>
    %add3A = vector.broadcast %get3A_15 : vector<1x1024xf32> to vector<2000x1024xf32>
    %add3A_16 = arith.addf %dot_general3A_12, %add3A : vector<2000x1024xf32>
    %convert_element_type3A_17 = arith.truncf %add3A_16 : vector<2000x1024xf32> to vector<2000x1024xbf16>
    %swap3A_18 = arith.constant 0 : index
    %swap3A_19 = arith.constant 0 : index
    %swap3A_20 = vector.load %arg9[%swap3A_18, %swap3A_19] : memref<2000x1024xbf16, #tpu.memory_space<vmem>>, vector<2000x1024xbf16>
    tpu.vector_store %arg9[%swap3A_18, %swap3A_19], %convert_element_type3A_17 {strides = array<i32>} : memref<2000x1024xbf16, #tpu.memory_space<vmem>>, vector<2000x1024xbf16>,
    %get3A_21 = arith.constant 0 : index
    %get3A_22 = arith.constant 0 : index
    %get3A_23 = vector.load %arg5[%get3A_21, %get3A_22] : memref<128x32xf32, #tpu.memory_space<vmem>>, vector<128x32xf32>
    %dot_general3A_24 = arith.constant dense<0.000000e+00> : vector<2000x32xf32>
    %dot_general3A_25 = tpu.matmul %get3A_1, %get3A_23, %dot_general3A_24 {dimension_numbers = #tpu.dot_dimension_numbers<[1], [0], [0], [1], [0, 0, 1, 1], [], []>, transpose_lhs_hint = false} : vector<2000x128xf32>, vector<128x32xf32>, vector<2000x32xf32> -> vector<2000x32xf32>
    %get3A_26 = arith.constant 0 : index
    %get3A_27 = arith.constant 0 : index
    %get3A_28 = vector.load %arg6[%get3A_26, %get3A_27] : memref<1x32xf32, #tpu.memory_space<vmem>>, vector<1x32xf32>
    %add3A_29 = vector.broadcast %get3A_28 : vector<1x32xf32> to vector<2000x32xf32>
    %add3A_30 = arith.addf %dot_general3A_25, %add3A_29 : vector<2000x32xf32>
    %tanh3A = math.tanh %add3A_30 : vector<2000x32xf32>
    %get3A_31 = arith.constant 0 : index
    %get3A_32 = arith.constant 0 : index
    %get3A_33 = vector.load %arg7[%get3A_31, %get3A_32] : memref<2000x32xf32, #tpu.memory_space<vmem>>, vector<2000x32xf32>
    %reduce_sum3A = arith.constant dense<0.000000e+00> : vector<2000xf32>
    %reduce_sum3A_34 = vector.multi_reduction <add>, %get3A_33, %reduce_sum3A [1] : vector<2000x32xf32> to vector<2000xf32>
    %broadcast_in_dim3A = vector.shape_cast %reduce_sum3A_34 : vector<2000xf32> to vector<2000x1xf32>
    %mul3A = vector.broadcast %broadcast_in_dim3A : vector<2000x1xf32> to vector<2000x32xf32>
    %mul3A_35 = arith.mulf %mul3A, %tanh3A : vector<2000x32xf32>
    %swap3A_36 = arith.constant 0 : index
    %swap3A_37 = arith.constant 0 : index
    %swap3A_38 = vector.load %arg10[%swap3A_36, %swap3A_37] : memref<2000x32xf32, #tpu.memory_space<vmem>>, vector<2000x32xf32>
    tpu.vector_store %arg10[%swap3A_36, %swap3A_37], %mul3A_35 {strides = array<i32>} : memref<2000x32xf32, #tpu.memory_space<vmem>>, vector<2000x32xf32>,
    return
  }
  func.func @transform_0(%arg0: i32) -> (i32, i32) {
    %c0_i32 = arith.constant 0 : i32
    %c0_i32_0 = arith.constant 0 : i32
    return %arg0, %c0_i32 : i32, i32
  }
  func.func @transform_1(%arg0: i32) -> (i32, i32) {
    %c0_i32 = arith.constant 0 : i32
    %c0_i32_0 = arith.constant 0 : i32
    %c0_i32_1 = arith.constant 0 : i32
    return %c0_i32, %c0_i32_0 : i32, i32
  }
  func.func @transform_2(%arg0: i32) -> (i32, i32) {
    %c0_i32 = arith.constant 0 : i32
    %c0_i32_0 = arith.constant 0 : i32
    %c0_i32_1 = arith.constant 0 : i32
    return %c0_i32, %c0_i32_0 : i32, i32
  }
  func.func @transform_3(%arg0: i32) -> (i32, i32) {
    %c0_i32 = arith.constant 0 : i32
    %c0_i32_0 = arith.constant 0 : i32
    %c0_i32_1 = arith.constant 0 : i32
    return %c0_i32, %c0_i32_0 : i32, i32
  }
  func.func @transform_4(%arg0: i32) -> (i32, i32) {
    %c0_i32 = arith.constant 0 : i32
    %c0_i32_0 = arith.constant 0 : i32
    %c0_i32_1 = arith.constant 0 : i32
    return %c0_i32, %c0_i32_0 : i32, i32
  }
  func.func @transform_5(%arg0: i32) -> (i32, i32) {
    %c0_i32 = arith.constant 0 : i32
    %c0_i32_0 = arith.constant 0 : i32
    %c0_i32_1 = arith.constant 0 : i32
    return %c0_i32, %c0_i32_0 : i32, i32
  }
  func.func @transform_6(%arg0: i32) -> (i32, i32) {
    %c0_i32 = arith.constant 0 : i32
    %c0_i32_0 = arith.constant 0 : i32
    return %arg0, %c0_i32 : i32, i32
  }
  func.func @transform_7(%arg0: i32) -> (i32, i32) {
    %c0_i32 = arith.constant 0 : i32
    %c0_i32_0 = arith.constant 0 : i32
    return %arg0, %c0_i32 : i32, i32
  }
  func.func @transform_8(%arg0: i32) -> (i32, i32) {
    %c0_i32 = arith.constant 0 : i32
    %c0_i32_0 = arith.constant 0 : i32
    return %arg0, %c0_i32 : i32, i32
  }
  func.func @transform_9(%arg0: i32) -> (i32, i32) {
    %c0_i32 = arith.constant 0 : i32
    %c0_i32_0 = arith.constant 0 : i32
    return %arg0, %c0_i32 : i32, i32
  }
}

module attributes {stable_mosaic.version = 14 : i64} {
  func.func @_out_body(%arg0: i32, %arg1: memref<2x2000x32xf32, #tpu.memory_space<vmem>>, %arg2: memref<2000x32xf32, #tpu.memory_space<vmem>>, %arg3: memref<32x40xf32, #tpu.memory_space<vmem>>, %arg4: memref<1x40xf32, #tpu.memory_space<vmem>>, %arg5: memref<2000x40xf32, #tpu.memory_space<vmem>>) attributes {dimension_semantics = [#tpu.dimension_semantics<arbitrary>], iteration_bounds = array<i64: 5>, scalar_prefetch = 0 : i64, scratch_operands = 0 : i64, tpu.core_type = #tpu.core_type<tc>, window_params = [{transform_indices = @transform_0, window_bounds = array<i64: 2, 2000, 32>}, {transform_indices = @transform_1, window_bounds = array<i64: 2000, 32>}, {pipeline_mode = #tpu.pipeline_mode<synchronous>, transform_indices = @transform_2, window_bounds = array<i64: 32, 40>}, {pipeline_mode = #tpu.pipeline_mode<synchronous>, transform_indices = @transform_3, window_bounds = array<i64: 1, 40>}, {transform_indices = @transform_4, window_bounds = array<i64: 2000, 40>}]} {
    %get3A = arith.constant 0 : index
    %get3A_0 = arith.constant 0 : index
    %get3A_1 = arith.constant 0 : index
    %get3A_2 = vector.load %arg1[%get3A, %get3A_0, %get3A_1] : memref<2x2000x32xf32, #tpu.memory_space<vmem>>, vector<1x2000x32xf32>
    %get3A_3 = vector.shape_cast %get3A_2 : vector<1x2000x32xf32> to vector<2000x32xf32>
    %get3A_4 = arith.constant 1 : index
    %get3A_5 = arith.constant 0 : index
    %get3A_6 = arith.constant 0 : index
    %get3A_7 = vector.load %arg1[%get3A_4, %get3A_5, %get3A_6] : memref<2x2000x32xf32, #tpu.memory_space<vmem>>, vector<1x2000x32xf32>
    %get3A_8 = vector.shape_cast %get3A_7 : vector<1x2000x32xf32> to vector<2000x32xf32>
    %add3A = arith.addf %get3A_3, %get3A_8 : vector<2000x32xf32>
    %get3A_9 = arith.constant 0 : index
    %get3A_10 = arith.constant 0 : index
    %get3A_11 = vector.load %arg2[%get3A_9, %get3A_10] : memref<2000x32xf32, #tpu.memory_space<vmem>>, vector<2000x32xf32>
    %add3A_12 = arith.addf %add3A, %get3A_11 : vector<2000x32xf32>
    %get3A_13 = arith.constant 0 : index
    %get3A_14 = arith.constant 0 : index
    %get3A_15 = vector.load %arg3[%get3A_13, %get3A_14] : memref<32x40xf32, #tpu.memory_space<vmem>>, vector<32x40xf32>
    %dot_general3A = arith.constant dense<0.000000e+00> : vector<2000x40xf32>
    %dot_general3A_16 = tpu.matmul %add3A_12, %get3A_15, %dot_general3A {dimension_numbers = #tpu.dot_dimension_numbers<[1], [0], [0], [1], [0, 0, 1, 1], [], []>, transpose_lhs_hint = false} : vector<2000x32xf32>, vector<32x40xf32>, vector<2000x40xf32> -> vector<2000x40xf32>
    %get3A_17 = arith.constant 0 : index
    %get3A_18 = arith.constant 0 : index
    %get3A_19 = vector.load %arg4[%get3A_17, %get3A_18] : memref<1x40xf32, #tpu.memory_space<vmem>>, vector<1x40xf32>
    %add3A_20 = vector.broadcast %get3A_19 : vector<1x40xf32> to vector<2000x40xf32>
    %add3A_21 = arith.addf %dot_general3A_16, %add3A_20 : vector<2000x40xf32>
    %reduce_max3A = arith.constant dense<0xFF800000> : vector<2000xf32>
    %reduce_max3A_22 = vector.multi_reduction <maximumf>, %add3A_21, %reduce_max3A [1] : vector<2000x40xf32> to vector<2000xf32>
    %broadcast_in_dim3A = vector.shape_cast %reduce_max3A_22 : vector<2000xf32> to vector<2000x1xf32>
    %sub3A = vector.broadcast %broadcast_in_dim3A : vector<2000x1xf32> to vector<2000x40xf32>
    %sub3A_23 = arith.subf %add3A_21, %sub3A : vector<2000x40xf32>
    %exp3A = math.exp %sub3A_23 : vector<2000x40xf32>
    %reduce_sum3A = arith.constant dense<0.000000e+00> : vector<2000xf32>
    %reduce_sum3A_24 = vector.multi_reduction <add>, %exp3A, %reduce_sum3A [1] : vector<2000x40xf32> to vector<2000xf32>
    %broadcast_in_dim3A_25 = vector.shape_cast %reduce_sum3A_24 : vector<2000xf32> to vector<2000x1xf32>
    %log3A = math.log %broadcast_in_dim3A_25 : vector<2000x1xf32>
    %sub3A_26 = vector.broadcast %log3A : vector<2000x1xf32> to vector<2000x40xf32>
    %sub3A_27 = arith.subf %sub3A_23, %sub3A_26 : vector<2000x40xf32>
    %swap3A = arith.constant 0 : index
    %swap3A_28 = arith.constant 0 : index
    %swap3A_29 = vector.load %arg5[%swap3A, %swap3A_28] : memref<2000x40xf32, #tpu.memory_space<vmem>>, vector<2000x40xf32>
    tpu.vector_store %arg5[%swap3A, %swap3A_28], %sub3A_27 {strides = array<i32>} : memref<2000x40xf32, #tpu.memory_space<vmem>>, vector<2000x40xf32>,
    return
  }
  func.func @transform_0(%arg0: i32) -> (i32, i32, i32) {
    %c0_i32 = arith.constant 0 : i32
    %c0_i32_0 = arith.constant 0 : i32
    %c0_i32_1 = arith.constant 0 : i32
    return %c0_i32, %arg0, %c0_i32_0 : i32, i32, i32
  }
  func.func @transform_1(%arg0: i32) -> (i32, i32) {
    %c0_i32 = arith.constant 0 : i32
    %c0_i32_0 = arith.constant 0 : i32
    return %arg0, %c0_i32 : i32, i32
  }
  func.func @transform_2(%arg0: i32) -> (i32, i32) {
    %c0_i32 = arith.constant 0 : i32
    %c0_i32_0 = arith.constant 0 : i32
    %c0_i32_1 = arith.constant 0 : i32
    return %c0_i32, %c0_i32_0 : i32, i32
  }
  func.func @transform_3(%arg0: i32) -> (i32, i32) {
    %c0_i32 = arith.constant 0 : i32
    %c0_i32_0 = arith.constant 0 : i32
    %c0_i32_1 = arith.constant 0 : i32
    return %c0_i32, %c0_i32_0 : i32, i32
  }
  func.func @transform_4(%arg0: i32) -> (i32, i32) {
    %c0_i32 = arith.constant 0 : i32
    %c0_i32_0 = arith.constant 0 : i32
    return %arg0, %c0_i32 : i32, i32
  }
}

</mosaic_0001>

<sc_bundles>
// kernel: kernel.6.cloned.1.call-start
scs
__scs_entry_jumppad:
0x0: {  	(pc) =	sbr.rel $0x88, $3  }
0x1: {  	(tag) =	ssettag $0x0;
	lr =	simm.s32 $0x1  }
0x2: {  	[smem:$0x3F97] =	sst lr;
	_ =	strace $0xD0000000  }
0x3: {  	_ = 	snop  }
0x4: {  	_ = 	snop  }
0x5: {  	_ = 	snop  }
0x6: {  	_ = 	snop  }
0x7: {  	_ = 	snop  }
__scs_overlays_trampoline_lowered:
0x8: {  	[smem:$0x3FA6] =	sst s0  }
0x9: {  	[smem:$0x3FA7] =	sst s1  }
0xa: {  	[smem:$0x3FA8] =	sst s2  }
0xb: {  	[smem:$0x3FA9] =	sst s3  }
0xc: {  	[smem:$0x3FAA] =	sst s4  }
0xd: {  	[smem:$0x3FAB] =	sst s5  }
0xe: {  	[smem:$0x3FAC] =	sst s6  }
0xf: {  	[smem:$0x3FAD] =	sst s7  }
0x10: {  	[smem:$0x3FAE] =	sst s8  }
0x11: {  	[smem:$0x3FAF] =	sst s9;
	s0 =	simm.s32 @!p0 $0x0  }
0x12: {  	s1 =	sld [smem:$0x3F95];
	s0 =	simm.s32 @p0 $0x1  }
0x13: {  	[smem:$0x3FB0] =	sst s0;
	s0 =	simm.s32 @!p1 $0x0  }
0x14: {  	s2 =	sld [smem:$0x3F94];
	s0 =	simm.s32 @p1 $0x1  }
0x15: {  	[smem:$0x3FB1] =	sst s0;
	s0 =	simm.s32 @!p2 $0x0  }
0x16: {  	s3 =	sld [smem:$0x3FDB];
	s0 =	simm.s32 @p2 $0x1  }
0x17: {  	s4 =	simm.s32 $0x1BF5;
	[smem:$0x3FB3] =	sst s0  }
0x18: {  	s0 =	sld [smem:$0x3F96];
	_ =	swait.ge [sflag:s4], $0x0  }
0x19: {  	s7 =	sld [smem:$0x3F97]  }
0x1a: {  	s8 =	sadd.s32 $0xFFFFE003, lr  }
0x1b: {  	s9 =	sadd.s32 $0xFFFFFEF7, lr;
	s5 =	simm.s32 $0xFFFFFFFF;
	p2 =	slt.u32 s8, $0xFFFFF086  }
0x1c: {  	p1 =	slt.u32 s9, $0xF7A;
	s5 =	simm.s32 @!p2 $0x0  }
0x1d: {  	s5 =	simm.s32 @p1 $0x1;
	p0 =	seq.s32 s7, s2  }
0x1e: {  	s7 =	smul.u32 @!p0 $0xF7A, s2;
	p2 =	seq.s32 @!p0 s5, $0x0  }
0x1f: {  	s9 =	smul.u32 $0xF7A, s1;
	s8 =	simm.s32 @!p0 $0x1BF5;
	p2 =	por !p2, p0  }
0x20: {  	[sflag:s8] =	ssyncset.s32 @!p0 $0xFFFFF086;
	s6 =	sadd.s32 @!p0 s3, s7;
	s7 =	simm.s32 @!p0 $0x108  }
0x21: {  	s3 =	sadd.s32 s3, s9;
	s6 =	sadd.s32 @!p0 $0x88, s6;
	s7 =	simm.s32 @p2 $0x1082  }
0x22: {  	[simem:s7], [sflag:s8] =	dma.local @!p0 [hbm:s6], $0xF7A  }
0x23: {  	s9 =	sor.u32 $0xD0000000, s2;
	s6 =	simm.s32 $0x108;
	_ =	swait.ge @!p0 [sflag:s8], $0x0  }
0x24: {  	s3 =	sadd.s32 $0x88, s3;
	s6 =	simm.s32 @!p1 $0x1082;
	[sflag:s4] =	ssyncset.s32 $0xFFFFF086  }
0x25: {  	[simem:s6], [sflag:s4] =	dma.local [hbm:s3], $0xF7A  }
0x26: {  	[smem:$0x3F97] =	sst s1;
	(tag) =	ssettag s2;
	_ =	strace s9  }
0x27: {  	s1 =	sld [smem:$0x3FA7]  }
0x28: {  	s2 =	sld [smem:$0x3FA8]  }
0x29: {  	s4 =	sld [smem:$0x3FAA]  }
0x2a: {  	p0 =	seq.s32 s5, $0x0;
	s5 =	sld [smem:$0x3FAB]  }
0x2b: {  	s6 =	sld [smem:$0x3FAC]  }
0x2c: {  	s7 =	sld [smem:$0x3FAD]  }
0x2d: {  	s3 =	simm.s32 $0x108;
	s8 =	sld [smem:$0x3FAE]  }
0x2e: {  	s3 =	simm.s32 @!p0 $0x1082;
	s9 =	sld [smem:$0x3FAF]  }
0x2f: {  	lr =	sadd.s32 s0, s3;
	s0 =	sld [smem:$0x3FA6]  }
0x30: {  	s3 =	sld [smem:$0x3FA9]  }
0x31: {  	[smem:$0x3FB2] =	sst s10  }
0x32: {  	s10 =	sld [smem:$0x3FB0];
	_ =	sdelay $0x3  }
0x33: {  	p0 =	seq.s32 s10, $0x1;
	s10 =	sld [smem:$0x3FB2];
	_ =	sdelay $0x3  }
0x34: {  	[smem:$0x3FB2] =	sst s10  }
0x35: {  	s10 =	sld [smem:$0x3FB1];
	_ =	sdelay $0x3  }
0x36: {  	p1 =	seq.s32 s10, $0x1;
	s10 =	sld [smem:$0x3FB2];
	_ =	sdelay $0x3  }
0x37: {  	[smem:$0x3FB2] =	sst s10  }
0x38: {  	s10 =	sld [smem:$0x3FB3]  }
0x39: {  	_ = 	snop;
	(pc) =	sbr.ind lr, $3  }
0x3a: {  	_ = 	snop  }
0x3b: {  	_ = 	snop  }
0x3c: {  	p2 =	seq.s32 s10, $0x1;
	s10 =	sld [smem:$0x3FB2]  }
0x3d: {  	_ =	shalt  }
0x3e: {  	_ =	shalt  }
0x3f: {  	_ =	shalt  }
0x40: {  	_ =	shalt  }
0x41: {  	_ =	shalt  }
0x42: {  	_ =	shalt  }
0x43: {  	_ =	shalt  }
0x44: {  	_ =	shalt  }
0x45: {  	_ =	shalt  }
0x46: {  	_ =	shalt  }
0x47: {  	_ =	shalt  }
0x48: {  	_ =	shalt  }
0x49: {  	_ =	shalt  }
0x4a: {  	_ =	shalt  }
0x4b: {  	_ =	shalt  }
0x4c: {  	_ =	shalt  }
0x4d: {  	_ =	shalt  }
0x4e: {  	_ =	shalt  }
0x4f: {  	_ =	shalt  }
0x50: {  	_ =	shalt  }
0x51: {  	_ =	shalt  }
0x52: {  	_ =	shalt  }
0x53: {  	_ =	shalt  }
0x54: {  	_ =	shalt  }
0x55: {  	_ =	shalt  }
0x56: {  	_ =	shalt  }
0x57: {  	_ =	shalt  }
0x58: {  	_ =	shalt  }
0x59: {  	_ =	shalt  }
0x5a: {  	_ =	shalt  }
0x5b: {  	_ =	shalt  }
0x5c: {  	_ =	shalt  }
0x5d: {  	_ =	shalt  }
0x5e: {  	_ =	shalt  }
0x5f: {  	_ =	shalt  }
0x60: {  	_ =	shalt  }
0x61: {  	_ =	shalt  }
0x62: {  	_ =	shalt  }
0x63: {  	_ =	shalt  }
0x64: {  	_ =	shalt  }
0x65: {  	_ =	shalt  }
0x66: {  	_ =	shalt  }
0x67: {  	_ =	shalt  }
0x68: {  	_ =	shalt  }
0x69: {  	_ =	shalt  }
0x6a: {  	_ =	shalt  }
0x6b: {  	_ =	shalt  }
0x6c: {  	_ =	shalt  }
0x6d: {  	_ =	shalt  }
0x6e: {  	_ =	shalt  }
0x6f: {  	_ =	shalt  }
0x70: {  	_ =	shalt  }
0x71: {  	_ =	shalt  }
0x72: {  	_ =	shalt  }
0x73: {  	_ =	shalt  }
0x74: {  	_ =	shalt  }
0x75: {  	_ =	shalt  }
0x76: {  	_ =	shalt  }
0x77: {  	_ =	shalt  }
0x78: {  	_ =	shalt  }
0x79: {  	_ =	shalt  }
0x7a: {  	_ =	shalt  }
0x7b: {  	_ =	shalt  }
0x7c: {  	_ =	shalt  }
0x7d: {  	_ =	shalt  }
0x7e: {  	_ =	shalt  }
0x7f: {  	_ =	shalt  }
0x80: {  	_ =	shalt  }
0x81: {  	_ =	shalt  }
0x82: {  	_ =	shalt  }
0x83: {  	_ =	shalt  }
0x84: {  	_ =	shalt  }
0x85: {  	_ =	shalt  }
0x86: {  	_ =	shalt  }
0x87: {  	_ =	shalt  }
.Lfunc_end0:
.L_simem_size_0:
called_computation_lowered:
.L_overlay_start_0:
0x88: {  	s2 =	sld [smem:$0x3FD9]  }
0x89: {  	s3 =	sld [smem:$0x3FFE];
	_ =	sdelay $0x1  }
0x8a: {  	s1 =	srdreg.scid  }
0x8b: {  	s0 =	sand.u32 $0x1, s1  }
0x8c: {  	s17 =	sshll.u32 s0, $0xA;
	s2 =	sadd.s32 s3, s2  }
0x8d: {  	s2 =	sadd.s32 s2, s17  }
0x8e: {  	[smem:$0x3FBE] =	sst s2  }
0x8f: {  	_ = 	snop  }
0x90: {  	s2 =	sld [smem:$0x3FD0];
	(tm) =	ssettm $0x1  }
0x91: {  	s18 =	sld [smem:$0x3FFB];
	_ =	sdelay $0x3  }
0x92: {  	_ =	strace s18  }
0x93: {  	s3 =	sld [smem:$0x3FFC];
	_ =	sdelay $0x3  }
0x94: {  	_ =	strace s3  }
0x95: {  	s3 =	sld [smem:$0x3FFD];
	_ =	sdelay $0x3  }
0x96: {  	_ =	strace s3  }
0x97: {  	_ =	strace $0x8FFFFFFF  }
0x98: {  	s19 =	sld [smem:$0x3FDB];
	_ =	sdelay $0x1  }
0x99: {  	s4 =	simm.s32 $_scs_section_size  }
0x9a: {  	s5 =	simm.s32 $_size__tile_overlayer_lowered;
	s6 =	simm.s32 $_tile_overlayer_lowered  }
0x9b: {  	s22 =	simm.s32 $0x1BFF;
	s21 =	sshll.u32 s6, $0x1;
	s3 =	sadd.s32 s4, s19  }
0x9c: {  	s7 =	simm.s32 $0x0;
	s20 =	sshll.u32 s5, $0x1;
	s5 =	sadd.s32 s21, s3  }
0x9d: {  	[timem:s7], [sflag:s22] =	dma.local [hbm:s5], s20  }
0x9e: {  	_ =	swait.ge [sflag:s22], s20  }
0x9f: {  	s4 =	ssub.s32 $0x0, s20;
	[sflag:s22] =	ssyncset.done $0x0  }
0xa0: {  	[sflag:s22] =	ssyncadd.s32 s4;
	_ =	sdelay $0x1  }
0xa1: {  	s23 =	simm.s32 $0x1B8B  }
0xa2: {  	_ =	swait.ge [sflag:s23], $0x1  }
0xa3: {  	[sflag:s23] =	ssyncset.done $0x0  }
0xa4: {  	s25 =	simm.s32 $0x1B8E;
	s24 =	sld [smem:$0x3FFE];
	[sflag:s23] =	ssyncadd.s32 $0xFFFFFFFF  }
0xa5: {  	s26 =	simm.s32 $execute0_lowered;
	[smem:$0x3FD2] =	sst s25  }
0xa6: {  	s5 =	sshll.u32 s26, $0x1;
	_ =	strace $0x80000046;
	[dreg:$0x1] =	wrdreg $0xFFFFFFFF  }
0xa7: {  	s28 =	simm.s32 $_size_execute0_lowered;
	s3 =	sadd.s32 s3, s5;
	[dreg:$0x0] =	wrdreg $0x0  }
0xa8: {  	s5 =	sshll.u32 s28, $0x1;
	[dreg:$0x2] =	wrdreg s3  }
0xa9: {  	[dreg:$0x3] =	wrdreg s5  }
0xaa: {  	[dreg:$0x4] =	wrdreg $0xC0  }
0xab: {  	_ =	task [dreg:s7], $0x5FFFF  }
0xac: {  	[dreg:$0x1] =	wrdreg $0xFFFFFFFF  }
0xad: {  	[dreg:$0x0] =	wrdreg $0x60  }
0xae: {  	[dreg:$0x2] =	wrdreg s24  }
0xaf: {  	[dreg:$0x3] =	wrdreg s2  }
0xb0: {  	[dreg:$0x4] =	wrdreg $0x9  }
0xb1: {  	_ =	task.clear_ibuf [dreg:s7], $0x5FFFF;
	_ =	strace $0x90000046  }
0xb2: {  	s29 =	simm.s32 $0x9;
	_ =	strace $0x80000048  }
0xb3: {  	_ =	swait.ge [sflag:s29], $0x1  }
0xb4: {  	[sflag:s29] =	ssyncadd.s32 $0xFFFFFFFF  }
0xb5: {  	_ =	strace $0x90000048  }
0xb6: {  	_ =	sfence  }
0xb7: {  	s30 =	sld [smem:$0x0];
	_ =	sdelay $0x2  }
0xb8: {  	s31 =	sshll.u32 s1, $0xD;
	s1 =	sshrl.u32 s1, $0x2  }
0xb9: {  	s3 =	sand.u32 $0x4000, s31;
	s1 =	sadd.s32 s1, s30  }
0xba: {  	s0 =	sor.u32 s3, s0;
	s1 =	sshll.u32 s1, $0x11  }
0xbb: {  	s0 =	sor.u32 s1, s0  }
0xbc: {  	s0 =	sadd.s32 $0x8F2B, s0  }
0xbd: {  	[sflag:s0] =	ssyncadd.remote.s32 $0x1  }
0xbe: {  	_ =	sfence.sel $0xFFFF  }
0xbf: {  	[dreg:$0x0] =	wrdreg $0xFFFFFFFF;
	(pc) =	sbr.abs _section_cstart, $3  }
0xc0: {  	[dreg:$0x1] =	wrdreg $0xFFFFFFFF  }
0xc1: {  	_ =	task.clear_ibuf [dreg:s7], $0x2FFFF;
	_ =	strace $0x9FFFFFFF  }
0xc2: {  	(tm) =	ssettm $0x7FFFFFFF  }
0xc3: {  	_ =	shalt  }
tec
execute0_lowered:
.L_overlay_start_1:
0x0: {  	(tag) =	ssettag $0x1  }
0x1: {  	s3 =	rddreg [dreg:$0x0]  }
0x2: {  	s4 =	rddreg [dreg:$0x1]  }
0x3: {  	s0 =	rddreg [dreg:$0x2];
	s2 =	simm.s32 $0x0;
	s5 =	srdreg.scid  }
0x4: {  	s1 =	stileid.u32;
	s10 =	simm.s32 $0x0;
	s5 =	sand.u32 $0x1, s5  }
0x5: {  	s6 =	sshrl.u32 s1, $0x2;
	s7 =	sshll.u32 s1, $0x8;
	[smem:$0x7FF] =	sst s2  }
0x6: {  	s8 =	sshll.u32 s5, $0x7;
	s7 =	sand.u32 $0x300, s7;
	s9 =	smul.u32 $0xA000, s6  }
0x7: {  	s6 =	smul.u32 $0x13C00, s6;
	s5 =	ssub.s32 $0x2, s5;
	s7 =	sor.u32 s8, s7  }
0x8: {  	_ =	strace $0x80000047;
	s31 =	sshrl.u32 s5, $0x1;
	s8 =	sor.u32 s9, s7  }
0x9: {  	s6 =	sor.u32 s6, s7;
	s5 =	ssub.s32 s5, s31;
	s7 =	simm.s32 $0x400  }
0xa: {  	s9 =	simm.s32 $0x1400;
	s8 =	sshrl.u32 s8, $0x3;
	s6 =	sshrl.u32 s6, $0x3  }
0xb: {  	s5 =	smax.u32 s5, $0x1;
	s3 =	sadd.s32 s8, s3;
	s4 =	sadd.s32 s4, s6  }
0xc: {  	v0 =	vimm.f32 $0.0e+00;
	v1 =	vimm.f32 $1.000000000e+00;
	vm0 =	vcmask $0x3F20;
	s6 =	simm.s32 $0x80;
	s8 =	simm.s32 $0x1;
	s3 =	sadd.s32 $0x2200, s3  }
.LBB2_1:
0xd: {  	[tilespmem:s2], [sflag:$0x1] =	stream.strided.gather [hbm4b:s3+s6], $0x1400, s7, s6, $0x38;
	[tilespmem:$0x3B80] =	vst v63  }
0xe: {  	_ =	swait.ge [sflag:s8], $0x1400  }
0xf: {  	[sflag:s8] =	ssyncset.done $0x0  }
0x10: {  	s11 =	simm.s32 $0x0;
	[sflag:s8] =	ssyncadd.s32 $0xFFFFEC00  }
.LBB2_2:
0x11: {  	p0 =	sne.s32 s11, $0x9C00  }
.Ltmp0:
0x12: {  	_ = 	snop;
	(pc) =	sbr.rel @p0 .LBB2_2-.Ltmp0, $3  }
0x13: {  	_ =	sdelay $0x1  }
0x14: {  	s12 =	sshra.s32 s11, $0x2  }
0x15: {  	s11 =	sadd.s32 $0x40, s11;
	[tilespmem:s12+$0x1400] =	vst v0  }
0x16: {  	s12 =	simm.s32 $0x0;
	s11 =	simm.s32 $0x40  }
.LBB2_4:
0x17: {  	p0 =	sne.s32 s11, $0x4DC0;
	v2 =	vld [tilespmem:s12+$0x0];
	_ =	sdelay $0x3  }
.Ltmp1:
0x18: {  	(pc) =	sbr.rel @p0 .LBB2_4-.Ltmp1, $2  }
0x19: {  	_ =	sdelay $0x2  }
0x1a: {  	s12 =	sshra.s32 s11, $0x2;
	s11 =	sadd.s32 $0x40, s11;
	[tilespmem:v2+s9+$0x0] =	vst.idx.add.f32.msk $0xffff, v1  }
0x1b: {  	v2 =	vld [tilespmem:s12+$0x0];
	_ =	sdelay $0x7  }
0x1c: {  	[tilespmem:v2+s9+$0x0] =	vst.idx.add.f32.msk $0xffff, v1  }
0x1d: {  	v2 =	vld [tilespmem:$0x1378];
	_ =	sdelay $0x5  }
0x1e: {  	s10 =	sadd.s32 $0x1, s10  }
0x1f: {  	p0 =	sne.s32 s10, s5  }
.Ltmp2:
0x20: {  	[tilespmem:v2+s9+$0x0] =	vst.idx.add.f32.msk vm0, v1;
	(pc) =	sbr.rel @p0 .LBB2_1-.Ltmp2, $4  }
0x21: {  	[hbm4b:s4+s6] =	stream.strided.scatter [tilespmem:s9], [sflag:$0x1], $0x2780, s7, s6, $0x38;
	[tilespmem:$0x3B80] =	vst v63  }
0x22: {  	_ =	swait.ge [sflag:s8], $0x2780  }
0x23: {  	[sflag:s8] =	ssyncset.done $0x0  }
0x24: {  	[sflag:s8] =	ssyncadd.s32 $0xFFFFD880  }
0x25: {  	_ =	sfence.sel $0x180000  }
0x26: {  	[bflag:$0x0] =	sbarrier.arrive $0xFFFF  }
0x27: {  	p0 =	sne.s32 s1, $0x0;
	_ =	strace $0x90000047  }
0x28: {  	s0 =	sadd.s32 @!p0 $0x100000, s0;
	[bflag:$0x2] =	sbarrier.arrive $0xFFFF  }
0x29: {  	[sflag:s0] =	ssyncadd.tile.s32 @!p0 $0x1;
	_ =	shalt  }
.Lfunc_end2:
_tile_overlayer_lowered:
.L_overlay_start_2:
0x2a: {  	(tag) =	ssettag $0x2  }
0x2b: {  	s0 =	rddreg [dreg:$0x0];
	s2 =	stileid.u32  }
0x2c: {  	s1 =	rddreg [dreg:$0x1];
	p0 =	sne.s32 s2, $0x0  }
0x2d: {  	s3 =	rddreg [dreg:$0x2];
	[bflag:$0x3] =	sbarrier.arrive $0xFFFF;
	s2 =	simm.s32 @!p0 $0x1C01  }
0x2e: {  	[timem:s3], [sflag:s2] =	dma.local @!p0 [hbm:s0], s1  }
0x2f: {  	s0 =	simm.s32 @!p0 $0x1  }
0x30: {  	_ =	swait.ge @!p0 [sflag:s0], s1  }
0x31: {  	s1 =	ssub.s32 @!p0 $0x0, s1;
	[sflag:s0] =	ssyncset.done @!p0 $0x0  }
0x32: {  	[sflag:s0] =	ssyncadd.s32 @!p0 s1  }
0x33: {  	[bflag:$0x3] =	sbarrier.arrive $0xFFFF  }
0x34: {  	_ =	shalt  }

// kernel: kernel.9.cloned.1.call-start
scs
__scs_entry_jumppad:
0x0: {  	(pc) =	sbr.rel $0x88, $3  }
0x1: {  	(tag) =	ssettag $0x0;
	lr =	simm.s32 $0x1  }
0x2: {  	[smem:$0x3F97] =	sst lr;
	_ =	strace $0xD0000000  }
0x3: {  	_ = 	snop  }
0x4: {  	_ = 	snop  }
0x5: {  	_ = 	snop  }
0x6: {  	_ = 	snop  }
0x7: {  	_ = 	snop  }
__scs_overlays_trampoline_lowered:
0x8: {  	[smem:$0x3FA6] =	sst s0  }
0x9: {  	[smem:$0x3FA7] =	sst s1  }
0xa: {  	[smem:$0x3FA8] =	sst s2  }
0xb: {  	[smem:$0x3FA9] =	sst s3  }
0xc: {  	[smem:$0x3FAA] =	sst s4  }
0xd: {  	[smem:$0x3FAB] =	sst s5  }
0xe: {  	[smem:$0x3FAC] =	sst s6  }
0xf: {  	[smem:$0x3FAD] =	sst s7  }
0x10: {  	[smem:$0x3FAE] =	sst s8  }
0x11: {  	[smem:$0x3FAF] =	sst s9;
	s0 =	simm.s32 @!p0 $0x0  }
0x12: {  	s1 =	sld [smem:$0x3F95];
	s0 =	simm.s32 @p0 $0x1  }
0x13: {  	[smem:$0x3FB0] =	sst s0;
	s0 =	simm.s32 @!p1 $0x0  }
0x14: {  	s2 =	sld [smem:$0x3F94];
	s0 =	simm.s32 @p1 $0x1  }
0x15: {  	[smem:$0x3FB1] =	sst s0;
	s0 =	simm.s32 @!p2 $0x0  }
0x16: {  	s3 =	sld [smem:$0x3FDB];
	s0 =	simm.s32 @p2 $0x1  }
0x17: {  	s4 =	simm.s32 $0x1BF5;
	[smem:$0x3FB3] =	sst s0  }
0x18: {  	s0 =	sld [smem:$0x3F96];
	_ =	swait.ge [sflag:s4], $0x0  }
0x19: {  	s7 =	sld [smem:$0x3F97]  }
0x1a: {  	s8 =	sadd.s32 $0xFFFFE003, lr  }
0x1b: {  	s9 =	sadd.s32 $0xFFFFFEF7, lr;
	s5 =	simm.s32 $0xFFFFFFFF;
	p2 =	slt.u32 s8, $0xFFFFF086  }
0x1c: {  	p1 =	slt.u32 s9, $0xF7A;
	s5 =	simm.s32 @!p2 $0x0  }
0x1d: {  	s5 =	simm.s32 @p1 $0x1;
	p0 =	seq.s32 s7, s2  }
0x1e: {  	s7 =	smul.u32 @!p0 $0xF7A, s2;
	p2 =	seq.s32 @!p0 s5, $0x0  }
0x1f: {  	s9 =	smul.u32 $0xF7A, s1;
	s8 =	simm.s32 @!p0 $0x1BF5;
	p2 =	por !p2, p0  }
0x20: {  	[sflag:s8] =	ssyncset.s32 @!p0 $0xFFFFF086;
	s6 =	sadd.s32 @!p0 s3, s7;
	s7 =	simm.s32 @!p0 $0x108  }
0x21: {  	s3 =	sadd.s32 s3, s9;
	s6 =	sadd.s32 @!p0 $0x88, s6;
	s7 =	simm.s32 @p2 $0x1082  }
0x22: {  	[simem:s7], [sflag:s8] =	dma.local @!p0 [hbm:s6], $0xF7A  }
0x23: {  	s9 =	sor.u32 $0xD0000000, s2;
	s6 =	simm.s32 $0x108;
	_ =	swait.ge @!p0 [sflag:s8], $0x0  }
0x24: {  	s3 =	sadd.s32 $0x88, s3;
	s6 =	simm.s32 @!p1 $0x1082;
	[sflag:s4] =	ssyncset.s32 $0xFFFFF086  }
0x25: {  	[simem:s6], [sflag:s4] =	dma.local [hbm:s3], $0xF7A  }
0x26: {  	[smem:$0x3F97] =	sst s1;
	(tag) =	ssettag s2;
	_ =	strace s9  }
0x27: {  	s1 =	sld [smem:$0x3FA7]  }
0x28: {  	s2 =	sld [smem:$0x3FA8]  }
0x29: {  	s4 =	sld [smem:$0x3FAA]  }
0x2a: {  	p0 =	seq.s32 s5, $0x0;
	s5 =	sld [smem:$0x3FAB]  }
0x2b: {  	s6 =	sld [smem:$0x3FAC]  }
0x2c: {  	s7 =	sld [smem:$0x3FAD]  }
0x2d: {  	s3 =	simm.s32 $0x108;
	s8 =	sld [smem:$0x3FAE]  }
0x2e: {  	s3 =	simm.s32 @!p0 $0x1082;
	s9 =	sld [smem:$0x3FAF]  }
0x2f: {  	lr =	sadd.s32 s0, s3;
	s0 =	sld [smem:$0x3FA6]  }
0x30: {  	s3 =	sld [smem:$0x3FA9]  }
0x31: {  	[smem:$0x3FB2] =	sst s10  }
0x32: {  	s10 =	sld [smem:$0x3FB0];
	_ =	sdelay $0x3  }
0x33: {  	p0 =	seq.s32 s10, $0x1;
	s10 =	sld [smem:$0x3FB2];
	_ =	sdelay $0x3  }
0x34: {  	[smem:$0x3FB2] =	sst s10  }
0x35: {  	s10 =	sld [smem:$0x3FB1];
	_ =	sdelay $0x3  }
0x36: {  	p1 =	seq.s32 s10, $0x1;
	s10 =	sld [smem:$0x3FB2];
	_ =	sdelay $0x3  }
0x37: {  	[smem:$0x3FB2] =	sst s10  }
0x38: {  	s10 =	sld [smem:$0x3FB3]  }
0x39: {  	_ = 	snop;
	(pc) =	sbr.ind lr, $3  }
0x3a: {  	_ = 	snop  }
0x3b: {  	_ = 	snop  }
0x3c: {  	p2 =	seq.s32 s10, $0x1;
	s10 =	sld [smem:$0x3FB2]  }
0x3d: {  	_ =	shalt  }
0x3e: {  	_ =	shalt  }
0x3f: {  	_ =	shalt  }
0x40: {  	_ =	shalt  }
0x41: {  	_ =	shalt  }
0x42: {  	_ =	shalt  }
0x43: {  	_ =	shalt  }
0x44: {  	_ =	shalt  }
0x45: {  	_ =	shalt  }
0x46: {  	_ =	shalt  }
0x47: {  	_ =	shalt  }
0x48: {  	_ =	shalt  }
0x49: {  	_ =	shalt  }
0x4a: {  	_ =	shalt  }
0x4b: {  	_ =	shalt  }
0x4c: {  	_ =	shalt  }
0x4d: {  	_ =	shalt  }
0x4e: {  	_ =	shalt  }
0x4f: {  	_ =	shalt  }
0x50: {  	_ =	shalt  }
0x51: {  	_ =	shalt  }
0x52: {  	_ =	shalt  }
0x53: {  	_ =	shalt  }
0x54: {  	_ =	shalt  }
0x55: {  	_ =	shalt  }
0x56: {  	_ =	shalt  }
0x57: {  	_ =	shalt  }
0x58: {  	_ =	shalt  }
0x59: {  	_ =	shalt  }
0x5a: {  	_ =	shalt  }
0x5b: {  	_ =	shalt  }
0x5c: {  	_ =	shalt  }
0x5d: {  	_ =	shalt  }
0x5e: {  	_ =	shalt  }
0x5f: {  	_ =	shalt  }
0x60: {  	_ =	shalt  }
0x61: {  	_ =	shalt  }
0x62: {  	_ =	shalt  }
0x63: {  	_ =	shalt  }
0x64: {  	_ =	shalt  }
0x65: {  	_ =	shalt  }
0x66: {  	_ =	shalt  }
0x67: {  	_ =	shalt  }
0x68: {  	_ =	shalt  }
0x69: {  	_ =	shalt  }
0x6a: {  	_ =	shalt  }
0x6b: {  	_ =	shalt  }
0x6c: {  	_ =	shalt  }
0x6d: {  	_ =	shalt  }
0x6e: {  	_ =	shalt  }
0x6f: {  	_ =	shalt  }
0x70: {  	_ =	shalt  }
0x71: {  	_ =	shalt  }
0x72: {  	_ =	shalt  }
0x73: {  	_ =	shalt  }
0x74: {  	_ =	shalt  }
0x75: {  	_ =	shalt  }
0x76: {  	_ =	shalt  }
0x77: {  	_ =	shalt  }
0x78: {  	_ =	shalt  }
0x79: {  	_ =	shalt  }
0x7a: {  	_ =	shalt  }
0x7b: {  	_ =	shalt  }
0x7c: {  	_ =	shalt  }
0x7d: {  	_ =	shalt  }
0x7e: {  	_ =	shalt  }
0x7f: {  	_ =	shalt  }
0x80: {  	_ =	shalt  }
0x81: {  	_ =	shalt  }
0x82: {  	_ =	shalt  }
0x83: {  	_ =	shalt  }
0x84: {  	_ =	shalt  }
0x85: {  	_ =	shalt  }
0x86: {  	_ =	shalt  }
0x87: {  	_ =	shalt  }
.Lfunc_end0:
.L_simem_size_0:
called_computation.1_lowered:
.L_overlay_start_0:
0x88: {  	s2 =	sld [smem:$0x3FD9]  }
0x89: {  	s3 =	sld [smem:$0x3FFE];
	_ =	sdelay $0x1  }
0x8a: {  	s1 =	srdreg.scid  }
0x8b: {  	s0 =	sand.u32 $0x1, s1  }
0x8c: {  	s17 =	sshll.u32 s0, $0xA;
	s2 =	sadd.s32 s3, s2  }
0x8d: {  	s2 =	sadd.s32 s2, s17  }
0x8e: {  	[smem:$0x3FBE] =	sst s2  }
0x8f: {  	_ = 	snop  }
0x90: {  	s2 =	sld [smem:$0x3FC8]  }
0x91: {  	s18 =	sld [smem:$0x3FC7]  }
0x92: {  	s4 =	sld [smem:$0x3FC6]  }
0x93: {  	s5 =	sld [smem:$0x3FD0];
	(tm) =	ssettm $0x1  }
0x94: {  	s6 =	sld [smem:$0x3FFB];
	_ =	sdelay $0x3  }
0x95: {  	_ =	strace s6  }
0x96: {  	s6 =	sld [smem:$0x3FFC];
	_ =	sdelay $0x3  }
0x97: {  	_ =	strace s6  }
0x98: {  	s6 =	sld [smem:$0x3FFD];
	_ =	sdelay $0x3  }
0x99: {  	_ =	strace s6  }
0x9a: {  	_ =	strace $0x8FFFFFFF  }
0x9b: {  	s19 =	sld [smem:$0x3FDB];
	_ =	sdelay $0x1  }
0x9c: {  	s7 =	simm.s32 $_scs_section_size  }
0x9d: {  	s8 =	simm.s32 $_size__tile_overlayer_lowered;
	s9 =	simm.s32 $_tile_overlayer_lowered  }
0x9e: {  	s22 =	simm.s32 $0x1BFF;
	s21 =	sshll.u32 s9, $0x1;
	s6 =	sadd.s32 s7, s19  }
0x9f: {  	s10 =	simm.s32 $0x0;
	s20 =	sshll.u32 s8, $0x1;
	s8 =	sadd.s32 s21, s6  }
0xa0: {  	[timem:s10], [sflag:s22] =	dma.local [hbm:s8], s20  }
0xa1: {  	_ =	swait.ge [sflag:s22], s20  }
0xa2: {  	s7 =	ssub.s32 $0x0, s20;
	[sflag:s22] =	ssyncset.done $0x0  }
0xa3: {  	[sflag:s22] =	ssyncadd.s32 s7;
	_ =	sdelay $0x1  }
0xa4: {  	s23 =	simm.s32 $0x1B8B  }
0xa5: {  	_ =	swait.ge [sflag:s23], $0x1  }
0xa6: {  	[sflag:s23] =	ssyncset.done $0x0  }
0xa7: {  	s25 =	simm.s32 $0x1B8E;
	s24 =	sld [smem:$0x3FFE];
	[sflag:s23] =	ssyncadd.s32 $0xFFFFFFFF  }
0xa8: {  	s26 =	simm.s32 $execute0_lowered;
	[smem:$0x3FD2] =	sst s25  }
0xa9: {  	s8 =	sshll.u32 s26, $0x1;
	_ =	strace $0x80000049;
	[dreg:$0x1] =	wrdreg $0xFFFFFFFF  }
0xaa: {  	s28 =	simm.s32 $_size_execute0_lowered;
	s6 =	sadd.s32 s6, s8;
	[dreg:$0x0] =	wrdreg $0x0  }
0xab: {  	s8 =	sshll.u32 s28, $0x1;
	[dreg:$0x2] =	wrdreg s6  }
0xac: {  	[dreg:$0x3] =	wrdreg s8  }
0xad: {  	[dreg:$0x4] =	wrdreg $0xC0  }
0xae: {  	_ =	task [dreg:s10], $0x5FFFF  }
0xaf: {  	[dreg:$0x1] =	wrdreg $0xFFFFFFFF  }
0xb0: {  	[dreg:$0x0] =	wrdreg $0x60  }
0xb1: {  	[dreg:$0x2] =	wrdreg s24  }
0xb2: {  	[dreg:$0x3] =	wrdreg s5  }
0xb3: {  	[dreg:$0x4] =	wrdreg s2  }
0xb4: {  	[dreg:$0x5] =	wrdreg s18  }
0xb5: {  	[dreg:$0x6] =	wrdreg s4  }
0xb6: {  	[dreg:$0x7] =	wrdreg $0x19D980  }
0xb7: {  	[dreg:$0x8] =	wrdreg $0x9  }
0xb8: {  	_ =	task.clear_ibuf [dreg:s10], $0x9FFFF;
	_ =	strace $0x90000049  }
0xb9: {  	s29 =	simm.s32 $0x9;
	_ =	strace $0x8000004B  }
0xba: {  	_ =	swait.ge [sflag:s29], $0x1  }
0xbb: {  	[sflag:s29] =	ssyncadd.s32 $0xFFFFFFFF  }
0xbc: {  	_ =	strace $0x9000004B  }
0xbd: {  	_ =	sfence  }
0xbe: {  	s30 =	sld [smem:$0x0];
	_ =	sdelay $0x2  }
0xbf: {  	s31 =	sshll.u32 s1, $0xD;
	s1 =	sshrl.u32 s1, $0x2  }
0xc0: {  	s3 =	sand.u32 $0x4000, s31;
	s1 =	sadd.s32 s1, s30  }
0xc1: {  	s0 =	sor.u32 s3, s0;
	s1 =	sshll.u32 s1, $0x11  }
0xc2: {  	s0 =	sor.u32 s1, s0  }
0xc3: {  	s0 =	sadd.s32 $0x8F2B, s0  }
0xc4: {  	[sflag:s0] =	ssyncadd.remote.s32 $0x1  }
0xc5: {  	_ =	sfence.sel $0xFFFF  }
0xc6: {  	[dreg:$0x0] =	wrdreg $0xFFFFFFFF;
	(pc) =	sbr.abs _section_cstart, $3  }
0xc7: {  	[dreg:$0x1] =	wrdreg $0xFFFFFFFF  }
0xc8: {  	_ =	task.clear_ibuf [dreg:s10], $0x2FFFF;
	_ =	strace $0x9FFFFFFF  }
0xc9: {  	(tm) =	ssettm $0x7FFFFFFF  }
tec
execute0_lowered:
.L_overlay_start_1:
0x0: {  	(tag) =	ssettag $0x1  }
0x1: {  	s0 =	rddreg [dreg:$0x0]  }
0x2: {  	s1 =	rddreg [dreg:$0x1]  }
0x3: {  	s3 =	rddreg [dreg:$0x2]  }
0x4: {  	s4 =	rddreg [dreg:$0x3]  }
0x5: {  	s7 =	rddreg [dreg:$0x4]  }
0x6: {  	s2 =	rddreg [dreg:$0x5]  }
0x7: {  	s5 =	srdreg.scid;
	s14 =	simm.s32 $0x0;
	s12 =	stileid.u32  }
0x8: {  	s20 =	simm.s32 $0x3A98;
	s21 =	simm.s32 $0xDA98;
	s22 =	simm.s32 $0x17A98  }
0x9: {  	s28 =	simm.s32 $0x17F98;
	s29 =	simm.s32 $0x1;
	s30 =	simm.s32 $0x3  }
0xa: {  	s31 =	simm.s32 $0x5;
	s8 =	sand.u32 $0x1, s5;
	s10 =	smul.u32 $0x5000, s12  }
0xb: {  	[smem:$0x7FF] =	sst s14;
	s11 =	sshll.u32 s12, $0x1;
	s12 =	smul.u32 $0x14000, s12  }
0xc: {  	s5 =	sadd.s32 $0x13AA00, s0;
	s6 =	sadd.s32 $0x9E600, s0;
	s9 =	smul.u32 $0x50000, s8  }
0xd: {  	_ =	strace $0x8000004A;
	s11 =	sor.u32 s8, s11;
	s8 =	ssub.s32 $0x2, s8  }
0xe: {  	s11 =	smul.u32 $0x271, s11;
	s15 =	sshrl.u32 s8, $0x1;
	s18 =	sshrl.u32 s12, $0x2  }
0xf: {  	s19 =	sadd.s32 s10, s2;
	s9 =	sadd.s32 s10, s9;
	s8 =	ssub.s32 s8, s15  }
0x10: {  	s26 =	sshrl.u32 s19, $0x3;
	s9 =	sshrl.u32 s9, $0x3;
	s3 =	sadd.s32 s3, s11  }
0x11: {  	s16 =	sadd.s32 s4, s11;
	s17 =	sadd.s32 s7, s11;
	[dreg:$0x10] =	wrdreg s26  }
0x12: {  	s23 =	smax.u32 s8, $0x1;
	s11 =	simm.s32 $0x1388;
	[dreg:$0x7] =	wrdreg s3  }
0x13: {  	s26 =	simm.s32 $0x12A98;
	s7 =	simm.s32 $0x6;
	[dreg:$0x8] =	wrdreg s16  }
0x14: {  	s8 =	simm.s32 $0x0;
	s0 =	sadd.s32 s9, s0;
	[dreg:$0x9] =	wrdreg s17  }
0x15: {  	[dreg:$0xb] =	wrdreg s23;
	s16 =	simm.s32 $0x7;
	s0 =	sadd.s32 $0x2200, s0  }
0x16: {  	s23 =	simm.s32 $0x28;
	[dreg:$0xa] =	wrdreg s0;
	s0 =	sadd.s32 s18, s2  }
0x17: {  	s3 =	simm.s32 $0x2;
	s24 =	sadd.s32 $0x1400, s0;
	[dreg:$0xc] =	wrdreg s0  }
0x18: {  	s17 =	simm.s32 $0x4;
	s25 =	sadd.s32 $0x2800, s0;
	[dreg:$0xd] =	wrdreg s24  }
0x19: {  	s18 =	simm.s32 $0x2710;
	s0 =	sadd.s32 $0x3C00, s0;
	[dreg:$0xe] =	wrdreg s25  }
0x1a: {  	v0 =	vimm.f32 $0.0e+00;
	[dreg:$0xf] =	wrdreg s0;
	s24 =	simm.s32 $0x8A98;
	s0 =	simm.s32 $0x18498  }
.LBB2_1:
0x1b: {  	s4 =	simm.s32 $0x0;
	s9 =	rddreg [dreg:$0x7]  }
0x1c: {  	[tilespmem:s4], [sflag:$0x7] =	stream.linear.gather [hbm4b:s9+s4], $0x1388, $0x38;
	[tilespmem:$0x1ED98] =	vst v63  }
0x1d: {  	_ =	swait.ge [sflag:s16], $0x1388  }
0x1e: {  	[sflag:s16] =	ssyncset.done $0x0  }
0x1f: {  	s19 =	rddreg [dreg:$0x8];
	[sflag:s16] =	ssyncadd.s32 $0xFFFFEC78  }
0x20: {  	[tilespmem:s11], [sflag:$0x7] =	stream.linear.gather [hbm4b:s19+s4], $0x1388, $0x38;
	[tilespmem:$0x1ED98] =	vst v63  }
0x21: {  	_ =	swait.ge [sflag:s16], $0x1388  }
0x22: {  	[sflag:s16] =	ssyncset.done $0x0  }
0x23: {  	s25 =	rddreg [dreg:$0x9];
	[sflag:s16] =	ssyncadd.s32 $0xFFFFEC78  }
0x24: {  	[tilespmem:s18], [sflag:$0x7] =	stream.linear.gather [hbm4b:s25+s4], $0x1388, $0x38;
	[tilespmem:$0x1ED98] =	vst v63  }
0x25: {  	_ =	swait.ge [sflag:s16], $0x1388  }
0x26: {  	[sflag:s16] =	ssyncset.done $0x0  }
0x27: {  	s9 =	simm.s32 $0x0;
	s4 =	simm.s32 $0x80;
	[sflag:s16] =	ssyncadd.s32 $0xFFFFEC78  }
.LBB2_2:
0x28: {  	p0 =	sne.s32 s4, $0x4F80;
	[tilespmem:s9+$0x18998] =	vst v0;
	s10 =	smov.u32 s4;
	s4 =	sadd.s32 $0x80, s4  }
.Ltmp0:
0x29: {  	[tilespmem:s9+$0x189A8] =	vst v0;
	(pc) =	sbr.rel @p0 .LBB2_2-.Ltmp0, $2  }
0x2a: {  	_ =	sdelay $0x2  }
0x2b: {  	s9 =	sshra.s32 s10, $0x2  }
0x2c: {  	[tilespmem:s9+$0x18998] =	vst v0  }
0x2d: {  	[tilespmem:s9+$0x189A8] =	vst v0;
	s4 =	rddreg [dreg:$0xc];
	s14 =	simm.s32 $0x18998  }
0x2e: {  	[spmem:s4] =	stream.linear.scatter [tilespmem:s14], [sflag:$0x7], $0x1400, $0x38;
	[tilespmem:$0x1ED98] =	vst v63  }
0x2f: {  	_ =	swait.ge [sflag:s16], $0x1400  }
0x30: {  	[sflag:s16] =	ssyncset.done $0x0  }
0x31: {  	s15 =	rddreg [dreg:$0xd];
	[sflag:s16] =	ssyncadd.s32 $0xFFFFEC00  }
0x32: {  	[spmem:s15] =	stream.linear.scatter [tilespmem:s14], [sflag:$0x7], $0x1400, $0x38;
	[tilespmem:$0x1ED98] =	vst v63  }
0x33: {  	_ =	swait.ge [sflag:s16], $0x1400  }
0x34: {  	[sflag:s16] =	ssyncset.done $0x0  }
0x35: {  	s19 =	rddreg [dreg:$0xe];
	[sflag:s16] =	ssyncadd.s32 $0xFFFFEC00  }
0x36: {  	[spmem:s19] =	stream.linear.scatter [tilespmem:s14], [sflag:$0x7], $0x1400, $0x38;
	[tilespmem:$0x1ED98] =	vst v63  }
0x37: {  	_ =	swait.ge [sflag:s16], $0x1400  }
0x38: {  	[sflag:s16] =	ssyncset.done $0x0  }
0x39: {  	s25 =	rddreg [dreg:$0xf];
	[sflag:s16] =	ssyncadd.s32 $0xFFFFEC00  }
0x3a: {  	[spmem:s25] =	stream.linear.scatter [tilespmem:s14], [sflag:$0x7], $0x1400, $0x38;
	[tilespmem:$0x1ED98] =	vst v63  }
0x3b: {  	_ =	swait.ge [sflag:s16], $0x1400  }
0x3c: {  	[sflag:s16] =	ssyncset.done $0x0  }
0x3d: {  	[sflag:s16] =	ssyncadd.s32 $0xFFFFEC00  }
0x3e: {  	s9 =	simm.s32 $0x28;
	s4 =	simm.s32 $0x0;
	[bflag:$0x0] =	sbarrier.arrive $0xFFFF  }
0x3f: {  	[tilespmem:s20], [sflag:$0x1] =	stream.indirect.gather [hbm4b:s5+s9], $0x200, s4, s9, $0xb8;
	[tilespmem:$0x1ED98] =	vst v63  }
0x40: {  	_ = 	snop  }
0x41: {  	[tilespmem:s21], [sflag:$0x3] =	stream.indirect.gather [hbm4b:s6+s9], $0x200, s11, s9, $0xb8;
	[tilespmem:$0x1ED98] =	vst v63  }
0x42: {  	s11 =	simm.s32 $0x0  }
0x43: {  	[tilespmem:s22], [sflag:$0x5] =	stream.indirect.gather [hbm4b:s1+s9], $0x20, s4, s9, $0xb8;
	[tilespmem:$0x1ED98] =	vst v63  }
.LBB2_4:
0x44: {  	s14 =	smul.u32 $0x50, s11;
	_ =	sdelay $0x1  }
0x45: {  	s13 =	sadd.s32 $0x28, s14  }
0x46: {  	[tilespmem:s24], [sflag:$0x2] =	stream.indirect.gather [hbm4b:s5+s23], $0x200, s13, s23, $0xb8;
	[tilespmem:$0x1ED98] =	vst v63  }
0x47: {  	s10 =	sadd.s32 $0x13B0, s14  }
0x48: {  	[tilespmem:s26], [sflag:$0x4] =	stream.indirect.gather [hbm4b:s6+s23], $0x200, s10, s23, $0xb8;
	[tilespmem:$0x1ED98] =	vst v63  }
0x49: {  	_ = 	snop  }
0x4a: {  	[tilespmem:s28], [sflag:$0x6] =	stream.indirect.gather [hbm4b:s1+s23], $0x20, s13, s23, $0xb8;
	[tilespmem:$0x1ED98] =	vst v63  }
0x4b: {  	_ =	swait.ge [sflag:s29], $0x5000  }
0x4c: {  	[sflag:s29] =	ssyncset.done $0x0  }
0x4d: {  	[sflag:s29] =	ssyncadd.s32 $0xFFFFB000  }
0x4e: {  	_ =	swait.ge [sflag:s30], $0x5000  }
0x4f: {  	[sflag:s30] =	ssyncset.done $0x0  }
0x50: {  	[sflag:s30] =	ssyncadd.s32 $0xFFFFB000  }
0x51: {  	_ =	swait.ge [sflag:s31], $0x500  }
0x52: {  	s15 =	simm.s32 $0x40;
	s25 =	simm.s32 $0xDB98;
	[sflag:s31] =	ssyncset.done $0x0  }
0x53: {  	s12 =	simm.s32 $0x3B98;
	s10 =	smov.u32 s4;
	[sflag:s31] =	ssyncadd.s32 $0xFFFFFB00  }
.LBB2_5:
0x54: {  	v1 =	vmov s10;
	_ =	sdelay $0x2  }
0x55: {  	v2 =	vld [tilespmem:s12+$0xFFFFFF00]  }
0x56: {  	v3 =	vld [tilespmem:s25+$0xFFFFFF00]  }
0x57: {  	v1 =	vld.idx.msk [tilespmem:v1+s18+$0x0], $0xffff;
	_ =	sdelay $0x1  }
0x58: {  	v4 =	vld [tilespmem:s25+$0xFFFFFF10]  }
0x59: {  	v34 =	vld [tilespmem:s25+$0xFFFFFF20]  }
0x5a: {  	v7 =	vld [tilespmem:s12+$0xFFFFFF30];
	v2 =	vadd.bf16 v3, v2  }
0x5b: {  	(erf) = vrcp.f32 v1;
	v1 =	vld [tilespmem:s12+$0xFFFFFF10]  }
0x5c: {  	v35 =	vld [tilespmem:s25+$0xFFFFFF30];
	v3 =	vunpack.i.l.bf16.f32 v2  }
0x5d: {  	v39 =	vld [tilespmem:s12+$0xFFFFFF60];
	v2 =	vunpack.i.u.bf16.f32 v2;
	(erf) = vtanh.f32 v3  }
0x5e: {  	v3 =	vld [tilespmem:s12+$0xFFFFFF20];
	(erf) = vtanh.f32 v2  }
0x5f: {  	v13 =	vld [tilespmem:s25+$0xFFFFFF60]  }
0x60: {  	v41 =	vld [tilespmem:s12+$0xFFFFFF70];
	v2 =	vadd.bf16 v4, v1  }
0x61: {  	s19 =	sshra.s32 s15, $0x2;
	v44 =	vld [tilespmem:s25+$0xFFFFFF70]  }
0x62: {  	v5 =	vld [tilespmem:s19+$0x17A88];
	v1 =	vunpack.i.l.bf16.f32 v2  }
0x63: {  	v36 =	vld [tilespmem:s12+$0xFFFFFF40];
	v3 =	vadd.bf16 v34, v3;
	v2 =	vunpack.i.u.bf16.f32 v2;
	(erf) = vtanh.f32 v1  }
0x64: {  	v11 =	vld [tilespmem:s12+$0xFFFFFF50];
	v47 =	vadd.bf16 v13, v39;
	v6 =	vpop (erf);
	(erf) = vtanh.f32 v2  }
0x65: {  	v38 =	vld [tilespmem:s25+$0xFFFFFF50];
	v10 =	vunpack.i.l.bf16.f32 v3;
	v1 =	vmul.f32 $2.812499930e-02, v6;
	v6 =	vadd.bf16 v35, v7  }
0x66: {  	v37 =	vld [tilespmem:s25+$0xFFFFFF40];
	v4 =	vadd.bf16 v44, v41;
	v3 =	vunpack.i.u.bf16.f32 v3;
	v8 =	vpop (erf);
	(erf) = vtanh.f32 v10  }
0x67: {  	v12 =	vpop (erf);
	(erf) = vtanh.f32 v3;
	v2 =	vmul.f32 v1, v5;
	v3 =	vunpack.i.l.bf16.f32 v6  }
0x68: {  	v50 =	vunpack.i.l.bf16.f32 v47;
	(erf) = vtanh.f32 v3  }
0x69: {  	v54 =	vunpack.i.l.bf16.f32 v4;
	v9 =	vbroadcast v2, $0x0;
	v40 =	vbroadcast v2, $0x1  }
0x6a: {  	v7 =	vadd.bf16 v38, v11;
	v48 =	vbroadcast v2, $0x2;
	v53 =	vbroadcast v2, $0x3  }
0x6b: {  	v3 =	vadd.bf16 v37, v36;
	v59 =	vbroadcast v2, $0x4;
	v19 =	vbroadcast v2, $0x5  }
0x6c: {  	v6 =	vunpack.i.u.bf16.f32 v6;
	v26 =	vbroadcast v2, $0x6;
	v29 =	vbroadcast v2, $0x7;
	v14 =	vpop (erf)  }
0x6d: {  	v38 =	vbroadcast v2, $0x8;
	v45 =	vunpack.i.l.bf16.f32 v3;
	v15 =	vpop (erf);
	(erf) = vtanh.f32 v6  }
0x6e: {  	v4 =	vunpack.i.u.bf16.f32 v4;
	v8 =	vmul.f32 v8, v9;
	(erf) = vtanh.f32 v45  }
0x6f: {  	v23 =	vbroadcast v2, $0xC;
	v3 =	vunpack.i.u.bf16.f32 v3;
	v9 =	vmul.f32 v12, v9  }
0x70: {  	v51 =	vld [tilespmem:s25+$0xFFFFFF80];
	v8 =	vadd.f32 $0.0e+00, v8;
	(erf) = vtanh.f32 v3;
	v3 =	vunpack.i.l.bf16.f32 v7  }
0x71: {  	v42 =	vadd.f32 $0.0e+00, v9;
	v43 =	vmul.f32 v14, v40;
	(erf) = vtanh.f32 v3;
	v3 =	vld [tilespmem:s12+$0xFFFFFF80]  }
0x72: {  	v61 =	vld [tilespmem:s12+$0xFFFFFF90];
	v6 =	vunpack.i.u.bf16.f32 v47;
	v46 =	vmul.f32 v15, v40;
	v49 =	vpop (erf);
	v7 =	vunpack.i.u.bf16.f32 v7  }
0x73: {  	v17 =	vld [tilespmem:s25+$0xFFFFFF90];
	v12 =	vmul.f32 v49, v48;
	v52 =	vpop (erf);
	v9 =	vadd.f32 $0.0e+00, v43;
	(erf) = vtanh.f32 v7  }
0x74: {  	v21 =	vld [tilespmem:s12+$0xFFFFFFB0];
	v11 =	vadd.f32 $0.0e+00, v46;
	v55 =	vpop (erf);
	v7 =	vmul.f32 v52, v48;
	(erf) = vtanh.f32 v50  }
0x75: {  	v31 =	vld [tilespmem:s25+$0xFFFFFFB0];
	v56 =	vadd.f32 $0.0e+00, v12;
	v57 =	vmul.f32 v55, v53;
	(erf) = vtanh.f32 v6  }
0x76: {  	v20 =	vld [tilespmem:s25+$0xFFFFFFA0];
	v7 =	vadd.f32 $0.0e+00, v7;
	(erf) = vtanh.f32 v54;
	v3 =	vadd.bf16 v51, v3;
	v58 =	vpop (erf)  }
0x77: {  	v39 =	vld [tilespmem:s12+$0xFFFFFFD0];
	v10 =	vadd.f32 $0.0e+00, v57;
	v51 =	vbroadcast v2, $0x9;
	v60 =	vpop (erf);
	(erf) = vtanh.f32 v4  }
0x78: {  	v47 =	vld [tilespmem:s12+$0xFFFFFFF0];
	v12 =	vmul.f32 v58, v53;
	v16 =	vunpack.i.l.bf16.f32 v3;
	v3 =	vunpack.i.u.bf16.f32 v3  }
0x79: {  	v50 =	vld [tilespmem:s25+$0xFFFFFFF0];
	v4 =	vadd.bf16 v17, v61;
	v53 =	vbroadcast v2, $0xA;
	v58 =	vbroadcast v2, $0xB  }
0x7a: {  	v44 =	vld [tilespmem:s12+$0xFFFFFFE0];
	v17 =	vadd.bf16 v31, v21;
	v62 =	vpop (erf);
	v13 =	vmul.f32 v60, v59;
	(erf) = vtanh.f32 v16  }
0x7b: {  	v45 =	vld [tilespmem:s25+$0xFFFFFFE0];
	v18 =	vpop (erf);
	v12 =	vadd.f32 $0.0e+00, v12;
	v14 =	vmul.f32 v62, v59;
	(erf) = vtanh.f32 v3  }
0x7c: {  	v3 =	vld [tilespmem:s12+$0xFFFFFFA0];
	v33 =	vunpack.i.l.bf16.f32 v4;
	v4 =	vunpack.i.u.bf16.f32 v4;
	v46 =	vunpack.i.u.bf16.f32 v17  }
0x7d: {  	v59 =	vld [tilespmem:s12+$0x0];
	v63 =	vpop (erf);
	v8 =	vadd.f32 v13, v8;
	v24 =	vmul.f32 v18, v19;
	v5 =	vadd.f32 v14, v42  }
0x7e: {  	v62 =	vld [tilespmem:s25+$0x0];
	v25 =	vpop (erf);
	v27 =	vmul.f32 v63, v19;
	(erf) = vtanh.f32 v33;
	v14 =	vadd.bf16 v50, v47  }
0x7f: {  	v34 =	vld [tilespmem:s12+$0xFFFFFFC0];
	v28 =	vpop (erf);
	v16 =	vmul.f32 v25, v26;
	v9 =	vadd.f32 v24, v9;
	(erf) = vtanh.f32 v4  }
0x80: {  	v42 =	vld [tilespmem:s25+$0xFFFFFFD0];
	v4 =	vadd.bf16 v45, v44;
	v15 =	vmul.f32 v28, v26;
	v30 =	vpop (erf);
	v11 =	vadd.f32 v27, v11  }
0x81: {  	v36 =	vld [tilespmem:s25+$0xFFFFFFC0];
	v61 =	vunpack.i.l.bf16.f32 v14;
	v14 =	vunpack.i.u.bf16.f32 v14;
	v32 =	vmul.f32 v30, v29  }
0x82: {  	v31 =	vld [tilespmem:s25+$0x10];
	v6 =	vadd.f32 v16, v56;
	v3 =	vadd.bf16 v20, v3;
	v54 =	vunpack.i.l.bf16.f32 v4  }
0x83: {  	v24 =	vld [tilespmem:s19+$0x17A98];
	v4 =	vunpack.i.u.bf16.f32 v4;
	v30 =	vadd.bf16 v62, v59;
	v7 =	vadd.f32 v15, v7  }
0x84: {  	v27 =	vld [tilespmem:s12+$0x10];
	v10 =	vadd.f32 v32, v10;
	v41 =	vunpack.i.l.bf16.f32 v3;
	v3 =	vunpack.i.u.bf16.f32 v3  }
0x85: {  	v35 =	vpop (erf);
	v49 =	vadd.bf16 v42, v39;
	v20 =	vunpack.i.l.bf16.f32 v30;
	(erf) = vtanh.f32 v41  }
0x86: {  	v37 =	vmul.f32 v35, v29;
	(erf) = vtanh.f32 v3;
	v3 =	vunpack.i.l.bf16.f32 v17  }
0x87: {  	v40 =	vpop (erf);
	v29 =	vbroadcast v2, $0xD;
	(erf) = vtanh.f32 v3;
	v3 =	vadd.bf16 v36, v34  }
0x88: {  	v1 =	vmul.f32 v1, v24;
	v19 =	vmul.f32 v40, v38;
	v15 =	vunpack.i.u.bf16.f32 v49  }
0x89: {  	v43 =	vpop (erf);
	v42 =	vadd.bf16 v31, v27;
	(erf) = vtanh.f32 v46;
	v48 =	vunpack.i.l.bf16.f32 v3  }
0x8a: {  	v16 =	vmul.f32 v43, v38;
	v3 =	vunpack.i.u.bf16.f32 v3;
	(erf) = vtanh.f32 v48  }
0x8b: {  	v34 =	vbroadcast v2, $0xE;
	v36 =	vld [tilespmem:s12+$0x20];
	(erf) = vtanh.f32 v3;
	v3 =	vunpack.i.l.bf16.f32 v49  }
0x8c: {  	v12 =	vadd.f32 v37, v12;
	v38 =	vld [tilespmem:s25+$0x20];
	v2 =	vbroadcast v2, $0xF;
	v59 =	vbroadcast v1, $0x1  }
0x8d: {  	v24 =	vbroadcast v1, $0x2;
	v52 =	vpop (erf);
	v46 =	vunpack.i.l.bf16.f32 v42;
	(erf) = vtanh.f32 v3  }
0x8e: {  	v50 =	vunpack.i.u.bf16.f32 v42;
	v42 =	vbroadcast v1, $0x6;
	v3 =	vpop (erf);
	(erf) = vtanh.f32 v15  }
0x8f: {  	v8 =	vadd.f32 v19, v8;
	v13 =	vmul.f32 v52, v51;
	(erf) = vtanh.f32 v54  }
0x90: {  	v5 =	vadd.f32 v16, v5;
	v3 =	vmul.f32 v3, v51;
	v55 =	vpop (erf);
	v54 =	vbroadcast v1, $0x0  }
0x91: {  	v48 =	vadd.bf16 v38, v36;
	v56 =	vpop (erf);
	v57 =	vmul.f32 v55, v53;
	(erf) = vtanh.f32 v4  }
0x92: {  	v63 =	vadd.f32 v13, v9;
	v15 =	vmul.f32 v56, v53;
	v60 =	vpop (erf);
	(erf) = vtanh.f32 v61  }
0x93: {  	v47 =	vld [tilespmem:s25+$0x40];
	v52 =	vunpack.i.l.bf16.f32 v48;
	v18 =	vmul.f32 v60, v58;
	v22 =	vpop (erf);
	(erf) = vtanh.f32 v14  }
0x94: {  	v45 =	vld [tilespmem:s12+$0x40];
	v3 =	vadd.f32 v3, v11;
	v6 =	vadd.f32 v57, v6;
	v9 =	vmul.f32 v22, v58;
	v25 =	vpop (erf)  }
0x95: {  	v40 =	vld [tilespmem:s12+$0x30];
	v7 =	vadd.f32 v15, v7;
	v10 =	vadd.f32 v18, v10;
	v26 =	vpop (erf);
	v11 =	vmul.f32 v25, v23  }
0x96: {  	v43 =	vld [tilespmem:s25+$0x30];
	v18 =	vunpack.i.u.bf16.f32 v30;
	v30 =	vbroadcast v1, $0x3;
	v28 =	vpop (erf);
	v32 =	vmul.f32 v26, v23  }
0x97: {  	v21 =	vld [tilespmem:s25+$0x70];
	v9 =	vadd.f32 v9, v12;
	v8 =	vadd.f32 v11, v8;
	v12 =	vmul.f32 v28, v29;
	v33 =	vpop (erf)  }
0x98: {  	v49 =	vld [tilespmem:s12+$0x50];
	v5 =	vadd.f32 v32, v5;
	v32 =	vbroadcast v1, $0x4;
	v13 =	vmul.f32 v33, v29;
	v35 =	vpop (erf)  }
0x99: {  	v51 =	vld [tilespmem:s25+$0x50];
	(erf) = vtanh.f32 v20;
	v4 =	vadd.f32 v12, v63;
	v37 =	vmul.f32 v35, v34  }
0x9a: {  	v55 =	vld [tilespmem:s25+$0x60];
	v39 =	vpop (erf);
	(erf) = vtanh.f32 v18;
	v18 =	vadd.bf16 v47, v45;
	v3 =	vadd.f32 v13, v3  }
0x9b: {  	v53 =	vld [tilespmem:s12+$0x60];
	v41 =	vpop (erf);
	v12 =	vmul.f32 v39, v34;
	v13 =	vadd.bf16 v43, v40;
	v39 =	vbroadcast v1, $0x5  }
0x9c: {  	v63 =	vld [tilespmem:s12+$0x70];
	v6 =	vadd.f32 v37, v6;
	v44 =	vpop (erf);
	v11 =	vmul.f32 v41, v2;
	(erf) = vtanh.f32 v46  }
0x9d: {  	v35 =	vld [tilespmem:s12+$0x80];
	v58 =	vunpack.i.l.bf16.f32 v18;
	v60 =	vunpack.i.u.bf16.f32 v18;
	v2 =	vmul.f32 v44, v2  }
0x9e: {  	v40 =	vld [tilespmem:s12+$0x90];
	v7 =	vadd.f32 v12, v7;
	(erf) = vtanh.f32 v50;
	v12 =	vunpack.i.u.bf16.f32 v48  }
0x9f: {  	v43 =	vld [tilespmem:s25+$0x90];
	v57 =	vunpack.i.l.bf16.f32 v13;
	v13 =	vunpack.i.u.bf16.f32 v13;
	(erf) = vtanh.f32 v52  }
0xa0: {  	v37 =	vld [tilespmem:s25+$0x80];
	v10 =	vadd.f32 v11, v10;
	v11 =	vadd.bf16 v51, v49;
	(erf) = vtanh.f32 v12  }
0xa1: {  	v14 =	vadd.bf16 v21, v63;
	v2 =	vadd.f32 v2, v9;
	(erf) = vtanh.f32 v57  }
0xa2: {  	v9 =	vadd.bf16 v55, v53;
	v62 =	vunpack.i.l.bf16.f32 v11;
	(erf) = vtanh.f32 v13  }
0xa3: {  	v11 =	vunpack.i.u.bf16.f32 v11;
	v34 =	vunpack.i.l.bf16.f32 v14;
	(erf) = vtanh.f32 v58  }
0xa4: {  	v14 =	vunpack.i.u.bf16.f32 v14;
	v52 =	vadd.bf16 v43, v40;
	v43 =	vbroadcast v1, $0xB;
	v56 =	vpop (erf)  }
0xa5: {  	v48 =	vadd.bf16 v37, v35;
	v37 =	vbroadcast v1, $0xA;
	v61 =	vpop (erf);
	(erf) = vtanh.f32 v60  }
0xa6: {  	v22 =	vunpack.i.l.bf16.f32 v9;
	v17 =	vmul.f32 v56, v54;
	(erf) = vtanh.f32 v62;
	v20 =	vpop (erf)  }
0xa7: {  	v9 =	vunpack.i.u.bf16.f32 v9;
	v12 =	vmul.f32 v61, v54;
	(erf) = vtanh.f32 v11;
	v23 =	vpop (erf)  }
0xa8: {  	v57 =	vunpack.i.l.bf16.f32 v52;
	v54 =	vbroadcast v1, $0x7;
	(erf) = vtanh.f32 v22;
	v26 =	vpop (erf)  }
0xa9: {  	v51 =	vunpack.i.l.bf16.f32 v48;
	v16 =	vmul.f32 v20, v59;
	(erf) = vtanh.f32 v9;
	v27 =	vpop (erf)  }
0xaa: {  	v45 =	vld [tilespmem:s12+$0xA0];
	v8 =	vadd.f32 v17, v8;
	v5 =	vadd.f32 v12, v5;
	v25 =	vmul.f32 v23, v59;
	v29 =	vpop (erf)  }
0xab: {  	v47 =	vld [tilespmem:s25+$0xA0];
	v4 =	vadd.f32 v16, v4;
	v28 =	vmul.f32 v26, v24;
	v9 =	vmul.f32 v27, v24;
	v31 =	vpop (erf)  }
0xac: {  	v3 =	vadd.f32 v25, v3;
	v25 =	vbroadcast v1, $0x8;
	v11 =	vmul.f32 v29, v30;
	v33 =	vpop (erf)  }
0xad: {  	v6 =	vadd.f32 v28, v6;
	v12 =	vmul.f32 v31, v30;
	v13 =	vmul.f32 v33, v32  }
0xae: {  	v7 =	vadd.f32 v9, v7;
	(erf) = vtanh.f32 v34;
	v36 =	vpop (erf);
	v10 =	vadd.f32 v11, v10  }
0xaf: {  	v50 =	vld [tilespmem:s25+$0xB0];
	v2 =	vadd.f32 v12, v2;
	v38 =	vpop (erf);
	v9 =	vmul.f32 v36, v32;
	v8 =	vadd.f32 v13, v8  }
0xb0: {  	v49 =	vld [tilespmem:s12+$0xB0];
	v41 =	vpop (erf);
	v11 =	vmul.f32 v38, v39;
	(erf) = vtanh.f32 v14;
	v14 =	vadd.bf16 v47, v45  }
0xb1: {  	v53 =	vld [tilespmem:s12+$0xC0];
	v12 =	vmul.f32 v41, v39;
	v44 =	vpop (erf);
	v5 =	vadd.f32 v9, v5;
	(erf) = vtanh.f32 v51  }
0xb2: {  	v55 =	vld [tilespmem:s25+$0xC0];
	v46 =	vpop (erf);
	v13 =	vmul.f32 v44, v42;
	v4 =	vadd.f32 v11, v4;
	v11 =	vunpack.i.u.bf16.f32 v48  }
0xb3: {  	v58 =	vld [tilespmem:s12+$0xD0];
	v60 =	vunpack.i.l.bf16.f32 v14;
	v9 =	vmul.f32 v46, v42;
	(erf) = vtanh.f32 v11  }
0xb4: {  	v59 =	vld [tilespmem:s25+$0xD0];
	v6 =	vadd.f32 v13, v6;
	v13 =	vunpack.i.u.bf16.f32 v52;
	(erf) = vtanh.f32 v57  }
0xb5: {  	v61 =	vld [tilespmem:s12+$0xE0];
	v3 =	vadd.f32 v12, v3;
	v12 =	vadd.bf16 v50, v49;
	(erf) = vtanh.f32 v13  }
0xb6: {  	v62 =	vld [tilespmem:s25+$0xE0];
	v14 =	vunpack.i.u.bf16.f32 v14;
	v7 =	vadd.f32 v9, v7;
	(erf) = vtanh.f32 v60  }
0xb7: {  	v22 =	vld [tilespmem:s12+$0xF0];
	v21 =	vunpack.i.l.bf16.f32 v12;
	v9 =	vadd.bf16 v55, v53;
	(erf) = vtanh.f32 v14  }
0xb8: {  	v23 =	vld [tilespmem:s25+$0xF0];
	v32 =	vbroadcast v1, $0x9;
	v12 =	vunpack.i.u.bf16.f32 v12;
	(erf) = vtanh.f32 v21  }
0xb9: {  	v11 =	vadd.bf16 v59, v58;
	v56 =	vpop (erf);
	v24 =	vunpack.i.l.bf16.f32 v9;
	(erf) = vtanh.f32 v12  }
0xba: {  	v46 =	vbroadcast v1, $0xC;
	v9 =	vunpack.i.u.bf16.f32 v9;
	v63 =	vpop (erf);
	(erf) = vtanh.f32 v24  }
0xbb: {  	v27 =	vunpack.i.l.bf16.f32 v11;
	v13 =	vadd.bf16 v62, v61;
	v26 =	vpop (erf);
	(erf) = vtanh.f32 v9  }
0xbc: {  	v49 =	vbroadcast v1, $0xD;
	v11 =	vunpack.i.u.bf16.f32 v11;
	v28 =	vpop (erf);
	(erf) = vtanh.f32 v27  }
0xbd: {  	v30 =	vunpack.i.l.bf16.f32 v13;
	v14 =	vadd.bf16 v23, v22;
	v29 =	vpop (erf);
	(erf) = vtanh.f32 v11  }
0xbe: {  	v18 =	vmul.f32 v56, v54;
	v13 =	vunpack.i.u.bf16.f32 v13;
	v31 =	vpop (erf);
	(erf) = vtanh.f32 v30  }
0xbf: {  	v56 =	vbroadcast v1, $0xE;
	v35 =	vunpack.i.l.bf16.f32 v14;
	v34 =	vpop (erf);
	(erf) = vtanh.f32 v13  }
0xc0: {  	v1 =	vbroadcast v1, $0xF;
	v14 =	vunpack.i.u.bf16.f32 v14;
	v36 =	vpop (erf);
	(erf) = vtanh.f32 v35  }
0xc1: {  	v17 =	vmul.f32 v63, v54;
	v38 =	vpop (erf);
	(erf) = vtanh.f32 v14  }
0xc2: {  	v10 =	vadd.f32 v18, v10;
	v12 =	vmul.f32 v26, v25;
	v33 =	vmul.f32 v28, v25;
	v39 =	vpop (erf)  }
0xc3: {  	v2 =	vadd.f32 v17, v2;
	v9 =	vmul.f32 v29, v32;
	v40 =	vmul.f32 v31, v32;
	v41 =	vpop (erf)  }
0xc4: {  	v8 =	vadd.f32 v12, v8;
	v5 =	vadd.f32 v33, v5;
	v42 =	vmul.f32 v34, v37;
	v44 =	vpop (erf)  }
0xc5: {  	v4 =	vadd.f32 v9, v4;
	v3 =	vadd.f32 v40, v3;
	v45 =	vmul.f32 v36, v37;
	v47 =	vpop (erf)  }
0xc6: {  	v6 =	vadd.f32 v42, v6;
	v48 =	vmul.f32 v38, v43;
	v51 =	vmul.f32 v39, v43;
	v50 =	vpop (erf)  }
0xc7: {  	v7 =	vadd.f32 v45, v7;
	v12 =	vmul.f32 v41, v46;
	v53 =	vmul.f32 v44, v46;
	v52 =	vpop (erf)  }
0xc8: {  	v9 =	vadd.f32 v48, v10;
	v2 =	vadd.f32 v51, v2;
	v54 =	vmul.f32 v47, v49;
	v55 =	vpop (erf)  }
0xc9: {  	v8 =	vadd.f32 v12, v8;
	v5 =	vadd.f32 v53, v5;
	v58 =	vmul.f32 v50, v49;
	v57 =	vpop (erf)  }
0xca: {  	v4 =	vadd.f32 v54, v4;
	v59 =	vmul.f32 v52, v56;
	v60 =	vpop (erf);
	v61 =	vmul.f32 v57, v1  }
0xcb: {  	v3 =	vadd.f32 v58, v3;
	v62 =	vmul.f32 v55, v56;
	v1 =	vmul.f32 v60, v1  }
0xcc: {  	v6 =	vadd.f32 v59, v6;
	v9 =	vadd.f32 v61, v9  }
0xcd: {  	v7 =	vadd.f32 v62, v7;
	v1 =	vadd.f32 v1, v2  }
0xce: {  	p0 =	sne.s32 s15, $0x13C0;
	v2 =	vadd.f32 v4, v8;
	v63 =	vadd.f32 v9, v6  }
.Ltmp1:
0xcf: {  	v3 =	vadd.f32 v3, v5;
	v1 =	vadd.f32 v1, v7;
	(pc) =	sbr.rel @p0 .LBB2_5-.Ltmp1, $4  }
0xd0: {  	v2 =	vadd.f32 v63, v2  }
0xd1: {  	v1 =	vadd.f32 v1, v3  }
0xd2: {  	s10 =	sadd.s32 $0x1, s10;
	[tilespmem:s19+$0x18488] =	vst v2  }
0xd3: {  	s15 =	sadd.s32 $0x80, s15;
	s12 =	sadd.s32 $0x200, s12;
	s25 =	sadd.s32 $0x200, s25;
	[tilespmem:s19+$0x18498] =	vst v1  }
0xd4: {  	s10 =	smul.u32 $0x140, s11;
	_ =	sdelay $0x1  }
0xd5: {  	s10 =	sshra.s32 s10, $0x2  }
0xd6: {  	[spmem:s2] =	stream.indirect.scatter.add.f32 [tilespmem:s0], [sflag:$0x7], $0x20, s10, s23, $0xb8;
	[tilespmem:$0x1ED98] =	vst v63  }
0xd7: {  	_ =	swait.ge [sflag:s16], $0x500  }
0xd8: {  	[sflag:s16] =	ssyncset.done $0x0  }
0xd9: {  	s25 =	sadd.s32 $0x50, s14;
	[sflag:s16] =	ssyncadd.s32 $0xFFFFFB00  }
0xda: {  	[tilespmem:s20], [sflag:$0x1] =	stream.indirect.gather [hbm4b:s5+s23], $0x200, s25, s23, $0xb8;
	[tilespmem:$0x1ED98] =	vst v63  }
0xdb: {  	s12 =	sadd.s32 $0x13D8, s14  }
0xdc: {  	[tilespmem:s21], [sflag:$0x3] =	stream.indirect.gather [hbm4b:s6+s23], $0x200, s12, s23, $0xb8;
	[tilespmem:$0x1ED98] =	vst v63  }
0xdd: {  	_ = 	snop  }
0xde: {  	[tilespmem:s22], [sflag:$0x5] =	stream.indirect.gather [hbm4b:s1+s23], $0x20, s25, s23, $0xb8;
	[tilespmem:$0x1ED98] =	vst v63  }
0xdf: {  	_ =	swait.ge [sflag:s3], $0x5000  }
0xe0: {  	[sflag:s3] =	ssyncset.done $0x0  }
0xe1: {  	[sflag:s3] =	ssyncadd.s32 $0xFFFFB000  }
0xe2: {  	_ =	swait.ge [sflag:s17], $0x5000  }
0xe3: {  	[sflag:s17] =	ssyncset.done $0x0  }
0xe4: {  	[sflag:s17] =	ssyncadd.s32 $0xFFFFB000  }
0xe5: {  	_ =	swait.ge [sflag:s7], $0x500  }
0xe6: {  	s14 =	simm.s32 $0x0;
	s15 =	simm.s32 $0x17FA8;
	[sflag:s7] =	ssyncset.done $0x0  }
0xe7: {  	s10 =	smov.u32 s9;
	s12 =	simm.s32 $0x184A8;
	[sflag:s7] =	ssyncadd.s32 $0xFFFFFB00  }
.LBB2_7:
0xe8: {  	v1 =	vmov s10;
	_ =	sdelay $0x1  }
0xe9: {  	s19 =	sshra.s32 s14, $0x2  }
0xea: {  	v2 =	vld [tilespmem:s19+$0x8A98]  }
0xeb: {  	v3 =	vld [tilespmem:s19+$0x12A98]  }
0xec: {  	v1 =	vld.idx.msk [tilespmem:v1+s18+$0x0], $0xffff;
	_ =	sdelay $0x1  }
0xed: {  	v4 =	vld [tilespmem:s19+$0x12AA8]  }
0xee: {  	v34 =	vld [tilespmem:s19+$0x12AB8]  }
0xef: {  	v7 =	vld [tilespmem:s19+$0x8AC8];
	v2 =	vadd.bf16 v3, v2  }
0xf0: {  	(erf) = vrcp.f32 v1;
	v1 =	vld [tilespmem:s19+$0x8AA8]  }
0xf1: {  	v35 =	vld [tilespmem:s19+$0x12AC8];
	v3 =	vunpack.i.l.bf16.f32 v2  }
0xf2: {  	v39 =	vld [tilespmem:s19+$0x8AF8];
	v2 =	vunpack.i.u.bf16.f32 v2;
	(erf) = vtanh.f32 v3  }
0xf3: {  	v3 =	vld [tilespmem:s19+$0x8AB8];
	(erf) = vtanh.f32 v2  }
0xf4: {  	v13 =	vld [tilespmem:s19+$0x12AF8]  }
0xf5: {  	v41 =	vld [tilespmem:s19+$0x8B08];
	v2 =	vadd.bf16 v4, v1  }
0xf6: {  	v44 =	vld [tilespmem:s19+$0x12B08]  }
0xf7: {  	v5 =	vld [tilespmem:s15+$0xFFFFFFF0];
	v1 =	vunpack.i.l.bf16.f32 v2  }
0xf8: {  	v36 =	vld [tilespmem:s19+$0x8AD8];
	v3 =	vadd.bf16 v34, v3;
	v2 =	vunpack.i.u.bf16.f32 v2;
	(erf) = vtanh.f32 v1  }
0xf9: {  	v11 =	vld [tilespmem:s19+$0x8AE8];
	v47 =	vadd.bf16 v13, v39;
	v6 =	vpop (erf);
	(erf) = vtanh.f32 v2  }
0xfa: {  	v38 =	vld [tilespmem:s19+$0x12AE8];
	v10 =	vunpack.i.l.bf16.f32 v3;
	v1 =	vmul.f32 $2.812499930e-02, v6;
	v6 =	vadd.bf16 v35, v7  }
0xfb: {  	v37 =	vld [tilespmem:s19+$0x12AD8];
	v4 =	vadd.bf16 v44, v41;
	v3 =	vunpack.i.u.bf16.f32 v3;
	v8 =	vpop (erf);
	(erf) = vtanh.f32 v10  }
0xfc: {  	v12 =	vpop (erf);
	(erf) = vtanh.f32 v3;
	v2 =	vmul.f32 v1, v5;
	v3 =	vunpack.i.l.bf16.f32 v6  }
0xfd: {  	v50 =	vunpack.i.l.bf16.f32 v47;
	(erf) = vtanh.f32 v3  }
0xfe: {  	v54 =	vunpack.i.l.bf16.f32 v4;
	v9 =	vbroadcast v2, $0x0;
	v40 =	vbroadcast v2, $0x1  }
0xff: {  	v7 =	vadd.bf16 v38, v11;
	v48 =	vbroadcast v2, $0x2;
	v53 =	vbroadcast v2, $0x3  }
0x100: {  	v3 =	vadd.bf16 v37, v36;
	v59 =	vbroadcast v2, $0x4;
	v19 =	vbroadcast v2, $0x5  }
0x101: {  	v6 =	vunpack.i.u.bf16.f32 v6;
	v26 =	vbroadcast v2, $0x6;
	v29 =	vbroadcast v2, $0x7;
	v14 =	vpop (erf)  }
0x102: {  	v38 =	vbroadcast v2, $0x8;
	v45 =	vunpack.i.l.bf16.f32 v3;
	v15 =	vpop (erf);
	(erf) = vtanh.f32 v6  }
0x103: {  	v4 =	vunpack.i.u.bf16.f32 v4;
	v8 =	vmul.f32 v8, v9;
	(erf) = vtanh.f32 v45  }
0x104: {  	v23 =	vbroadcast v2, $0xC;
	v3 =	vunpack.i.u.bf16.f32 v3;
	v9 =	vmul.f32 v12, v9  }
0x105: {  	v51 =	vld [tilespmem:s19+$0x12B18];
	v8 =	vadd.f32 $0.0e+00, v8;
	(erf) = vtanh.f32 v3;
	v3 =	vunpack.i.l.bf16.f32 v7  }
0x106: {  	v42 =	vadd.f32 $0.0e+00, v9;
	v43 =	vmul.f32 v14, v40;
	(erf) = vtanh.f32 v3;
	v3 =	vld [tilespmem:s19+$0x8B18]  }
0x107: {  	v61 =	vld [tilespmem:s19+$0x8B28];
	v6 =	vunpack.i.u.bf16.f32 v47;
	v46 =	vmul.f32 v15, v40;
	v49 =	vpop (erf);
	v7 =	vunpack.i.u.bf16.f32 v7  }
0x108: {  	v17 =	vld [tilespmem:s19+$0x12B28];
	v12 =	vmul.f32 v49, v48;
	v52 =	vpop (erf);
	v9 =	vadd.f32 $0.0e+00, v43;
	(erf) = vtanh.f32 v7  }
0x109: {  	v21 =	vld [tilespmem:s19+$0x8B48];
	v11 =	vadd.f32 $0.0e+00, v46;
	v55 =	vpop (erf);
	v7 =	vmul.f32 v52, v48;
	(erf) = vtanh.f32 v50  }
0x10a: {  	v31 =	vld [tilespmem:s19+$0x12B48];
	v56 =	vadd.f32 $0.0e+00, v12;
	v57 =	vmul.f32 v55, v53;
	(erf) = vtanh.f32 v6  }
0x10b: {  	v20 =	vld [tilespmem:s19+$0x12B38];
	v7 =	vadd.f32 $0.0e+00, v7;
	(erf) = vtanh.f32 v54;
	v3 =	vadd.bf16 v51, v3;
	v58 =	vpop (erf)  }
0x10c: {  	v39 =	vld [tilespmem:s19+$0x8B68];
	v10 =	vadd.f32 $0.0e+00, v57;
	v51 =	vbroadcast v2, $0x9;
	v60 =	vpop (erf);
	(erf) = vtanh.f32 v4  }
0x10d: {  	v47 =	vld [tilespmem:s19+$0x8B88];
	v12 =	vmul.f32 v58, v53;
	v16 =	vunpack.i.l.bf16.f32 v3;
	v3 =	vunpack.i.u.bf16.f32 v3  }
0x10e: {  	v50 =	vld [tilespmem:s19+$0x12B88];
	v4 =	vadd.bf16 v17, v61;
	v53 =	vbroadcast v2, $0xA;
	v58 =	vbroadcast v2, $0xB  }
0x10f: {  	v44 =	vld [tilespmem:s19+$0x8B78];
	v17 =	vadd.bf16 v31, v21;
	v62 =	vpop (erf);
	v13 =	vmul.f32 v60, v59;
	(erf) = vtanh.f32 v16  }
0x110: {  	v45 =	vld [tilespmem:s19+$0x12B78];
	v18 =	vpop (erf);
	v12 =	vadd.f32 $0.0e+00, v12;
	v14 =	vmul.f32 v62, v59;
	(erf) = vtanh.f32 v3  }
0x111: {  	v3 =	vld [tilespmem:s19+$0x8B38];
	v33 =	vunpack.i.l.bf16.f32 v4;
	v4 =	vunpack.i.u.bf16.f32 v4;
	v46 =	vunpack.i.u.bf16.f32 v17  }
0x112: {  	v59 =	vld [tilespmem:s19+$0x8B98];
	v63 =	vpop (erf);
	v8 =	vadd.f32 v13, v8;
	v24 =	vmul.f32 v18, v19;
	v5 =	vadd.f32 v14, v42  }
0x113: {  	v62 =	vld [tilespmem:s19+$0x12B98];
	v25 =	vpop (erf);
	v27 =	vmul.f32 v63, v19;
	(erf) = vtanh.f32 v33;
	v14 =	vadd.bf16 v50, v47  }
0x114: {  	v34 =	vld [tilespmem:s19+$0x8B58];
	v28 =	vpop (erf);
	v16 =	vmul.f32 v25, v26;
	v9 =	vadd.f32 v24, v9;
	(erf) = vtanh.f32 v4  }
0x115: {  	v42 =	vld [tilespmem:s19+$0x12B68];
	v4 =	vadd.bf16 v45, v44;
	v15 =	vmul.f32 v28, v26;
	v30 =	vpop (erf);
	v11 =	vadd.f32 v27, v11  }
0x116: {  	v36 =	vld [tilespmem:s19+$0x12B58];
	v61 =	vunpack.i.l.bf16.f32 v14;
	v14 =	vunpack.i.u.bf16.f32 v14;
	v32 =	vmul.f32 v30, v29  }
0x117: {  	v31 =	vld [tilespmem:s19+$0x12BA8];
	v6 =	vadd.f32 v16, v56;
	v3 =	vadd.bf16 v20, v3;
	v54 =	vunpack.i.l.bf16.f32 v4  }
0x118: {  	v24 =	vld [tilespmem:s15+$0x0];
	v4 =	vunpack.i.u.bf16.f32 v4;
	v30 =	vadd.bf16 v62, v59;
	v7 =	vadd.f32 v15, v7  }
0x119: {  	v27 =	vld [tilespmem:s19+$0x8BA8];
	v10 =	vadd.f32 v32, v10;
	v41 =	vunpack.i.l.bf16.f32 v3;
	v3 =	vunpack.i.u.bf16.f32 v3  }
0x11a: {  	v35 =	vpop (erf);
	v49 =	vadd.bf16 v42, v39;
	v20 =	vunpack.i.l.bf16.f32 v30;
	(erf) = vtanh.f32 v41  }
0x11b: {  	v37 =	vmul.f32 v35, v29;
	(erf) = vtanh.f32 v3;
	v3 =	vunpack.i.l.bf16.f32 v17  }
0x11c: {  	v40 =	vpop (erf);
	v29 =	vbroadcast v2, $0xD;
	(erf) = vtanh.f32 v3;
	v3 =	vadd.bf16 v36, v34  }
0x11d: {  	v1 =	vmul.f32 v1, v24;
	v19 =	vmul.f32 v40, v38;
	v15 =	vunpack.i.u.bf16.f32 v49  }
0x11e: {  	v43 =	vpop (erf);
	v42 =	vadd.bf16 v31, v27;
	(erf) = vtanh.f32 v46;
	v48 =	vunpack.i.l.bf16.f32 v3  }
0x11f: {  	v16 =	vmul.f32 v43, v38;
	v3 =	vunpack.i.u.bf16.f32 v3;
	(erf) = vtanh.f32 v48  }
0x120: {  	v34 =	vbroadcast v2, $0xE;
	v36 =	vld [tilespmem:s19+$0x8BB8];
	(erf) = vtanh.f32 v3;
	v3 =	vunpack.i.l.bf16.f32 v49  }
0x121: {  	v12 =	vadd.f32 v37, v12;
	v38 =	vld [tilespmem:s19+$0x12BB8];
	v2 =	vbroadcast v2, $0xF;
	v59 =	vbroadcast v1, $0x1  }
0x122: {  	v24 =	vbroadcast v1, $0x2;
	v52 =	vpop (erf);
	v46 =	vunpack.i.l.bf16.f32 v42;
	(erf) = vtanh.f32 v3  }
0x123: {  	v50 =	vunpack.i.u.bf16.f32 v42;
	v42 =	vbroadcast v1, $0x6;
	v3 =	vpop (erf);
	(erf) = vtanh.f32 v15  }
0x124: {  	v8 =	vadd.f32 v19, v8;
	v13 =	vmul.f32 v52, v51;
	(erf) = vtanh.f32 v54  }
0x125: {  	v5 =	vadd.f32 v16, v5;
	v3 =	vmul.f32 v3, v51;
	v55 =	vpop (erf);
	v54 =	vbroadcast v1, $0x0  }
0x126: {  	v48 =	vadd.bf16 v38, v36;
	v56 =	vpop (erf);
	v57 =	vmul.f32 v55, v53;
	(erf) = vtanh.f32 v4  }
0x127: {  	v63 =	vadd.f32 v13, v9;
	v15 =	vmul.f32 v56, v53;
	v60 =	vpop (erf);
	(erf) = vtanh.f32 v61  }
0x128: {  	v47 =	vld [tilespmem:s19+$0x12BD8];
	v52 =	vunpack.i.l.bf16.f32 v48;
	v18 =	vmul.f32 v60, v58;
	v22 =	vpop (erf);
	(erf) = vtanh.f32 v14  }
0x129: {  	v45 =	vld [tilespmem:s19+$0x8BD8];
	v3 =	vadd.f32 v3, v11;
	v6 =	vadd.f32 v57, v6;
	v9 =	vmul.f32 v22, v58;
	v25 =	vpop (erf)  }
0x12a: {  	v40 =	vld [tilespmem:s19+$0x8BC8];
	v7 =	vadd.f32 v15, v7;
	v10 =	vadd.f32 v18, v10;
	v26 =	vpop (erf);
	v11 =	vmul.f32 v25, v23  }
0x12b: {  	v43 =	vld [tilespmem:s19+$0x12BC8];
	v18 =	vunpack.i.u.bf16.f32 v30;
	v30 =	vbroadcast v1, $0x3;
	v28 =	vpop (erf);
	v32 =	vmul.f32 v26, v23  }
0x12c: {  	v21 =	vld [tilespmem:s19+$0x12C08];
	v9 =	vadd.f32 v9, v12;
	v8 =	vadd.f32 v11, v8;
	v12 =	vmul.f32 v28, v29;
	v33 =	vpop (erf)  }
0x12d: {  	v49 =	vld [tilespmem:s19+$0x8BE8];
	v5 =	vadd.f32 v32, v5;
	v32 =	vbroadcast v1, $0x4;
	v13 =	vmul.f32 v33, v29;
	v35 =	vpop (erf)  }
0x12e: {  	v51 =	vld [tilespmem:s19+$0x12BE8];
	(erf) = vtanh.f32 v20;
	v4 =	vadd.f32 v12, v63;
	v37 =	vmul.f32 v35, v34  }
0x12f: {  	v55 =	vld [tilespmem:s19+$0x12BF8];
	v39 =	vpop (erf);
	(erf) = vtanh.f32 v18;
	v18 =	vadd.bf16 v47, v45;
	v3 =	vadd.f32 v13, v3  }
0x130: {  	v53 =	vld [tilespmem:s19+$0x8BF8];
	v41 =	vpop (erf);
	v12 =	vmul.f32 v39, v34;
	v13 =	vadd.bf16 v43, v40;
	v39 =	vbroadcast v1, $0x5  }
0x131: {  	v63 =	vld [tilespmem:s19+$0x8C08];
	v6 =	vadd.f32 v37, v6;
	v44 =	vpop (erf);
	v11 =	vmul.f32 v41, v2;
	(erf) = vtanh.f32 v46  }
0x132: {  	v35 =	vld [tilespmem:s19+$0x8C18];
	v58 =	vunpack.i.l.bf16.f32 v18;
	v60 =	vunpack.i.u.bf16.f32 v18;
	v2 =	vmul.f32 v44, v2  }
0x133: {  	v40 =	vld [tilespmem:s19+$0x8C28];
	v7 =	vadd.f32 v12, v7;
	(erf) = vtanh.f32 v50;
	v12 =	vunpack.i.u.bf16.f32 v48  }
0x134: {  	v43 =	vld [tilespmem:s19+$0x12C28];
	v57 =	vunpack.i.l.bf16.f32 v13;
	v13 =	vunpack.i.u.bf16.f32 v13;
	(erf) = vtanh.f32 v52  }
0x135: {  	v37 =	vld [tilespmem:s19+$0x12C18];
	v10 =	vadd.f32 v11, v10;
	v11 =	vadd.bf16 v51, v49;
	(erf) = vtanh.f32 v12  }
0x136: {  	v14 =	vadd.bf16 v21, v63;
	v2 =	vadd.f32 v2, v9;
	(erf) = vtanh.f32 v57  }
0x137: {  	v9 =	vadd.bf16 v55, v53;
	v62 =	vunpack.i.l.bf16.f32 v11;
	(erf) = vtanh.f32 v13  }
0x138: {  	v11 =	vunpack.i.u.bf16.f32 v11;
	v34 =	vunpack.i.l.bf16.f32 v14;
	(erf) = vtanh.f32 v58  }
0x139: {  	v14 =	vunpack.i.u.bf16.f32 v14;
	v52 =	vadd.bf16 v43, v40;
	v43 =	vbroadcast v1, $0xB;
	v56 =	vpop (erf)  }
0x13a: {  	v48 =	vadd.bf16 v37, v35;
	v37 =	vbroadcast v1, $0xA;
	v61 =	vpop (erf);
	(erf) = vtanh.f32 v60  }
0x13b: {  	v22 =	vunpack.i.l.bf16.f32 v9;
	v17 =	vmul.f32 v56, v54;
	(erf) = vtanh.f32 v62;
	v20 =	vpop (erf)  }
0x13c: {  	v9 =	vunpack.i.u.bf16.f32 v9;
	v12 =	vmul.f32 v61, v54;
	(erf) = vtanh.f32 v11;
	v23 =	vpop (erf)  }
0x13d: {  	v57 =	vunpack.i.l.bf16.f32 v52;
	v54 =	vbroadcast v1, $0x7;
	(erf) = vtanh.f32 v22;
	v26 =	vpop (erf)  }
0x13e: {  	v51 =	vunpack.i.l.bf16.f32 v48;
	v16 =	vmul.f32 v20, v59;
	(erf) = vtanh.f32 v9;
	v27 =	vpop (erf)  }
0x13f: {  	v45 =	vld [tilespmem:s19+$0x8C38];
	v8 =	vadd.f32 v17, v8;
	v5 =	vadd.f32 v12, v5;
	v25 =	vmul.f32 v23, v59;
	v29 =	vpop (erf)  }
0x140: {  	v47 =	vld [tilespmem:s19+$0x12C38];
	v4 =	vadd.f32 v16, v4;
	v28 =	vmul.f32 v26, v24;
	v9 =	vmul.f32 v27, v24;
	v31 =	vpop (erf)  }
0x141: {  	v3 =	vadd.f32 v25, v3;
	v25 =	vbroadcast v1, $0x8;
	v11 =	vmul.f32 v29, v30;
	v33 =	vpop (erf)  }
0x142: {  	v6 =	vadd.f32 v28, v6;
	v12 =	vmul.f32 v31, v30;
	v13 =	vmul.f32 v33, v32  }
0x143: {  	v7 =	vadd.f32 v9, v7;
	(erf) = vtanh.f32 v34;
	v36 =	vpop (erf);
	v10 =	vadd.f32 v11, v10  }
0x144: {  	v50 =	vld [tilespmem:s19+$0x12C48];
	v2 =	vadd.f32 v12, v2;
	v38 =	vpop (erf);
	v9 =	vmul.f32 v36, v32;
	v8 =	vadd.f32 v13, v8  }
0x145: {  	v49 =	vld [tilespmem:s19+$0x8C48];
	v41 =	vpop (erf);
	v11 =	vmul.f32 v38, v39;
	(erf) = vtanh.f32 v14;
	v14 =	vadd.bf16 v47, v45  }
0x146: {  	v53 =	vld [tilespmem:s19+$0x8C58];
	v12 =	vmul.f32 v41, v39;
	v44 =	vpop (erf);
	v5 =	vadd.f32 v9, v5;
	(erf) = vtanh.f32 v51  }
0x147: {  	v55 =	vld [tilespmem:s19+$0x12C58];
	v46 =	vpop (erf);
	v13 =	vmul.f32 v44, v42;
	v4 =	vadd.f32 v11, v4;
	v11 =	vunpack.i.u.bf16.f32 v48  }
0x148: {  	v58 =	vld [tilespmem:s19+$0x8C68];
	v60 =	vunpack.i.l.bf16.f32 v14;
	v9 =	vmul.f32 v46, v42;
	(erf) = vtanh.f32 v11  }
0x149: {  	v59 =	vld [tilespmem:s19+$0x12C68];
	v6 =	vadd.f32 v13, v6;
	v13 =	vunpack.i.u.bf16.f32 v52;
	(erf) = vtanh.f32 v57  }
0x14a: {  	v61 =	vld [tilespmem:s19+$0x8C78];
	v3 =	vadd.f32 v12, v3;
	v12 =	vadd.bf16 v50, v49;
	(erf) = vtanh.f32 v13  }
0x14b: {  	v62 =	vld [tilespmem:s19+$0x12C78];
	v14 =	vunpack.i.u.bf16.f32 v14;
	v7 =	vadd.f32 v9, v7;
	(erf) = vtanh.f32 v60  }
0x14c: {  	v22 =	vld [tilespmem:s19+$0x8C88];
	v21 =	vunpack.i.l.bf16.f32 v12;
	v9 =	vadd.bf16 v55, v53;
	(erf) = vtanh.f32 v14  }
0x14d: {  	v23 =	vld [tilespmem:s19+$0x12C88];
	v32 =	vbroadcast v1, $0x9;
	v12 =	vunpack.i.u.bf16.f32 v12;
	(erf) = vtanh.f32 v21  }
0x14e: {  	v11 =	vadd.bf16 v59, v58;
	v56 =	vpop (erf);
	v24 =	vunpack.i.l.bf16.f32 v9;
	(erf) = vtanh.f32 v12  }
0x14f: {  	v46 =	vbroadcast v1, $0xC;
	v9 =	vunpack.i.u.bf16.f32 v9;
	v63 =	vpop (erf);
	(erf) = vtanh.f32 v24  }
0x150: {  	v27 =	vunpack.i.l.bf16.f32 v11;
	v13 =	vadd.bf16 v62, v61;
	v26 =	vpop (erf);
	(erf) = vtanh.f32 v9  }
0x151: {  	v49 =	vbroadcast v1, $0xD;
	v11 =	vunpack.i.u.bf16.f32 v11;
	v28 =	vpop (erf);
	(erf) = vtanh.f32 v27  }
0x152: {  	v30 =	vunpack.i.l.bf16.f32 v13;
	v14 =	vadd.bf16 v23, v22;
	v29 =	vpop (erf);
	(erf) = vtanh.f32 v11  }
0x153: {  	v18 =	vmul.f32 v56, v54;
	v13 =	vunpack.i.u.bf16.f32 v13;
	v31 =	vpop (erf);
	(erf) = vtanh.f32 v30  }
0x154: {  	v56 =	vbroadcast v1, $0xE;
	v35 =	vunpack.i.l.bf16.f32 v14;
	v34 =	vpop (erf);
	(erf) = vtanh.f32 v13  }
0x155: {  	v1 =	vbroadcast v1, $0xF;
	v14 =	vunpack.i.u.bf16.f32 v14;
	v36 =	vpop (erf);
	(erf) = vtanh.f32 v35  }
0x156: {  	v17 =	vmul.f32 v63, v54;
	v38 =	vpop (erf);
	(erf) = vtanh.f32 v14  }
0x157: {  	v10 =	vadd.f32 v18, v10;
	v12 =	vmul.f32 v26, v25;
	v33 =	vmul.f32 v28, v25;
	v39 =	vpop (erf)  }
0x158: {  	v2 =	vadd.f32 v17, v2;
	v9 =	vmul.f32 v29, v32;
	v40 =	vmul.f32 v31, v32;
	v41 =	vpop (erf)  }
0x159: {  	v8 =	vadd.f32 v12, v8;
	v5 =	vadd.f32 v33, v5;
	v42 =	vmul.f32 v34, v37;
	v44 =	vpop (erf)  }
0x15a: {  	v4 =	vadd.f32 v9, v4;
	v3 =	vadd.f32 v40, v3;
	v45 =	vmul.f32 v36, v37;
	v47 =	vpop (erf)  }
0x15b: {  	v6 =	vadd.f32 v42, v6;
	v48 =	vmul.f32 v38, v43;
	v51 =	vmul.f32 v39, v43;
	v50 =	vpop (erf)  }
0x15c: {  	v7 =	vadd.f32 v45, v7;
	v12 =	vmul.f32 v41, v46;
	v53 =	vmul.f32 v44, v46;
	v52 =	vpop (erf)  }
0x15d: {  	v9 =	vadd.f32 v48, v10;
	v2 =	vadd.f32 v51, v2;
	v54 =	vmul.f32 v47, v49;
	v55 =	vpop (erf)  }
0x15e: {  	v8 =	vadd.f32 v12, v8;
	v5 =	vadd.f32 v53, v5;
	v58 =	vmul.f32 v50, v49;
	v57 =	vpop (erf)  }
0x15f: {  	v4 =	vadd.f32 v54, v4;
	v59 =	vmul.f32 v52, v56;
	v60 =	vpop (erf);
	v61 =	vmul.f32 v57, v1  }
0x160: {  	v3 =	vadd.f32 v58, v3;
	v62 =	vmul.f32 v55, v56;
	v1 =	vmul.f32 v60, v1  }
0x161: {  	v6 =	vadd.f32 v59, v6;
	v9 =	vadd.f32 v61, v9  }
0x162: {  	v7 =	vadd.f32 v62, v7;
	v1 =	vadd.f32 v1, v2  }
0x163: {  	p0 =	sne.s32 s14, $0x13800;
	v2 =	vadd.f32 v4, v8;
	v63 =	vadd.f32 v9, v6  }
.Ltmp2:
0x164: {  	v3 =	vadd.f32 v3, v5;
	v1 =	vadd.f32 v1, v7;
	(pc) =	sbr.rel @p0 .LBB2_7-.Ltmp2, $4  }
0x165: {  	v2 =	vadd.f32 v63, v2  }
0x166: {  	v1 =	vadd.f32 v1, v3  }
0x167: {  	s10 =	sadd.s32 $0x1, s10;
	[tilespmem:s12+$0xFFFFFFF0] =	vst v2  }
0x168: {  	s14 =	sadd.s32 $0x800, s14;
	s15 =	sadd.s32 $0x20, s15;
	[tilespmem:s12+$0x0] =	vst v1;
	s12 =	sadd.s32 $0x20, s12  }
0x169: {  	s11 =	sadd.s32 $0x1, s11  }
0x16a: {  	p0 =	sne.s32 s11, $0x3E  }
.Ltmp3:
0x16b: {  	_ = 	snop;
	(pc) =	sbr.rel @p0 .LBB2_4-.Ltmp3, $4  }
0x16c: {  	[spmem:s2] =	stream.indirect.scatter.add.f32 [tilespmem:s0], [sflag:$0x7], $0x20, s13, s23, $0xb8;
	[tilespmem:$0x1ED98] =	vst v63  }
0x16d: {  	_ =	swait.ge [sflag:s16], $0x500  }
0x16e: {  	[sflag:s16] =	ssyncset.done $0x0  }
0x16f: {  	s4 =	sadd.s32 $0x50, s4;
	s9 =	sadd.s32 $0x50, s9;
	[sflag:s16] =	ssyncadd.s32 $0xFFFFFB00  }
0x170: {  	_ =	swait.ge [sflag:s29], $0x5000  }
0x171: {  	[sflag:s29] =	ssyncset.done $0x0  }
0x172: {  	[sflag:s29] =	ssyncadd.s32 $0xFFFFB000  }
0x173: {  	_ =	swait.ge [sflag:s30], $0x5000  }
0x174: {  	[sflag:s30] =	ssyncset.done $0x0  }
0x175: {  	[sflag:s30] =	ssyncadd.s32 $0xFFFFB000  }
0x176: {  	s9 =	simm.s32 $0x1360;
	_ =	swait.ge [sflag:s31], $0x500  }
0x177: {  	s10 =	simm.s32 $0x184A8;
	s11 =	simm.s32 $0x17AA8;
	[sflag:s31] =	ssyncset.done $0x0  }
0x178: {  	s12 =	simm.s32 $0xDB98;
	s4 =	simm.s32 $0x3B98;
	[sflag:s31] =	ssyncadd.s32 $0xFFFFFB00  }
.LBB2_10:
0x179: {  	v1 =	vmov s9;
	_ =	sdelay $0x2  }
0x17a: {  	v2 =	vld [tilespmem:s4+$0xFFFFFF00]  }
0x17b: {  	v3 =	vld [tilespmem:s12+$0xFFFFFF00]  }
0x17c: {  	v1 =	vld.idx.msk [tilespmem:v1+s18+$0x0], $0xffff;
	_ =	sdelay $0x1  }
0x17d: {  	v4 =	vld [tilespmem:s12+$0xFFFFFF10]  }
0x17e: {  	v34 =	vld [tilespmem:s12+$0xFFFFFF20]  }
0x17f: {  	v7 =	vld [tilespmem:s4+$0xFFFFFF30];
	v2 =	vadd.bf16 v3, v2  }
0x180: {  	(erf) = vrcp.f32 v1;
	v1 =	vld [tilespmem:s4+$0xFFFFFF10]  }
0x181: {  	v35 =	vld [tilespmem:s12+$0xFFFFFF30];
	v3 =	vunpack.i.l.bf16.f32 v2  }
0x182: {  	v39 =	vld [tilespmem:s4+$0xFFFFFF60];
	v2 =	vunpack.i.u.bf16.f32 v2;
	(erf) = vtanh.f32 v3  }
0x183: {  	v3 =	vld [tilespmem:s4+$0xFFFFFF20];
	(erf) = vtanh.f32 v2  }
0x184: {  	v13 =	vld [tilespmem:s12+$0xFFFFFF60]  }
0x185: {  	v41 =	vld [tilespmem:s4+$0xFFFFFF70];
	v2 =	vadd.bf16 v4, v1  }
0x186: {  	v44 =	vld [tilespmem:s12+$0xFFFFFF70]  }
0x187: {  	v5 =	vld [tilespmem:s11+$0xFFFFFFF0];
	v1 =	vunpack.i.l.bf16.f32 v2  }
0x188: {  	v36 =	vld [tilespmem:s4+$0xFFFFFF40];
	v3 =	vadd.bf16 v34, v3;
	v2 =	vunpack.i.u.bf16.f32 v2;
	(erf) = vtanh.f32 v1  }
0x189: {  	v11 =	vld [tilespmem:s4+$0xFFFFFF50];
	v47 =	vadd.bf16 v13, v39;
	v6 =	vpop (erf);
	(erf) = vtanh.f32 v2  }
0x18a: {  	v38 =	vld [tilespmem:s12+$0xFFFFFF50];
	v10 =	vunpack.i.l.bf16.f32 v3;
	v1 =	vmul.f32 $2.812499930e-02, v6;
	v6 =	vadd.bf16 v35, v7  }
0x18b: {  	v37 =	vld [tilespmem:s12+$0xFFFFFF40];
	v4 =	vadd.bf16 v44, v41;
	v3 =	vunpack.i.u.bf16.f32 v3;
	v8 =	vpop (erf);
	(erf) = vtanh.f32 v10  }
0x18c: {  	v12 =	vpop (erf);
	(erf) = vtanh.f32 v3;
	v2 =	vmul.f32 v1, v5;
	v3 =	vunpack.i.l.bf16.f32 v6  }
0x18d: {  	v50 =	vunpack.i.l.bf16.f32 v47;
	(erf) = vtanh.f32 v3  }
0x18e: {  	v54 =	vunpack.i.l.bf16.f32 v4;
	v9 =	vbroadcast v2, $0x0;
	v40 =	vbroadcast v2, $0x1  }
0x18f: {  	v7 =	vadd.bf16 v38, v11;
	v48 =	vbroadcast v2, $0x2;
	v53 =	vbroadcast v2, $0x3  }
0x190: {  	v3 =	vadd.bf16 v37, v36;
	v59 =	vbroadcast v2, $0x4;
	v19 =	vbroadcast v2, $0x5  }
0x191: {  	v6 =	vunpack.i.u.bf16.f32 v6;
	v26 =	vbroadcast v2, $0x6;
	v29 =	vbroadcast v2, $0x7;
	v14 =	vpop (erf)  }
0x192: {  	v38 =	vbroadcast v2, $0x8;
	v45 =	vunpack.i.l.bf16.f32 v3;
	v15 =	vpop (erf);
	(erf) = vtanh.f32 v6  }
0x193: {  	v4 =	vunpack.i.u.bf16.f32 v4;
	v8 =	vmul.f32 v8, v9;
	(erf) = vtanh.f32 v45  }
0x194: {  	v23 =	vbroadcast v2, $0xC;
	v3 =	vunpack.i.u.bf16.f32 v3;
	v9 =	vmul.f32 v12, v9  }
0x195: {  	v51 =	vld [tilespmem:s12+$0xFFFFFF80];
	v8 =	vadd.f32 $0.0e+00, v8;
	(erf) = vtanh.f32 v3;
	v3 =	vunpack.i.l.bf16.f32 v7  }
0x196: {  	v42 =	vadd.f32 $0.0e+00, v9;
	v43 =	vmul.f32 v14, v40;
	(erf) = vtanh.f32 v3;
	v3 =	vld [tilespmem:s4+$0xFFFFFF80]  }
0x197: {  	v61 =	vld [tilespmem:s4+$0xFFFFFF90];
	v6 =	vunpack.i.u.bf16.f32 v47;
	v46 =	vmul.f32 v15, v40;
	v49 =	vpop (erf);
	v7 =	vunpack.i.u.bf16.f32 v7  }
0x198: {  	v17 =	vld [tilespmem:s12+$0xFFFFFF90];
	v12 =	vmul.f32 v49, v48;
	v52 =	vpop (erf);
	v9 =	vadd.f32 $0.0e+00, v43;
	(erf) = vtanh.f32 v7  }
0x199: {  	v21 =	vld [tilespmem:s4+$0xFFFFFFB0];
	v11 =	vadd.f32 $0.0e+00, v46;
	v55 =	vpop (erf);
	v7 =	vmul.f32 v52, v48;
	(erf) = vtanh.f32 v50  }
0x19a: {  	v31 =	vld [tilespmem:s12+$0xFFFFFFB0];
	v56 =	vadd.f32 $0.0e+00, v12;
	v57 =	vmul.f32 v55, v53;
	(erf) = vtanh.f32 v6  }
0x19b: {  	v20 =	vld [tilespmem:s12+$0xFFFFFFA0];
	v7 =	vadd.f32 $0.0e+00, v7;
	(erf) = vtanh.f32 v54;
	v3 =	vadd.bf16 v51, v3;
	v58 =	vpop (erf)  }
0x19c: {  	v39 =	vld [tilespmem:s4+$0xFFFFFFD0];
	v10 =	vadd.f32 $0.0e+00, v57;
	v51 =	vbroadcast v2, $0x9;
	v60 =	vpop (erf);
	(erf) = vtanh.f32 v4  }
0x19d: {  	v47 =	vld [tilespmem:s4+$0xFFFFFFF0];
	v12 =	vmul.f32 v58, v53;
	v16 =	vunpack.i.l.bf16.f32 v3;
	v3 =	vunpack.i.u.bf16.f32 v3  }
0x19e: {  	v50 =	vld [tilespmem:s12+$0xFFFFFFF0];
	v4 =	vadd.bf16 v17, v61;
	v53 =	vbroadcast v2, $0xA;
	v58 =	vbroadcast v2, $0xB  }
0x19f: {  	v44 =	vld [tilespmem:s4+$0xFFFFFFE0];
	v17 =	vadd.bf16 v31, v21;
	v62 =	vpop (erf);
	v13 =	vmul.f32 v60, v59;
	(erf) = vtanh.f32 v16  }
0x1a0: {  	v45 =	vld [tilespmem:s12+$0xFFFFFFE0];
	v18 =	vpop (erf);
	v12 =	vadd.f32 $0.0e+00, v12;
	v14 =	vmul.f32 v62, v59;
	(erf) = vtanh.f32 v3  }
0x1a1: {  	v3 =	vld [tilespmem:s4+$0xFFFFFFA0];
	v33 =	vunpack.i.l.bf16.f32 v4;
	v4 =	vunpack.i.u.bf16.f32 v4;
	v46 =	vunpack.i.u.bf16.f32 v17  }
0x1a2: {  	v59 =	vld [tilespmem:s4+$0x0];
	v63 =	vpop (erf);
	v8 =	vadd.f32 v13, v8;
	v24 =	vmul.f32 v18, v19;
	v5 =	vadd.f32 v14, v42  }
0x1a3: {  	v62 =	vld [tilespmem:s12+$0x0];
	v25 =	vpop (erf);
	v27 =	vmul.f32 v63, v19;
	(erf) = vtanh.f32 v33;
	v14 =	vadd.bf16 v50, v47  }
0x1a4: {  	v34 =	vld [tilespmem:s4+$0xFFFFFFC0];
	v28 =	vpop (erf);
	v16 =	vmul.f32 v25, v26;
	v9 =	vadd.f32 v24, v9;
	(erf) = vtanh.f32 v4  }
0x1a5: {  	v42 =	vld [tilespmem:s12+$0xFFFFFFD0];
	v4 =	vadd.bf16 v45, v44;
	v15 =	vmul.f32 v28, v26;
	v30 =	vpop (erf);
	v11 =	vadd.f32 v27, v11  }
0x1a6: {  	v36 =	vld [tilespmem:s12+$0xFFFFFFC0];
	v61 =	vunpack.i.l.bf16.f32 v14;
	v14 =	vunpack.i.u.bf16.f32 v14;
	v32 =	vmul.f32 v30, v29  }
0x1a7: {  	v31 =	vld [tilespmem:s12+$0x10];
	v6 =	vadd.f32 v16, v56;
	v3 =	vadd.bf16 v20, v3;
	v54 =	vunpack.i.l.bf16.f32 v4  }
0x1a8: {  	v24 =	vld [tilespmem:s11+$0x0];
	v4 =	vunpack.i.u.bf16.f32 v4;
	v30 =	vadd.bf16 v62, v59;
	v7 =	vadd.f32 v15, v7  }
0x1a9: {  	v27 =	vld [tilespmem:s4+$0x10];
	v10 =	vadd.f32 v32, v10;
	v41 =	vunpack.i.l.bf16.f32 v3;
	v3 =	vunpack.i.u.bf16.f32 v3  }
0x1aa: {  	v35 =	vpop (erf);
	v49 =	vadd.bf16 v42, v39;
	v20 =	vunpack.i.l.bf16.f32 v30;
	(erf) = vtanh.f32 v41  }
0x1ab: {  	v37 =	vmul.f32 v35, v29;
	(erf) = vtanh.f32 v3;
	v3 =	vunpack.i.l.bf16.f32 v17  }
0x1ac: {  	v40 =	vpop (erf);
	v29 =	vbroadcast v2, $0xD;
	(erf) = vtanh.f32 v3;
	v3 =	vadd.bf16 v36, v34  }
0x1ad: {  	v1 =	vmul.f32 v1, v24;
	v19 =	vmul.f32 v40, v38;
	v15 =	vunpack.i.u.bf16.f32 v49  }
0x1ae: {  	v43 =	vpop (erf);
	v42 =	vadd.bf16 v31, v27;
	(erf) = vtanh.f32 v46;
	v48 =	vunpack.i.l.bf16.f32 v3  }
0x1af: {  	v16 =	vmul.f32 v43, v38;
	v3 =	vunpack.i.u.bf16.f32 v3;
	(erf) = vtanh.f32 v48  }
0x1b0: {  	v34 =	vbroadcast v2, $0xE;
	v36 =	vld [tilespmem:s4+$0x20];
	(erf) = vtanh.f32 v3;
	v3 =	vunpack.i.l.bf16.f32 v49  }
0x1b1: {  	v12 =	vadd.f32 v37, v12;
	v38 =	vld [tilespmem:s12+$0x20];
	v2 =	vbroadcast v2, $0xF;
	v59 =	vbroadcast v1, $0x1  }
0x1b2: {  	v24 =	vbroadcast v1, $0x2;
	v52 =	vpop (erf);
	v46 =	vunpack.i.l.bf16.f32 v42;
	(erf) = vtanh.f32 v3  }
0x1b3: {  	v50 =	vunpack.i.u.bf16.f32 v42;
	v42 =	vbroadcast v1, $0x6;
	v3 =	vpop (erf);
	(erf) = vtanh.f32 v15  }
0x1b4: {  	v8 =	vadd.f32 v19, v8;
	v13 =	vmul.f32 v52, v51;
	(erf) = vtanh.f32 v54  }
0x1b5: {  	v5 =	vadd.f32 v16, v5;
	v3 =	vmul.f32 v3, v51;
	v55 =	vpop (erf);
	v54 =	vbroadcast v1, $0x0  }
0x1b6: {  	v48 =	vadd.bf16 v38, v36;
	v56 =	vpop (erf);
	v57 =	vmul.f32 v55, v53;
	(erf) = vtanh.f32 v4  }
0x1b7: {  	v63 =	vadd.f32 v13, v9;
	v15 =	vmul.f32 v56, v53;
	v60 =	vpop (erf);
	(erf) = vtanh.f32 v61  }
0x1b8: {  	v47 =	vld [tilespmem:s12+$0x40];
	v52 =	vunpack.i.l.bf16.f32 v48;
	v18 =	vmul.f32 v60, v58;
	v22 =	vpop (erf);
	(erf) = vtanh.f32 v14  }
0x1b9: {  	v45 =	vld [tilespmem:s4+$0x40];
	v3 =	vadd.f32 v3, v11;
	v6 =	vadd.f32 v57, v6;
	v9 =	vmul.f32 v22, v58;
	v25 =	vpop (erf)  }
0x1ba: {  	v40 =	vld [tilespmem:s4+$0x30];
	v7 =	vadd.f32 v15, v7;
	v10 =	vadd.f32 v18, v10;
	v26 =	vpop (erf);
	v11 =	vmul.f32 v25, v23  }
0x1bb: {  	v43 =	vld [tilespmem:s12+$0x30];
	v18 =	vunpack.i.u.bf16.f32 v30;
	v30 =	vbroadcast v1, $0x3;
	v28 =	vpop (erf);
	v32 =	vmul.f32 v26, v23  }
0x1bc: {  	v21 =	vld [tilespmem:s12+$0x70];
	v9 =	vadd.f32 v9, v12;
	v8 =	vadd.f32 v11, v8;
	v12 =	vmul.f32 v28, v29;
	v33 =	vpop (erf)  }
0x1bd: {  	v49 =	vld [tilespmem:s4+$0x50];
	v5 =	vadd.f32 v32, v5;
	v32 =	vbroadcast v1, $0x4;
	v13 =	vmul.f32 v33, v29;
	v35 =	vpop (erf)  }
0x1be: {  	v51 =	vld [tilespmem:s12+$0x50];
	(erf) = vtanh.f32 v20;
	v4 =	vadd.f32 v12, v63;
	v37 =	vmul.f32 v35, v34  }
0x1bf: {  	v55 =	vld [tilespmem:s12+$0x60];
	v39 =	vpop (erf);
	(erf) = vtanh.f32 v18;
	v18 =	vadd.bf16 v47, v45;
	v3 =	vadd.f32 v13, v3  }
0x1c0: {  	v53 =	vld [tilespmem:s4+$0x60];
	v41 =	vpop (erf);
	v12 =	vmul.f32 v39, v34;
	v13 =	vadd.bf16 v43, v40;
	v39 =	vbroadcast v1, $0x5  }
0x1c1: {  	v63 =	vld [tilespmem:s4+$0x70];
	v6 =	vadd.f32 v37, v6;
	v44 =	vpop (erf);
	v11 =	vmul.f32 v41, v2;
	(erf) = vtanh.f32 v46  }
0x1c2: {  	v35 =	vld [tilespmem:s4+$0x80];
	v58 =	vunpack.i.l.bf16.f32 v18;
	v60 =	vunpack.i.u.bf16.f32 v18;
	v2 =	vmul.f32 v44, v2  }
0x1c3: {  	v40 =	vld [tilespmem:s4+$0x90];
	v7 =	vadd.f32 v12, v7;
	(erf) = vtanh.f32 v50;
	v12 =	vunpack.i.u.bf16.f32 v48  }
0x1c4: {  	v43 =	vld [tilespmem:s12+$0x90];
	v57 =	vunpack.i.l.bf16.f32 v13;
	v13 =	vunpack.i.u.bf16.f32 v13;
	(erf) = vtanh.f32 v52  }
0x1c5: {  	v37 =	vld [tilespmem:s12+$0x80];
	v10 =	vadd.f32 v11, v10;
	v11 =	vadd.bf16 v51, v49;
	(erf) = vtanh.f32 v12  }
0x1c6: {  	v14 =	vadd.bf16 v21, v63;
	v2 =	vadd.f32 v2, v9;
	(erf) = vtanh.f32 v57  }
0x1c7: {  	v9 =	vadd.bf16 v55, v53;
	v62 =	vunpack.i.l.bf16.f32 v11;
	(erf) = vtanh.f32 v13  }
0x1c8: {  	v11 =	vunpack.i.u.bf16.f32 v11;
	v34 =	vunpack.i.l.bf16.f32 v14;
	(erf) = vtanh.f32 v58  }
0x1c9: {  	v14 =	vunpack.i.u.bf16.f32 v14;
	v52 =	vadd.bf16 v43, v40;
	v43 =	vbroadcast v1, $0xB;
	v56 =	vpop (erf)  }
0x1ca: {  	v48 =	vadd.bf16 v37, v35;
	v37 =	vbroadcast v1, $0xA;
	v61 =	vpop (erf);
	(erf) = vtanh.f32 v60  }
0x1cb: {  	v22 =	vunpack.i.l.bf16.f32 v9;
	v17 =	vmul.f32 v56, v54;
	(erf) = vtanh.f32 v62;
	v20 =	vpop (erf)  }
0x1cc: {  	v9 =	vunpack.i.u.bf16.f32 v9;
	v12 =	vmul.f32 v61, v54;
	(erf) = vtanh.f32 v11;
	v23 =	vpop (erf)  }
0x1cd: {  	v57 =	vunpack.i.l.bf16.f32 v52;
	v54 =	vbroadcast v1, $0x7;
	(erf) = vtanh.f32 v22;
	v26 =	vpop (erf)  }
0x1ce: {  	v51 =	vunpack.i.l.bf16.f32 v48;
	v16 =	vmul.f32 v20, v59;
	(erf) = vtanh.f32 v9;
	v27 =	vpop (erf)  }
0x1cf: {  	v45 =	vld [tilespmem:s4+$0xA0];
	v8 =	vadd.f32 v17, v8;
	v5 =	vadd.f32 v12, v5;
	v25 =	vmul.f32 v23, v59;
	v29 =	vpop (erf)  }
0x1d0: {  	v47 =	vld [tilespmem:s12+$0xA0];
	v4 =	vadd.f32 v16, v4;
	v28 =	vmul.f32 v26, v24;
	v9 =	vmul.f32 v27, v24;
	v31 =	vpop (erf)  }
0x1d1: {  	v3 =	vadd.f32 v25, v3;
	v25 =	vbroadcast v1, $0x8;
	v11 =	vmul.f32 v29, v30;
	v33 =	vpop (erf)  }
0x1d2: {  	v6 =	vadd.f32 v28, v6;
	v12 =	vmul.f32 v31, v30;
	v13 =	vmul.f32 v33, v32  }
0x1d3: {  	v7 =	vadd.f32 v9, v7;
	(erf) = vtanh.f32 v34;
	v36 =	vpop (erf);
	v10 =	vadd.f32 v11, v10  }
0x1d4: {  	v50 =	vld [tilespmem:s12+$0xB0];
	v2 =	vadd.f32 v12, v2;
	v38 =	vpop (erf);
	v9 =	vmul.f32 v36, v32;
	v8 =	vadd.f32 v13, v8  }
0x1d5: {  	v49 =	vld [tilespmem:s4+$0xB0];
	v41 =	vpop (erf);
	v11 =	vmul.f32 v38, v39;
	(erf) = vtanh.f32 v14;
	v14 =	vadd.bf16 v47, v45  }
0x1d6: {  	v53 =	vld [tilespmem:s4+$0xC0];
	v12 =	vmul.f32 v41, v39;
	v44 =	vpop (erf);
	v5 =	vadd.f32 v9, v5;
	(erf) = vtanh.f32 v51  }
0x1d7: {  	v55 =	vld [tilespmem:s12+$0xC0];
	v46 =	vpop (erf);
	v13 =	vmul.f32 v44, v42;
	v4 =	vadd.f32 v11, v4;
	v11 =	vunpack.i.u.bf16.f32 v48  }
0x1d8: {  	v58 =	vld [tilespmem:s4+$0xD0];
	v60 =	vunpack.i.l.bf16.f32 v14;
	v9 =	vmul.f32 v46, v42;
	(erf) = vtanh.f32 v11  }
0x1d9: {  	v59 =	vld [tilespmem:s12+$0xD0];
	v6 =	vadd.f32 v13, v6;
	v13 =	vunpack.i.u.bf16.f32 v52;
	(erf) = vtanh.f32 v57  }
0x1da: {  	v61 =	vld [tilespmem:s4+$0xE0];
	v3 =	vadd.f32 v12, v3;
	v12 =	vadd.bf16 v50, v49;
	(erf) = vtanh.f32 v13  }
0x1db: {  	v62 =	vld [tilespmem:s12+$0xE0];
	v14 =	vunpack.i.u.bf16.f32 v14;
	v7 =	vadd.f32 v9, v7;
	(erf) = vtanh.f32 v60  }
0x1dc: {  	v22 =	vld [tilespmem:s4+$0xF0];
	v21 =	vunpack.i.l.bf16.f32 v12;
	v9 =	vadd.bf16 v55, v53;
	(erf) = vtanh.f32 v14  }
0x1dd: {  	v23 =	vld [tilespmem:s12+$0xF0];
	v32 =	vbroadcast v1, $0x9;
	v12 =	vunpack.i.u.bf16.f32 v12;
	(erf) = vtanh.f32 v21  }
0x1de: {  	v11 =	vadd.bf16 v59, v58;
	v56 =	vpop (erf);
	v24 =	vunpack.i.l.bf16.f32 v9;
	(erf) = vtanh.f32 v12  }
0x1df: {  	v46 =	vbroadcast v1, $0xC;
	v9 =	vunpack.i.u.bf16.f32 v9;
	v63 =	vpop (erf);
	(erf) = vtanh.f32 v24  }
0x1e0: {  	v27 =	vunpack.i.l.bf16.f32 v11;
	v13 =	vadd.bf16 v62, v61;
	v26 =	vpop (erf);
	(erf) = vtanh.f32 v9  }
0x1e1: {  	v49 =	vbroadcast v1, $0xD;
	v11 =	vunpack.i.u.bf16.f32 v11;
	v28 =	vpop (erf);
	(erf) = vtanh.f32 v27  }
0x1e2: {  	v30 =	vunpack.i.l.bf16.f32 v13;
	v14 =	vadd.bf16 v23, v22;
	v29 =	vpop (erf);
	(erf) = vtanh.f32 v11  }
0x1e3: {  	v18 =	vmul.f32 v56, v54;
	v13 =	vunpack.i.u.bf16.f32 v13;
	v31 =	vpop (erf);
	(erf) = vtanh.f32 v30  }
0x1e4: {  	v56 =	vbroadcast v1, $0xE;
	v35 =	vunpack.i.l.bf16.f32 v14;
	v34 =	vpop (erf);
	(erf) = vtanh.f32 v13  }
0x1e5: {  	v1 =	vbroadcast v1, $0xF;
	v14 =	vunpack.i.u.bf16.f32 v14;
	v36 =	vpop (erf);
	(erf) = vtanh.f32 v35  }
0x1e6: {  	v17 =	vmul.f32 v63, v54;
	v38 =	vpop (erf);
	(erf) = vtanh.f32 v14  }
0x1e7: {  	v10 =	vadd.f32 v18, v10;
	v12 =	vmul.f32 v26, v25;
	v33 =	vmul.f32 v28, v25;
	v39 =	vpop (erf)  }
0x1e8: {  	v2 =	vadd.f32 v17, v2;
	v9 =	vmul.f32 v29, v32;
	v40 =	vmul.f32 v31, v32;
	v41 =	vpop (erf)  }
0x1e9: {  	v8 =	vadd.f32 v12, v8;
	v5 =	vadd.f32 v33, v5;
	v42 =	vmul.f32 v34, v37;
	v44 =	vpop (erf)  }
0x1ea: {  	v4 =	vadd.f32 v9, v4;
	v3 =	vadd.f32 v40, v3;
	v45 =	vmul.f32 v36, v37;
	v47 =	vpop (erf)  }
0x1eb: {  	v6 =	vadd.f32 v42, v6;
	v48 =	vmul.f32 v38, v43;
	v51 =	vmul.f32 v39, v43;
	v50 =	vpop (erf)  }
0x1ec: {  	v7 =	vadd.f32 v45, v7;
	v12 =	vmul.f32 v41, v46;
	v53 =	vmul.f32 v44, v46;
	v52 =	vpop (erf)  }
0x1ed: {  	v9 =	vadd.f32 v48, v10;
	v2 =	vadd.f32 v51, v2;
	v54 =	vmul.f32 v47, v49;
	v55 =	vpop (erf)  }
0x1ee: {  	v8 =	vadd.f32 v12, v8;
	v5 =	vadd.f32 v53, v5;
	v58 =	vmul.f32 v50, v49;
	v57 =	vpop (erf)  }
0x1ef: {  	v4 =	vadd.f32 v54, v4;
	v59 =	vmul.f32 v52, v56;
	v60 =	vpop (erf);
	v61 =	vmul.f32 v57, v1  }
0x1f0: {  	v3 =	vadd.f32 v58, v3;
	v62 =	vmul.f32 v55, v56;
	v1 =	vmul.f32 v60, v1  }
0x1f1: {  	v6 =	vadd.f32 v59, v6;
	v9 =	vadd.f32 v61, v9  }
0x1f2: {  	v7 =	vadd.f32 v62, v7;
	v1 =	vadd.f32 v1, v2  }
0x1f3: {  	p0 =	sne.s32 s9, $0x1387;
	v2 =	vadd.f32 v4, v8;
	v63 =	vadd.f32 v9, v6  }
.Ltmp4:
0x1f4: {  	v3 =	vadd.f32 v3, v5;
	v1 =	vadd.f32 v1, v7;
	(pc) =	sbr.rel @p0 .LBB2_10-.Ltmp4, $4  }
0x1f5: {  	v2 =	vadd.f32 v63, v2  }
0x1f6: {  	v1 =	vadd.f32 v1, v3  }
0x1f7: {  	s9 =	sadd.s32 $0x1, s9;
	s11 =	sadd.s32 $0x20, s11;
	[tilespmem:s10+$0xFFFFFFF0] =	vst v2  }
0x1f8: {  	s4 =	sadd.s32 $0x200, s4;
	s12 =	sadd.s32 $0x200, s12;
	[tilespmem:s10+$0x0] =	vst v1;
	s10 =	sadd.s32 $0x20, s10  }
0x1f9: {  	s4 =	simm.s32 $0x1360  }
0x1fa: {  	[spmem:s2] =	stream.indirect.scatter.add.f32 [tilespmem:s0], [sflag:$0x7], $0x20, s4, s23, $0xb8;
	[tilespmem:$0x1ED98] =	vst v63  }
0x1fb: {  	_ =	swait.ge [sflag:s16], $0x500  }
0x1fc: {  	[sflag:s16] =	ssyncset.done $0x0  }
0x1fd: {  	[sflag:s16] =	ssyncadd.s32 $0xFFFFFB00  }
0x1fe: {  	s19 =	stileid.u32;
	[bflag:$0x0] =	sbarrier.arrive $0xFFFF  }
0x1ff: {  	s4 =	sshll.u32 s19, $0x6;
	s9 =	rddreg [dreg:$0xa]  }
0x200: {  	s4 =	sor.u32 $0x1C07, s4;
	s10 =	rddreg [dreg:$0x10]  }
0x201: {  	[hbm:s9], [sflag:s4] =	dma.local [spmem:s10], $0xA00  }
0x202: {  	_ =	swait.ge [sflag:s16], $0xA00  }
0x203: {  	s8 =	sadd.s32 $0x1, s8;
	s25 =	rddreg [dreg:$0xb]  }
0x204: {  	p0 =	sne.s32 s8, s25  }
.Ltmp5:
0x205: {  	_ = 	snop;
	(pc) =	sbr.rel @p0 .LBB2_1-.Ltmp5, $3  }
0x206: {  	_ =	sdelay $0x1  }
0x207: {  	[sflag:s16] =	ssyncset.done $0x0  }
0x208: {  	s11 =	simm.s32 $0x1388;
	[sflag:s16] =	ssyncadd.s32 $0xFFFFF600  }
0x209: {  	_ =	sfence.sel $0x180000  }
0x20a: {  	[bflag:$0x0] =	sbarrier.arrive $0xFFFF  }
0x20b: {  	_ =	strace $0x9000004A  }
0x20c: {  	s0 =	stileid.u32;
	[bflag:$0x2] =	sbarrier.arrive $0xFFFF  }
0x20d: {  	p0 =	sne.s32 s0, $0x0;
	s0 =	rddreg [dreg:$0x6]  }
0x20e: {  	s0 =	sadd.s32 @!p0 $0x100000, s0  }
0x20f: {  	[sflag:s0] =	ssyncadd.tile.s32 @!p0 $0x1;
	_ =	shalt  }
.Lfunc_end2:
_tile_overlayer_lowered:
.L_overlay_start_2:
0x210: {  	(tag) =	ssettag $0x2  }
0x211: {  	s0 =	rddreg [dreg:$0x0];
	s2 =	stileid.u32  }
0x212: {  	s1 =	rddreg [dreg:$0x1];
	p0 =	sne.s32 s2, $0x0  }
0x213: {  	s3 =	rddreg [dreg:$0x2];
	[bflag:$0x3] =	sbarrier.arrive $0xFFFF;
	s2 =	simm.s32 @!p0 $0x1C07  }
0x214: {  	[timem:s3], [sflag:s2] =	dma.local @!p0 [hbm:s0], s1  }
0x215: {  	s0 =	simm.s32 @!p0 $0x7  }
0x216: {  	_ =	swait.ge @!p0 [sflag:s0], s1  }
0x217: {  	s1 =	ssub.s32 @!p0 $0x0, s1;
	[sflag:s0] =	ssyncset.done @!p0 $0x0  }
0x218: {  	[sflag:s0] =	ssyncadd.s32 @!p0 s1  }
0x219: {  	[bflag:$0x3] =	sbarrier.arrive $0xFFFF  }
0x21a: {  	_ =	shalt  }

</sc_bundles>
